<compile_context>
chip_gen: v7x
topology: tpu7x:2x2x1
jax: 0.10.2.dev20260603
libtpu: 0.0.44.dev20260713+nightly
codegen_flags: <defaults>
</compile_context>

<pallas_src>
import functools

import jax
import jax.numpy as jnp
from jax import lax
from jax.experimental import pallas as pl
from jax.experimental.pallas import tpu as pltpu
from jax.experimental.pallas import tpu_sc as plsc

N = 10000
E = 320000
D = 128
H = 128
C = 16
R = 8
B = 4

NC = 2
NS = 16
NW = NC * NS
KB1 = 80
NITER1 = E // (NW * KB1)
KB2 = 128
NITER2 = -(-E // (NW * KB2))
EPAD = NW * NITER2 * KB2
N2 = N + 8
RPT = 624
RPT_LAST = N - (NS - 1) * RPT
RPT_LAST2 = N2 - (NS - 1) * RPT
SC_STG = 56
SC_STAGES = ((0, SC_STG), (SC_STG, SC_STG), (2 * SC_STG, NITER1 - 2 * SC_STG))


def _striped_rows(sid, copy, last=RPT_LAST):
    @pl.when(sid < NS - 1)
    def _():
        copy(sid * RPT, RPT)

    @pl.when(sid == NS - 1)
    def _():
        copy((NS - 1) * RPT, last)




def _gidx_body(et_ref, src_ref, o1_ref, o2_ref):
    o1_ref[...] = et_ref[...] * N + src_ref[...]
    o2_ref[...] = src_ref[...] * R + et_ref[...]


def _gidx(et2d, src2d):
    nrows = et2d.shape[0]
    return pl.pallas_call(
        _gidx_body,
        grid=(1,),
        in_specs=[pl.BlockSpec((nrows, 128), lambda i: (0, 0))] * 2,
        out_specs=[pl.BlockSpec((nrows, 128), lambda i: (0, 0))] * 2,
        out_shape=[jax.ShapeDtypeStruct((nrows, 128), jnp.int32)] * 2,
    )(et2d, src2d)




def _l1_body(x_ref, bases_ref, coeff_ref, wself_ref, b1_ref, table_ref, self_ref):
    xb = x_ref[...]
    for r in range(R):
        w = coeff_ref[r, 0] * bases_ref[0]
        for b in range(1, B):
            w = w + coeff_ref[r, b] * bases_ref[b]
        table_ref[r] = jnp.dot(xb, w, preferred_element_type=jnp.float32)
    self_ref[...] = (
        jnp.dot(xb, wself_ref[...], preferred_element_type=jnp.float32)
        + b1_ref[...]
    )


def _layer1_tables(x, bases1, coeff1, wself1, b1r):
    bn = 1000
    nb = N // bn
    return pl.pallas_call(
        _l1_body,
        grid=(nb,),
        in_specs=[
            pl.BlockSpec((bn, D), lambda i: (i, 0)),
            pl.BlockSpec((B, D, H), lambda i: (0, 0, 0)),
            pl.BlockSpec((R, B), lambda i: (0, 0)),
            pl.BlockSpec((D, H), lambda i: (0, 0)),
            pl.BlockSpec((1, H), lambda i: (0, 0)),
        ],
        out_specs=[
            pl.BlockSpec((R, bn, H), lambda i: (0, i, 0)),
            pl.BlockSpec((bn, H), lambda i: (i, 0)),
        ],
        out_shape=[
            jax.ShapeDtypeStruct((R, N, H), jnp.float32),
            jax.ShapeDtypeStruct((N, H), jnp.float32),
        ],
    )(x, bases1, coeff1, wself1, b1r)




def _sc_l1_body(table_ref, gidx_ref, dst_ref, zagg_ref, zdeg_ref, ones_ref,
                agg_out, deg_out,
                gidx_all, dst_all, rows_v, ones_v, agg_sh, deg_sh,
                sem_a, sem_b, sem_c, sem_oa, sem_ob, sem_oc):
    cid = lax.axis_index("c")
    sid = lax.axis_index("s")
    wid = sid * NC + cid
    gsems = (sem_a, sem_b, sem_c)
    osems = (sem_oa, sem_ob, sem_oc)

    def _zero(off, cnt):
        off = pl.multiple_of(off, 8)
        pltpu.sync_copy(zagg_ref.at[pl.ds(off, cnt)], agg_sh.at[pl.ds(off, cnt)])
        pltpu.sync_copy(zdeg_ref.at[pl.ds(off, cnt)], deg_sh.at[pl.ds(off, cnt)])

    _striped_rows(sid, _zero)
    pltpu.sync_copy(ones_ref, ones_v)
    plsc.subcore_barrier()

    for si, (start, sl) in enumerate(SC_STAGES):
        pltpu.sync_copy(gidx_ref.at[wid, pl.ds(start, sl)],
                        gidx_all.at[pl.ds(0, sl)])
        pltpu.sync_copy(dst_ref.at[wid, pl.ds(start, sl)],
                        dst_all.at[pl.ds(0, sl)])
        for b in range(2):
            pltpu.async_copy(table_ref.at[gidx_all.at[b]], rows_v.at[b],
                             gsems[b])

        def body(j, carry):
            for b in range(3):
                g = j * 3 + b

                @pl.when(g < sl)
                def _():
                    pltpu.make_async_copy(
                        table_ref.at[gidx_all.at[g]], rows_v.at[b],
                        gsems[b]).wait()

                    @pl.when(jnp.logical_or(jnp.bool_(si > 0), g >= 3))
                    def _():
                        pltpu.make_async_copy(
                            ones_v, deg_sh.at[dst_all.at[g]], osems[b]).wait()

                    pltpu.async_copy(ones_v, deg_sh.at[dst_all.at[g]],
                                     osems[b], add=True)
                    pltpu.async_copy(rows_v.at[b], agg_sh.at[dst_all.at[g]],
                                     gsems[b], add=True)

                bn = (b + 2) % 3

                @pl.when(g + 2 < sl)
                def _():
                    @pl.when(g >= 1)
                    def _():
                        pltpu.make_async_copy(
                            rows_v.at[bn], agg_sh.at[dst_all.at[g]],
                            gsems[bn]).wait()

                    pltpu.async_copy(table_ref.at[gidx_all.at[g + 2]],
                                     rows_v.at[bn], gsems[bn])

            return carry

        lax.fori_loop(0, (sl + 2) // 3, body, 0)
        for b in range(3):
            pltpu.make_async_copy(
                rows_v.at[b], agg_sh.at[dst_all.at[0]], gsems[b]).wait()

    for b in range(3):
        pltpu.make_async_copy(ones_v, deg_sh.at[dst_all.at[b]], osems[b]).wait()
    plsc.subcore_barrier()

    def _out(off, cnt):
        off = pl.multiple_of(off, 8)
        pltpu.sync_copy(agg_sh.at[pl.ds(off, cnt)],
                        agg_out.at[cid, pl.ds(off, cnt)])
        pltpu.sync_copy(deg_sh.at[pl.ds(off, cnt)],
                        deg_out.at[cid, pl.ds(off, cnt)])

    _striped_rows(sid, _out)


def _sc_layer1(table1, gidx3, dst3, zagg, zdeg, ones):
    mesh = plsc.VectorSubcoreMesh(core_axis_name="c", subcore_axis_name="s")
    return pl.kernel(
        _sc_l1_body,
        mesh=mesh,
        out_type=[
            jax.ShapeDtypeStruct((NC, N, H), jnp.float32),
            jax.ShapeDtypeStruct((NC, N, 16), jnp.float32),
        ],
        scratch_types=[
            pltpu.VMEM((SC_STG, KB1), jnp.int32),
            pltpu.VMEM((SC_STG, KB1), jnp.int32),
            pltpu.VMEM((3, KB1, H), jnp.float32),
            pltpu.VMEM((KB1, 16), jnp.float32),
            pltpu.VMEM_SHARED((N, H), jnp.float32),
            pltpu.VMEM_SHARED((N, 16), jnp.float32),
            pltpu.SemaphoreType.DMA,
            pltpu.SemaphoreType.DMA,
            pltpu.SemaphoreType.DMA,
            pltpu.SemaphoreType.DMA,
            pltpu.SemaphoreType.DMA,
            pltpu.SemaphoreType.DMA,
        ],
        compiler_params=pltpu.CompilerParams(use_tc_tiling_on_sc=False),
    )(table1, gidx3, dst3, zagg, zdeg, ones)




def _l3_body(p1_ref, dp_ref, self1_ref, bases_ref, coeff_ref, wself_ref, b2_ref,
             table_ref, self2_ref):
    agg = p1_ref[0] + p1_ref[1]
    deg = dp_ref[0] + dp_ref[1]
    degc = jnp.max(deg, axis=1, keepdims=True)
    norm = 1.0 / jnp.maximum(degc, 1.0)
    h = jnp.maximum(agg * norm + self1_ref[...], 0.0)
    cols = []
    for r in range(R):
        w = coeff_ref[r, 0] * bases_ref[0]
        for b in range(1, B):
            w = w + coeff_ref[r, b] * bases_ref[b]
        cols.append(jnp.dot(h, w, preferred_element_type=jnp.float32))
    table_ref[...] = jnp.concatenate(cols, axis=1)
    self2_ref[...] = (
        jnp.dot(h, wself_ref[...], preferred_element_type=jnp.float32)
        + b2_ref[...]
    )


def _layer2_tables(p1, dp, self1, bases2, coeff2, wself2, b2r):
    bn = 1000
    nb = N // bn
    return pl.pallas_call(
        _l3_body,
        grid=(nb,),
        in_specs=[
            pl.BlockSpec((NC, bn, H), lambda i: (0, i, 0)),
            pl.BlockSpec((NC, bn, 16), lambda i: (0, i, 0)),
            pl.BlockSpec((bn, H), lambda i: (i, 0)),
            pl.BlockSpec((B, H, C), lambda i: (0, 0, 0)),
            pl.BlockSpec((R, B), lambda i: (0, 0)),
            pl.BlockSpec((H, C), lambda i: (0, 0)),
            pl.BlockSpec((1, C), lambda i: (0, 0)),
        ],
        out_specs=[
            pl.BlockSpec((bn, R * C), lambda i: (i, 0)),
            pl.BlockSpec((bn, C), lambda i: (i, 0)),
        ],
        out_shape=[
            jax.ShapeDtypeStruct((N, R * C), jnp.float32),
            jax.ShapeDtypeStruct((N, C), jnp.float32),
        ],
    )(p1, dp, self1, bases2, coeff2, wself2, b2r)




def _sc_l2_body(table_ref, gidx_ref, dst_ref, zagg_ref,
                agg_out,
                gidx_all, dst_all, rows_v, agg_sh,
                sem_a, sem_b, sem_c):
    cid = lax.axis_index("c")
    sid = lax.axis_index("s")
    wid = sid * NC + cid
    gsems = (sem_a, sem_b, sem_c)

    pltpu.sync_copy(gidx_ref.at[wid], gidx_all)
    pltpu.sync_copy(dst_ref.at[wid], dst_all)

    def _zero(off, cnt):
        off = pl.multiple_of(off, 8)
        pltpu.sync_copy(zagg_ref.at[pl.ds(off, cnt)], agg_sh.at[pl.ds(off, cnt)])

    _striped_rows(sid, _zero, last=RPT_LAST2)
    plsc.subcore_barrier()

    for b in range(2):
        pltpu.async_copy(table_ref.at[gidx_all.at[b]], rows_v.at[b], gsems[b])

    def body(j, carry):
        for b in range(3):
            g = j * 3 + b

            @pl.when(g < NITER2)
            def _():
                pltpu.make_async_copy(
                    table_ref.at[gidx_all.at[g]], rows_v.at[b], gsems[b]).wait()
                pltpu.async_copy(rows_v.at[b], agg_sh.at[dst_all.at[g]],
                                 gsems[b], add=True)

            bn = (b + 2) % 3

            @pl.when(g + 2 < NITER2)
            def _():
                @pl.when(g >= 1)
                def _():
                    pltpu.make_async_copy(
                        rows_v.at[bn], agg_sh.at[dst_all.at[g]],
                        gsems[bn]).wait()

                pltpu.async_copy(
                    table_ref.at[gidx_all.at[g + 2]], rows_v.at[bn], gsems[bn])

        return carry

    lax.fori_loop(0, (NITER2 + 2) // 3, body, 0)
    for b in range(3):
        g_last = NITER2 - 1
        pltpu.make_async_copy(
            rows_v.at[b], agg_sh.at[dst_all.at[g_last]], gsems[b]).wait()
    plsc.subcore_barrier()

    def _out(off, cnt):
        off = pl.multiple_of(off, 8)
        pltpu.sync_copy(agg_sh.at[pl.ds(off, cnt)],
                        agg_out.at[cid, pl.ds(off, cnt)])

    _striped_rows(sid, _out)


def _sc_layer2(table2, gidx3, dst3, zdeg):
    mesh = plsc.VectorSubcoreMesh(core_axis_name="c", subcore_axis_name="s")
    return pl.kernel(
        _sc_l2_body,
        mesh=mesh,
        out_type=jax.ShapeDtypeStruct((NC, N, C), jnp.float32),
        scratch_types=[
            pltpu.VMEM((NITER2, KB2), jnp.int32),
            pltpu.VMEM((NITER2, KB2), jnp.int32),
            pltpu.VMEM((3, KB2, C), jnp.float32),
            pltpu.VMEM_SHARED((N2, C), jnp.float32),
            pltpu.SemaphoreType.DMA,
            pltpu.SemaphoreType.DMA,
            pltpu.SemaphoreType.DMA,
        ],
        compiler_params=pltpu.CompilerParams(use_tc_tiling_on_sc=False),
    )(table2, gidx3, dst3, zdeg)




def _l5_body(p2_ref, dp_ref, self2_ref, o_ref):
    agg = p2_ref[0] + p2_ref[1]
    deg = dp_ref[0] + dp_ref[1]
    norm = 1.0 / jnp.maximum(deg, 1.0)
    logits = agg * norm + self2_ref[...]
    m = jnp.max(logits, axis=1, keepdims=True)
    e = jnp.exp(logits - m)
    o_ref[...] = e / jnp.sum(e, axis=1, keepdims=True)


def _final(p2, dp, self2):
    bn = 1000
    nb = N // bn
    return pl.pallas_call(
        _l5_body,
        grid=(nb,),
        in_specs=[
            pl.BlockSpec((NC, bn, C), lambda i: (0, i, 0)),
            pl.BlockSpec((NC, bn, 16), lambda i: (0, i, 0)),
            pl.BlockSpec((bn, C), lambda i: (i, 0)),
        ],
        out_specs=pl.BlockSpec((bn, C), lambda i: (i, 0)),
        out_shape=jax.ShapeDtypeStruct((N, C), jnp.float32),
    )(p2, dp, self2)




@jax.jit
def kernel(x, edge_index, edge_type, bases1, coeff1, wself1, b1,
           bases2, coeff2, wself2, b2):
    src2d = edge_index[0].reshape(E // 128, 128)
    et2d = edge_type.reshape(E // 128, 128)
    gidx1, gidx2 = _gidx(et2d, src2d)
    gidx1_3 = gidx1.reshape(NW, NITER1, KB1)
    dst3 = edge_index[1].reshape(NW, NITER1, KB1)
    gpad = jnp.zeros((EPAD - E,), jnp.int32)
    dpad = jnp.full((EPAD - E,), N, jnp.int32)
    gidx2_3 = jnp.concatenate([gidx2.reshape(E), gpad]).reshape(NW, NITER2, KB2)
    dst3b = jnp.concatenate([edge_index[1], dpad]).reshape(NW, NITER2, KB2)

    zagg = jnp.zeros((N, H), jnp.float32)
    zdeg = jnp.zeros((N, 16), jnp.float32)
    zdeg2 = jnp.zeros((N2, 16), jnp.float32)
    ones = jnp.ones((KB1, 16), jnp.float32)

    table1, self1 = _layer1_tables(x, bases1, coeff1, wself1, b1.reshape(1, H))
    p1, dp = _sc_layer1(table1.reshape(R * N, H), gidx1_3, dst3, zagg, zdeg, ones)
    table2p, self2 = _layer2_tables(
        p1, dp, self1, bases2, coeff2, wself2, b2.reshape(1, C))
    p2 = _sc_layer2(table2p.reshape(N * R, C), gidx2_3, dst3b, zdeg2)
    return _final(p2, dp, self2)

# --- scband reference (transcript-rebuilt; emitter-appended) ---
"""Pipeline reference for scband-model-14980845928514 (READ-ONLY COPY).

The authoritative reference and input builder live on the scoring server;
editing this copy changes nothing except your own understanding.
"""

import jax, jax.numpy as jnp
import numpy as np

N = 10000   # num_nodes
E = 320000  # num_edges
D = 128     # node_dim
H = 128     # hidden_dim
C = 16      # num_classes
R = 8       # num_relations
B = 4       # num_bases


def setup_inputs(seed: int = 0) -> dict:
    key = jax.random.key(seed)
    ks = jax.random.split(key, 12)
    # learned node embedding (nn.Parameter initialized from data.x)
    x = jax.random.normal(ks[0], (N, D), dtype=jnp.float32) * 0.1
    # graph structure
    edge_index = jax.random.randint(ks[1], (2, E), 0, N, dtype=jnp.int32)
    edge_type = jax.random.randint(ks[2], (E,), 0, R, dtype=jnp.int32)
    # RGCN layer 1 params (basis decomposition)
    bases1 = jax.random.normal(ks[3], (B, D, H), dtype=jnp.float32) * 0.05
    coeff1 = jax.random.normal(ks[4], (R, B), dtype=jnp.float32) * 0.5
    wself1 = jax.random.normal(ks[5], (D, H), dtype=jnp.float32) * 0.05
    b1 = jnp.zeros((H,), dtype=jnp.float32)
    # RGCN layer 2 params
    bases2 = jax.random.normal(ks[6], (B, H, C), dtype=jnp.float32) * 0.05
    coeff2 = jax.random.normal(ks[7], (R, B), dtype=jnp.float32) * 0.5
    wself2 = jax.random.normal(ks[8], (H, C), dtype=jnp.float32) * 0.05
    b2 = jnp.zeros((C,), dtype=jnp.float32)
    return {"x": x, "edge_index": edge_index, "edge_type": edge_type,
            "bases1": bases1, "coeff1": coeff1, "wself1": wself1, "b1": b1,
            "bases2": bases2, "coeff2": coeff2, "wself2": wself2, "b2": b2}


def _rgcn_layer(x, edge_index, edge_type, bases, coeff, wself, bias):
    src = edge_index[0]
    dst = edge_index[1]
    nb = bases.shape[0]
    out_dim = bases.shape[2]
    n = x.shape[0]
    # basis decomposition: transform nodes under each basis once
    xb = jnp.einsum('ni,bio->nbo', x, bases)  # [N, B, out]
    ce = jnp.take(coeff, edge_type, axis=0)   # [E, B] relation coefficients per edge
    msg = jnp.zeros((edge_type.shape[0], out_dim), dtype=x.dtype)
    for b in range(nb):
        msg = msg + ce[:, b][:, None] * jnp.take(xb[:, b, :], src, axis=0)
    agg = jnp.zeros((n, out_dim), dtype=x.dtype).at[dst].add(msg)
    deg = jnp.zeros((n,), dtype=x.dtype).at[dst].add(1.0)
    norm = 1.0 / jnp.clip(deg, 1.0)
    return agg * norm[:, None] + x @ wself + bias


def reference(x, edge_index, edge_type, bases1, coeff1, wself1, b1, bases2, coeff2, wself2, b2):
    h = _rgcn_layer(x, edge_index, edge_type, bases1, coeff1, wself1, b1)
    h = jax.nn.relu(h)
    out = _rgcn_layer(h, edge_index, edge_type, bases2, coeff2, wself2, b2)
    return jax.nn.softmax(out, axis=1)

if __name__ == "__main__":
    import jax
    _d = setup_inputs()
    print(jax.jit(kernel)(*tuple(_d.values())))

</pallas_src>

<mosaic_0001>
#map = affine_map<(d0, d1) -> (0, 0)>
#map1 = affine_map<(d0, d1) -> (0, 0, 0)>
module attributes {stable_mosaic.version = 14 : i64} {
  func.func @_sc_l1_body(%arg0: i32, %arg1: i32, %arg2: memref<80000x128xf32, #tpu.memory_space<hbm>>, %arg3: memref<32x125x80xi32, #tpu.memory_space<hbm>>, %arg4: memref<32x125x80xi32, #tpu.memory_space<hbm>>, %arg5: memref<10000x128xf32, #tpu.memory_space<hbm>>, %arg6: memref<10000x16xf32, #tpu.memory_space<hbm>>, %arg7: memref<80x16xf32, #tpu.memory_space<hbm>>, %arg8: memref<2x10000x128xf32, #tpu.memory_space<hbm>>, %arg9: memref<2x10000x16xf32, #tpu.memory_space<hbm>>, %arg10: memref<56x80xi32, #tpu.memory_space<vmem>>, %arg11: memref<56x80xi32, #tpu.memory_space<vmem>>, %arg12: memref<3x80x128xf32, #tpu.memory_space<vmem>>, %arg13: memref<80x16xf32, #tpu.memory_space<vmem>>, %arg14: memref<10000x128xf32, #tpu.memory_space<vmem_shared>>, %arg15: memref<10000x16xf32, #tpu.memory_space<vmem_shared>>, %arg16: memref<!tpu.dma_semaphore, #tpu.memory_space<semaphore_mem>>, %arg17: memref<!tpu.dma_semaphore, #tpu.memory_space<semaphore_mem>>, %arg18: memref<!tpu.dma_semaphore, #tpu.memory_space<semaphore_mem>>, %arg19: memref<!tpu.dma_semaphore, #tpu.memory_space<semaphore_mem>>, %arg20: memref<!tpu.dma_semaphore, #tpu.memory_space<semaphore_mem>>, %arg21: memref<!tpu.dma_semaphore, #tpu.memory_space<semaphore_mem>>) attributes {dimension_semantics = [#tpu.dimension_semantics<core_parallel>, #tpu.dimension_semantics<subcore_parallel>], iteration_bounds = array<i64: 2, 16>, scalar_prefetch = 0 : i64, scratch_operands = 12 : i64, tpu.core_type = #tpu.core_type<sc_vector_subcore>, window_params = [{transform_indices = #map}, {transform_indices = #map1}, {transform_indices = #map1}, {transform_indices = #map}, {transform_indices = #map}, {transform_indices = #map}, {transform_indices = #map1}, {transform_indices = #map1}]} {
    %mul3A = arith.constant 2 : i32
    %mul3A_0 = arith.muli %arg1, %mul3A : i32
    %add3A = arith.addi %mul3A_0, %arg0 : i32
    %lt3A = arith.constant 15 : i32
    %lt3A_1 = arith.cmpi slt, %arg1, %lt3A : i32
    %convert_element_type3A = arith.extui %lt3A_1 : i1 to i32
    %cond3A = arith.constant 0 : i32
    %cond3A_2 = arith.cmpi ne, %convert_element_type3A, %cond3A : i32
    scf.if %cond3A_2 {
      %mul3A_234 = arith.constant 624 : i32
      %mul3A_235 = arith.muli %arg1, %mul3A_234 : i32
      %multiple_of3A = tpu.assume_multiple %mul3A_235, 8 : i32
      "tpu.region"() ({
        %run_scoped3A = tpu.sem_alloc : memref<!tpu.dma_semaphore, #tpu.memory_space<semaphore_mem>>
        %dma_start3A_236 = arith.constant 0 : i32
        %dma_start3A_237 = tpu.memref_slice %arg14[%multiple_of3A, %dma_start3A_236] : memref<10000x128xf32, #tpu.memory_space<vmem_shared>> -> memref<624x128xf32, #tpu.memory_space<vmem_shared>>
        %dma_start3A_238 = arith.constant 0 : i32
        %dma_start3A_239 = tpu.memref_slice %arg5[%multiple_of3A, %dma_start3A_238] : memref<10000x128xf32, #tpu.memory_space<hbm>> -> memref<624x128xf32, #tpu.memory_space<hbm>>
        tpu.enqueue_dma source(%dma_start3A_239 : memref<624x128xf32, #tpu.memory_space<hbm>>) target(%dma_start3A_237 : memref<624x128xf32, #tpu.memory_space<vmem_shared>>) target_semaphore(%run_scoped3A : memref<!tpu.dma_semaphore, #tpu.memory_space<semaphore_mem>>)
        %dma_wait3A_240 = arith.constant 0 : i32
        %dma_wait3A_241 = tpu.memref_slice %arg14[%multiple_of3A, %dma_wait3A_240] : memref<10000x128xf32, #tpu.memory_space<vmem_shared>> -> memref<624x128xf32, #tpu.memory_space<vmem_shared>>
        %dma_wait3A_242 = arith.constant 0 : i32
        %dma_wait3A_243 = tpu.memref_slice %arg5[%multiple_of3A, %dma_wait3A_242] : memref<10000x128xf32, #tpu.memory_space<hbm>> -> memref<624x128xf32, #tpu.memory_space<hbm>>
        tpu.wait_dma2 semaphore(%run_scoped3A : memref<!tpu.dma_semaphore, #tpu.memory_space<semaphore_mem>>) src(%dma_wait3A_243 : memref<624x128xf32, #tpu.memory_space<hbm>>) dst(%dma_wait3A_241 : memref<624x128xf32, #tpu.memory_space<vmem_shared>>)
        tpu.yield
      }) : () -> ()
      "tpu.region"() ({
        %run_scoped3A = tpu.sem_alloc : memref<!tpu.dma_semaphore, #tpu.memory_space<semaphore_mem>>
        %dma_start3A_236 = arith.constant 0 : i32
        %dma_start3A_237 = tpu.memref_slice %arg15[%multiple_of3A, %dma_start3A_236] : memref<10000x16xf32, #tpu.memory_space<vmem_shared>> -> memref<624x16xf32, #tpu.memory_space<vmem_shared>>
        %dma_start3A_238 = arith.constant 0 : i32
        %dma_start3A_239 = tpu.memref_slice %arg6[%multiple_of3A, %dma_start3A_238] : memref<10000x16xf32, #tpu.memory_space<hbm>> -> memref<624x16xf32, #tpu.memory_space<hbm>>
        tpu.enqueue_dma source(%dma_start3A_239 : memref<624x16xf32, #tpu.memory_space<hbm>>) target(%dma_start3A_237 : memref<624x16xf32, #tpu.memory_space<vmem_shared>>) target_semaphore(%run_scoped3A : memref<!tpu.dma_semaphore, #tpu.memory_space<semaphore_mem>>)
        %dma_wait3A_240 = arith.constant 0 : i32
        %dma_wait3A_241 = tpu.memref_slice %arg15[%multiple_of3A, %dma_wait3A_240] : memref<10000x16xf32, #tpu.memory_space<vmem_shared>> -> memref<624x16xf32, #tpu.memory_space<vmem_shared>>
        %dma_wait3A_242 = arith.constant 0 : i32
        %dma_wait3A_243 = tpu.memref_slice %arg6[%multiple_of3A, %dma_wait3A_242] : memref<10000x16xf32, #tpu.memory_space<hbm>> -> memref<624x16xf32, #tpu.memory_space<hbm>>
        tpu.wait_dma2 semaphore(%run_scoped3A : memref<!tpu.dma_semaphore, #tpu.memory_space<semaphore_mem>>) src(%dma_wait3A_243 : memref<624x16xf32, #tpu.memory_space<hbm>>) dst(%dma_wait3A_241 : memref<624x16xf32, #tpu.memory_space<vmem_shared>>)
        tpu.yield
      }) : () -> ()
    } else {
    }
    %eq3A = arith.constant 15 : i32
    %eq3A_3 = arith.cmpi eq, %arg1, %eq3A : i32
    %convert_element_type3A_4 = arith.extui %eq3A_3 : i1 to i32
    %cond3A_5 = arith.constant 0 : i32
    %cond3A_6 = arith.cmpi ne, %convert_element_type3A_4, %cond3A_5 : i32
    scf.if %cond3A_6 {
      %multiple_of3A = arith.constant 9360 : i32
      %multiple_of3A_234 = tpu.assume_multiple %multiple_of3A, 8 : i32
      "tpu.region"() ({
        %run_scoped3A = tpu.sem_alloc : memref<!tpu.dma_semaphore, #tpu.memory_space<semaphore_mem>>
        %dma_start3A_235 = arith.constant 0 : i32
        %dma_start3A_236 = tpu.memref_slice %arg14[%multiple_of3A_234, %dma_start3A_235] : memref<10000x128xf32, #tpu.memory_space<vmem_shared>> -> memref<640x128xf32, #tpu.memory_space<vmem_shared>>
        %dma_start3A_237 = arith.constant 0 : i32
        %dma_start3A_238 = tpu.memref_slice %arg5[%multiple_of3A_234, %dma_start3A_237] : memref<10000x128xf32, #tpu.memory_space<hbm>> -> memref<640x128xf32, #tpu.memory_space<hbm>>
        tpu.enqueue_dma source(%dma_start3A_238 : memref<640x128xf32, #tpu.memory_space<hbm>>) target(%dma_start3A_236 : memref<640x128xf32, #tpu.memory_space<vmem_shared>>) target_semaphore(%run_scoped3A : memref<!tpu.dma_semaphore, #tpu.memory_space<semaphore_mem>>)
        %dma_wait3A_239 = arith.constant 0 : i32
        %dma_wait3A_240 = tpu.memref_slice %arg14[%multiple_of3A_234, %dma_wait3A_239] : memref<10000x128xf32, #tpu.memory_space<vmem_shared>> -> memref<640x128xf32, #tpu.memory_space<vmem_shared>>
        %dma_wait3A_241 = arith.constant 0 : i32
        %dma_wait3A_242 = tpu.memref_slice %arg5[%multiple_of3A_234, %dma_wait3A_241] : memref<10000x128xf32, #tpu.memory_space<hbm>> -> memref<640x128xf32, #tpu.memory_space<hbm>>
        tpu.wait_dma2 semaphore(%run_scoped3A : memref<!tpu.dma_semaphore, #tpu.memory_space<semaphore_mem>>) src(%dma_wait3A_242 : memref<640x128xf32, #tpu.memory_space<hbm>>) dst(%dma_wait3A_240 : memref<640x128xf32, #tpu.memory_space<vmem_shared>>)
        tpu.yield
      }) : () -> ()
      "tpu.region"() ({
        %run_scoped3A = tpu.sem_alloc : memref<!tpu.dma_semaphore, #tpu.memory_space<semaphore_mem>>
        %dma_start3A_235 = arith.constant 0 : i32
        %dma_start3A_236 = tpu.memref_slice %arg15[%multiple_of3A_234, %dma_start3A_235] : memref<10000x16xf32, #tpu.memory_space<vmem_shared>> -> memref<640x16xf32, #tpu.memory_space<vmem_shared>>
        %dma_start3A_237 = arith.constant 0 : i32
        %dma_start3A_238 = tpu.memref_slice %arg6[%multiple_of3A_234, %dma_start3A_237] : memref<10000x16xf32, #tpu.memory_space<hbm>> -> memref<640x16xf32, #tpu.memory_space<hbm>>
        tpu.enqueue_dma source(%dma_start3A_238 : memref<640x16xf32, #tpu.memory_space<hbm>>) target(%dma_start3A_236 : memref<640x16xf32, #tpu.memory_space<vmem_shared>>) target_semaphore(%run_scoped3A : memref<!tpu.dma_semaphore, #tpu.memory_space<semaphore_mem>>)
        %dma_wait3A_239 = arith.constant 0 : i32
        %dma_wait3A_240 = tpu.memref_slice %arg15[%multiple_of3A_234, %dma_wait3A_239] : memref<10000x16xf32, #tpu.memory_space<vmem_shared>> -> memref<640x16xf32, #tpu.memory_space<vmem_shared>>
        %dma_wait3A_241 = arith.constant 0 : i32
        %dma_wait3A_242 = tpu.memref_slice %arg6[%multiple_of3A_234, %dma_wait3A_241] : memref<10000x16xf32, #tpu.memory_space<hbm>> -> memref<640x16xf32, #tpu.memory_space<hbm>>
        tpu.wait_dma2 semaphore(%run_scoped3A : memref<!tpu.dma_semaphore, #tpu.memory_space<semaphore_mem>>) src(%dma_wait3A_242 : memref<640x16xf32, #tpu.memory_space<hbm>>) dst(%dma_wait3A_240 : memref<640x16xf32, #tpu.memory_space<vmem_shared>>)
        tpu.yield
      }) : () -> ()
    } else {
    }
    "tpu.region"() ({
      %run_scoped3A = tpu.sem_alloc : memref<!tpu.dma_semaphore, #tpu.memory_space<semaphore_mem>>
      tpu.enqueue_dma source(%arg7 : memref<80x16xf32, #tpu.memory_space<hbm>>) target(%arg13 : memref<80x16xf32, #tpu.memory_space<vmem>>) target_semaphore(%run_scoped3A : memref<!tpu.dma_semaphore, #tpu.memory_space<semaphore_mem>>)
      tpu.wait_dma2 semaphore(%run_scoped3A : memref<!tpu.dma_semaphore, #tpu.memory_space<semaphore_mem>>) src(%arg7 : memref<80x16xf32, #tpu.memory_space<hbm>>) dst(%arg13 : memref<80x16xf32, #tpu.memory_space<vmem>>)
      tpu.yield
    }) : () -> ()
    %barrier3A = arith.constant 0 : index
    tpu.barrier barrier_id(%barrier3A)
    "tpu.region"() ({
      %run_scoped3A = tpu.sem_alloc : memref<!tpu.dma_semaphore, #tpu.memory_space<semaphore_mem>>
      %dma_start3A_234 = arith.constant 0 : i32
      %dma_start3A_235 = arith.constant 0 : i32
      %dma_start3A_236 = tpu.memref_slice %arg10[%dma_start3A_234, %dma_start3A_235] : memref<56x80xi32, #tpu.memory_space<vmem>> -> memref<56x80xi32, #tpu.memory_space<vmem>>
      %dma_start3A_237 = arith.constant 0 : i32
      %dma_start3A_238 = arith.constant 0 : i32
      %dma_start3A_239 = tpu.memref_slice %arg3[%add3A, %dma_start3A_237, %dma_start3A_238] : memref<32x125x80xi32, #tpu.memory_space<hbm>> -> memref<1x56x80xi32, #tpu.memory_space<hbm>>
      %dma_start3A_240 = tpu.memref_squeeze %dma_start3A_239 : memref<1x56x80xi32, #tpu.memory_space<hbm>> -> memref<56x80xi32, #tpu.memory_space<hbm>>
      %dma_start3A_241 = arith.constant 0 : i32
      %dma_start3A_242 = arith.constant 0 : i32
      %dma_start3A_243 = tpu.memref_slice %arg10[%dma_start3A_241, %dma_start3A_242] : memref<56x80xi32, #tpu.memory_space<vmem>> -> memref<56x80xi32, #tpu.memory_space<vmem>>
      %dma_start3A_244 = arith.constant 0 : i32
      %dma_start3A_245 = arith.constant 0 : i32
      %dma_start3A_246 = tpu.memref_slice %arg3[%add3A, %dma_start3A_244, %dma_start3A_245] : memref<32x125x80xi32, #tpu.memory_space<hbm>> -> memref<1x56x80xi32, #tpu.memory_space<hbm>>
      %dma_start3A_247 = tpu.memref_squeeze %dma_start3A_246 : memref<1x56x80xi32, #tpu.memory_space<hbm>> -> memref<56x80xi32, #tpu.memory_space<hbm>>
      tpu.enqueue_dma source(%dma_start3A_247 : memref<56x80xi32, #tpu.memory_space<hbm>>) target(%dma_start3A_243 : memref<56x80xi32, #tpu.memory_space<vmem>>) target_semaphore(%run_scoped3A : memref<!tpu.dma_semaphore, #tpu.memory_space<semaphore_mem>>)
      %dma_wait3A_248 = arith.constant 0 : i32
      %dma_wait3A_249 = arith.constant 0 : i32
      %dma_wait3A_250 = tpu.memref_slice %arg10[%dma_wait3A_248, %dma_wait3A_249] : memref<56x80xi32, #tpu.memory_space<vmem>> -> memref<56x80xi32, #tpu.memory_space<vmem>>
      %dma_wait3A_251 = arith.constant 0 : i32
      %dma_wait3A_252 = arith.constant 0 : i32
      %dma_wait3A_253 = tpu.memref_slice %arg3[%add3A, %dma_wait3A_251, %dma_wait3A_252] : memref<32x125x80xi32, #tpu.memory_space<hbm>> -> memref<1x56x80xi32, #tpu.memory_space<hbm>>
      %dma_wait3A_254 = tpu.memref_squeeze %dma_wait3A_253 : memref<1x56x80xi32, #tpu.memory_space<hbm>> -> memref<56x80xi32, #tpu.memory_space<hbm>>
      %dma_wait3A_255 = arith.constant 0 : i32
      %dma_wait3A_256 = arith.constant 0 : i32
      %dma_wait3A_257 = tpu.memref_slice %arg10[%dma_wait3A_255, %dma_wait3A_256] : memref<56x80xi32, #tpu.memory_space<vmem>> -> memref<56x80xi32, #tpu.memory_space<vmem>>
      %dma_wait3A_258 = arith.constant 0 : i32
      %dma_wait3A_259 = arith.constant 0 : i32
      %dma_wait3A_260 = tpu.memref_slice %arg3[%add3A, %dma_wait3A_258, %dma_wait3A_259] : memref<32x125x80xi32, #tpu.memory_space<hbm>> -> memref<1x56x80xi32, #tpu.memory_space<hbm>>
      %dma_wait3A_261 = tpu.memref_squeeze %dma_wait3A_260 : memref<1x56x80xi32, #tpu.memory_space<hbm>> -> memref<56x80xi32, #tpu.memory_space<hbm>>
      tpu.wait_dma2 semaphore(%run_scoped3A : memref<!tpu.dma_semaphore, #tpu.memory_space<semaphore_mem>>) src(%dma_wait3A_261 : memref<56x80xi32, #tpu.memory_space<hbm>>) dst(%dma_wait3A_257 : memref<56x80xi32, #tpu.memory_space<vmem>>)
      tpu.yield
    }) : () -> ()
    "tpu.region"() ({
      %run_scoped3A = tpu.sem_alloc : memref<!tpu.dma_semaphore, #tpu.memory_space<semaphore_mem>>
      %dma_start3A_234 = arith.constant 0 : i32
      %dma_start3A_235 = arith.constant 0 : i32
      %dma_start3A_236 = tpu.memref_slice %arg11[%dma_start3A_234, %dma_start3A_235] : memref<56x80xi32, #tpu.memory_space<vmem>> -> memref<56x80xi32, #tpu.memory_space<vmem>>
      %dma_start3A_237 = arith.constant 0 : i32
      %dma_start3A_238 = arith.constant 0 : i32
      %dma_start3A_239 = tpu.memref_slice %arg4[%add3A, %dma_start3A_237, %dma_start3A_238] : memref<32x125x80xi32, #tpu.memory_space<hbm>> -> memref<1x56x80xi32, #tpu.memory_space<hbm>>
      %dma_start3A_240 = tpu.memref_squeeze %dma_start3A_239 : memref<1x56x80xi32, #tpu.memory_space<hbm>> -> memref<56x80xi32, #tpu.memory_space<hbm>>
      %dma_start3A_241 = arith.constant 0 : i32
      %dma_start3A_242 = arith.constant 0 : i32
      %dma_start3A_243 = tpu.memref_slice %arg11[%dma_start3A_241, %dma_start3A_242] : memref<56x80xi32, #tpu.memory_space<vmem>> -> memref<56x80xi32, #tpu.memory_space<vmem>>
      %dma_start3A_244 = arith.constant 0 : i32
      %dma_start3A_245 = arith.constant 0 : i32
      %dma_start3A_246 = tpu.memref_slice %arg4[%add3A, %dma_start3A_244, %dma_start3A_245] : memref<32x125x80xi32, #tpu.memory_space<hbm>> -> memref<1x56x80xi32, #tpu.memory_space<hbm>>
      %dma_start3A_247 = tpu.memref_squeeze %dma_start3A_246 : memref<1x56x80xi32, #tpu.memory_space<hbm>> -> memref<56x80xi32, #tpu.memory_space<hbm>>
      tpu.enqueue_dma source(%dma_start3A_247 : memref<56x80xi32, #tpu.memory_space<hbm>>) target(%dma_start3A_243 : memref<56x80xi32, #tpu.memory_space<vmem>>) target_semaphore(%run_scoped3A : memref<!tpu.dma_semaphore, #tpu.memory_space<semaphore_mem>>)
      %dma_wait3A_248 = arith.constant 0 : i32
      %dma_wait3A_249 = arith.constant 0 : i32
      %dma_wait3A_250 = tpu.memref_slice %arg11[%dma_wait3A_248, %dma_wait3A_249] : memref<56x80xi32, #tpu.memory_space<vmem>> -> memref<56x80xi32, #tpu.memory_space<vmem>>
      %dma_wait3A_251 = arith.constant 0 : i32
      %dma_wait3A_252 = arith.constant 0 : i32
      %dma_wait3A_253 = tpu.memref_slice %arg4[%add3A, %dma_wait3A_251, %dma_wait3A_252] : memref<32x125x80xi32, #tpu.memory_space<hbm>> -> memref<1x56x80xi32, #tpu.memory_space<hbm>>
      %dma_wait3A_254 = tpu.memref_squeeze %dma_wait3A_253 : memref<1x56x80xi32, #tpu.memory_space<hbm>> -> memref<56x80xi32, #tpu.memory_space<hbm>>
      %dma_wait3A_255 = arith.constant 0 : i32
      %dma_wait3A_256 = arith.constant 0 : i32
      %dma_wait3A_257 = tpu.memref_slice %arg11[%dma_wait3A_255, %dma_wait3A_256] : memref<56x80xi32, #tpu.memory_space<vmem>> -> memref<56x80xi32, #tpu.memory_space<vmem>>
      %dma_wait3A_258 = arith.constant 0 : i32
      %dma_wait3A_259 = arith.constant 0 : i32
      %dma_wait3A_260 = tpu.memref_slice %arg4[%add3A, %dma_wait3A_258, %dma_wait3A_259] : memref<32x125x80xi32, #tpu.memory_space<hbm>> -> memref<1x56x80xi32, #tpu.memory_space<hbm>>
      %dma_wait3A_261 = tpu.memref_squeeze %dma_wait3A_260 : memref<1x56x80xi32, #tpu.memory_space<hbm>> -> memref<56x80xi32, #tpu.memory_space<hbm>>
      tpu.wait_dma2 semaphore(%run_scoped3A : memref<!tpu.dma_semaphore, #tpu.memory_space<semaphore_mem>>) src(%dma_wait3A_261 : memref<56x80xi32, #tpu.memory_space<hbm>>) dst(%dma_wait3A_257 : memref<56x80xi32, #tpu.memory_space<vmem>>)
      tpu.yield
    }) : () -> ()
    %dma_start3A = arith.constant 0 : i32
    %dma_start3A_7 = arith.constant 0 : i32
    %dma_start3A_8 = arith.constant 0 : i32
    %dma_start3A_9 = arith.constant 0 : i32
    %dma_start3A_10 = tpu.memref_slice %arg12[%dma_start3A_7, %dma_start3A_8, %dma_start3A_9] : memref<3x80x128xf32, #tpu.memory_space<vmem>> -> memref<1x80x128xf32, #tpu.memory_space<vmem>>
    %dma_start3A_11 = tpu.memref_squeeze %dma_start3A_10 : memref<1x80x128xf32, #tpu.memory_space<vmem>> -> memref<80x128xf32, #tpu.memory_space<vmem>>
    %dma_start3A_12 = arith.constant 0 : i32
    %dma_start3A_13 = tpu.memref_slice %arg10[%dma_start3A, %dma_start3A_12] : memref<56x80xi32, #tpu.memory_space<vmem>> -> memref<1x80xi32, #tpu.memory_space<vmem>>
    %dma_start3A_14 = tpu.memref_squeeze %dma_start3A_13 : memref<1x80xi32, #tpu.memory_space<vmem>> -> memref<80xi32, #tpu.memory_space<vmem>>
    %dma_start3A_15 = arith.constant 0 : i32
    %dma_start3A_16 = arith.constant 0 : i32
    %dma_start3A_17 = tpu.memref_slice %arg2[%dma_start3A_15, %dma_start3A_16] : memref<80000x128xf32, #tpu.memory_space<hbm>> -> memref<80000x128xf32, #tpu.memory_space<hbm>>
    tpu.enqueue_indirect_dma source(%dma_start3A_17 : memref<80000x128xf32, #tpu.memory_space<hbm>>) target(%dma_start3A_11 : memref<80x128xf32, #tpu.memory_space<vmem>>) offsets(%dma_start3A_14 : memref<80xi32, #tpu.memory_space<vmem>>) semaphore(%arg16 : memref<!tpu.dma_semaphore, #tpu.memory_space<semaphore_mem>>)
    %dma_start3A_18 = arith.constant 1 : i32
    %dma_start3A_19 = arith.constant 1 : i32
    %dma_start3A_20 = arith.constant 0 : i32
    %dma_start3A_21 = arith.constant 0 : i32
    %dma_start3A_22 = tpu.memref_slice %arg12[%dma_start3A_19, %dma_start3A_20, %dma_start3A_21] : memref<3x80x128xf32, #tpu.memory_space<vmem>> -> memref<1x80x128xf32, #tpu.memory_space<vmem>>
    %dma_start3A_23 = tpu.memref_squeeze %dma_start3A_22 : memref<1x80x128xf32, #tpu.memory_space<vmem>> -> memref<80x128xf32, #tpu.memory_space<vmem>>
    %dma_start3A_24 = arith.constant 0 : i32
    %dma_start3A_25 = tpu.memref_slice %arg10[%dma_start3A_18, %dma_start3A_24] : memref<56x80xi32, #tpu.memory_space<vmem>> -> memref<1x80xi32, #tpu.memory_space<vmem>>
    %dma_start3A_26 = tpu.memref_squeeze %dma_start3A_25 : memref<1x80xi32, #tpu.memory_space<vmem>> -> memref<80xi32, #tpu.memory_space<vmem>>
    %dma_start3A_27 = arith.constant 0 : i32
    %dma_start3A_28 = arith.constant 0 : i32
    %dma_start3A_29 = tpu.memref_slice %arg2[%dma_start3A_27, %dma_start3A_28] : memref<80000x128xf32, #tpu.memory_space<hbm>> -> memref<80000x128xf32, #tpu.memory_space<hbm>>
    tpu.enqueue_indirect_dma source(%dma_start3A_29 : memref<80000x128xf32, #tpu.memory_space<hbm>>) target(%dma_start3A_23 : memref<80x128xf32, #tpu.memory_space<vmem>>) offsets(%dma_start3A_26 : memref<80xi32, #tpu.memory_space<vmem>>) semaphore(%arg17 : memref<!tpu.dma_semaphore, #tpu.memory_space<semaphore_mem>>)
    %scan3A = arith.constant 0 : i32
    %scan3A_30 = arith.constant 0 : i32
    %scan3A_31 = arith.constant 19 : i32
    %scan3A_32 = arith.addi %scan3A_30, %scan3A_31 : i32
    %scan3A_33 = arith.constant 1 : i32
    scf.for %scan3A_234 = %scan3A_30 to %scan3A_32 step %scan3A_33  : i32 {
      %mul3A_235 = arith.constant 3 : i32
      %mul3A_236 = arith.muli %scan3A_234, %mul3A_235 : i32
      %add3A_237 = arith.constant 0 : i32
      %add3A_238 = arith.addi %mul3A_236, %add3A_237 : i32
      %lt3A_239 = arith.constant 56 : i32
      %lt3A_240 = arith.cmpi slt, %add3A_238, %lt3A_239 : i32
      %convert_element_type3A_241 = arith.extui %lt3A_240 : i1 to i32
      %cond3A_242 = arith.constant 0 : i32
      %cond3A_243 = arith.cmpi ne, %convert_element_type3A_241, %cond3A_242 : i32
      scf.if %cond3A_243 {
        %dma_wait3A_283 = arith.constant 0 : i32
        %dma_wait3A_284 = arith.constant 0 : i32
        %dma_wait3A_285 = arith.constant 0 : i32
        %dma_wait3A_286 = tpu.memref_slice %arg12[%dma_wait3A_283, %dma_wait3A_284, %dma_wait3A_285] : memref<3x80x128xf32, #tpu.memory_space<vmem>> -> memref<1x80x128xf32, #tpu.memory_space<vmem>>
        %dma_wait3A_287 = tpu.memref_squeeze %dma_wait3A_286 : memref<1x80x128xf32, #tpu.memory_space<vmem>> -> memref<80x128xf32, #tpu.memory_space<vmem>>
        %dma_wait3A_288 = arith.constant 0 : i32
        %dma_wait3A_289 = tpu.memref_slice %arg10[%add3A_238, %dma_wait3A_288] : memref<56x80xi32, #tpu.memory_space<vmem>> -> memref<1x80xi32, #tpu.memory_space<vmem>>
        %dma_wait3A_290 = tpu.memref_squeeze %dma_wait3A_289 : memref<1x80xi32, #tpu.memory_space<vmem>> -> memref<80xi32, #tpu.memory_space<vmem>>
        %dma_wait3A_291 = arith.constant 0 : i32
        %dma_wait3A_292 = arith.constant 0 : i32
        %dma_wait3A_293 = tpu.memref_slice %arg2[%dma_wait3A_291, %dma_wait3A_292] : memref<80000x128xf32, #tpu.memory_space<hbm>> -> memref<80000x128xf32, #tpu.memory_space<hbm>>
        tpu.wait_indirect_dma semaphore(%arg16 : memref<!tpu.dma_semaphore, #tpu.memory_space<semaphore_mem>>) src(%dma_wait3A_293 : memref<80000x128xf32, #tpu.memory_space<hbm>>) dst(%dma_wait3A_287 : memref<80x128xf32, #tpu.memory_space<vmem>>)
        %ge3A = arith.constant 3 : i32
        %ge3A_294 = arith.cmpi sge, %add3A_238, %ge3A : i32
        %or3A = arith.constant false
        %or3A_295 = arith.ori %or3A, %ge3A_294 : i1
        %convert_element_type3A_296 = arith.extui %or3A_295 : i1 to i32
        %cond3A_297 = arith.constant 0 : i32
        %cond3A_298 = arith.cmpi ne, %convert_element_type3A_296, %cond3A_297 : i32
        scf.if %cond3A_298 {
          %dma_wait3A_316 = arith.constant 0 : i32
          %dma_wait3A_317 = tpu.memref_slice %arg11[%add3A_238, %dma_wait3A_316] : memref<56x80xi32, #tpu.memory_space<vmem>> -> memref<1x80xi32, #tpu.memory_space<vmem>>
          %dma_wait3A_318 = tpu.memref_squeeze %dma_wait3A_317 : memref<1x80xi32, #tpu.memory_space<vmem>> -> memref<80xi32, #tpu.memory_space<vmem>>
          %dma_wait3A_319 = arith.constant 0 : i32
          %dma_wait3A_320 = arith.constant 0 : i32
          %dma_wait3A_321 = tpu.memref_slice %arg15[%dma_wait3A_319, %dma_wait3A_320] : memref<10000x16xf32, #tpu.memory_space<vmem_shared>> -> memref<10000x16xf32, #tpu.memory_space<vmem_shared>>
          tpu.wait_indirect_dma semaphore(%arg19 : memref<!tpu.dma_semaphore, #tpu.memory_space<semaphore_mem>>) src(%arg13 : memref<80x16xf32, #tpu.memory_space<vmem>>) dst(%dma_wait3A_321 : memref<10000x16xf32, #tpu.memory_space<vmem_shared>>)
        } else {
        }
        %dma_start3A_299 = arith.constant 0 : i32
        %dma_start3A_300 = tpu.memref_slice %arg11[%add3A_238, %dma_start3A_299] : memref<56x80xi32, #tpu.memory_space<vmem>> -> memref<1x80xi32, #tpu.memory_space<vmem>>
        %dma_start3A_301 = tpu.memref_squeeze %dma_start3A_300 : memref<1x80xi32, #tpu.memory_space<vmem>> -> memref<80xi32, #tpu.memory_space<vmem>>
        %dma_start3A_302 = arith.constant 0 : i32
        %dma_start3A_303 = arith.constant 0 : i32
        %dma_start3A_304 = tpu.memref_slice %arg15[%dma_start3A_302, %dma_start3A_303] : memref<10000x16xf32, #tpu.memory_space<vmem_shared>> -> memref<10000x16xf32, #tpu.memory_space<vmem_shared>>
        tpu.enqueue_indirect_dma source(%arg13 : memref<80x16xf32, #tpu.memory_space<vmem>>) target(%dma_start3A_304 : memref<10000x16xf32, #tpu.memory_space<vmem_shared>>) offsets(%dma_start3A_301 : memref<80xi32, #tpu.memory_space<vmem>>) semaphore(%arg19 : memref<!tpu.dma_semaphore, #tpu.memory_space<semaphore_mem>>) {add = true}
        %dma_start3A_305 = arith.constant 0 : i32
        %dma_start3A_306 = arith.constant 0 : i32
        %dma_start3A_307 = arith.constant 0 : i32
        %dma_start3A_308 = tpu.memref_slice %arg12[%dma_start3A_305, %dma_start3A_306, %dma_start3A_307] : memref<3x80x128xf32, #tpu.memory_space<vmem>> -> memref<1x80x128xf32, #tpu.memory_space<vmem>>
        %dma_start3A_309 = tpu.memref_squeeze %dma_start3A_308 : memref<1x80x128xf32, #tpu.memory_space<vmem>> -> memref<80x128xf32, #tpu.memory_space<vmem>>
        %dma_start3A_310 = arith.constant 0 : i32
        %dma_start3A_311 = tpu.memref_slice %arg11[%add3A_238, %dma_start3A_310] : memref<56x80xi32, #tpu.memory_space<vmem>> -> memref<1x80xi32, #tpu.memory_space<vmem>>
        %dma_start3A_312 = tpu.memref_squeeze %dma_start3A_311 : memref<1x80xi32, #tpu.memory_space<vmem>> -> memref<80xi32, #tpu.memory_space<vmem>>
        %dma_start3A_313 = arith.constant 0 : i32
        %dma_start3A_314 = arith.constant 0 : i32
        %dma_start3A_315 = tpu.memref_slice %arg14[%dma_start3A_313, %dma_start3A_314] : memref<10000x128xf32, #tpu.memory_space<vmem_shared>> -> memref<10000x128xf32, #tpu.memory_space<vmem_shared>>
        tpu.enqueue_indirect_dma source(%dma_start3A_309 : memref<80x128xf32, #tpu.memory_space<vmem>>) target(%dma_start3A_315 : memref<10000x128xf32, #tpu.memory_space<vmem_shared>>) offsets(%dma_start3A_312 : memref<80xi32, #tpu.memory_space<vmem>>) semaphore(%arg16 : memref<!tpu.dma_semaphore, #tpu.memory_space<semaphore_mem>>) {add = true}
      } else {
      }
      %add3A_244 = arith.constant 2 : i32
      %add3A_245 = arith.addi %add3A_238, %add3A_244 : i32
      %lt3A_246 = arith.constant 56 : i32
      %lt3A_247 = arith.cmpi slt, %add3A_245, %lt3A_246 : i32
      %convert_element_type3A_248 = arith.extui %lt3A_247 : i1 to i32
      %cond3A_249 = arith.constant 0 : i32
      %cond3A_250 = arith.cmpi ne, %convert_element_type3A_248, %cond3A_249 : i32
      scf.if %cond3A_250 {
        %ge3A = arith.constant 1 : i32
        %ge3A_283 = arith.cmpi sge, %add3A_238, %ge3A : i32
        %convert_element_type3A_284 = arith.extui %ge3A_283 : i1 to i32
        %cond3A_285 = arith.constant 0 : i32
        %cond3A_286 = arith.cmpi ne, %convert_element_type3A_284, %cond3A_285 : i32
        scf.if %cond3A_286 {
          %dma_wait3A_300 = arith.constant 2 : i32
          %dma_wait3A_301 = arith.constant 0 : i32
          %dma_wait3A_302 = arith.constant 0 : i32
          %dma_wait3A_303 = tpu.memref_slice %arg12[%dma_wait3A_300, %dma_wait3A_301, %dma_wait3A_302] : memref<3x80x128xf32, #tpu.memory_space<vmem>> -> memref<1x80x128xf32, #tpu.memory_space<vmem>>
          %dma_wait3A_304 = tpu.memref_squeeze %dma_wait3A_303 : memref<1x80x128xf32, #tpu.memory_space<vmem>> -> memref<80x128xf32, #tpu.memory_space<vmem>>
          %dma_wait3A_305 = arith.constant 0 : i32
          %dma_wait3A_306 = tpu.memref_slice %arg11[%add3A_238, %dma_wait3A_305] : memref<56x80xi32, #tpu.memory_space<vmem>> -> memref<1x80xi32, #tpu.memory_space<vmem>>
          %dma_wait3A_307 = tpu.memref_squeeze %dma_wait3A_306 : memref<1x80xi32, #tpu.memory_space<vmem>> -> memref<80xi32, #tpu.memory_space<vmem>>
          %dma_wait3A_308 = arith.constant 0 : i32
          %dma_wait3A_309 = arith.constant 0 : i32
          %dma_wait3A_310 = tpu.memref_slice %arg14[%dma_wait3A_308, %dma_wait3A_309] : memref<10000x128xf32, #tpu.memory_space<vmem_shared>> -> memref<10000x128xf32, #tpu.memory_space<vmem_shared>>
          tpu.wait_indirect_dma semaphore(%arg18 : memref<!tpu.dma_semaphore, #tpu.memory_space<semaphore_mem>>) src(%dma_wait3A_304 : memref<80x128xf32, #tpu.memory_space<vmem>>) dst(%dma_wait3A_310 : memref<10000x128xf32, #tpu.memory_space<vmem_shared>>)
        } else {
        }
        %add3A_287 = arith.constant 2 : i32
        %add3A_288 = arith.addi %add3A_238, %add3A_287 : i32
        %dma_start3A_289 = arith.constant 2 : i32
        %dma_start3A_290 = arith.constant 0 : i32
        %dma_start3A_291 = arith.constant 0 : i32
        %dma_start3A_292 = tpu.memref_slice %arg12[%dma_start3A_289, %dma_start3A_290, %dma_start3A_291] : memref<3x80x128xf32, #tpu.memory_space<vmem>> -> memref<1x80x128xf32, #tpu.memory_space<vmem>>
        %dma_start3A_293 = tpu.memref_squeeze %dma_start3A_292 : memref<1x80x128xf32, #tpu.memory_space<vmem>> -> memref<80x128xf32, #tpu.memory_space<vmem>>
        %dma_start3A_294 = arith.constant 0 : i32
        %dma_start3A_295 = tpu.memref_slice %arg10[%add3A_288, %dma_start3A_294] : memref<56x80xi32, #tpu.memory_space<vmem>> -> memref<1x80xi32, #tpu.memory_space<vmem>>
        %dma_start3A_296 = tpu.memref_squeeze %dma_start3A_295 : memref<1x80xi32, #tpu.memory_space<vmem>> -> memref<80xi32, #tpu.memory_space<vmem>>
        %dma_start3A_297 = arith.constant 0 : i32
        %dma_start3A_298 = arith.constant 0 : i32
        %dma_start3A_299 = tpu.memref_slice %arg2[%dma_start3A_297, %dma_start3A_298] : memref<80000x128xf32, #tpu.memory_space<hbm>> -> memref<80000x128xf32, #tpu.memory_space<hbm>>
        tpu.enqueue_indirect_dma source(%dma_start3A_299 : memref<80000x128xf32, #tpu.memory_space<hbm>>) target(%dma_start3A_293 : memref<80x128xf32, #tpu.memory_space<vmem>>) offsets(%dma_start3A_296 : memref<80xi32, #tpu.memory_space<vmem>>) semaphore(%arg18 : memref<!tpu.dma_semaphore, #tpu.memory_space<semaphore_mem>>)
      } else {
      }
      %mul3A_251 = arith.constant 3 : i32
      %mul3A_252 = arith.muli %scan3A_234, %mul3A_251 : i32
      %add3A_253 = arith.constant 1 : i32
      %add3A_254 = arith.addi %mul3A_252, %add3A_253 : i32
      %lt3A_255 = arith.constant 56 : i32
      %lt3A_256 = arith.cmpi slt, %add3A_254, %lt3A_255 : i32
      %convert_element_type3A_257 = arith.extui %lt3A_256 : i1 to i32
      %cond3A_258 = arith.constant 0 : i32
      %cond3A_259 = arith.cmpi ne, %convert_element_type3A_257, %cond3A_258 : i32
      scf.if %cond3A_259 {
        %dma_wait3A_283 = arith.constant 1 : i32
        %dma_wait3A_284 = arith.constant 0 : i32
        %dma_wait3A_285 = arith.constant 0 : i32
        %dma_wait3A_286 = tpu.memref_slice %arg12[%dma_wait3A_283, %dma_wait3A_284, %dma_wait3A_285] : memref<3x80x128xf32, #tpu.memory_space<vmem>> -> memref<1x80x128xf32, #tpu.memory_space<vmem>>
        %dma_wait3A_287 = tpu.memref_squeeze %dma_wait3A_286 : memref<1x80x128xf32, #tpu.memory_space<vmem>> -> memref<80x128xf32, #tpu.memory_space<vmem>>
        %dma_wait3A_288 = arith.constant 0 : i32
        %dma_wait3A_289 = tpu.memref_slice %arg10[%add3A_254, %dma_wait3A_288] : memref<56x80xi32, #tpu.memory_space<vmem>> -> memref<1x80xi32, #tpu.memory_space<vmem>>
        %dma_wait3A_290 = tpu.memref_squeeze %dma_wait3A_289 : memref<1x80xi32, #tpu.memory_space<vmem>> -> memref<80xi32, #tpu.memory_space<vmem>>
        %dma_wait3A_291 = arith.constant 0 : i32
        %dma_wait3A_292 = arith.constant 0 : i32
        %dma_wait3A_293 = tpu.memref_slice %arg2[%dma_wait3A_291, %dma_wait3A_292] : memref<80000x128xf32, #tpu.memory_space<hbm>> -> memref<80000x128xf32, #tpu.memory_space<hbm>>
        tpu.wait_indirect_dma semaphore(%arg17 : memref<!tpu.dma_semaphore, #tpu.memory_space<semaphore_mem>>) src(%dma_wait3A_293 : memref<80000x128xf32, #tpu.memory_space<hbm>>) dst(%dma_wait3A_287 : memref<80x128xf32, #tpu.memory_space<vmem>>)
        %ge3A = arith.constant 3 : i32
        %ge3A_294 = arith.cmpi sge, %add3A_254, %ge3A : i32
        %or3A = arith.constant false
        %or3A_295 = arith.ori %or3A, %ge3A_294 : i1
        %convert_element_type3A_296 = arith.extui %or3A_295 : i1 to i32
        %cond3A_297 = arith.constant 0 : i32
        %cond3A_298 = arith.cmpi ne, %convert_element_type3A_296, %cond3A_297 : i32
        scf.if %cond3A_298 {
          %dma_wait3A_316 = arith.constant 0 : i32
          %dma_wait3A_317 = tpu.memref_slice %arg11[%add3A_254, %dma_wait3A_316] : memref<56x80xi32, #tpu.memory_space<vmem>> -> memref<1x80xi32, #tpu.memory_space<vmem>>
          %dma_wait3A_318 = tpu.memref_squeeze %dma_wait3A_317 : memref<1x80xi32, #tpu.memory_space<vmem>> -> memref<80xi32, #tpu.memory_space<vmem>>
          %dma_wait3A_319 = arith.constant 0 : i32
          %dma_wait3A_320 = arith.constant 0 : i32
          %dma_wait3A_321 = tpu.memref_slice %arg15[%dma_wait3A_319, %dma_wait3A_320] : memref<10000x16xf32, #tpu.memory_space<vmem_shared>> -> memref<10000x16xf32, #tpu.memory_space<vmem_shared>>
          tpu.wait_indirect_dma semaphore(%arg20 : memref<!tpu.dma_semaphore, #tpu.memory_space<semaphore_mem>>) src(%arg13 : memref<80x16xf32, #tpu.memory_space<vmem>>) dst(%dma_wait3A_321 : memref<10000x16xf32, #tpu.memory_space<vmem_shared>>)
        } else {
        }
        %dma_start3A_299 = arith.constant 0 : i32
        %dma_start3A_300 = tpu.memref_slice %arg11[%add3A_254, %dma_start3A_299] : memref<56x80xi32, #tpu.memory_space<vmem>> -> memref<1x80xi32, #tpu.memory_space<vmem>>
        %dma_start3A_301 = tpu.memref_squeeze %dma_start3A_300 : memref<1x80xi32, #tpu.memory_space<vmem>> -> memref<80xi32, #tpu.memory_space<vmem>>
        %dma_start3A_302 = arith.constant 0 : i32
        %dma_start3A_303 = arith.constant 0 : i32
        %dma_start3A_304 = tpu.memref_slice %arg15[%dma_start3A_302, %dma_start3A_303] : memref<10000x16xf32, #tpu.memory_space<vmem_shared>> -> memref<10000x16xf32, #tpu.memory_space<vmem_shared>>
        tpu.enqueue_indirect_dma source(%arg13 : memref<80x16xf32, #tpu.memory_space<vmem>>) target(%dma_start3A_304 : memref<10000x16xf32, #tpu.memory_space<vmem_shared>>) offsets(%dma_start3A_301 : memref<80xi32, #tpu.memory_space<vmem>>) semaphore(%arg20 : memref<!tpu.dma_semaphore, #tpu.memory_space<semaphore_mem>>) {add = true}
        %dma_start3A_305 = arith.constant 1 : i32
        %dma_start3A_306 = arith.constant 0 : i32
        %dma_start3A_307 = arith.constant 0 : i32
        %dma_start3A_308 = tpu.memref_slice %arg12[%dma_start3A_305, %dma_start3A_306, %dma_start3A_307] : memref<3x80x128xf32, #tpu.memory_space<vmem>> -> memref<1x80x128xf32, #tpu.memory_space<vmem>>
        %dma_start3A_309 = tpu.memref_squeeze %dma_start3A_308 : memref<1x80x128xf32, #tpu.memory_space<vmem>> -> memref<80x128xf32, #tpu.memory_space<vmem>>
        %dma_start3A_310 = arith.constant 0 : i32
        %dma_start3A_311 = tpu.memref_slice %arg11[%add3A_254, %dma_start3A_310] : memref<56x80xi32, #tpu.memory_space<vmem>> -> memref<1x80xi32, #tpu.memory_space<vmem>>
        %dma_start3A_312 = tpu.memref_squeeze %dma_start3A_311 : memref<1x80xi32, #tpu.memory_space<vmem>> -> memref<80xi32, #tpu.memory_space<vmem>>
        %dma_start3A_313 = arith.constant 0 : i32
        %dma_start3A_314 = arith.constant 0 : i32
        %dma_start3A_315 = tpu.memref_slice %arg14[%dma_start3A_313, %dma_start3A_314] : memref<10000x128xf32, #tpu.memory_space<vmem_shared>> -> memref<10000x128xf32, #tpu.memory_space<vmem_shared>>
        tpu.enqueue_indirect_dma source(%dma_start3A_309 : memref<80x128xf32, #tpu.memory_space<vmem>>) target(%dma_start3A_315 : memref<10000x128xf32, #tpu.memory_space<vmem_shared>>) offsets(%dma_start3A_312 : memref<80xi32, #tpu.memory_space<vmem>>) semaphore(%arg17 : memref<!tpu.dma_semaphore, #tpu.memory_space<semaphore_mem>>) {add = true}
      } else {
      }
      %add3A_260 = arith.constant 2 : i32
      %add3A_261 = arith.addi %add3A_254, %add3A_260 : i32
      %lt3A_262 = arith.constant 56 : i32
      %lt3A_263 = arith.cmpi slt, %add3A_261, %lt3A_262 : i32
      %convert_element_type3A_264 = arith.extui %lt3A_263 : i1 to i32
      %cond3A_265 = arith.constant 0 : i32
      %cond3A_266 = arith.cmpi ne, %convert_element_type3A_264, %cond3A_265 : i32
      scf.if %cond3A_266 {
        %ge3A = arith.constant 1 : i32
        %ge3A_283 = arith.cmpi sge, %add3A_254, %ge3A : i32
        %convert_element_type3A_284 = arith.extui %ge3A_283 : i1 to i32
        %cond3A_285 = arith.constant 0 : i32
        %cond3A_286 = arith.cmpi ne, %convert_element_type3A_284, %cond3A_285 : i32
        scf.if %cond3A_286 {
          %dma_wait3A_300 = arith.constant 0 : i32
          %dma_wait3A_301 = arith.constant 0 : i32
          %dma_wait3A_302 = arith.constant 0 : i32
          %dma_wait3A_303 = tpu.memref_slice %arg12[%dma_wait3A_300, %dma_wait3A_301, %dma_wait3A_302] : memref<3x80x128xf32, #tpu.memory_space<vmem>> -> memref<1x80x128xf32, #tpu.memory_space<vmem>>
          %dma_wait3A_304 = tpu.memref_squeeze %dma_wait3A_303 : memref<1x80x128xf32, #tpu.memory_space<vmem>> -> memref<80x128xf32, #tpu.memory_space<vmem>>
          %dma_wait3A_305 = arith.constant 0 : i32
          %dma_wait3A_306 = tpu.memref_slice %arg11[%add3A_254, %dma_wait3A_305] : memref<56x80xi32, #tpu.memory_space<vmem>> -> memref<1x80xi32, #tpu.memory_space<vmem>>
          %dma_wait3A_307 = tpu.memref_squeeze %dma_wait3A_306 : memref<1x80xi32, #tpu.memory_space<vmem>> -> memref<80xi32, #tpu.memory_space<vmem>>
          %dma_wait3A_308 = arith.constant 0 : i32
          %dma_wait3A_309 = arith.constant 0 : i32
          %dma_wait3A_310 = tpu.memref_slice %arg14[%dma_wait3A_308, %dma_wait3A_309] : memref<10000x128xf32, #tpu.memory_space<vmem_shared>> -> memref<10000x128xf32, #tpu.memory_space<vmem_shared>>
          tpu.wait_indirect_dma semaphore(%arg16 : memref<!tpu.dma_semaphore, #tpu.memory_space<semaphore_mem>>) src(%dma_wait3A_304 : memref<80x128xf32, #tpu.memory_space<vmem>>) dst(%dma_wait3A_310 : memref<10000x128xf32, #tpu.memory_space<vmem_shared>>)
        } else {
        }
        %add3A_287 = arith.constant 2 : i32
        %add3A_288 = arith.addi %add3A_254, %add3A_287 : i32
        %dma_start3A_289 = arith.constant 0 : i32
        %dma_start3A_290 = arith.constant 0 : i32
        %dma_start3A_291 = arith.constant 0 : i32
        %dma_start3A_292 = tpu.memref_slice %arg12[%dma_start3A_289, %dma_start3A_290, %dma_start3A_291] : memref<3x80x128xf32, #tpu.memory_space<vmem>> -> memref<1x80x128xf32, #tpu.memory_space<vmem>>
        %dma_start3A_293 = tpu.memref_squeeze %dma_start3A_292 : memref<1x80x128xf32, #tpu.memory_space<vmem>> -> memref<80x128xf32, #tpu.memory_space<vmem>>
        %dma_start3A_294 = arith.constant 0 : i32
        %dma_start3A_295 = tpu.memref_slice %arg10[%add3A_288, %dma_start3A_294] : memref<56x80xi32, #tpu.memory_space<vmem>> -> memref<1x80xi32, #tpu.memory_space<vmem>>
        %dma_start3A_296 = tpu.memref_squeeze %dma_start3A_295 : memref<1x80xi32, #tpu.memory_space<vmem>> -> memref<80xi32, #tpu.memory_space<vmem>>
        %dma_start3A_297 = arith.constant 0 : i32
        %dma_start3A_298 = arith.constant 0 : i32
        %dma_start3A_299 = tpu.memref_slice %arg2[%dma_start3A_297, %dma_start3A_298] : memref<80000x128xf32, #tpu.memory_space<hbm>> -> memref<80000x128xf32, #tpu.memory_space<hbm>>
        tpu.enqueue_indirect_dma source(%dma_start3A_299 : memref<80000x128xf32, #tpu.memory_space<hbm>>) target(%dma_start3A_293 : memref<80x128xf32, #tpu.memory_space<vmem>>) offsets(%dma_start3A_296 : memref<80xi32, #tpu.memory_space<vmem>>) semaphore(%arg16 : memref<!tpu.dma_semaphore, #tpu.memory_space<semaphore_mem>>)
      } else {
      }
      %mul3A_267 = arith.constant 3 : i32
      %mul3A_268 = arith.muli %scan3A_234, %mul3A_267 : i32
      %add3A_269 = arith.constant 2 : i32
      %add3A_270 = arith.addi %mul3A_268, %add3A_269 : i32
      %lt3A_271 = arith.constant 56 : i32
      %lt3A_272 = arith.cmpi slt, %add3A_270, %lt3A_271 : i32
      %convert_element_type3A_273 = arith.extui %lt3A_272 : i1 to i32
      %cond3A_274 = arith.constant 0 : i32
      %cond3A_275 = arith.cmpi ne, %convert_element_type3A_273, %cond3A_274 : i32
      scf.if %cond3A_275 {
        %dma_wait3A_283 = arith.constant 2 : i32
        %dma_wait3A_284 = arith.constant 0 : i32
        %dma_wait3A_285 = arith.constant 0 : i32
        %dma_wait3A_286 = tpu.memref_slice %arg12[%dma_wait3A_283, %dma_wait3A_284, %dma_wait3A_285] : memref<3x80x128xf32, #tpu.memory_space<vmem>> -> memref<1x80x128xf32, #tpu.memory_space<vmem>>
        %dma_wait3A_287 = tpu.memref_squeeze %dma_wait3A_286 : memref<1x80x128xf32, #tpu.memory_space<vmem>> -> memref<80x128xf32, #tpu.memory_space<vmem>>
        %dma_wait3A_288 = arith.constant 0 : i32
        %dma_wait3A_289 = tpu.memref_slice %arg10[%add3A_270, %dma_wait3A_288] : memref<56x80xi32, #tpu.memory_space<vmem>> -> memref<1x80xi32, #tpu.memory_space<vmem>>
        %dma_wait3A_290 = tpu.memref_squeeze %dma_wait3A_289 : memref<1x80xi32, #tpu.memory_space<vmem>> -> memref<80xi32, #tpu.memory_space<vmem>>
        %dma_wait3A_291 = arith.constant 0 : i32
        %dma_wait3A_292 = arith.constant 0 : i32
        %dma_wait3A_293 = tpu.memref_slice %arg2[%dma_wait3A_291, %dma_wait3A_292] : memref<80000x128xf32, #tpu.memory_space<hbm>> -> memref<80000x128xf32, #tpu.memory_space<hbm>>
        tpu.wait_indirect_dma semaphore(%arg18 : memref<!tpu.dma_semaphore, #tpu.memory_space<semaphore_mem>>) src(%dma_wait3A_293 : memref<80000x128xf32, #tpu.memory_space<hbm>>) dst(%dma_wait3A_287 : memref<80x128xf32, #tpu.memory_space<vmem>>)
        %ge3A = arith.constant 3 : i32
        %ge3A_294 = arith.cmpi sge, %add3A_270, %ge3A : i32
        %or3A = arith.constant false
        %or3A_295 = arith.ori %or3A, %ge3A_294 : i1
        %convert_element_type3A_296 = arith.extui %or3A_295 : i1 to i32
        %cond3A_297 = arith.constant 0 : i32
        %cond3A_298 = arith.cmpi ne, %convert_element_type3A_296, %cond3A_297 : i32
        scf.if %cond3A_298 {
          %dma_wait3A_316 = arith.constant 0 : i32
          %dma_wait3A_317 = tpu.memref_slice %arg11[%add3A_270, %dma_wait3A_316] : memref<56x80xi32, #tpu.memory_space<vmem>> -> memref<1x80xi32, #tpu.memory_space<vmem>>
          %dma_wait3A_318 = tpu.memref_squeeze %dma_wait3A_317 : memref<1x80xi32, #tpu.memory_space<vmem>> -> memref<80xi32, #tpu.memory_space<vmem>>
          %dma_wait3A_319 = arith.constant 0 : i32
          %dma_wait3A_320 = arith.constant 0 : i32
          %dma_wait3A_321 = tpu.memref_slice %arg15[%dma_wait3A_319, %dma_wait3A_320] : memref<10000x16xf32, #tpu.memory_space<vmem_shared>> -> memref<10000x16xf32, #tpu.memory_space<vmem_shared>>
          tpu.wait_indirect_dma semaphore(%arg21 : memref<!tpu.dma_semaphore, #tpu.memory_space<semaphore_mem>>) src(%arg13 : memref<80x16xf32, #tpu.memory_space<vmem>>) dst(%dma_wait3A_321 : memref<10000x16xf32, #tpu.memory_space<vmem_shared>>)
        } else {
        }
        %dma_start3A_299 = arith.constant 0 : i32
        %dma_start3A_300 = tpu.memref_slice %arg11[%add3A_270, %dma_start3A_299] : memref<56x80xi32, #tpu.memory_space<vmem>> -> memref<1x80xi32, #tpu.memory_space<vmem>>
        %dma_start3A_301 = tpu.memref_squeeze %dma_start3A_300 : memref<1x80xi32, #tpu.memory_space<vmem>> -> memref<80xi32, #tpu.memory_space<vmem>>
        %dma_start3A_302 = arith.constant 0 : i32
        %dma_start3A_303 = arith.constant 0 : i32
        %dma_start3A_304 = tpu.memref_slice %arg15[%dma_start3A_302, %dma_start3A_303] : memref<10000x16xf32, #tpu.memory_space<vmem_shared>> -> memref<10000x16xf32, #tpu.memory_space<vmem_shared>>
        tpu.enqueue_indirect_dma source(%arg13 : memref<80x16xf32, #tpu.memory_space<vmem>>) target(%dma_start3A_304 : memref<10000x16xf32, #tpu.memory_space<vmem_shared>>) offsets(%dma_start3A_301 : memref<80xi32, #tpu.memory_space<vmem>>) semaphore(%arg21 : memref<!tpu.dma_semaphore, #tpu.memory_space<semaphore_mem>>) {add = true}
        %dma_start3A_305 = arith.constant 2 : i32
        %dma_start3A_306 = arith.constant 0 : i32
        %dma_start3A_307 = arith.constant 0 : i32
        %dma_start3A_308 = tpu.memref_slice %arg12[%dma_start3A_305, %dma_start3A_306, %dma_start3A_307] : memref<3x80x128xf32, #tpu.memory_space<vmem>> -> memref<1x80x128xf32, #tpu.memory_space<vmem>>
        %dma_start3A_309 = tpu.memref_squeeze %dma_start3A_308 : memref<1x80x128xf32, #tpu.memory_space<vmem>> -> memref<80x128xf32, #tpu.memory_space<vmem>>
        %dma_start3A_310 = arith.constant 0 : i32
        %dma_start3A_311 = tpu.memref_slice %arg11[%add3A_270, %dma_start3A_310] : memref<56x80xi32, #tpu.memory_space<vmem>> -> memref<1x80xi32, #tpu.memory_space<vmem>>
        %dma_start3A_312 = tpu.memref_squeeze %dma_start3A_311 : memref<1x80xi32, #tpu.memory_space<vmem>> -> memref<80xi32, #tpu.memory_space<vmem>>
        %dma_start3A_313 = arith.constant 0 : i32
        %dma_start3A_314 = arith.constant 0 : i32
        %dma_start3A_315 = tpu.memref_slice %arg14[%dma_start3A_313, %dma_start3A_314] : memref<10000x128xf32, #tpu.memory_space<vmem_shared>> -> memref<10000x128xf32, #tpu.memory_space<vmem_shared>>
        tpu.enqueue_indirect_dma source(%dma_start3A_309 : memref<80x128xf32, #tpu.memory_space<vmem>>) target(%dma_start3A_315 : memref<10000x128xf32, #tpu.memory_space<vmem_shared>>) offsets(%dma_start3A_312 : memref<80xi32, #tpu.memory_space<vmem>>) semaphore(%arg18 : memref<!tpu.dma_semaphore, #tpu.memory_space<semaphore_mem>>) {add = true}
      } else {
      }
      %add3A_276 = arith.constant 2 : i32
      %add3A_277 = arith.addi %add3A_270, %add3A_276 : i32
      %lt3A_278 = arith.constant 56 : i32
      %lt3A_279 = arith.cmpi slt, %add3A_277, %lt3A_278 : i32
      %convert_element_type3A_280 = arith.extui %lt3A_279 : i1 to i32
      %cond3A_281 = arith.constant 0 : i32
      %cond3A_282 = arith.cmpi ne, %convert_element_type3A_280, %cond3A_281 : i32
      scf.if %cond3A_282 {
        %ge3A = arith.constant 1 : i32
        %ge3A_283 = arith.cmpi sge, %add3A_270, %ge3A : i32
        %convert_element_type3A_284 = arith.extui %ge3A_283 : i1 to i32
        %cond3A_285 = arith.constant 0 : i32
        %cond3A_286 = arith.cmpi ne, %convert_element_type3A_284, %cond3A_285 : i32
        scf.if %cond3A_286 {
          %dma_wait3A_300 = arith.constant 1 : i32
          %dma_wait3A_301 = arith.constant 0 : i32
          %dma_wait3A_302 = arith.constant 0 : i32
          %dma_wait3A_303 = tpu.memref_slice %arg12[%dma_wait3A_300, %dma_wait3A_301, %dma_wait3A_302] : memref<3x80x128xf32, #tpu.memory_space<vmem>> -> memref<1x80x128xf32, #tpu.memory_space<vmem>>
          %dma_wait3A_304 = tpu.memref_squeeze %dma_wait3A_303 : memref<1x80x128xf32, #tpu.memory_space<vmem>> -> memref<80x128xf32, #tpu.memory_space<vmem>>
          %dma_wait3A_305 = arith.constant 0 : i32
          %dma_wait3A_306 = tpu.memref_slice %arg11[%add3A_270, %dma_wait3A_305] : memref<56x80xi32, #tpu.memory_space<vmem>> -> memref<1x80xi32, #tpu.memory_space<vmem>>
          %dma_wait3A_307 = tpu.memref_squeeze %dma_wait3A_306 : memref<1x80xi32, #tpu.memory_space<vmem>> -> memref<80xi32, #tpu.memory_space<vmem>>
          %dma_wait3A_308 = arith.constant 0 : i32
          %dma_wait3A_309 = arith.constant 0 : i32
          %dma_wait3A_310 = tpu.memref_slice %arg14[%dma_wait3A_308, %dma_wait3A_309] : memref<10000x128xf32, #tpu.memory_space<vmem_shared>> -> memref<10000x128xf32, #tpu.memory_space<vmem_shared>>
          tpu.wait_indirect_dma semaphore(%arg17 : memref<!tpu.dma_semaphore, #tpu.memory_space<semaphore_mem>>) src(%dma_wait3A_304 : memref<80x128xf32, #tpu.memory_space<vmem>>) dst(%dma_wait3A_310 : memref<10000x128xf32, #tpu.memory_space<vmem_shared>>)
        } else {
        }
        %add3A_287 = arith.constant 2 : i32
        %add3A_288 = arith.addi %add3A_270, %add3A_287 : i32
        %dma_start3A_289 = arith.constant 1 : i32
        %dma_start3A_290 = arith.constant 0 : i32
        %dma_start3A_291 = arith.constant 0 : i32
        %dma_start3A_292 = tpu.memref_slice %arg12[%dma_start3A_289, %dma_start3A_290, %dma_start3A_291] : memref<3x80x128xf32, #tpu.memory_space<vmem>> -> memref<1x80x128xf32, #tpu.memory_space<vmem>>
        %dma_start3A_293 = tpu.memref_squeeze %dma_start3A_292 : memref<1x80x128xf32, #tpu.memory_space<vmem>> -> memref<80x128xf32, #tpu.memory_space<vmem>>
        %dma_start3A_294 = arith.constant 0 : i32
        %dma_start3A_295 = tpu.memref_slice %arg10[%add3A_288, %dma_start3A_294] : memref<56x80xi32, #tpu.memory_space<vmem>> -> memref<1x80xi32, #tpu.memory_space<vmem>>
        %dma_start3A_296 = tpu.memref_squeeze %dma_start3A_295 : memref<1x80xi32, #tpu.memory_space<vmem>> -> memref<80xi32, #tpu.memory_space<vmem>>
        %dma_start3A_297 = arith.constant 0 : i32
        %dma_start3A_298 = arith.constant 0 : i32
        %dma_start3A_299 = tpu.memref_slice %arg2[%dma_start3A_297, %dma_start3A_298] : memref<80000x128xf32, #tpu.memory_space<hbm>> -> memref<80000x128xf32, #tpu.memory_space<hbm>>
        tpu.enqueue_indirect_dma source(%dma_start3A_299 : memref<80000x128xf32, #tpu.memory_space<hbm>>) target(%dma_start3A_293 : memref<80x128xf32, #tpu.memory_space<vmem>>) offsets(%dma_start3A_296 : memref<80xi32, #tpu.memory_space<vmem>>) semaphore(%arg17 : memref<!tpu.dma_semaphore, #tpu.memory_space<semaphore_mem>>)
      } else {
      }
    }
    %scan3A_34 = arith.constant 19 : i32
    %dma_wait3A = arith.constant 0 : i32
    %dma_wait3A_35 = arith.constant 0 : i32
    %dma_wait3A_36 = arith.constant 0 : i32
    %dma_wait3A_37 = arith.constant 0 : i32
    %dma_wait3A_38 = tpu.memref_slice %arg12[%dma_wait3A, %dma_wait3A_36, %dma_wait3A_37] : memref<3x80x128xf32, #tpu.memory_space<vmem>> -> memref<1x80x128xf32, #tpu.memory_space<vmem>>
    %dma_wait3A_39 = tpu.memref_squeeze %dma_wait3A_38 : memref<1x80x128xf32, #tpu.memory_space<vmem>> -> memref<80x128xf32, #tpu.memory_space<vmem>>
    %dma_wait3A_40 = arith.constant 0 : i32
    %dma_wait3A_41 = tpu.memref_slice %arg11[%dma_wait3A_35, %dma_wait3A_40] : memref<56x80xi32, #tpu.memory_space<vmem>> -> memref<1x80xi32, #tpu.memory_space<vmem>>
    %dma_wait3A_42 = tpu.memref_squeeze %dma_wait3A_41 : memref<1x80xi32, #tpu.memory_space<vmem>> -> memref<80xi32, #tpu.memory_space<vmem>>
    %dma_wait3A_43 = arith.constant 0 : i32
    %dma_wait3A_44 = arith.constant 0 : i32
    %dma_wait3A_45 = tpu.memref_slice %arg14[%dma_wait3A_43, %dma_wait3A_44] : memref<10000x128xf32, #tpu.memory_space<vmem_shared>> -> memref<10000x128xf32, #tpu.memory_space<vmem_shared>>
    tpu.wait_indirect_dma semaphore(%arg16 : memref<!tpu.dma_semaphore, #tpu.memory_space<semaphore_mem>>) src(%dma_wait3A_39 : memref<80x128xf32, #tpu.memory_space<vmem>>) dst(%dma_wait3A_45 : memref<10000x128xf32, #tpu.memory_space<vmem_shared>>)
    %dma_wait3A_46 = arith.constant 1 : i32
    %dma_wait3A_47 = arith.constant 0 : i32
    %dma_wait3A_48 = arith.constant 0 : i32
    %dma_wait3A_49 = arith.constant 0 : i32
    %dma_wait3A_50 = tpu.memref_slice %arg12[%dma_wait3A_46, %dma_wait3A_48, %dma_wait3A_49] : memref<3x80x128xf32, #tpu.memory_space<vmem>> -> memref<1x80x128xf32, #tpu.memory_space<vmem>>
    %dma_wait3A_51 = tpu.memref_squeeze %dma_wait3A_50 : memref<1x80x128xf32, #tpu.memory_space<vmem>> -> memref<80x128xf32, #tpu.memory_space<vmem>>
    %dma_wait3A_52 = arith.constant 0 : i32
    %dma_wait3A_53 = tpu.memref_slice %arg11[%dma_wait3A_47, %dma_wait3A_52] : memref<56x80xi32, #tpu.memory_space<vmem>> -> memref<1x80xi32, #tpu.memory_space<vmem>>
    %dma_wait3A_54 = tpu.memref_squeeze %dma_wait3A_53 : memref<1x80xi32, #tpu.memory_space<vmem>> -> memref<80xi32, #tpu.memory_space<vmem>>
    %dma_wait3A_55 = arith.constant 0 : i32
    %dma_wait3A_56 = arith.constant 0 : i32
    %dma_wait3A_57 = tpu.memref_slice %arg14[%dma_wait3A_55, %dma_wait3A_56] : memref<10000x128xf32, #tpu.memory_space<vmem_shared>> -> memref<10000x128xf32, #tpu.memory_space<vmem_shared>>
    tpu.wait_indirect_dma semaphore(%arg17 : memref<!tpu.dma_semaphore, #tpu.memory_space<semaphore_mem>>) src(%dma_wait3A_51 : memref<80x128xf32, #tpu.memory_space<vmem>>) dst(%dma_wait3A_57 : memref<10000x128xf32, #tpu.memory_space<vmem_shared>>)
    %dma_wait3A_58 = arith.constant 2 : i32
    %dma_wait3A_59 = arith.constant 0 : i32
    %dma_wait3A_60 = arith.constant 0 : i32
    %dma_wait3A_61 = arith.constant 0 : i32
    %dma_wait3A_62 = tpu.memref_slice %arg12[%dma_wait3A_58, %dma_wait3A_60, %dma_wait3A_61] : memref<3x80x128xf32, #tpu.memory_space<vmem>> -> memref<1x80x128xf32, #tpu.memory_space<vmem>>
    %dma_wait3A_63 = tpu.memref_squeeze %dma_wait3A_62 : memref<1x80x128xf32, #tpu.memory_space<vmem>> -> memref<80x128xf32, #tpu.memory_space<vmem>>
    %dma_wait3A_64 = arith.constant 0 : i32
    %dma_wait3A_65 = tpu.memref_slice %arg11[%dma_wait3A_59, %dma_wait3A_64] : memref<56x80xi32, #tpu.memory_space<vmem>> -> memref<1x80xi32, #tpu.memory_space<vmem>>
    %dma_wait3A_66 = tpu.memref_squeeze %dma_wait3A_65 : memref<1x80xi32, #tpu.memory_space<vmem>> -> memref<80xi32, #tpu.memory_space<vmem>>
    %dma_wait3A_67 = arith.constant 0 : i32
    %dma_wait3A_68 = arith.constant 0 : i32
    %dma_wait3A_69 = tpu.memref_slice %arg14[%dma_wait3A_67, %dma_wait3A_68] : memref<10000x128xf32, #tpu.memory_space<vmem_shared>> -> memref<10000x128xf32, #tpu.memory_space<vmem_shared>>
    tpu.wait_indirect_dma semaphore(%arg18 : memref<!tpu.dma_semaphore, #tpu.memory_space<semaphore_mem>>) src(%dma_wait3A_63 : memref<80x128xf32, #tpu.memory_space<vmem>>) dst(%dma_wait3A_69 : memref<10000x128xf32, #tpu.memory_space<vmem_shared>>)
    "tpu.region"() ({
      %run_scoped3A = tpu.sem_alloc : memref<!tpu.dma_semaphore, #tpu.memory_space<semaphore_mem>>
      %dma_start3A_234 = arith.constant 0 : i32
      %dma_start3A_235 = arith.constant 0 : i32
      %dma_start3A_236 = tpu.memref_slice %arg10[%dma_start3A_234, %dma_start3A_235] : memref<56x80xi32, #tpu.memory_space<vmem>> -> memref<56x80xi32, #tpu.memory_space<vmem>>
      %dma_start3A_237 = arith.constant 56 : i32
      %dma_start3A_238 = arith.constant 0 : i32
      %dma_start3A_239 = tpu.memref_slice %arg3[%add3A, %dma_start3A_237, %dma_start3A_238] : memref<32x125x80xi32, #tpu.memory_space<hbm>> -> memref<1x56x80xi32, #tpu.memory_space<hbm>>
      %dma_start3A_240 = tpu.memref_squeeze %dma_start3A_239 : memref<1x56x80xi32, #tpu.memory_space<hbm>> -> memref<56x80xi32, #tpu.memory_space<hbm>>
      %dma_start3A_241 = arith.constant 0 : i32
      %dma_start3A_242 = arith.constant 0 : i32
      %dma_start3A_243 = tpu.memref_slice %arg10[%dma_start3A_241, %dma_start3A_242] : memref<56x80xi32, #tpu.memory_space<vmem>> -> memref<56x80xi32, #tpu.memory_space<vmem>>
      %dma_start3A_244 = arith.constant 56 : i32
      %dma_start3A_245 = arith.constant 0 : i32
      %dma_start3A_246 = tpu.memref_slice %arg3[%add3A, %dma_start3A_244, %dma_start3A_245] : memref<32x125x80xi32, #tpu.memory_space<hbm>> -> memref<1x56x80xi32, #tpu.memory_space<hbm>>
      %dma_start3A_247 = tpu.memref_squeeze %dma_start3A_246 : memref<1x56x80xi32, #tpu.memory_space<hbm>> -> memref<56x80xi32, #tpu.memory_space<hbm>>
      tpu.enqueue_dma source(%dma_start3A_247 : memref<56x80xi32, #tpu.memory_space<hbm>>) target(%dma_start3A_243 : memref<56x80xi32, #tpu.memory_space<vmem>>) target_semaphore(%run_scoped3A : memref<!tpu.dma_semaphore, #tpu.memory_space<semaphore_mem>>)
      %dma_wait3A_248 = arith.constant 0 : i32
      %dma_wait3A_249 = arith.constant 0 : i32
      %dma_wait3A_250 = tpu.memref_slice %arg10[%dma_wait3A_248, %dma_wait3A_249] : memref<56x80xi32, #tpu.memory_space<vmem>> -> memref<56x80xi32, #tpu.memory_space<vmem>>
      %dma_wait3A_251 = arith.constant 56 : i32
      %dma_wait3A_252 = arith.constant 0 : i32
      %dma_wait3A_253 = tpu.memref_slice %arg3[%add3A, %dma_wait3A_251, %dma_wait3A_252] : memref<32x125x80xi32, #tpu.memory_space<hbm>> -> memref<1x56x80xi32, #tpu.memory_space<hbm>>
      %dma_wait3A_254 = tpu.memref_squeeze %dma_wait3A_253 : memref<1x56x80xi32, #tpu.memory_space<hbm>> -> memref<56x80xi32, #tpu.memory_space<hbm>>
      %dma_wait3A_255 = arith.constant 0 : i32
      %dma_wait3A_256 = arith.constant 0 : i32
      %dma_wait3A_257 = tpu.memref_slice %arg10[%dma_wait3A_255, %dma_wait3A_256] : memref<56x80xi32, #tpu.memory_space<vmem>> -> memref<56x80xi32, #tpu.memory_space<vmem>>
      %dma_wait3A_258 = arith.constant 56 : i32
      %dma_wait3A_259 = arith.constant 0 : i32
      %dma_wait3A_260 = tpu.memref_slice %arg3[%add3A, %dma_wait3A_258, %dma_wait3A_259] : memref<32x125x80xi32, #tpu.memory_space<hbm>> -> memref<1x56x80xi32, #tpu.memory_space<hbm>>
      %dma_wait3A_261 = tpu.memref_squeeze %dma_wait3A_260 : memref<1x56x80xi32, #tpu.memory_space<hbm>> -> memref<56x80xi32, #tpu.memory_space<hbm>>
      tpu.wait_dma2 semaphore(%run_scoped3A : memref<!tpu.dma_semaphore, #tpu.memory_space<semaphore_mem>>) src(%dma_wait3A_261 : memref<56x80xi32, #tpu.memory_space<hbm>>) dst(%dma_wait3A_257 : memref<56x80xi32, #tpu.memory_space<vmem>>)
      tpu.yield
    }) : () -> ()
    "tpu.region"() ({
      %run_scoped3A = tpu.sem_alloc : memref<!tpu.dma_semaphore, #tpu.memory_space<semaphore_mem>>
      %dma_start3A_234 = arith.constant 0 : i32
      %dma_start3A_235 = arith.constant 0 : i32
      %dma_start3A_236 = tpu.memref_slice %arg11[%dma_start3A_234, %dma_start3A_235] : memref<56x80xi32, #tpu.memory_space<vmem>> -> memref<56x80xi32, #tpu.memory_space<vmem>>
      %dma_start3A_237 = arith.constant 56 : i32
      %dma_start3A_238 = arith.constant 0 : i32
      %dma_start3A_239 = tpu.memref_slice %arg4[%add3A, %dma_start3A_237, %dma_start3A_238] : memref<32x125x80xi32, #tpu.memory_space<hbm>> -> memref<1x56x80xi32, #tpu.memory_space<hbm>>
      %dma_start3A_240 = tpu.memref_squeeze %dma_start3A_239 : memref<1x56x80xi32, #tpu.memory_space<hbm>> -> memref<56x80xi32, #tpu.memory_space<hbm>>
      %dma_start3A_241 = arith.constant 0 : i32
      %dma_start3A_242 = arith.constant 0 : i32
      %dma_start3A_243 = tpu.memref_slice %arg11[%dma_start3A_241, %dma_start3A_242] : memref<56x80xi32, #tpu.memory_space<vmem>> -> memref<56x80xi32, #tpu.memory_space<vmem>>
      %dma_start3A_244 = arith.constant 56 : i32
      %dma_start3A_245 = arith.constant 0 : i32
      %dma_start3A_246 = tpu.memref_slice %arg4[%add3A, %dma_start3A_244, %dma_start3A_245] : memref<32x125x80xi32, #tpu.memory_space<hbm>> -> memref<1x56x80xi32, #tpu.memory_space<hbm>>
      %dma_start3A_247 = tpu.memref_squeeze %dma_start3A_246 : memref<1x56x80xi32, #tpu.memory_space<hbm>> -> memref<56x80xi32, #tpu.memory_space<hbm>>
      tpu.enqueue_dma source(%dma_start3A_247 : memref<56x80xi32, #tpu.memory_space<hbm>>) target(%dma_start3A_243 : memref<56x80xi32, #tpu.memory_space<vmem>>) target_semaphore(%run_scoped3A : memref<!tpu.dma_semaphore, #tpu.memory_space<semaphore_mem>>)
      %dma_wait3A_248 = arith.constant 0 : i32
      %dma_wait3A_249 = arith.constant 0 : i32
      %dma_wait3A_250 = tpu.memref_slice %arg11[%dma_wait3A_248, %dma_wait3A_249] : memref<56x80xi32, #tpu.memory_space<vmem>> -> memref<56x80xi32, #tpu.memory_space<vmem>>
      %dma_wait3A_251 = arith.constant 56 : i32
      %dma_wait3A_252 = arith.constant 0 : i32
      %dma_wait3A_253 = tpu.memref_slice %arg4[%add3A, %dma_wait3A_251, %dma_wait3A_252] : memref<32x125x80xi32, #tpu.memory_space<hbm>> -> memref<1x56x80xi32, #tpu.memory_space<hbm>>
      %dma_wait3A_254 = tpu.memref_squeeze %dma_wait3A_253 : memref<1x56x80xi32, #tpu.memory_space<hbm>> -> memref<56x80xi32, #tpu.memory_space<hbm>>
      %dma_wait3A_255 = arith.constant 0 : i32
      %dma_wait3A_256 = arith.constant 0 : i32
      %dma_wait3A_257 = tpu.memref_slice %arg11[%dma_wait3A_255, %dma_wait3A_256] : memref<56x80xi32, #tpu.memory_space<vmem>> -> memref<56x80xi32, #tpu.memory_space<vmem>>
      %dma_wait3A_258 = arith.constant 56 : i32
      %dma_wait3A_259 = arith.constant 0 : i32
      %dma_wait3A_260 = tpu.memref_slice %arg4[%add3A, %dma_wait3A_258, %dma_wait3A_259] : memref<32x125x80xi32, #tpu.memory_space<hbm>> -> memref<1x56x80xi32, #tpu.memory_space<hbm>>
      %dma_wait3A_261 = tpu.memref_squeeze %dma_wait3A_260 : memref<1x56x80xi32, #tpu.memory_space<hbm>> -> memref<56x80xi32, #tpu.memory_space<hbm>>
      tpu.wait_dma2 semaphore(%run_scoped3A : memref<!tpu.dma_semaphore, #tpu.memory_space<semaphore_mem>>) src(%dma_wait3A_261 : memref<56x80xi32, #tpu.memory_space<hbm>>) dst(%dma_wait3A_257 : memref<56x80xi32, #tpu.memory_space<vmem>>)
      tpu.yield
    }) : () -> ()
    %dma_start3A_70 = arith.constant 0 : i32
    %dma_start3A_71 = arith.constant 0 : i32
    %dma_start3A_72 = arith.constant 0 : i32
    %dma_start3A_73 = arith.constant 0 : i32
    %dma_start3A_74 = tpu.memref_slice %arg12[%dma_start3A_71, %dma_start3A_72, %dma_start3A_73] : memref<3x80x128xf32, #tpu.memory_space<vmem>> -> memref<1x80x128xf32, #tpu.memory_space<vmem>>
    %dma_start3A_75 = tpu.memref_squeeze %dma_start3A_74 : memref<1x80x128xf32, #tpu.memory_space<vmem>> -> memref<80x128xf32, #tpu.memory_space<vmem>>
    %dma_start3A_76 = arith.constant 0 : i32
    %dma_start3A_77 = tpu.memref_slice %arg10[%dma_start3A_70, %dma_start3A_76] : memref<56x80xi32, #tpu.memory_space<vmem>> -> memref<1x80xi32, #tpu.memory_space<vmem>>
    %dma_start3A_78 = tpu.memref_squeeze %dma_start3A_77 : memref<1x80xi32, #tpu.memory_space<vmem>> -> memref<80xi32, #tpu.memory_space<vmem>>
    %dma_start3A_79 = arith.constant 0 : i32
    %dma_start3A_80 = arith.constant 0 : i32
    %dma_start3A_81 = tpu.memref_slice %arg2[%dma_start3A_79, %dma_start3A_80] : memref<80000x128xf32, #tpu.memory_space<hbm>> -> memref<80000x128xf32, #tpu.memory_space<hbm>>
    tpu.enqueue_indirect_dma source(%dma_start3A_81 : memref<80000x128xf32, #tpu.memory_space<hbm>>) target(%dma_start3A_75 : memref<80x128xf32, #tpu.memory_space<vmem>>) offsets(%dma_start3A_78 : memref<80xi32, #tpu.memory_space<vmem>>) semaphore(%arg16 : memref<!tpu.dma_semaphore, #tpu.memory_space<semaphore_mem>>)
    %dma_start3A_82 = arith.constant 1 : i32
    %dma_start3A_83 = arith.constant 1 : i32
    %dma_start3A_84 = arith.constant 0 : i32
    %dma_start3A_85 = arith.constant 0 : i32
    %dma_start3A_86 = tpu.memref_slice %arg12[%dma_start3A_83, %dma_start3A_84, %dma_start3A_85] : memref<3x80x128xf32, #tpu.memory_space<vmem>> -> memref<1x80x128xf32, #tpu.memory_space<vmem>>
    %dma_start3A_87 = tpu.memref_squeeze %dma_start3A_86 : memref<1x80x128xf32, #tpu.memory_space<vmem>> -> memref<80x128xf32, #tpu.memory_space<vmem>>
    %dma_start3A_88 = arith.constant 0 : i32
    %dma_start3A_89 = tpu.memref_slice %arg10[%dma_start3A_82, %dma_start3A_88] : memref<56x80xi32, #tpu.memory_space<vmem>> -> memref<1x80xi32, #tpu.memory_space<vmem>>
    %dma_start3A_90 = tpu.memref_squeeze %dma_start3A_89 : memref<1x80xi32, #tpu.memory_space<vmem>> -> memref<80xi32, #tpu.memory_space<vmem>>
    %dma_start3A_91 = arith.constant 0 : i32
    %dma_start3A_92 = arith.constant 0 : i32
    %dma_start3A_93 = tpu.memref_slice %arg2[%dma_start3A_91, %dma_start3A_92] : memref<80000x128xf32, #tpu.memory_space<hbm>> -> memref<80000x128xf32, #tpu.memory_space<hbm>>
    tpu.enqueue_indirect_dma source(%dma_start3A_93 : memref<80000x128xf32, #tpu.memory_space<hbm>>) target(%dma_start3A_87 : memref<80x128xf32, #tpu.memory_space<vmem>>) offsets(%dma_start3A_90 : memref<80xi32, #tpu.memory_space<vmem>>) semaphore(%arg17 : memref<!tpu.dma_semaphore, #tpu.memory_space<semaphore_mem>>)
    %scan3A_94 = arith.constant 0 : i32
    %scan3A_95 = arith.constant 0 : i32
    %scan3A_96 = arith.constant 19 : i32
    %scan3A_97 = arith.addi %scan3A_95, %scan3A_96 : i32
    %scan3A_98 = arith.constant 1 : i32
    scf.for %scan3A_234 = %scan3A_95 to %scan3A_97 step %scan3A_98  : i32 {
      %mul3A_235 = arith.constant 3 : i32
      %mul3A_236 = arith.muli %scan3A_234, %mul3A_235 : i32
      %add3A_237 = arith.constant 0 : i32
      %add3A_238 = arith.addi %mul3A_236, %add3A_237 : i32
      %lt3A_239 = arith.constant 56 : i32
      %lt3A_240 = arith.cmpi slt, %add3A_238, %lt3A_239 : i32
      %convert_element_type3A_241 = arith.extui %lt3A_240 : i1 to i32
      %cond3A_242 = arith.constant 0 : i32
      %cond3A_243 = arith.cmpi ne, %convert_element_type3A_241, %cond3A_242 : i32
      scf.if %cond3A_243 {
        %dma_wait3A_283 = arith.constant 0 : i32
        %dma_wait3A_284 = arith.constant 0 : i32
        %dma_wait3A_285 = arith.constant 0 : i32
        %dma_wait3A_286 = tpu.memref_slice %arg12[%dma_wait3A_283, %dma_wait3A_284, %dma_wait3A_285] : memref<3x80x128xf32, #tpu.memory_space<vmem>> -> memref<1x80x128xf32, #tpu.memory_space<vmem>>
        %dma_wait3A_287 = tpu.memref_squeeze %dma_wait3A_286 : memref<1x80x128xf32, #tpu.memory_space<vmem>> -> memref<80x128xf32, #tpu.memory_space<vmem>>
        %dma_wait3A_288 = arith.constant 0 : i32
        %dma_wait3A_289 = tpu.memref_slice %arg10[%add3A_238, %dma_wait3A_288] : memref<56x80xi32, #tpu.memory_space<vmem>> -> memref<1x80xi32, #tpu.memory_space<vmem>>
        %dma_wait3A_290 = tpu.memref_squeeze %dma_wait3A_289 : memref<1x80xi32, #tpu.memory_space<vmem>> -> memref<80xi32, #tpu.memory_space<vmem>>
        %dma_wait3A_291 = arith.constant 0 : i32
        %dma_wait3A_292 = arith.constant 0 : i32
        %dma_wait3A_293 = tpu.memref_slice %arg2[%dma_wait3A_291, %dma_wait3A_292] : memref<80000x128xf32, #tpu.memory_space<hbm>> -> memref<80000x128xf32, #tpu.memory_space<hbm>>
        tpu.wait_indirect_dma semaphore(%arg16 : memref<!tpu.dma_semaphore, #tpu.memory_space<semaphore_mem>>) src(%dma_wait3A_293 : memref<80000x128xf32, #tpu.memory_space<hbm>>) dst(%dma_wait3A_287 : memref<80x128xf32, #tpu.memory_space<vmem>>)
        %ge3A = arith.constant 3 : i32
        %ge3A_294 = arith.cmpi sge, %add3A_238, %ge3A : i32
        %or3A = arith.constant true
        %or3A_295 = arith.ori %or3A, %ge3A_294 : i1
        %convert_element_type3A_296 = arith.extui %or3A_295 : i1 to i32
        %cond3A_297 = arith.constant 0 : i32
        %cond3A_298 = arith.cmpi ne, %convert_element_type3A_296, %cond3A_297 : i32
        scf.if %cond3A_298 {
          %dma_wait3A_316 = arith.constant 0 : i32
          %dma_wait3A_317 = tpu.memref_slice %arg11[%add3A_238, %dma_wait3A_316] : memref<56x80xi32, #tpu.memory_space<vmem>> -> memref<1x80xi32, #tpu.memory_space<vmem>>
          %dma_wait3A_318 = tpu.memref_squeeze %dma_wait3A_317 : memref<1x80xi32, #tpu.memory_space<vmem>> -> memref<80xi32, #tpu.memory_space<vmem>>
          %dma_wait3A_319 = arith.constant 0 : i32
          %dma_wait3A_320 = arith.constant 0 : i32
          %dma_wait3A_321 = tpu.memref_slice %arg15[%dma_wait3A_319, %dma_wait3A_320] : memref<10000x16xf32, #tpu.memory_space<vmem_shared>> -> memref<10000x16xf32, #tpu.memory_space<vmem_shared>>
          tpu.wait_indirect_dma semaphore(%arg19 : memref<!tpu.dma_semaphore, #tpu.memory_space<semaphore_mem>>) src(%arg13 : memref<80x16xf32, #tpu.memory_space<vmem>>) dst(%dma_wait3A_321 : memref<10000x16xf32, #tpu.memory_space<vmem_shared>>)
        } else {
        }
        %dma_start3A_299 = arith.constant 0 : i32
        %dma_start3A_300 = tpu.memref_slice %arg11[%add3A_238, %dma_start3A_299] : memref<56x80xi32, #tpu.memory_space<vmem>> -> memref<1x80xi32, #tpu.memory_space<vmem>>
        %dma_start3A_301 = tpu.memref_squeeze %dma_start3A_300 : memref<1x80xi32, #tpu.memory_space<vmem>> -> memref<80xi32, #tpu.memory_space<vmem>>
        %dma_start3A_302 = arith.constant 0 : i32
        %dma_start3A_303 = arith.constant 0 : i32
        %dma_start3A_304 = tpu.memref_slice %arg15[%dma_start3A_302, %dma_start3A_303] : memref<10000x16xf32, #tpu.memory_space<vmem_shared>> -> memref<10000x16xf32, #tpu.memory_space<vmem_shared>>
        tpu.enqueue_indirect_dma source(%arg13 : memref<80x16xf32, #tpu.memory_space<vmem>>) target(%dma_start3A_304 : memref<10000x16xf32, #tpu.memory_space<vmem_shared>>) offsets(%dma_start3A_301 : memref<80xi32, #tpu.memory_space<vmem>>) semaphore(%arg19 : memref<!tpu.dma_semaphore, #tpu.memory_space<semaphore_mem>>) {add = true}
        %dma_start3A_305 = arith.constant 0 : i32
        %dma_start3A_306 = arith.constant 0 : i32
        %dma_start3A_307 = arith.constant 0 : i32
        %dma_start3A_308 = tpu.memref_slice %arg12[%dma_start3A_305, %dma_start3A_306, %dma_start3A_307] : memref<3x80x128xf32, #tpu.memory_space<vmem>> -> memref<1x80x128xf32, #tpu.memory_space<vmem>>
        %dma_start3A_309 = tpu.memref_squeeze %dma_start3A_308 : memref<1x80x128xf32, #tpu.memory_space<vmem>> -> memref<80x128xf32, #tpu.memory_space<vmem>>
        %dma_start3A_310 = arith.constant 0 : i32
        %dma_start3A_311 = tpu.memref_slice %arg11[%add3A_238, %dma_start3A_310] : memref<56x80xi32, #tpu.memory_space<vmem>> -> memref<1x80xi32, #tpu.memory_space<vmem>>
        %dma_start3A_312 = tpu.memref_squeeze %dma_start3A_311 : memref<1x80xi32, #tpu.memory_space<vmem>> -> memref<80xi32, #tpu.memory_space<vmem>>
        %dma_start3A_313 = arith.constant 0 : i32
        %dma_start3A_314 = arith.constant 0 : i32
        %dma_start3A_315 = tpu.memref_slice %arg14[%dma_start3A_313, %dma_start3A_314] : memref<10000x128xf32, #tpu.memory_space<vmem_shared>> -> memref<10000x128xf32, #tpu.memory_space<vmem_shared>>
        tpu.enqueue_indirect_dma source(%dma_start3A_309 : memref<80x128xf32, #tpu.memory_space<vmem>>) target(%dma_start3A_315 : memref<10000x128xf32, #tpu.memory_space<vmem_shared>>) offsets(%dma_start3A_312 : memref<80xi32, #tpu.memory_space<vmem>>) semaphore(%arg16 : memref<!tpu.dma_semaphore, #tpu.memory_space<semaphore_mem>>) {add = true}
      } else {
      }
      %add3A_244 = arith.constant 2 : i32
      %add3A_245 = arith.addi %add3A_238, %add3A_244 : i32
      %lt3A_246 = arith.constant 56 : i32
      %lt3A_247 = arith.cmpi slt, %add3A_245, %lt3A_246 : i32
      %convert_element_type3A_248 = arith.extui %lt3A_247 : i1 to i32
      %cond3A_249 = arith.constant 0 : i32
      %cond3A_250 = arith.cmpi ne, %convert_element_type3A_248, %cond3A_249 : i32
      scf.if %cond3A_250 {
        %ge3A = arith.constant 1 : i32
        %ge3A_283 = arith.cmpi sge, %add3A_238, %ge3A : i32
        %convert_element_type3A_284 = arith.extui %ge3A_283 : i1 to i32
        %cond3A_285 = arith.constant 0 : i32
        %cond3A_286 = arith.cmpi ne, %convert_element_type3A_284, %cond3A_285 : i32
        scf.if %cond3A_286 {
          %dma_wait3A_300 = arith.constant 2 : i32
          %dma_wait3A_301 = arith.constant 0 : i32
          %dma_wait3A_302 = arith.constant 0 : i32
          %dma_wait3A_303 = tpu.memref_slice %arg12[%dma_wait3A_300, %dma_wait3A_301, %dma_wait3A_302] : memref<3x80x128xf32, #tpu.memory_space<vmem>> -> memref<1x80x128xf32, #tpu.memory_space<vmem>>
          %dma_wait3A_304 = tpu.memref_squeeze %dma_wait3A_303 : memref<1x80x128xf32, #tpu.memory_space<vmem>> -> memref<80x128xf32, #tpu.memory_space<vmem>>
          %dma_wait3A_305 = arith.constant 0 : i32
          %dma_wait3A_306 = tpu.memref_slice %arg11[%add3A_238, %dma_wait3A_305] : memref<56x80xi32, #tpu.memory_space<vmem>> -> memref<1x80xi32, #tpu.memory_space<vmem>>
          %dma_wait3A_307 = tpu.memref_squeeze %dma_wait3A_306 : memref<1x80xi32, #tpu.memory_space<vmem>> -> memref<80xi32, #tpu.memory_space<vmem>>
          %dma_wait3A_308 = arith.constant 0 : i32
          %dma_wait3A_309 = arith.constant 0 : i32
          %dma_wait3A_310 = tpu.memref_slice %arg14[%dma_wait3A_308, %dma_wait3A_309] : memref<10000x128xf32, #tpu.memory_space<vmem_shared>> -> memref<10000x128xf32, #tpu.memory_space<vmem_shared>>
          tpu.wait_indirect_dma semaphore(%arg18 : memref<!tpu.dma_semaphore, #tpu.memory_space<semaphore_mem>>) src(%dma_wait3A_304 : memref<80x128xf32, #tpu.memory_space<vmem>>) dst(%dma_wait3A_310 : memref<10000x128xf32, #tpu.memory_space<vmem_shared>>)
        } else {
        }
        %add3A_287 = arith.constant 2 : i32
        %add3A_288 = arith.addi %add3A_238, %add3A_287 : i32
        %dma_start3A_289 = arith.constant 2 : i32
        %dma_start3A_290 = arith.constant 0 : i32
        %dma_start3A_291 = arith.constant 0 : i32
        %dma_start3A_292 = tpu.memref_slice %arg12[%dma_start3A_289, %dma_start3A_290, %dma_start3A_291] : memref<3x80x128xf32, #tpu.memory_space<vmem>> -> memref<1x80x128xf32, #tpu.memory_space<vmem>>
        %dma_start3A_293 = tpu.memref_squeeze %dma_start3A_292 : memref<1x80x128xf32, #tpu.memory_space<vmem>> -> memref<80x128xf32, #tpu.memory_space<vmem>>
        %dma_start3A_294 = arith.constant 0 : i32
        %dma_start3A_295 = tpu.memref_slice %arg10[%add3A_288, %dma_start3A_294] : memref<56x80xi32, #tpu.memory_space<vmem>> -> memref<1x80xi32, #tpu.memory_space<vmem>>
        %dma_start3A_296 = tpu.memref_squeeze %dma_start3A_295 : memref<1x80xi32, #tpu.memory_space<vmem>> -> memref<80xi32, #tpu.memory_space<vmem>>
        %dma_start3A_297 = arith.constant 0 : i32
        %dma_start3A_298 = arith.constant 0 : i32
        %dma_start3A_299 = tpu.memref_slice %arg2[%dma_start3A_297, %dma_start3A_298] : memref<80000x128xf32, #tpu.memory_space<hbm>> -> memref<80000x128xf32, #tpu.memory_space<hbm>>
        tpu.enqueue_indirect_dma source(%dma_start3A_299 : memref<80000x128xf32, #tpu.memory_space<hbm>>) target(%dma_start3A_293 : memref<80x128xf32, #tpu.memory_space<vmem>>) offsets(%dma_start3A_296 : memref<80xi32, #tpu.memory_space<vmem>>) semaphore(%arg18 : memref<!tpu.dma_semaphore, #tpu.memory_space<semaphore_mem>>)
      } else {
      }
      %mul3A_251 = arith.constant 3 : i32
      %mul3A_252 = arith.muli %scan3A_234, %mul3A_251 : i32
      %add3A_253 = arith.constant 1 : i32
      %add3A_254 = arith.addi %mul3A_252, %add3A_253 : i32
      %lt3A_255 = arith.constant 56 : i32
      %lt3A_256 = arith.cmpi slt, %add3A_254, %lt3A_255 : i32
      %convert_element_type3A_257 = arith.extui %lt3A_256 : i1 to i32
      %cond3A_258 = arith.constant 0 : i32
      %cond3A_259 = arith.cmpi ne, %convert_element_type3A_257, %cond3A_258 : i32
      scf.if %cond3A_259 {
        %dma_wait3A_283 = arith.constant 1 : i32
        %dma_wait3A_284 = arith.constant 0 : i32
        %dma_wait3A_285 = arith.constant 0 : i32
        %dma_wait3A_286 = tpu.memref_slice %arg12[%dma_wait3A_283, %dma_wait3A_284, %dma_wait3A_285] : memref<3x80x128xf32, #tpu.memory_space<vmem>> -> memref<1x80x128xf32, #tpu.memory_space<vmem>>
        %dma_wait3A_287 = tpu.memref_squeeze %dma_wait3A_286 : memref<1x80x128xf32, #tpu.memory_space<vmem>> -> memref<80x128xf32, #tpu.memory_space<vmem>>
        %dma_wait3A_288 = arith.constant 0 : i32
        %dma_wait3A_289 = tpu.memref_slice %arg10[%add3A_254, %dma_wait3A_288] : memref<56x80xi32, #tpu.memory_space<vmem>> -> memref<1x80xi32, #tpu.memory_space<vmem>>
        %dma_wait3A_290 = tpu.memref_squeeze %dma_wait3A_289 : memref<1x80xi32, #tpu.memory_space<vmem>> -> memref<80xi32, #tpu.memory_space<vmem>>
        %dma_wait3A_291 = arith.constant 0 : i32
        %dma_wait3A_292 = arith.constant 0 : i32
        %dma_wait3A_293 = tpu.memref_slice %arg2[%dma_wait3A_291, %dma_wait3A_292] : memref<80000x128xf32, #tpu.memory_space<hbm>> -> memref<80000x128xf32, #tpu.memory_space<hbm>>
        tpu.wait_indirect_dma semaphore(%arg17 : memref<!tpu.dma_semaphore, #tpu.memory_space<semaphore_mem>>) src(%dma_wait3A_293 : memref<80000x128xf32, #tpu.memory_space<hbm>>) dst(%dma_wait3A_287 : memref<80x128xf32, #tpu.memory_space<vmem>>)
        %ge3A = arith.constant 3 : i32
        %ge3A_294 = arith.cmpi sge, %add3A_254, %ge3A : i32
        %or3A = arith.constant true
        %or3A_295 = arith.ori %or3A, %ge3A_294 : i1
        %convert_element_type3A_296 = arith.extui %or3A_295 : i1 to i32
        %cond3A_297 = arith.constant 0 : i32
        %cond3A_298 = arith.cmpi ne, %convert_element_type3A_296, %cond3A_297 : i32
        scf.if %cond3A_298 {
          %dma_wait3A_316 = arith.constant 0 : i32
          %dma_wait3A_317 = tpu.memref_slice %arg11[%add3A_254, %dma_wait3A_316] : memref<56x80xi32, #tpu.memory_space<vmem>> -> memref<1x80xi32, #tpu.memory_space<vmem>>
          %dma_wait3A_318 = tpu.memref_squeeze %dma_wait3A_317 : memref<1x80xi32, #tpu.memory_space<vmem>> -> memref<80xi32, #tpu.memory_space<vmem>>
          %dma_wait3A_319 = arith.constant 0 : i32
          %dma_wait3A_320 = arith.constant 0 : i32
          %dma_wait3A_321 = tpu.memref_slice %arg15[%dma_wait3A_319, %dma_wait3A_320] : memref<10000x16xf32, #tpu.memory_space<vmem_shared>> -> memref<10000x16xf32, #tpu.memory_space<vmem_shared>>
          tpu.wait_indirect_dma semaphore(%arg20 : memref<!tpu.dma_semaphore, #tpu.memory_space<semaphore_mem>>) src(%arg13 : memref<80x16xf32, #tpu.memory_space<vmem>>) dst(%dma_wait3A_321 : memref<10000x16xf32, #tpu.memory_space<vmem_shared>>)
        } else {
        }
        %dma_start3A_299 = arith.constant 0 : i32
        %dma_start3A_300 = tpu.memref_slice %arg11[%add3A_254, %dma_start3A_299] : memref<56x80xi32, #tpu.memory_space<vmem>> -> memref<1x80xi32, #tpu.memory_space<vmem>>
        %dma_start3A_301 = tpu.memref_squeeze %dma_start3A_300 : memref<1x80xi32, #tpu.memory_space<vmem>> -> memref<80xi32, #tpu.memory_space<vmem>>
        %dma_start3A_302 = arith.constant 0 : i32
        %dma_start3A_303 = arith.constant 0 : i32
        %dma_start3A_304 = tpu.memref_slice %arg15[%dma_start3A_302, %dma_start3A_303] : memref<10000x16xf32, #tpu.memory_space<vmem_shared>> -> memref<10000x16xf32, #tpu.memory_space<vmem_shared>>
        tpu.enqueue_indirect_dma source(%arg13 : memref<80x16xf32, #tpu.memory_space<vmem>>) target(%dma_start3A_304 : memref<10000x16xf32, #tpu.memory_space<vmem_shared>>) offsets(%dma_start3A_301 : memref<80xi32, #tpu.memory_space<vmem>>) semaphore(%arg20 : memref<!tpu.dma_semaphore, #tpu.memory_space<semaphore_mem>>) {add = true}
        %dma_start3A_305 = arith.constant 1 : i32
        %dma_start3A_306 = arith.constant 0 : i32
        %dma_start3A_307 = arith.constant 0 : i32
        %dma_start3A_308 = tpu.memref_slice %arg12[%dma_start3A_305, %dma_start3A_306, %dma_start3A_307] : memref<3x80x128xf32, #tpu.memory_space<vmem>> -> memref<1x80x128xf32, #tpu.memory_space<vmem>>
        %dma_start3A_309 = tpu.memref_squeeze %dma_start3A_308 : memref<1x80x128xf32, #tpu.memory_space<vmem>> -> memref<80x128xf32, #tpu.memory_space<vmem>>
        %dma_start3A_310 = arith.constant 0 : i32
        %dma_start3A_311 = tpu.memref_slice %arg11[%add3A_254, %dma_start3A_310] : memref<56x80xi32, #tpu.memory_space<vmem>> -> memref<1x80xi32, #tpu.memory_space<vmem>>
        %dma_start3A_312 = tpu.memref_squeeze %dma_start3A_311 : memref<1x80xi32, #tpu.memory_space<vmem>> -> memref<80xi32, #tpu.memory_space<vmem>>
        %dma_start3A_313 = arith.constant 0 : i32
        %dma_start3A_314 = arith.constant 0 : i32
        %dma_start3A_315 = tpu.memref_slice %arg14[%dma_start3A_313, %dma_start3A_314] : memref<10000x128xf32, #tpu.memory_space<vmem_shared>> -> memref<10000x128xf32, #tpu.memory_space<vmem_shared>>
        tpu.enqueue_indirect_dma source(%dma_start3A_309 : memref<80x128xf32, #tpu.memory_space<vmem>>) target(%dma_start3A_315 : memref<10000x128xf32, #tpu.memory_space<vmem_shared>>) offsets(%dma_start3A_312 : memref<80xi32, #tpu.memory_space<vmem>>) semaphore(%arg17 : memref<!tpu.dma_semaphore, #tpu.memory_space<semaphore_mem>>) {add = true}
      } else {
      }
      %add3A_260 = arith.constant 2 : i32
      %add3A_261 = arith.addi %add3A_254, %add3A_260 : i32
      %lt3A_262 = arith.constant 56 : i32
      %lt3A_263 = arith.cmpi slt, %add3A_261, %lt3A_262 : i32
      %convert_element_type3A_264 = arith.extui %lt3A_263 : i1 to i32
      %cond3A_265 = arith.constant 0 : i32
      %cond3A_266 = arith.cmpi ne, %convert_element_type3A_264, %cond3A_265 : i32
      scf.if %cond3A_266 {
        %ge3A = arith.constant 1 : i32
        %ge3A_283 = arith.cmpi sge, %add3A_254, %ge3A : i32
        %convert_element_type3A_284 = arith.extui %ge3A_283 : i1 to i32
        %cond3A_285 = arith.constant 0 : i32
        %cond3A_286 = arith.cmpi ne, %convert_element_type3A_284, %cond3A_285 : i32
        scf.if %cond3A_286 {
          %dma_wait3A_300 = arith.constant 0 : i32
          %dma_wait3A_301 = arith.constant 0 : i32
          %dma_wait3A_302 = arith.constant 0 : i32
          %dma_wait3A_303 = tpu.memref_slice %arg12[%dma_wait3A_300, %dma_wait3A_301, %dma_wait3A_302] : memref<3x80x128xf32, #tpu.memory_space<vmem>> -> memref<1x80x128xf32, #tpu.memory_space<vmem>>
          %dma_wait3A_304 = tpu.memref_squeeze %dma_wait3A_303 : memref<1x80x128xf32, #tpu.memory_space<vmem>> -> memref<80x128xf32, #tpu.memory_space<vmem>>
          %dma_wait3A_305 = arith.constant 0 : i32
          %dma_wait3A_306 = tpu.memref_slice %arg11[%add3A_254, %dma_wait3A_305] : memref<56x80xi32, #tpu.memory_space<vmem>> -> memref<1x80xi32, #tpu.memory_space<vmem>>
          %dma_wait3A_307 = tpu.memref_squeeze %dma_wait3A_306 : memref<1x80xi32, #tpu.memory_space<vmem>> -> memref<80xi32, #tpu.memory_space<vmem>>
          %dma_wait3A_308 = arith.constant 0 : i32
          %dma_wait3A_309 = arith.constant 0 : i32
          %dma_wait3A_310 = tpu.memref_slice %arg14[%dma_wait3A_308, %dma_wait3A_309] : memref<10000x128xf32, #tpu.memory_space<vmem_shared>> -> memref<10000x128xf32, #tpu.memory_space<vmem_shared>>
          tpu.wait_indirect_dma semaphore(%arg16 : memref<!tpu.dma_semaphore, #tpu.memory_space<semaphore_mem>>) src(%dma_wait3A_304 : memref<80x128xf32, #tpu.memory_space<vmem>>) dst(%dma_wait3A_310 : memref<10000x128xf32, #tpu.memory_space<vmem_shared>>)
        } else {
        }
        %add3A_287 = arith.constant 2 : i32
        %add3A_288 = arith.addi %add3A_254, %add3A_287 : i32
        %dma_start3A_289 = arith.constant 0 : i32
        %dma_start3A_290 = arith.constant 0 : i32
        %dma_start3A_291 = arith.constant 0 : i32
        %dma_start3A_292 = tpu.memref_slice %arg12[%dma_start3A_289, %dma_start3A_290, %dma_start3A_291] : memref<3x80x128xf32, #tpu.memory_space<vmem>> -> memref<1x80x128xf32, #tpu.memory_space<vmem>>
        %dma_start3A_293 = tpu.memref_squeeze %dma_start3A_292 : memref<1x80x128xf32, #tpu.memory_space<vmem>> -> memref<80x128xf32, #tpu.memory_space<vmem>>
        %dma_start3A_294 = arith.constant 0 : i32
        %dma_start3A_295 = tpu.memref_slice %arg10[%add3A_288, %dma_start3A_294] : memref<56x80xi32, #tpu.memory_space<vmem>> -> memref<1x80xi32, #tpu.memory_space<vmem>>
        %dma_start3A_296 = tpu.memref_squeeze %dma_start3A_295 : memref<1x80xi32, #tpu.memory_space<vmem>> -> memref<80xi32, #tpu.memory_space<vmem>>
        %dma_start3A_297 = arith.constant 0 : i32
        %dma_start3A_298 = arith.constant 0 : i32
        %dma_start3A_299 = tpu.memref_slice %arg2[%dma_start3A_297, %dma_start3A_298] : memref<80000x128xf32, #tpu.memory_space<hbm>> -> memref<80000x128xf32, #tpu.memory_space<hbm>>
        tpu.enqueue_indirect_dma source(%dma_start3A_299 : memref<80000x128xf32, #tpu.memory_space<hbm>>) target(%dma_start3A_293 : memref<80x128xf32, #tpu.memory_space<vmem>>) offsets(%dma_start3A_296 : memref<80xi32, #tpu.memory_space<vmem>>) semaphore(%arg16 : memref<!tpu.dma_semaphore, #tpu.memory_space<semaphore_mem>>)
      } else {
      }
      %mul3A_267 = arith.constant 3 : i32
      %mul3A_268 = arith.muli %scan3A_234, %mul3A_267 : i32
      %add3A_269 = arith.constant 2 : i32
      %add3A_270 = arith.addi %mul3A_268, %add3A_269 : i32
      %lt3A_271 = arith.constant 56 : i32
      %lt3A_272 = arith.cmpi slt, %add3A_270, %lt3A_271 : i32
      %convert_element_type3A_273 = arith.extui %lt3A_272 : i1 to i32
      %cond3A_274 = arith.constant 0 : i32
      %cond3A_275 = arith.cmpi ne, %convert_element_type3A_273, %cond3A_274 : i32
      scf.if %cond3A_275 {
        %dma_wait3A_283 = arith.constant 2 : i32
        %dma_wait3A_284 = arith.constant 0 : i32
        %dma_wait3A_285 = arith.constant 0 : i32
        %dma_wait3A_286 = tpu.memref_slice %arg12[%dma_wait3A_283, %dma_wait3A_284, %dma_wait3A_285] : memref<3x80x128xf32, #tpu.memory_space<vmem>> -> memref<1x80x128xf32, #tpu.memory_space<vmem>>
        %dma_wait3A_287 = tpu.memref_squeeze %dma_wait3A_286 : memref<1x80x128xf32, #tpu.memory_space<vmem>> -> memref<80x128xf32, #tpu.memory_space<vmem>>
        %dma_wait3A_288 = arith.constant 0 : i32
        %dma_wait3A_289 = tpu.memref_slice %arg10[%add3A_270, %dma_wait3A_288] : memref<56x80xi32, #tpu.memory_space<vmem>> -> memref<1x80xi32, #tpu.memory_space<vmem>>
        %dma_wait3A_290 = tpu.memref_squeeze %dma_wait3A_289 : memref<1x80xi32, #tpu.memory_space<vmem>> -> memref<80xi32, #tpu.memory_space<vmem>>
        %dma_wait3A_291 = arith.constant 0 : i32
        %dma_wait3A_292 = arith.constant 0 : i32
        %dma_wait3A_293 = tpu.memref_slice %arg2[%dma_wait3A_291, %dma_wait3A_292] : memref<80000x128xf32, #tpu.memory_space<hbm>> -> memref<80000x128xf32, #tpu.memory_space<hbm>>
        tpu.wait_indirect_dma semaphore(%arg18 : memref<!tpu.dma_semaphore, #tpu.memory_space<semaphore_mem>>) src(%dma_wait3A_293 : memref<80000x128xf32, #tpu.memory_space<hbm>>) dst(%dma_wait3A_287 : memref<80x128xf32, #tpu.memory_space<vmem>>)
        %ge3A = arith.constant 3 : i32
        %ge3A_294 = arith.cmpi sge, %add3A_270, %ge3A : i32
        %or3A = arith.constant true
        %or3A_295 = arith.ori %or3A, %ge3A_294 : i1
        %convert_element_type3A_296 = arith.extui %or3A_295 : i1 to i32
        %cond3A_297 = arith.constant 0 : i32
        %cond3A_298 = arith.cmpi ne, %convert_element_type3A_296, %cond3A_297 : i32
        scf.if %cond3A_298 {
          %dma_wait3A_316 = arith.constant 0 : i32
          %dma_wait3A_317 = tpu.memref_slice %arg11[%add3A_270, %dma_wait3A_316] : memref<56x80xi32, #tpu.memory_space<vmem>> -> memref<1x80xi32, #tpu.memory_space<vmem>>
          %dma_wait3A_318 = tpu.memref_squeeze %dma_wait3A_317 : memref<1x80xi32, #tpu.memory_space<vmem>> -> memref<80xi32, #tpu.memory_space<vmem>>
          %dma_wait3A_319 = arith.constant 0 : i32
          %dma_wait3A_320 = arith.constant 0 : i32
          %dma_wait3A_321 = tpu.memref_slice %arg15[%dma_wait3A_319, %dma_wait3A_320] : memref<10000x16xf32, #tpu.memory_space<vmem_shared>> -> memref<10000x16xf32, #tpu.memory_space<vmem_shared>>
          tpu.wait_indirect_dma semaphore(%arg21 : memref<!tpu.dma_semaphore, #tpu.memory_space<semaphore_mem>>) src(%arg13 : memref<80x16xf32, #tpu.memory_space<vmem>>) dst(%dma_wait3A_321 : memref<10000x16xf32, #tpu.memory_space<vmem_shared>>)
        } else {
        }
        %dma_start3A_299 = arith.constant 0 : i32
        %dma_start3A_300 = tpu.memref_slice %arg11[%add3A_270, %dma_start3A_299] : memref<56x80xi32, #tpu.memory_space<vmem>> -> memref<1x80xi32, #tpu.memory_space<vmem>>
        %dma_start3A_301 = tpu.memref_squeeze %dma_start3A_300 : memref<1x80xi32, #tpu.memory_space<vmem>> -> memref<80xi32, #tpu.memory_space<vmem>>
        %dma_start3A_302 = arith.constant 0 : i32
        %dma_start3A_303 = arith.constant 0 : i32
        %dma_start3A_304 = tpu.memref_slice %arg15[%dma_start3A_302, %dma_start3A_303] : memref<10000x16xf32, #tpu.memory_space<vmem_shared>> -> memref<10000x16xf32, #tpu.memory_space<vmem_shared>>
        tpu.enqueue_indirect_dma source(%arg13 : memref<80x16xf32, #tpu.memory_space<vmem>>) target(%dma_start3A_304 : memref<10000x16xf32, #tpu.memory_space<vmem_shared>>) offsets(%dma_start3A_301 : memref<80xi32, #tpu.memory_space<vmem>>) semaphore(%arg21 : memref<!tpu.dma_semaphore, #tpu.memory_space<semaphore_mem>>) {add = true}
        %dma_start3A_305 = arith.constant 2 : i32
        %dma_start3A_306 = arith.constant 0 : i32
        %dma_start3A_307 = arith.constant 0 : i32
        %dma_start3A_308 = tpu.memref_slice %arg12[%dma_start3A_305, %dma_start3A_306, %dma_start3A_307] : memref<3x80x128xf32, #tpu.memory_space<vmem>> -> memref<1x80x128xf32, #tpu.memory_space<vmem>>
        %dma_start3A_309 = tpu.memref_squeeze %dma_start3A_308 : memref<1x80x128xf32, #tpu.memory_space<vmem>> -> memref<80x128xf32, #tpu.memory_space<vmem>>
        %dma_start3A_310 = arith.constant 0 : i32
        %dma_start3A_311 = tpu.memref_slice %arg11[%add3A_270, %dma_start3A_310] : memref<56x80xi32, #tpu.memory_space<vmem>> -> memref<1x80xi32, #tpu.memory_space<vmem>>
        %dma_start3A_312 = tpu.memref_squeeze %dma_start3A_311 : memref<1x80xi32, #tpu.memory_space<vmem>> -> memref<80xi32, #tpu.memory_space<vmem>>
        %dma_start3A_313 = arith.constant 0 : i32
        %dma_start3A_314 = arith.constant 0 : i32
        %dma_start3A_315 = tpu.memref_slice %arg14[%dma_start3A_313, %dma_start3A_314] : memref<10000x128xf32, #tpu.memory_space<vmem_shared>> -> memref<10000x128xf32, #tpu.memory_space<vmem_shared>>
        tpu.enqueue_indirect_dma source(%dma_start3A_309 : memref<80x128xf32, #tpu.memory_space<vmem>>) target(%dma_start3A_315 : memref<10000x128xf32, #tpu.memory_space<vmem_shared>>) offsets(%dma_start3A_312 : memref<80xi32, #tpu.memory_space<vmem>>) semaphore(%arg18 : memref<!tpu.dma_semaphore, #tpu.memory_space<semaphore_mem>>) {add = true}
      } else {
      }
      %add3A_276 = arith.constant 2 : i32
      %add3A_277 = arith.addi %add3A_270, %add3A_276 : i32
      %lt3A_278 = arith.constant 56 : i32
      %lt3A_279 = arith.cmpi slt, %add3A_277, %lt3A_278 : i32
      %convert_element_type3A_280 = arith.extui %lt3A_279 : i1 to i32
      %cond3A_281 = arith.constant 0 : i32
      %cond3A_282 = arith.cmpi ne, %convert_element_type3A_280, %cond3A_281 : i32
      scf.if %cond3A_282 {
        %ge3A = arith.constant 1 : i32
        %ge3A_283 = arith.cmpi sge, %add3A_270, %ge3A : i32
        %convert_element_type3A_284 = arith.extui %ge3A_283 : i1 to i32
        %cond3A_285 = arith.constant 0 : i32
        %cond3A_286 = arith.cmpi ne, %convert_element_type3A_284, %cond3A_285 : i32
        scf.if %cond3A_286 {
          %dma_wait3A_300 = arith.constant 1 : i32
          %dma_wait3A_301 = arith.constant 0 : i32
          %dma_wait3A_302 = arith.constant 0 : i32
          %dma_wait3A_303 = tpu.memref_slice %arg12[%dma_wait3A_300, %dma_wait3A_301, %dma_wait3A_302] : memref<3x80x128xf32, #tpu.memory_space<vmem>> -> memref<1x80x128xf32, #tpu.memory_space<vmem>>
          %dma_wait3A_304 = tpu.memref_squeeze %dma_wait3A_303 : memref<1x80x128xf32, #tpu.memory_space<vmem>> -> memref<80x128xf32, #tpu.memory_space<vmem>>
          %dma_wait3A_305 = arith.constant 0 : i32
          %dma_wait3A_306 = tpu.memref_slice %arg11[%add3A_270, %dma_wait3A_305] : memref<56x80xi32, #tpu.memory_space<vmem>> -> memref<1x80xi32, #tpu.memory_space<vmem>>
          %dma_wait3A_307 = tpu.memref_squeeze %dma_wait3A_306 : memref<1x80xi32, #tpu.memory_space<vmem>> -> memref<80xi32, #tpu.memory_space<vmem>>
          %dma_wait3A_308 = arith.constant 0 : i32
          %dma_wait3A_309 = arith.constant 0 : i32
          %dma_wait3A_310 = tpu.memref_slice %arg14[%dma_wait3A_308, %dma_wait3A_309] : memref<10000x128xf32, #tpu.memory_space<vmem_shared>> -> memref<10000x128xf32, #tpu.memory_space<vmem_shared>>
          tpu.wait_indirect_dma semaphore(%arg17 : memref<!tpu.dma_semaphore, #tpu.memory_space<semaphore_mem>>) src(%dma_wait3A_304 : memref<80x128xf32, #tpu.memory_space<vmem>>) dst(%dma_wait3A_310 : memref<10000x128xf32, #tpu.memory_space<vmem_shared>>)
        } else {
        }
        %add3A_287 = arith.constant 2 : i32
        %add3A_288 = arith.addi %add3A_270, %add3A_287 : i32
        %dma_start3A_289 = arith.constant 1 : i32
        %dma_start3A_290 = arith.constant 0 : i32
        %dma_start3A_291 = arith.constant 0 : i32
        %dma_start3A_292 = tpu.memref_slice %arg12[%dma_start3A_289, %dma_start3A_290, %dma_start3A_291] : memref<3x80x128xf32, #tpu.memory_space<vmem>> -> memref<1x80x128xf32, #tpu.memory_space<vmem>>
        %dma_start3A_293 = tpu.memref_squeeze %dma_start3A_292 : memref<1x80x128xf32, #tpu.memory_space<vmem>> -> memref<80x128xf32, #tpu.memory_space<vmem>>
        %dma_start3A_294 = arith.constant 0 : i32
        %dma_start3A_295 = tpu.memref_slice %arg10[%add3A_288, %dma_start3A_294] : memref<56x80xi32, #tpu.memory_space<vmem>> -> memref<1x80xi32, #tpu.memory_space<vmem>>
        %dma_start3A_296 = tpu.memref_squeeze %dma_start3A_295 : memref<1x80xi32, #tpu.memory_space<vmem>> -> memref<80xi32, #tpu.memory_space<vmem>>
        %dma_start3A_297 = arith.constant 0 : i32
        %dma_start3A_298 = arith.constant 0 : i32
        %dma_start3A_299 = tpu.memref_slice %arg2[%dma_start3A_297, %dma_start3A_298] : memref<80000x128xf32, #tpu.memory_space<hbm>> -> memref<80000x128xf32, #tpu.memory_space<hbm>>
        tpu.enqueue_indirect_dma source(%dma_start3A_299 : memref<80000x128xf32, #tpu.memory_space<hbm>>) target(%dma_start3A_293 : memref<80x128xf32, #tpu.memory_space<vmem>>) offsets(%dma_start3A_296 : memref<80xi32, #tpu.memory_space<vmem>>) semaphore(%arg17 : memref<!tpu.dma_semaphore, #tpu.memory_space<semaphore_mem>>)
      } else {
      }
    }
    %scan3A_99 = arith.constant 19 : i32
    %dma_wait3A_100 = arith.constant 0 : i32
    %dma_wait3A_101 = arith.constant 0 : i32
    %dma_wait3A_102 = arith.constant 0 : i32
    %dma_wait3A_103 = arith.constant 0 : i32
    %dma_wait3A_104 = tpu.memref_slice %arg12[%dma_wait3A_100, %dma_wait3A_102, %dma_wait3A_103] : memref<3x80x128xf32, #tpu.memory_space<vmem>> -> memref<1x80x128xf32, #tpu.memory_space<vmem>>
    %dma_wait3A_105 = tpu.memref_squeeze %dma_wait3A_104 : memref<1x80x128xf32, #tpu.memory_space<vmem>> -> memref<80x128xf32, #tpu.memory_space<vmem>>
    %dma_wait3A_106 = arith.constant 0 : i32
    %dma_wait3A_107 = tpu.memref_slice %arg11[%dma_wait3A_101, %dma_wait3A_106] : memref<56x80xi32, #tpu.memory_space<vmem>> -> memref<1x80xi32, #tpu.memory_space<vmem>>
    %dma_wait3A_108 = tpu.memref_squeeze %dma_wait3A_107 : memref<1x80xi32, #tpu.memory_space<vmem>> -> memref<80xi32, #tpu.memory_space<vmem>>
    %dma_wait3A_109 = arith.constant 0 : i32
    %dma_wait3A_110 = arith.constant 0 : i32
    %dma_wait3A_111 = tpu.memref_slice %arg14[%dma_wait3A_109, %dma_wait3A_110] : memref<10000x128xf32, #tpu.memory_space<vmem_shared>> -> memref<10000x128xf32, #tpu.memory_space<vmem_shared>>
    tpu.wait_indirect_dma semaphore(%arg16 : memref<!tpu.dma_semaphore, #tpu.memory_space<semaphore_mem>>) src(%dma_wait3A_105 : memref<80x128xf32, #tpu.memory_space<vmem>>) dst(%dma_wait3A_111 : memref<10000x128xf32, #tpu.memory_space<vmem_shared>>)
    %dma_wait3A_112 = arith.constant 1 : i32
    %dma_wait3A_113 = arith.constant 0 : i32
    %dma_wait3A_114 = arith.constant 0 : i32
    %dma_wait3A_115 = arith.constant 0 : i32
    %dma_wait3A_116 = tpu.memref_slice %arg12[%dma_wait3A_112, %dma_wait3A_114, %dma_wait3A_115] : memref<3x80x128xf32, #tpu.memory_space<vmem>> -> memref<1x80x128xf32, #tpu.memory_space<vmem>>
    %dma_wait3A_117 = tpu.memref_squeeze %dma_wait3A_116 : memref<1x80x128xf32, #tpu.memory_space<vmem>> -> memref<80x128xf32, #tpu.memory_space<vmem>>
    %dma_wait3A_118 = arith.constant 0 : i32
    %dma_wait3A_119 = tpu.memref_slice %arg11[%dma_wait3A_113, %dma_wait3A_118] : memref<56x80xi32, #tpu.memory_space<vmem>> -> memref<1x80xi32, #tpu.memory_space<vmem>>
    %dma_wait3A_120 = tpu.memref_squeeze %dma_wait3A_119 : memref<1x80xi32, #tpu.memory_space<vmem>> -> memref<80xi32, #tpu.memory_space<vmem>>
    %dma_wait3A_121 = arith.constant 0 : i32
    %dma_wait3A_122 = arith.constant 0 : i32
    %dma_wait3A_123 = tpu.memref_slice %arg14[%dma_wait3A_121, %dma_wait3A_122] : memref<10000x128xf32, #tpu.memory_space<vmem_shared>> -> memref<10000x128xf32, #tpu.memory_space<vmem_shared>>
    tpu.wait_indirect_dma semaphore(%arg17 : memref<!tpu.dma_semaphore, #tpu.memory_space<semaphore_mem>>) src(%dma_wait3A_117 : memref<80x128xf32, #tpu.memory_space<vmem>>) dst(%dma_wait3A_123 : memref<10000x128xf32, #tpu.memory_space<vmem_shared>>)
    %dma_wait3A_124 = arith.constant 2 : i32
    %dma_wait3A_125 = arith.constant 0 : i32
    %dma_wait3A_126 = arith.constant 0 : i32
    %dma_wait3A_127 = arith.constant 0 : i32
    %dma_wait3A_128 = tpu.memref_slice %arg12[%dma_wait3A_124, %dma_wait3A_126, %dma_wait3A_127] : memref<3x80x128xf32, #tpu.memory_space<vmem>> -> memref<1x80x128xf32, #tpu.memory_space<vmem>>
    %dma_wait3A_129 = tpu.memref_squeeze %dma_wait3A_128 : memref<1x80x128xf32, #tpu.memory_space<vmem>> -> memref<80x128xf32, #tpu.memory_space<vmem>>
    %dma_wait3A_130 = arith.constant 0 : i32
    %dma_wait3A_131 = tpu.memref_slice %arg11[%dma_wait3A_125, %dma_wait3A_130] : memref<56x80xi32, #tpu.memory_space<vmem>> -> memref<1x80xi32, #tpu.memory_space<vmem>>
    %dma_wait3A_132 = tpu.memref_squeeze %dma_wait3A_131 : memref<1x80xi32, #tpu.memory_space<vmem>> -> memref<80xi32, #tpu.memory_space<vmem>>
    %dma_wait3A_133 = arith.constant 0 : i32
    %dma_wait3A_134 = arith.constant 0 : i32
    %dma_wait3A_135 = tpu.memref_slice %arg14[%dma_wait3A_133, %dma_wait3A_134] : memref<10000x128xf32, #tpu.memory_space<vmem_shared>> -> memref<10000x128xf32, #tpu.memory_space<vmem_shared>>
    tpu.wait_indirect_dma semaphore(%arg18 : memref<!tpu.dma_semaphore, #tpu.memory_space<semaphore_mem>>) src(%dma_wait3A_129 : memref<80x128xf32, #tpu.memory_space<vmem>>) dst(%dma_wait3A_135 : memref<10000x128xf32, #tpu.memory_space<vmem_shared>>)
    "tpu.region"() ({
      %run_scoped3A = tpu.sem_alloc : memref<!tpu.dma_semaphore, #tpu.memory_space<semaphore_mem>>
      %dma_start3A_234 = arith.constant 0 : i32
      %dma_start3A_235 = arith.constant 0 : i32
      %dma_start3A_236 = tpu.memref_slice %arg10[%dma_start3A_234, %dma_start3A_235] : memref<56x80xi32, #tpu.memory_space<vmem>> -> memref<13x80xi32, #tpu.memory_space<vmem>>
      %dma_start3A_237 = arith.constant 112 : i32
      %dma_start3A_238 = arith.constant 0 : i32
      %dma_start3A_239 = tpu.memref_slice %arg3[%add3A, %dma_start3A_237, %dma_start3A_238] : memref<32x125x80xi32, #tpu.memory_space<hbm>> -> memref<1x13x80xi32, #tpu.memory_space<hbm>>
      %dma_start3A_240 = tpu.memref_squeeze %dma_start3A_239 : memref<1x13x80xi32, #tpu.memory_space<hbm>> -> memref<13x80xi32, #tpu.memory_space<hbm>>
      %dma_start3A_241 = arith.constant 0 : i32
      %dma_start3A_242 = arith.constant 0 : i32
      %dma_start3A_243 = tpu.memref_slice %arg10[%dma_start3A_241, %dma_start3A_242] : memref<56x80xi32, #tpu.memory_space<vmem>> -> memref<13x80xi32, #tpu.memory_space<vmem>>
      %dma_start3A_244 = arith.constant 112 : i32
      %dma_start3A_245 = arith.constant 0 : i32
      %dma_start3A_246 = tpu.memref_slice %arg3[%add3A, %dma_start3A_244, %dma_start3A_245] : memref<32x125x80xi32, #tpu.memory_space<hbm>> -> memref<1x13x80xi32, #tpu.memory_space<hbm>>
      %dma_start3A_247 = tpu.memref_squeeze %dma_start3A_246 : memref<1x13x80xi32, #tpu.memory_space<hbm>> -> memref<13x80xi32, #tpu.memory_space<hbm>>
      tpu.enqueue_dma source(%dma_start3A_247 : memref<13x80xi32, #tpu.memory_space<hbm>>) target(%dma_start3A_243 : memref<13x80xi32, #tpu.memory_space<vmem>>) target_semaphore(%run_scoped3A : memref<!tpu.dma_semaphore, #tpu.memory_space<semaphore_mem>>)
      %dma_wait3A_248 = arith.constant 0 : i32
      %dma_wait3A_249 = arith.constant 0 : i32
      %dma_wait3A_250 = tpu.memref_slice %arg10[%dma_wait3A_248, %dma_wait3A_249] : memref<56x80xi32, #tpu.memory_space<vmem>> -> memref<13x80xi32, #tpu.memory_space<vmem>>
      %dma_wait3A_251 = arith.constant 112 : i32
      %dma_wait3A_252 = arith.constant 0 : i32
      %dma_wait3A_253 = tpu.memref_slice %arg3[%add3A, %dma_wait3A_251, %dma_wait3A_252] : memref<32x125x80xi32, #tpu.memory_space<hbm>> -> memref<1x13x80xi32, #tpu.memory_space<hbm>>
      %dma_wait3A_254 = tpu.memref_squeeze %dma_wait3A_253 : memref<1x13x80xi32, #tpu.memory_space<hbm>> -> memref<13x80xi32, #tpu.memory_space<hbm>>
      %dma_wait3A_255 = arith.constant 0 : i32
      %dma_wait3A_256 = arith.constant 0 : i32
      %dma_wait3A_257 = tpu.memref_slice %arg10[%dma_wait3A_255, %dma_wait3A_256] : memref<56x80xi32, #tpu.memory_space<vmem>> -> memref<13x80xi32, #tpu.memory_space<vmem>>
      %dma_wait3A_258 = arith.constant 112 : i32
      %dma_wait3A_259 = arith.constant 0 : i32
      %dma_wait3A_260 = tpu.memref_slice %arg3[%add3A, %dma_wait3A_258, %dma_wait3A_259] : memref<32x125x80xi32, #tpu.memory_space<hbm>> -> memref<1x13x80xi32, #tpu.memory_space<hbm>>
      %dma_wait3A_261 = tpu.memref_squeeze %dma_wait3A_260 : memref<1x13x80xi32, #tpu.memory_space<hbm>> -> memref<13x80xi32, #tpu.memory_space<hbm>>
      tpu.wait_dma2 semaphore(%run_scoped3A : memref<!tpu.dma_semaphore, #tpu.memory_space<semaphore_mem>>) src(%dma_wait3A_261 : memref<13x80xi32, #tpu.memory_space<hbm>>) dst(%dma_wait3A_257 : memref<13x80xi32, #tpu.memory_space<vmem>>)
      tpu.yield
    }) : () -> ()
    "tpu.region"() ({
      %run_scoped3A = tpu.sem_alloc : memref<!tpu.dma_semaphore, #tpu.memory_space<semaphore_mem>>
      %dma_start3A_234 = arith.constant 0 : i32
      %dma_start3A_235 = arith.constant 0 : i32
      %dma_start3A_236 = tpu.memref_slice %arg11[%dma_start3A_234, %dma_start3A_235] : memref<56x80xi32, #tpu.memory_space<vmem>> -> memref<13x80xi32, #tpu.memory_space<vmem>>
      %dma_start3A_237 = arith.constant 112 : i32
      %dma_start3A_238 = arith.constant 0 : i32
      %dma_start3A_239 = tpu.memref_slice %arg4[%add3A, %dma_start3A_237, %dma_start3A_238] : memref<32x125x80xi32, #tpu.memory_space<hbm>> -> memref<1x13x80xi32, #tpu.memory_space<hbm>>
      %dma_start3A_240 = tpu.memref_squeeze %dma_start3A_239 : memref<1x13x80xi32, #tpu.memory_space<hbm>> -> memref<13x80xi32, #tpu.memory_space<hbm>>
      %dma_start3A_241 = arith.constant 0 : i32
      %dma_start3A_242 = arith.constant 0 : i32
      %dma_start3A_243 = tpu.memref_slice %arg11[%dma_start3A_241, %dma_start3A_242] : memref<56x80xi32, #tpu.memory_space<vmem>> -> memref<13x80xi32, #tpu.memory_space<vmem>>
      %dma_start3A_244 = arith.constant 112 : i32
      %dma_start3A_245 = arith.constant 0 : i32
      %dma_start3A_246 = tpu.memref_slice %arg4[%add3A, %dma_start3A_244, %dma_start3A_245] : memref<32x125x80xi32, #tpu.memory_space<hbm>> -> memref<1x13x80xi32, #tpu.memory_space<hbm>>
      %dma_start3A_247 = tpu.memref_squeeze %dma_start3A_246 : memref<1x13x80xi32, #tpu.memory_space<hbm>> -> memref<13x80xi32, #tpu.memory_space<hbm>>
      tpu.enqueue_dma source(%dma_start3A_247 : memref<13x80xi32, #tpu.memory_space<hbm>>) target(%dma_start3A_243 : memref<13x80xi32, #tpu.memory_space<vmem>>) target_semaphore(%run_scoped3A : memref<!tpu.dma_semaphore, #tpu.memory_space<semaphore_mem>>)
      %dma_wait3A_248 = arith.constant 0 : i32
      %dma_wait3A_249 = arith.constant 0 : i32
      %dma_wait3A_250 = tpu.memref_slice %arg11[%dma_wait3A_248, %dma_wait3A_249] : memref<56x80xi32, #tpu.memory_space<vmem>> -> memref<13x80xi32, #tpu.memory_space<vmem>>
      %dma_wait3A_251 = arith.constant 112 : i32
      %dma_wait3A_252 = arith.constant 0 : i32
      %dma_wait3A_253 = tpu.memref_slice %arg4[%add3A, %dma_wait3A_251, %dma_wait3A_252] : memref<32x125x80xi32, #tpu.memory_space<hbm>> -> memref<1x13x80xi32, #tpu.memory_space<hbm>>
      %dma_wait3A_254 = tpu.memref_squeeze %dma_wait3A_253 : memref<1x13x80xi32, #tpu.memory_space<hbm>> -> memref<13x80xi32, #tpu.memory_space<hbm>>
      %dma_wait3A_255 = arith.constant 0 : i32
      %dma_wait3A_256 = arith.constant 0 : i32
      %dma_wait3A_257 = tpu.memref_slice %arg11[%dma_wait3A_255, %dma_wait3A_256] : memref<56x80xi32, #tpu.memory_space<vmem>> -> memref<13x80xi32, #tpu.memory_space<vmem>>
      %dma_wait3A_258 = arith.constant 112 : i32
      %dma_wait3A_259 = arith.constant 0 : i32
      %dma_wait3A_260 = tpu.memref_slice %arg4[%add3A, %dma_wait3A_258, %dma_wait3A_259] : memref<32x125x80xi32, #tpu.memory_space<hbm>> -> memref<1x13x80xi32, #tpu.memory_space<hbm>>
      %dma_wait3A_261 = tpu.memref_squeeze %dma_wait3A_260 : memref<1x13x80xi32, #tpu.memory_space<hbm>> -> memref<13x80xi32, #tpu.memory_space<hbm>>
      tpu.wait_dma2 semaphore(%run_scoped3A : memref<!tpu.dma_semaphore, #tpu.memory_space<semaphore_mem>>) src(%dma_wait3A_261 : memref<13x80xi32, #tpu.memory_space<hbm>>) dst(%dma_wait3A_257 : memref<13x80xi32, #tpu.memory_space<vmem>>)
      tpu.yield
    }) : () -> ()
    %dma_start3A_136 = arith.constant 0 : i32
    %dma_start3A_137 = arith.constant 0 : i32
    %dma_start3A_138 = arith.constant 0 : i32
    %dma_start3A_139 = arith.constant 0 : i32
    %dma_start3A_140 = tpu.memref_slice %arg12[%dma_start3A_137, %dma_start3A_138, %dma_start3A_139] : memref<3x80x128xf32, #tpu.memory_space<vmem>> -> memref<1x80x128xf32, #tpu.memory_space<vmem>>
    %dma_start3A_141 = tpu.memref_squeeze %dma_start3A_140 : memref<1x80x128xf32, #tpu.memory_space<vmem>> -> memref<80x128xf32, #tpu.memory_space<vmem>>
    %dma_start3A_142 = arith.constant 0 : i32
    %dma_start3A_143 = tpu.memref_slice %arg10[%dma_start3A_136, %dma_start3A_142] : memref<56x80xi32, #tpu.memory_space<vmem>> -> memref<1x80xi32, #tpu.memory_space<vmem>>
    %dma_start3A_144 = tpu.memref_squeeze %dma_start3A_143 : memref<1x80xi32, #tpu.memory_space<vmem>> -> memref<80xi32, #tpu.memory_space<vmem>>
    %dma_start3A_145 = arith.constant 0 : i32
    %dma_start3A_146 = arith.constant 0 : i32
    %dma_start3A_147 = tpu.memref_slice %arg2[%dma_start3A_145, %dma_start3A_146] : memref<80000x128xf32, #tpu.memory_space<hbm>> -> memref<80000x128xf32, #tpu.memory_space<hbm>>
    tpu.enqueue_indirect_dma source(%dma_start3A_147 : memref<80000x128xf32, #tpu.memory_space<hbm>>) target(%dma_start3A_141 : memref<80x128xf32, #tpu.memory_space<vmem>>) offsets(%dma_start3A_144 : memref<80xi32, #tpu.memory_space<vmem>>) semaphore(%arg16 : memref<!tpu.dma_semaphore, #tpu.memory_space<semaphore_mem>>)
    %dma_start3A_148 = arith.constant 1 : i32
    %dma_start3A_149 = arith.constant 1 : i32
    %dma_start3A_150 = arith.constant 0 : i32
    %dma_start3A_151 = arith.constant 0 : i32
    %dma_start3A_152 = tpu.memref_slice %arg12[%dma_start3A_149, %dma_start3A_150, %dma_start3A_151] : memref<3x80x128xf32, #tpu.memory_space<vmem>> -> memref<1x80x128xf32, #tpu.memory_space<vmem>>
    %dma_start3A_153 = tpu.memref_squeeze %dma_start3A_152 : memref<1x80x128xf32, #tpu.memory_space<vmem>> -> memref<80x128xf32, #tpu.memory_space<vmem>>
    %dma_start3A_154 = arith.constant 0 : i32
    %dma_start3A_155 = tpu.memref_slice %arg10[%dma_start3A_148, %dma_start3A_154] : memref<56x80xi32, #tpu.memory_space<vmem>> -> memref<1x80xi32, #tpu.memory_space<vmem>>
    %dma_start3A_156 = tpu.memref_squeeze %dma_start3A_155 : memref<1x80xi32, #tpu.memory_space<vmem>> -> memref<80xi32, #tpu.memory_space<vmem>>
    %dma_start3A_157 = arith.constant 0 : i32
    %dma_start3A_158 = arith.constant 0 : i32
    %dma_start3A_159 = tpu.memref_slice %arg2[%dma_start3A_157, %dma_start3A_158] : memref<80000x128xf32, #tpu.memory_space<hbm>> -> memref<80000x128xf32, #tpu.memory_space<hbm>>
    tpu.enqueue_indirect_dma source(%dma_start3A_159 : memref<80000x128xf32, #tpu.memory_space<hbm>>) target(%dma_start3A_153 : memref<80x128xf32, #tpu.memory_space<vmem>>) offsets(%dma_start3A_156 : memref<80xi32, #tpu.memory_space<vmem>>) semaphore(%arg17 : memref<!tpu.dma_semaphore, #tpu.memory_space<semaphore_mem>>)
    %scan3A_160 = arith.constant 0 : i32
    %scan3A_161 = arith.constant 0 : i32
    %scan3A_162 = arith.constant 5 : i32
    %scan3A_163 = arith.addi %scan3A_161, %scan3A_162 : i32
    %scan3A_164 = arith.constant 1 : i32
    scf.for %scan3A_234 = %scan3A_161 to %scan3A_163 step %scan3A_164  : i32 {
      %mul3A_235 = arith.constant 3 : i32
      %mul3A_236 = arith.muli %scan3A_234, %mul3A_235 : i32
      %add3A_237 = arith.constant 0 : i32
      %add3A_238 = arith.addi %mul3A_236, %add3A_237 : i32
      %lt3A_239 = arith.constant 13 : i32
      %lt3A_240 = arith.cmpi slt, %add3A_238, %lt3A_239 : i32
      %convert_element_type3A_241 = arith.extui %lt3A_240 : i1 to i32
      %cond3A_242 = arith.constant 0 : i32
      %cond3A_243 = arith.cmpi ne, %convert_element_type3A_241, %cond3A_242 : i32
      scf.if %cond3A_243 {
        %dma_wait3A_283 = arith.constant 0 : i32
        %dma_wait3A_284 = arith.constant 0 : i32
        %dma_wait3A_285 = arith.constant 0 : i32
        %dma_wait3A_286 = tpu.memref_slice %arg12[%dma_wait3A_283, %dma_wait3A_284, %dma_wait3A_285] : memref<3x80x128xf32, #tpu.memory_space<vmem>> -> memref<1x80x128xf32, #tpu.memory_space<vmem>>
        %dma_wait3A_287 = tpu.memref_squeeze %dma_wait3A_286 : memref<1x80x128xf32, #tpu.memory_space<vmem>> -> memref<80x128xf32, #tpu.memory_space<vmem>>
        %dma_wait3A_288 = arith.constant 0 : i32
        %dma_wait3A_289 = tpu.memref_slice %arg10[%add3A_238, %dma_wait3A_288] : memref<56x80xi32, #tpu.memory_space<vmem>> -> memref<1x80xi32, #tpu.memory_space<vmem>>
        %dma_wait3A_290 = tpu.memref_squeeze %dma_wait3A_289 : memref<1x80xi32, #tpu.memory_space<vmem>> -> memref<80xi32, #tpu.memory_space<vmem>>
        %dma_wait3A_291 = arith.constant 0 : i32
        %dma_wait3A_292 = arith.constant 0 : i32
        %dma_wait3A_293 = tpu.memref_slice %arg2[%dma_wait3A_291, %dma_wait3A_292] : memref<80000x128xf32, #tpu.memory_space<hbm>> -> memref<80000x128xf32, #tpu.memory_space<hbm>>
        tpu.wait_indirect_dma semaphore(%arg16 : memref<!tpu.dma_semaphore, #tpu.memory_space<semaphore_mem>>) src(%dma_wait3A_293 : memref<80000x128xf32, #tpu.memory_space<hbm>>) dst(%dma_wait3A_287 : memref<80x128xf32, #tpu.memory_space<vmem>>)
        %ge3A = arith.constant 3 : i32
        %ge3A_294 = arith.cmpi sge, %add3A_238, %ge3A : i32
        %or3A = arith.constant true
        %or3A_295 = arith.ori %or3A, %ge3A_294 : i1
        %convert_element_type3A_296 = arith.extui %or3A_295 : i1 to i32
        %cond3A_297 = arith.constant 0 : i32
        %cond3A_298 = arith.cmpi ne, %convert_element_type3A_296, %cond3A_297 : i32
        scf.if %cond3A_298 {
          %dma_wait3A_316 = arith.constant 0 : i32
          %dma_wait3A_317 = tpu.memref_slice %arg11[%add3A_238, %dma_wait3A_316] : memref<56x80xi32, #tpu.memory_space<vmem>> -> memref<1x80xi32, #tpu.memory_space<vmem>>
          %dma_wait3A_318 = tpu.memref_squeeze %dma_wait3A_317 : memref<1x80xi32, #tpu.memory_space<vmem>> -> memref<80xi32, #tpu.memory_space<vmem>>
          %dma_wait3A_319 = arith.constant 0 : i32
          %dma_wait3A_320 = arith.constant 0 : i32
          %dma_wait3A_321 = tpu.memref_slice %arg15[%dma_wait3A_319, %dma_wait3A_320] : memref<10000x16xf32, #tpu.memory_space<vmem_shared>> -> memref<10000x16xf32, #tpu.memory_space<vmem_shared>>
          tpu.wait_indirect_dma semaphore(%arg19 : memref<!tpu.dma_semaphore, #tpu.memory_space<semaphore_mem>>) src(%arg13 : memref<80x16xf32, #tpu.memory_space<vmem>>) dst(%dma_wait3A_321 : memref<10000x16xf32, #tpu.memory_space<vmem_shared>>)
        } else {
        }
        %dma_start3A_299 = arith.constant 0 : i32
        %dma_start3A_300 = tpu.memref_slice %arg11[%add3A_238, %dma_start3A_299] : memref<56x80xi32, #tpu.memory_space<vmem>> -> memref<1x80xi32, #tpu.memory_space<vmem>>
        %dma_start3A_301 = tpu.memref_squeeze %dma_start3A_300 : memref<1x80xi32, #tpu.memory_space<vmem>> -> memref<80xi32, #tpu.memory_space<vmem>>
        %dma_start3A_302 = arith.constant 0 : i32
        %dma_start3A_303 = arith.constant 0 : i32
        %dma_start3A_304 = tpu.memref_slice %arg15[%dma_start3A_302, %dma_start3A_303] : memref<10000x16xf32, #tpu.memory_space<vmem_shared>> -> memref<10000x16xf32, #tpu.memory_space<vmem_shared>>
        tpu.enqueue_indirect_dma source(%arg13 : memref<80x16xf32, #tpu.memory_space<vmem>>) target(%dma_start3A_304 : memref<10000x16xf32, #tpu.memory_space<vmem_shared>>) offsets(%dma_start3A_301 : memref<80xi32, #tpu.memory_space<vmem>>) semaphore(%arg19 : memref<!tpu.dma_semaphore, #tpu.memory_space<semaphore_mem>>) {add = true}
        %dma_start3A_305 = arith.constant 0 : i32
        %dma_start3A_306 = arith.constant 0 : i32
        %dma_start3A_307 = arith.constant 0 : i32
        %dma_start3A_308 = tpu.memref_slice %arg12[%dma_start3A_305, %dma_start3A_306, %dma_start3A_307] : memref<3x80x128xf32, #tpu.memory_space<vmem>> -> memref<1x80x128xf32, #tpu.memory_space<vmem>>
        %dma_start3A_309 = tpu.memref_squeeze %dma_start3A_308 : memref<1x80x128xf32, #tpu.memory_space<vmem>> -> memref<80x128xf32, #tpu.memory_space<vmem>>
        %dma_start3A_310 = arith.constant 0 : i32
        %dma_start3A_311 = tpu.memref_slice %arg11[%add3A_238, %dma_start3A_310] : memref<56x80xi32, #tpu.memory_space<vmem>> -> memref<1x80xi32, #tpu.memory_space<vmem>>
        %dma_start3A_312 = tpu.memref_squeeze %dma_start3A_311 : memref<1x80xi32, #tpu.memory_space<vmem>> -> memref<80xi32, #tpu.memory_space<vmem>>
        %dma_start3A_313 = arith.constant 0 : i32
        %dma_start3A_314 = arith.constant 0 : i32
        %dma_start3A_315 = tpu.memref_slice %arg14[%dma_start3A_313, %dma_start3A_314] : memref<10000x128xf32, #tpu.memory_space<vmem_shared>> -> memref<10000x128xf32, #tpu.memory_space<vmem_shared>>
        tpu.enqueue_indirect_dma source(%dma_start3A_309 : memref<80x128xf32, #tpu.memory_space<vmem>>) target(%dma_start3A_315 : memref<10000x128xf32, #tpu.memory_space<vmem_shared>>) offsets(%dma_start3A_312 : memref<80xi32, #tpu.memory_space<vmem>>) semaphore(%arg16 : memref<!tpu.dma_semaphore, #tpu.memory_space<semaphore_mem>>) {add = true}
      } else {
      }
      %add3A_244 = arith.constant 2 : i32
      %add3A_245 = arith.addi %add3A_238, %add3A_244 : i32
      %lt3A_246 = arith.constant 13 : i32
      %lt3A_247 = arith.cmpi slt, %add3A_245, %lt3A_246 : i32
      %convert_element_type3A_248 = arith.extui %lt3A_247 : i1 to i32
      %cond3A_249 = arith.constant 0 : i32
      %cond3A_250 = arith.cmpi ne, %convert_element_type3A_248, %cond3A_249 : i32
      scf.if %cond3A_250 {
        %ge3A = arith.constant 1 : i32
        %ge3A_283 = arith.cmpi sge, %add3A_238, %ge3A : i32
        %convert_element_type3A_284 = arith.extui %ge3A_283 : i1 to i32
        %cond3A_285 = arith.constant 0 : i32
        %cond3A_286 = arith.cmpi ne, %convert_element_type3A_284, %cond3A_285 : i32
        scf.if %cond3A_286 {
          %dma_wait3A_300 = arith.constant 2 : i32
          %dma_wait3A_301 = arith.constant 0 : i32
          %dma_wait3A_302 = arith.constant 0 : i32
          %dma_wait3A_303 = tpu.memref_slice %arg12[%dma_wait3A_300, %dma_wait3A_301, %dma_wait3A_302] : memref<3x80x128xf32, #tpu.memory_space<vmem>> -> memref<1x80x128xf32, #tpu.memory_space<vmem>>
          %dma_wait3A_304 = tpu.memref_squeeze %dma_wait3A_303 : memref<1x80x128xf32, #tpu.memory_space<vmem>> -> memref<80x128xf32, #tpu.memory_space<vmem>>
          %dma_wait3A_305 = arith.constant 0 : i32
          %dma_wait3A_306 = tpu.memref_slice %arg11[%add3A_238, %dma_wait3A_305] : memref<56x80xi32, #tpu.memory_space<vmem>> -> memref<1x80xi32, #tpu.memory_space<vmem>>
          %dma_wait3A_307 = tpu.memref_squeeze %dma_wait3A_306 : memref<1x80xi32, #tpu.memory_space<vmem>> -> memref<80xi32, #tpu.memory_space<vmem>>
          %dma_wait3A_308 = arith.constant 0 : i32
          %dma_wait3A_309 = arith.constant 0 : i32
          %dma_wait3A_310 = tpu.memref_slice %arg14[%dma_wait3A_308, %dma_wait3A_309] : memref<10000x128xf32, #tpu.memory_space<vmem_shared>> -> memref<10000x128xf32, #tpu.memory_space<vmem_shared>>
          tpu.wait_indirect_dma semaphore(%arg18 : memref<!tpu.dma_semaphore, #tpu.memory_space<semaphore_mem>>) src(%dma_wait3A_304 : memref<80x128xf32, #tpu.memory_space<vmem>>) dst(%dma_wait3A_310 : memref<10000x128xf32, #tpu.memory_space<vmem_shared>>)
        } else {
        }
        %add3A_287 = arith.constant 2 : i32
        %add3A_288 = arith.addi %add3A_238, %add3A_287 : i32
        %dma_start3A_289 = arith.constant 2 : i32
        %dma_start3A_290 = arith.constant 0 : i32
        %dma_start3A_291 = arith.constant 0 : i32
        %dma_start3A_292 = tpu.memref_slice %arg12[%dma_start3A_289, %dma_start3A_290, %dma_start3A_291] : memref<3x80x128xf32, #tpu.memory_space<vmem>> -> memref<1x80x128xf32, #tpu.memory_space<vmem>>
        %dma_start3A_293 = tpu.memref_squeeze %dma_start3A_292 : memref<1x80x128xf32, #tpu.memory_space<vmem>> -> memref<80x128xf32, #tpu.memory_space<vmem>>
        %dma_start3A_294 = arith.constant 0 : i32
        %dma_start3A_295 = tpu.memref_slice %arg10[%add3A_288, %dma_start3A_294] : memref<56x80xi32, #tpu.memory_space<vmem>> -> memref<1x80xi32, #tpu.memory_space<vmem>>
        %dma_start3A_296 = tpu.memref_squeeze %dma_start3A_295 : memref<1x80xi32, #tpu.memory_space<vmem>> -> memref<80xi32, #tpu.memory_space<vmem>>
        %dma_start3A_297 = arith.constant 0 : i32
        %dma_start3A_298 = arith.constant 0 : i32
        %dma_start3A_299 = tpu.memref_slice %arg2[%dma_start3A_297, %dma_start3A_298] : memref<80000x128xf32, #tpu.memory_space<hbm>> -> memref<80000x128xf32, #tpu.memory_space<hbm>>
        tpu.enqueue_indirect_dma source(%dma_start3A_299 : memref<80000x128xf32, #tpu.memory_space<hbm>>) target(%dma_start3A_293 : memref<80x128xf32, #tpu.memory_space<vmem>>) offsets(%dma_start3A_296 : memref<80xi32, #tpu.memory_space<vmem>>) semaphore(%arg18 : memref<!tpu.dma_semaphore, #tpu.memory_space<semaphore_mem>>)
      } else {
      }
      %mul3A_251 = arith.constant 3 : i32
      %mul3A_252 = arith.muli %scan3A_234, %mul3A_251 : i32
      %add3A_253 = arith.constant 1 : i32
      %add3A_254 = arith.addi %mul3A_252, %add3A_253 : i32
      %lt3A_255 = arith.constant 13 : i32
      %lt3A_256 = arith.cmpi slt, %add3A_254, %lt3A_255 : i32
      %convert_element_type3A_257 = arith.extui %lt3A_256 : i1 to i32
      %cond3A_258 = arith.constant 0 : i32
      %cond3A_259 = arith.cmpi ne, %convert_element_type3A_257, %cond3A_258 : i32
      scf.if %cond3A_259 {
        %dma_wait3A_283 = arith.constant 1 : i32
        %dma_wait3A_284 = arith.constant 0 : i32
        %dma_wait3A_285 = arith.constant 0 : i32
        %dma_wait3A_286 = tpu.memref_slice %arg12[%dma_wait3A_283, %dma_wait3A_284, %dma_wait3A_285] : memref<3x80x128xf32, #tpu.memory_space<vmem>> -> memref<1x80x128xf32, #tpu.memory_space<vmem>>
        %dma_wait3A_287 = tpu.memref_squeeze %dma_wait3A_286 : memref<1x80x128xf32, #tpu.memory_space<vmem>> -> memref<80x128xf32, #tpu.memory_space<vmem>>
        %dma_wait3A_288 = arith.constant 0 : i32
        %dma_wait3A_289 = tpu.memref_slice %arg10[%add3A_254, %dma_wait3A_288] : memref<56x80xi32, #tpu.memory_space<vmem>> -> memref<1x80xi32, #tpu.memory_space<vmem>>
        %dma_wait3A_290 = tpu.memref_squeeze %dma_wait3A_289 : memref<1x80xi32, #tpu.memory_space<vmem>> -> memref<80xi32, #tpu.memory_space<vmem>>
        %dma_wait3A_291 = arith.constant 0 : i32
        %dma_wait3A_292 = arith.constant 0 : i32
        %dma_wait3A_293 = tpu.memref_slice %arg2[%dma_wait3A_291, %dma_wait3A_292] : memref<80000x128xf32, #tpu.memory_space<hbm>> -> memref<80000x128xf32, #tpu.memory_space<hbm>>
        tpu.wait_indirect_dma semaphore(%arg17 : memref<!tpu.dma_semaphore, #tpu.memory_space<semaphore_mem>>) src(%dma_wait3A_293 : memref<80000x128xf32, #tpu.memory_space<hbm>>) dst(%dma_wait3A_287 : memref<80x128xf32, #tpu.memory_space<vmem>>)
        %ge3A = arith.constant 3 : i32
        %ge3A_294 = arith.cmpi sge, %add3A_254, %ge3A : i32
        %or3A = arith.constant true
        %or3A_295 = arith.ori %or3A, %ge3A_294 : i1
        %convert_element_type3A_296 = arith.extui %or3A_295 : i1 to i32
        %cond3A_297 = arith.constant 0 : i32
        %cond3A_298 = arith.cmpi ne, %convert_element_type3A_296, %cond3A_297 : i32
        scf.if %cond3A_298 {
          %dma_wait3A_316 = arith.constant 0 : i32
          %dma_wait3A_317 = tpu.memref_slice %arg11[%add3A_254, %dma_wait3A_316] : memref<56x80xi32, #tpu.memory_space<vmem>> -> memref<1x80xi32, #tpu.memory_space<vmem>>
          %dma_wait3A_318 = tpu.memref_squeeze %dma_wait3A_317 : memref<1x80xi32, #tpu.memory_space<vmem>> -> memref<80xi32, #tpu.memory_space<vmem>>
          %dma_wait3A_319 = arith.constant 0 : i32
          %dma_wait3A_320 = arith.constant 0 : i32
          %dma_wait3A_321 = tpu.memref_slice %arg15[%dma_wait3A_319, %dma_wait3A_320] : memref<10000x16xf32, #tpu.memory_space<vmem_shared>> -> memref<10000x16xf32, #tpu.memory_space<vmem_shared>>
          tpu.wait_indirect_dma semaphore(%arg20 : memref<!tpu.dma_semaphore, #tpu.memory_space<semaphore_mem>>) src(%arg13 : memref<80x16xf32, #tpu.memory_space<vmem>>) dst(%dma_wait3A_321 : memref<10000x16xf32, #tpu.memory_space<vmem_shared>>)
        } else {
        }
        %dma_start3A_299 = arith.constant 0 : i32
        %dma_start3A_300 = tpu.memref_slice %arg11[%add3A_254, %dma_start3A_299] : memref<56x80xi32, #tpu.memory_space<vmem>> -> memref<1x80xi32, #tpu.memory_space<vmem>>
        %dma_start3A_301 = tpu.memref_squeeze %dma_start3A_300 : memref<1x80xi32, #tpu.memory_space<vmem>> -> memref<80xi32, #tpu.memory_space<vmem>>
        %dma_start3A_302 = arith.constant 0 : i32
        %dma_start3A_303 = arith.constant 0 : i32
        %dma_start3A_304 = tpu.memref_slice %arg15[%dma_start3A_302, %dma_start3A_303] : memref<10000x16xf32, #tpu.memory_space<vmem_shared>> -> memref<10000x16xf32, #tpu.memory_space<vmem_shared>>
        tpu.enqueue_indirect_dma source(%arg13 : memref<80x16xf32, #tpu.memory_space<vmem>>) target(%dma_start3A_304 : memref<10000x16xf32, #tpu.memory_space<vmem_shared>>) offsets(%dma_start3A_301 : memref<80xi32, #tpu.memory_space<vmem>>) semaphore(%arg20 : memref<!tpu.dma_semaphore, #tpu.memory_space<semaphore_mem>>) {add = true}
        %dma_start3A_305 = arith.constant 1 : i32
        %dma_start3A_306 = arith.constant 0 : i32
        %dma_start3A_307 = arith.constant 0 : i32
        %dma_start3A_308 = tpu.memref_slice %arg12[%dma_start3A_305, %dma_start3A_306, %dma_start3A_307] : memref<3x80x128xf32, #tpu.memory_space<vmem>> -> memref<1x80x128xf32, #tpu.memory_space<vmem>>
        %dma_start3A_309 = tpu.memref_squeeze %dma_start3A_308 : memref<1x80x128xf32, #tpu.memory_space<vmem>> -> memref<80x128xf32, #tpu.memory_space<vmem>>
        %dma_start3A_310 = arith.constant 0 : i32
        %dma_start3A_311 = tpu.memref_slice %arg11[%add3A_254, %dma_start3A_310] : memref<56x80xi32, #tpu.memory_space<vmem>> -> memref<1x80xi32, #tpu.memory_space<vmem>>
        %dma_start3A_312 = tpu.memref_squeeze %dma_start3A_311 : memref<1x80xi32, #tpu.memory_space<vmem>> -> memref<80xi32, #tpu.memory_space<vmem>>
        %dma_start3A_313 = arith.constant 0 : i32
        %dma_start3A_314 = arith.constant 0 : i32
        %dma_start3A_315 = tpu.memref_slice %arg14[%dma_start3A_313, %dma_start3A_314] : memref<10000x128xf32, #tpu.memory_space<vmem_shared>> -> memref<10000x128xf32, #tpu.memory_space<vmem_shared>>
        tpu.enqueue_indirect_dma source(%dma_start3A_309 : memref<80x128xf32, #tpu.memory_space<vmem>>) target(%dma_start3A_315 : memref<10000x128xf32, #tpu.memory_space<vmem_shared>>) offsets(%dma_start3A_312 : memref<80xi32, #tpu.memory_space<vmem>>) semaphore(%arg17 : memref<!tpu.dma_semaphore, #tpu.memory_space<semaphore_mem>>) {add = true}
      } else {
      }
      %add3A_260 = arith.constant 2 : i32
      %add3A_261 = arith.addi %add3A_254, %add3A_260 : i32
      %lt3A_262 = arith.constant 13 : i32
      %lt3A_263 = arith.cmpi slt, %add3A_261, %lt3A_262 : i32
      %convert_element_type3A_264 = arith.extui %lt3A_263 : i1 to i32
      %cond3A_265 = arith.constant 0 : i32
      %cond3A_266 = arith.cmpi ne, %convert_element_type3A_264, %cond3A_265 : i32
      scf.if %cond3A_266 {
        %ge3A = arith.constant 1 : i32
        %ge3A_283 = arith.cmpi sge, %add3A_254, %ge3A : i32
        %convert_element_type3A_284 = arith.extui %ge3A_283 : i1 to i32
        %cond3A_285 = arith.constant 0 : i32
        %cond3A_286 = arith.cmpi ne, %convert_element_type3A_284, %cond3A_285 : i32
        scf.if %cond3A_286 {
          %dma_wait3A_300 = arith.constant 0 : i32
          %dma_wait3A_301 = arith.constant 0 : i32
          %dma_wait3A_302 = arith.constant 0 : i32
          %dma_wait3A_303 = tpu.memref_slice %arg12[%dma_wait3A_300, %dma_wait3A_301, %dma_wait3A_302] : memref<3x80x128xf32, #tpu.memory_space<vmem>> -> memref<1x80x128xf32, #tpu.memory_space<vmem>>
          %dma_wait3A_304 = tpu.memref_squeeze %dma_wait3A_303 : memref<1x80x128xf32, #tpu.memory_space<vmem>> -> memref<80x128xf32, #tpu.memory_space<vmem>>
          %dma_wait3A_305 = arith.constant 0 : i32
          %dma_wait3A_306 = tpu.memref_slice %arg11[%add3A_254, %dma_wait3A_305] : memref<56x80xi32, #tpu.memory_space<vmem>> -> memref<1x80xi32, #tpu.memory_space<vmem>>
          %dma_wait3A_307 = tpu.memref_squeeze %dma_wait3A_306 : memref<1x80xi32, #tpu.memory_space<vmem>> -> memref<80xi32, #tpu.memory_space<vmem>>
          %dma_wait3A_308 = arith.constant 0 : i32
          %dma_wait3A_309 = arith.constant 0 : i32
          %dma_wait3A_310 = tpu.memref_slice %arg14[%dma_wait3A_308, %dma_wait3A_309] : memref<10000x128xf32, #tpu.memory_space<vmem_shared>> -> memref<10000x128xf32, #tpu.memory_space<vmem_shared>>
          tpu.wait_indirect_dma semaphore(%arg16 : memref<!tpu.dma_semaphore, #tpu.memory_space<semaphore_mem>>) src(%dma_wait3A_304 : memref<80x128xf32, #tpu.memory_space<vmem>>) dst(%dma_wait3A_310 : memref<10000x128xf32, #tpu.memory_space<vmem_shared>>)
        } else {
        }
        %add3A_287 = arith.constant 2 : i32
        %add3A_288 = arith.addi %add3A_254, %add3A_287 : i32
        %dma_start3A_289 = arith.constant 0 : i32
        %dma_start3A_290 = arith.constant 0 : i32
        %dma_start3A_291 = arith.constant 0 : i32
        %dma_start3A_292 = tpu.memref_slice %arg12[%dma_start3A_289, %dma_start3A_290, %dma_start3A_291] : memref<3x80x128xf32, #tpu.memory_space<vmem>> -> memref<1x80x128xf32, #tpu.memory_space<vmem>>
        %dma_start3A_293 = tpu.memref_squeeze %dma_start3A_292 : memref<1x80x128xf32, #tpu.memory_space<vmem>> -> memref<80x128xf32, #tpu.memory_space<vmem>>
        %dma_start3A_294 = arith.constant 0 : i32
        %dma_start3A_295 = tpu.memref_slice %arg10[%add3A_288, %dma_start3A_294] : memref<56x80xi32, #tpu.memory_space<vmem>> -> memref<1x80xi32, #tpu.memory_space<vmem>>
        %dma_start3A_296 = tpu.memref_squeeze %dma_start3A_295 : memref<1x80xi32, #tpu.memory_space<vmem>> -> memref<80xi32, #tpu.memory_space<vmem>>
        %dma_start3A_297 = arith.constant 0 : i32
        %dma_start3A_298 = arith.constant 0 : i32
        %dma_start3A_299 = tpu.memref_slice %arg2[%dma_start3A_297, %dma_start3A_298] : memref<80000x128xf32, #tpu.memory_space<hbm>> -> memref<80000x128xf32, #tpu.memory_space<hbm>>
        tpu.enqueue_indirect_dma source(%dma_start3A_299 : memref<80000x128xf32, #tpu.memory_space<hbm>>) target(%dma_start3A_293 : memref<80x128xf32, #tpu.memory_space<vmem>>) offsets(%dma_start3A_296 : memref<80xi32, #tpu.memory_space<vmem>>) semaphore(%arg16 : memref<!tpu.dma_semaphore, #tpu.memory_space<semaphore_mem>>)
      } else {
      }
      %mul3A_267 = arith.constant 3 : i32
      %mul3A_268 = arith.muli %scan3A_234, %mul3A_267 : i32
      %add3A_269 = arith.constant 2 : i32
      %add3A_270 = arith.addi %mul3A_268, %add3A_269 : i32
      %lt3A_271 = arith.constant 13 : i32
      %lt3A_272 = arith.cmpi slt, %add3A_270, %lt3A_271 : i32
      %convert_element_type3A_273 = arith.extui %lt3A_272 : i1 to i32
      %cond3A_274 = arith.constant 0 : i32
      %cond3A_275 = arith.cmpi ne, %convert_element_type3A_273, %cond3A_274 : i32
      scf.if %cond3A_275 {
        %dma_wait3A_283 = arith.constant 2 : i32
        %dma_wait3A_284 = arith.constant 0 : i32
        %dma_wait3A_285 = arith.constant 0 : i32
        %dma_wait3A_286 = tpu.memref_slice %arg12[%dma_wait3A_283, %dma_wait3A_284, %dma_wait3A_285] : memref<3x80x128xf32, #tpu.memory_space<vmem>> -> memref<1x80x128xf32, #tpu.memory_space<vmem>>
        %dma_wait3A_287 = tpu.memref_squeeze %dma_wait3A_286 : memref<1x80x128xf32, #tpu.memory_space<vmem>> -> memref<80x128xf32, #tpu.memory_space<vmem>>
        %dma_wait3A_288 = arith.constant 0 : i32
        %dma_wait3A_289 = tpu.memref_slice %arg10[%add3A_270, %dma_wait3A_288] : memref<56x80xi32, #tpu.memory_space<vmem>> -> memref<1x80xi32, #tpu.memory_space<vmem>>
        %dma_wait3A_290 = tpu.memref_squeeze %dma_wait3A_289 : memref<1x80xi32, #tpu.memory_space<vmem>> -> memref<80xi32, #tpu.memory_space<vmem>>
        %dma_wait3A_291 = arith.constant 0 : i32
        %dma_wait3A_292 = arith.constant 0 : i32
        %dma_wait3A_293 = tpu.memref_slice %arg2[%dma_wait3A_291, %dma_wait3A_292] : memref<80000x128xf32, #tpu.memory_space<hbm>> -> memref<80000x128xf32, #tpu.memory_space<hbm>>
        tpu.wait_indirect_dma semaphore(%arg18 : memref<!tpu.dma_semaphore, #tpu.memory_space<semaphore_mem>>) src(%dma_wait3A_293 : memref<80000x128xf32, #tpu.memory_space<hbm>>) dst(%dma_wait3A_287 : memref<80x128xf32, #tpu.memory_space<vmem>>)
        %ge3A = arith.constant 3 : i32
        %ge3A_294 = arith.cmpi sge, %add3A_270, %ge3A : i32
        %or3A = arith.constant true
        %or3A_295 = arith.ori %or3A, %ge3A_294 : i1
        %convert_element_type3A_296 = arith.extui %or3A_295 : i1 to i32
        %cond3A_297 = arith.constant 0 : i32
        %cond3A_298 = arith.cmpi ne, %convert_element_type3A_296, %cond3A_297 : i32
        scf.if %cond3A_298 {
          %dma_wait3A_316 = arith.constant 0 : i32
          %dma_wait3A_317 = tpu.memref_slice %arg11[%add3A_270, %dma_wait3A_316] : memref<56x80xi32, #tpu.memory_space<vmem>> -> memref<1x80xi32, #tpu.memory_space<vmem>>
          %dma_wait3A_318 = tpu.memref_squeeze %dma_wait3A_317 : memref<1x80xi32, #tpu.memory_space<vmem>> -> memref<80xi32, #tpu.memory_space<vmem>>
          %dma_wait3A_319 = arith.constant 0 : i32
          %dma_wait3A_320 = arith.constant 0 : i32
          %dma_wait3A_321 = tpu.memref_slice %arg15[%dma_wait3A_319, %dma_wait3A_320] : memref<10000x16xf32, #tpu.memory_space<vmem_shared>> -> memref<10000x16xf32, #tpu.memory_space<vmem_shared>>
          tpu.wait_indirect_dma semaphore(%arg21 : memref<!tpu.dma_semaphore, #tpu.memory_space<semaphore_mem>>) src(%arg13 : memref<80x16xf32, #tpu.memory_space<vmem>>) dst(%dma_wait3A_321 : memref<10000x16xf32, #tpu.memory_space<vmem_shared>>)
        } else {
        }
        %dma_start3A_299 = arith.constant 0 : i32
        %dma_start3A_300 = tpu.memref_slice %arg11[%add3A_270, %dma_start3A_299] : memref<56x80xi32, #tpu.memory_space<vmem>> -> memref<1x80xi32, #tpu.memory_space<vmem>>
        %dma_start3A_301 = tpu.memref_squeeze %dma_start3A_300 : memref<1x80xi32, #tpu.memory_space<vmem>> -> memref<80xi32, #tpu.memory_space<vmem>>
        %dma_start3A_302 = arith.constant 0 : i32
        %dma_start3A_303 = arith.constant 0 : i32
        %dma_start3A_304 = tpu.memref_slice %arg15[%dma_start3A_302, %dma_start3A_303] : memref<10000x16xf32, #tpu.memory_space<vmem_shared>> -> memref<10000x16xf32, #tpu.memory_space<vmem_shared>>
        tpu.enqueue_indirect_dma source(%arg13 : memref<80x16xf32, #tpu.memory_space<vmem>>) target(%dma_start3A_304 : memref<10000x16xf32, #tpu.memory_space<vmem_shared>>) offsets(%dma_start3A_301 : memref<80xi32, #tpu.memory_space<vmem>>) semaphore(%arg21 : memref<!tpu.dma_semaphore, #tpu.memory_space<semaphore_mem>>) {add = true}
        %dma_start3A_305 = arith.constant 2 : i32
        %dma_start3A_306 = arith.constant 0 : i32
        %dma_start3A_307 = arith.constant 0 : i32
        %dma_start3A_308 = tpu.memref_slice %arg12[%dma_start3A_305, %dma_start3A_306, %dma_start3A_307] : memref<3x80x128xf32, #tpu.memory_space<vmem>> -> memref<1x80x128xf32, #tpu.memory_space<vmem>>
        %dma_start3A_309 = tpu.memref_squeeze %dma_start3A_308 : memref<1x80x128xf32, #tpu.memory_space<vmem>> -> memref<80x128xf32, #tpu.memory_space<vmem>>
        %dma_start3A_310 = arith.constant 0 : i32
        %dma_start3A_311 = tpu.memref_slice %arg11[%add3A_270, %dma_start3A_310] : memref<56x80xi32, #tpu.memory_space<vmem>> -> memref<1x80xi32, #tpu.memory_space<vmem>>
        %dma_start3A_312 = tpu.memref_squeeze %dma_start3A_311 : memref<1x80xi32, #tpu.memory_space<vmem>> -> memref<80xi32, #tpu.memory_space<vmem>>
        %dma_start3A_313 = arith.constant 0 : i32
        %dma_start3A_314 = arith.constant 0 : i32
        %dma_start3A_315 = tpu.memref_slice %arg14[%dma_start3A_313, %dma_start3A_314] : memref<10000x128xf32, #tpu.memory_space<vmem_shared>> -> memref<10000x128xf32, #tpu.memory_space<vmem_shared>>
        tpu.enqueue_indirect_dma source(%dma_start3A_309 : memref<80x128xf32, #tpu.memory_space<vmem>>) target(%dma_start3A_315 : memref<10000x128xf32, #tpu.memory_space<vmem_shared>>) offsets(%dma_start3A_312 : memref<80xi32, #tpu.memory_space<vmem>>) semaphore(%arg18 : memref<!tpu.dma_semaphore, #tpu.memory_space<semaphore_mem>>) {add = true}
      } else {
      }
      %add3A_276 = arith.constant 2 : i32
      %add3A_277 = arith.addi %add3A_270, %add3A_276 : i32
      %lt3A_278 = arith.constant 13 : i32
      %lt3A_279 = arith.cmpi slt, %add3A_277, %lt3A_278 : i32
      %convert_element_type3A_280 = arith.extui %lt3A_279 : i1 to i32
      %cond3A_281 = arith.constant 0 : i32
      %cond3A_282 = arith.cmpi ne, %convert_element_type3A_280, %cond3A_281 : i32
      scf.if %cond3A_282 {
        %ge3A = arith.constant 1 : i32
        %ge3A_283 = arith.cmpi sge, %add3A_270, %ge3A : i32
        %convert_element_type3A_284 = arith.extui %ge3A_283 : i1 to i32
        %cond3A_285 = arith.constant 0 : i32
        %cond3A_286 = arith.cmpi ne, %convert_element_type3A_284, %cond3A_285 : i32
        scf.if %cond3A_286 {
          %dma_wait3A_300 = arith.constant 1 : i32
          %dma_wait3A_301 = arith.constant 0 : i32
          %dma_wait3A_302 = arith.constant 0 : i32
          %dma_wait3A_303 = tpu.memref_slice %arg12[%dma_wait3A_300, %dma_wait3A_301, %dma_wait3A_302] : memref<3x80x128xf32, #tpu.memory_space<vmem>> -> memref<1x80x128xf32, #tpu.memory_space<vmem>>
          %dma_wait3A_304 = tpu.memref_squeeze %dma_wait3A_303 : memref<1x80x128xf32, #tpu.memory_space<vmem>> -> memref<80x128xf32, #tpu.memory_space<vmem>>
          %dma_wait3A_305 = arith.constant 0 : i32
          %dma_wait3A_306 = tpu.memref_slice %arg11[%add3A_270, %dma_wait3A_305] : memref<56x80xi32, #tpu.memory_space<vmem>> -> memref<1x80xi32, #tpu.memory_space<vmem>>
          %dma_wait3A_307 = tpu.memref_squeeze %dma_wait3A_306 : memref<1x80xi32, #tpu.memory_space<vmem>> -> memref<80xi32, #tpu.memory_space<vmem>>
          %dma_wait3A_308 = arith.constant 0 : i32
          %dma_wait3A_309 = arith.constant 0 : i32
          %dma_wait3A_310 = tpu.memref_slice %arg14[%dma_wait3A_308, %dma_wait3A_309] : memref<10000x128xf32, #tpu.memory_space<vmem_shared>> -> memref<10000x128xf32, #tpu.memory_space<vmem_shared>>
          tpu.wait_indirect_dma semaphore(%arg17 : memref<!tpu.dma_semaphore, #tpu.memory_space<semaphore_mem>>) src(%dma_wait3A_304 : memref<80x128xf32, #tpu.memory_space<vmem>>) dst(%dma_wait3A_310 : memref<10000x128xf32, #tpu.memory_space<vmem_shared>>)
        } else {
        }
        %add3A_287 = arith.constant 2 : i32
        %add3A_288 = arith.addi %add3A_270, %add3A_287 : i32
        %dma_start3A_289 = arith.constant 1 : i32
        %dma_start3A_290 = arith.constant 0 : i32
        %dma_start3A_291 = arith.constant 0 : i32
        %dma_start3A_292 = tpu.memref_slice %arg12[%dma_start3A_289, %dma_start3A_290, %dma_start3A_291] : memref<3x80x128xf32, #tpu.memory_space<vmem>> -> memref<1x80x128xf32, #tpu.memory_space<vmem>>
        %dma_start3A_293 = tpu.memref_squeeze %dma_start3A_292 : memref<1x80x128xf32, #tpu.memory_space<vmem>> -> memref<80x128xf32, #tpu.memory_space<vmem>>
        %dma_start3A_294 = arith.constant 0 : i32
        %dma_start3A_295 = tpu.memref_slice %arg10[%add3A_288, %dma_start3A_294] : memref<56x80xi32, #tpu.memory_space<vmem>> -> memref<1x80xi32, #tpu.memory_space<vmem>>
        %dma_start3A_296 = tpu.memref_squeeze %dma_start3A_295 : memref<1x80xi32, #tpu.memory_space<vmem>> -> memref<80xi32, #tpu.memory_space<vmem>>
        %dma_start3A_297 = arith.constant 0 : i32
        %dma_start3A_298 = arith.constant 0 : i32
        %dma_start3A_299 = tpu.memref_slice %arg2[%dma_start3A_297, %dma_start3A_298] : memref<80000x128xf32, #tpu.memory_space<hbm>> -> memref<80000x128xf32, #tpu.memory_space<hbm>>
        tpu.enqueue_indirect_dma source(%dma_start3A_299 : memref<80000x128xf32, #tpu.memory_space<hbm>>) target(%dma_start3A_293 : memref<80x128xf32, #tpu.memory_space<vmem>>) offsets(%dma_start3A_296 : memref<80xi32, #tpu.memory_space<vmem>>) semaphore(%arg17 : memref<!tpu.dma_semaphore, #tpu.memory_space<semaphore_mem>>)
      } else {
      }
    }
    %scan3A_165 = arith.constant 5 : i32
    %dma_wait3A_166 = arith.constant 0 : i32
    %dma_wait3A_167 = arith.constant 0 : i32
    %dma_wait3A_168 = arith.constant 0 : i32
    %dma_wait3A_169 = arith.constant 0 : i32
    %dma_wait3A_170 = tpu.memref_slice %arg12[%dma_wait3A_166, %dma_wait3A_168, %dma_wait3A_169] : memref<3x80x128xf32, #tpu.memory_space<vmem>> -> memref<1x80x128xf32, #tpu.memory_space<vmem>>
    %dma_wait3A_171 = tpu.memref_squeeze %dma_wait3A_170 : memref<1x80x128xf32, #tpu.memory_space<vmem>> -> memref<80x128xf32, #tpu.memory_space<vmem>>
    %dma_wait3A_172 = arith.constant 0 : i32
    %dma_wait3A_173 = tpu.memref_slice %arg11[%dma_wait3A_167, %dma_wait3A_172] : memref<56x80xi32, #tpu.memory_space<vmem>> -> memref<1x80xi32, #tpu.memory_space<vmem>>
    %dma_wait3A_174 = tpu.memref_squeeze %dma_wait3A_173 : memref<1x80xi32, #tpu.memory_space<vmem>> -> memref<80xi32, #tpu.memory_space<vmem>>
    %dma_wait3A_175 = arith.constant 0 : i32
    %dma_wait3A_176 = arith.constant 0 : i32
    %dma_wait3A_177 = tpu.memref_slice %arg14[%dma_wait3A_175, %dma_wait3A_176] : memref<10000x128xf32, #tpu.memory_space<vmem_shared>> -> memref<10000x128xf32, #tpu.memory_space<vmem_shared>>
    tpu.wait_indirect_dma semaphore(%arg16 : memref<!tpu.dma_semaphore, #tpu.memory_space<semaphore_mem>>) src(%dma_wait3A_171 : memref<80x128xf32, #tpu.memory_space<vmem>>) dst(%dma_wait3A_177 : memref<10000x128xf32, #tpu.memory_space<vmem_shared>>)
    %dma_wait3A_178 = arith.constant 1 : i32
    %dma_wait3A_179 = arith.constant 0 : i32
    %dma_wait3A_180 = arith.constant 0 : i32
    %dma_wait3A_181 = arith.constant 0 : i32
    %dma_wait3A_182 = tpu.memref_slice %arg12[%dma_wait3A_178, %dma_wait3A_180, %dma_wait3A_181] : memref<3x80x128xf32, #tpu.memory_space<vmem>> -> memref<1x80x128xf32, #tpu.memory_space<vmem>>
    %dma_wait3A_183 = tpu.memref_squeeze %dma_wait3A_182 : memref<1x80x128xf32, #tpu.memory_space<vmem>> -> memref<80x128xf32, #tpu.memory_space<vmem>>
    %dma_wait3A_184 = arith.constant 0 : i32
    %dma_wait3A_185 = tpu.memref_slice %arg11[%dma_wait3A_179, %dma_wait3A_184] : memref<56x80xi32, #tpu.memory_space<vmem>> -> memref<1x80xi32, #tpu.memory_space<vmem>>
    %dma_wait3A_186 = tpu.memref_squeeze %dma_wait3A_185 : memref<1x80xi32, #tpu.memory_space<vmem>> -> memref<80xi32, #tpu.memory_space<vmem>>
    %dma_wait3A_187 = arith.constant 0 : i32
    %dma_wait3A_188 = arith.constant 0 : i32
    %dma_wait3A_189 = tpu.memref_slice %arg14[%dma_wait3A_187, %dma_wait3A_188] : memref<10000x128xf32, #tpu.memory_space<vmem_shared>> -> memref<10000x128xf32, #tpu.memory_space<vmem_shared>>
    tpu.wait_indirect_dma semaphore(%arg17 : memref<!tpu.dma_semaphore, #tpu.memory_space<semaphore_mem>>) src(%dma_wait3A_183 : memref<80x128xf32, #tpu.memory_space<vmem>>) dst(%dma_wait3A_189 : memref<10000x128xf32, #tpu.memory_space<vmem_shared>>)
    %dma_wait3A_190 = arith.constant 2 : i32
    %dma_wait3A_191 = arith.constant 0 : i32
    %dma_wait3A_192 = arith.constant 0 : i32
    %dma_wait3A_193 = arith.constant 0 : i32
    %dma_wait3A_194 = tpu.memref_slice %arg12[%dma_wait3A_190, %dma_wait3A_192, %dma_wait3A_193] : memref<3x80x128xf32, #tpu.memory_space<vmem>> -> memref<1x80x128xf32, #tpu.memory_space<vmem>>
    %dma_wait3A_195 = tpu.memref_squeeze %dma_wait3A_194 : memref<1x80x128xf32, #tpu.memory_space<vmem>> -> memref<80x128xf32, #tpu.memory_space<vmem>>
    %dma_wait3A_196 = arith.constant 0 : i32
    %dma_wait3A_197 = tpu.memref_slice %arg11[%dma_wait3A_191, %dma_wait3A_196] : memref<56x80xi32, #tpu.memory_space<vmem>> -> memref<1x80xi32, #tpu.memory_space<vmem>>
    %dma_wait3A_198 = tpu.memref_squeeze %dma_wait3A_197 : memref<1x80xi32, #tpu.memory_space<vmem>> -> memref<80xi32, #tpu.memory_space<vmem>>
    %dma_wait3A_199 = arith.constant 0 : i32
    %dma_wait3A_200 = arith.constant 0 : i32
    %dma_wait3A_201 = tpu.memref_slice %arg14[%dma_wait3A_199, %dma_wait3A_200] : memref<10000x128xf32, #tpu.memory_space<vmem_shared>> -> memref<10000x128xf32, #tpu.memory_space<vmem_shared>>
    tpu.wait_indirect_dma semaphore(%arg18 : memref<!tpu.dma_semaphore, #tpu.memory_space<semaphore_mem>>) src(%dma_wait3A_195 : memref<80x128xf32, #tpu.memory_space<vmem>>) dst(%dma_wait3A_201 : memref<10000x128xf32, #tpu.memory_space<vmem_shared>>)
    %dma_wait3A_202 = arith.constant 0 : i32
    %dma_wait3A_203 = arith.constant 0 : i32
    %dma_wait3A_204 = tpu.memref_slice %arg11[%dma_wait3A_202, %dma_wait3A_203] : memref<56x80xi32, #tpu.memory_space<vmem>> -> memref<1x80xi32, #tpu.memory_space<vmem>>
    %dma_wait3A_205 = tpu.memref_squeeze %dma_wait3A_204 : memref<1x80xi32, #tpu.memory_space<vmem>> -> memref<80xi32, #tpu.memory_space<vmem>>
    %dma_wait3A_206 = arith.constant 0 : i32
    %dma_wait3A_207 = arith.constant 0 : i32
    %dma_wait3A_208 = tpu.memref_slice %arg15[%dma_wait3A_206, %dma_wait3A_207] : memref<10000x16xf32, #tpu.memory_space<vmem_shared>> -> memref<10000x16xf32, #tpu.memory_space<vmem_shared>>
    tpu.wait_indirect_dma semaphore(%arg19 : memref<!tpu.dma_semaphore, #tpu.memory_space<semaphore_mem>>) src(%arg13 : memref<80x16xf32, #tpu.memory_space<vmem>>) dst(%dma_wait3A_208 : memref<10000x16xf32, #tpu.memory_space<vmem_shared>>)
    %dma_wait3A_209 = arith.constant 1 : i32
    %dma_wait3A_210 = arith.constant 0 : i32
    %dma_wait3A_211 = tpu.memref_slice %arg11[%dma_wait3A_209, %dma_wait3A_210] : memref<56x80xi32, #tpu.memory_space<vmem>> -> memref<1x80xi32, #tpu.memory_space<vmem>>
    %dma_wait3A_212 = tpu.memref_squeeze %dma_wait3A_211 : memref<1x80xi32, #tpu.memory_space<vmem>> -> memref<80xi32, #tpu.memory_space<vmem>>
    %dma_wait3A_213 = arith.constant 0 : i32
    %dma_wait3A_214 = arith.constant 0 : i32
    %dma_wait3A_215 = tpu.memref_slice %arg15[%dma_wait3A_213, %dma_wait3A_214] : memref<10000x16xf32, #tpu.memory_space<vmem_shared>> -> memref<10000x16xf32, #tpu.memory_space<vmem_shared>>
    tpu.wait_indirect_dma semaphore(%arg20 : memref<!tpu.dma_semaphore, #tpu.memory_space<semaphore_mem>>) src(%arg13 : memref<80x16xf32, #tpu.memory_space<vmem>>) dst(%dma_wait3A_215 : memref<10000x16xf32, #tpu.memory_space<vmem_shared>>)
    %dma_wait3A_216 = arith.constant 2 : i32
    %dma_wait3A_217 = arith.constant 0 : i32
    %dma_wait3A_218 = tpu.memref_slice %arg11[%dma_wait3A_216, %dma_wait3A_217] : memref<56x80xi32, #tpu.memory_space<vmem>> -> memref<1x80xi32, #tpu.memory_space<vmem>>
    %dma_wait3A_219 = tpu.memref_squeeze %dma_wait3A_218 : memref<1x80xi32, #tpu.memory_space<vmem>> -> memref<80xi32, #tpu.memory_space<vmem>>
    %dma_wait3A_220 = arith.constant 0 : i32
    %dma_wait3A_221 = arith.constant 0 : i32
    %dma_wait3A_222 = tpu.memref_slice %arg15[%dma_wait3A_220, %dma_wait3A_221] : memref<10000x16xf32, #tpu.memory_space<vmem_shared>> -> memref<10000x16xf32, #tpu.memory_space<vmem_shared>>
    tpu.wait_indirect_dma semaphore(%arg21 : memref<!tpu.dma_semaphore, #tpu.memory_space<semaphore_mem>>) src(%arg13 : memref<80x16xf32, #tpu.memory_space<vmem>>) dst(%dma_wait3A_222 : memref<10000x16xf32, #tpu.memory_space<vmem_shared>>)
    %barrier3A_223 = arith.constant 0 : index
    tpu.barrier barrier_id(%barrier3A_223)
    %lt3A_224 = arith.constant 15 : i32
    %lt3A_225 = arith.cmpi slt, %arg1, %lt3A_224 : i32
    %convert_element_type3A_226 = arith.extui %lt3A_225 : i1 to i32
    %cond3A_227 = arith.constant 0 : i32
    %cond3A_228 = arith.cmpi ne, %convert_element_type3A_226, %cond3A_227 : i32
    scf.if %cond3A_228 {
      %mul3A_234 = arith.constant 624 : i32
      %mul3A_235 = arith.muli %arg1, %mul3A_234 : i32
      %multiple_of3A = tpu.assume_multiple %mul3A_235, 8 : i32
      "tpu.region"() ({
        %run_scoped3A = tpu.sem_alloc : memref<!tpu.dma_semaphore, #tpu.memory_space<semaphore_mem>>
        %dma_start3A_236 = arith.constant 0 : i32
        %dma_start3A_237 = tpu.memref_slice %arg8[%arg0, %multiple_of3A, %dma_start3A_236] : memref<2x10000x128xf32, #tpu.memory_space<hbm>> -> memref<1x624x128xf32, #tpu.memory_space<hbm>>
        %dma_start3A_238 = tpu.memref_squeeze %dma_start3A_237 : memref<1x624x128xf32, #tpu.memory_space<hbm>> -> memref<624x128xf32, #tpu.memory_space<hbm>>
        %dma_start3A_239 = arith.constant 0 : i32
        %dma_start3A_240 = tpu.memref_slice %arg14[%multiple_of3A, %dma_start3A_239] : memref<10000x128xf32, #tpu.memory_space<vmem_shared>> -> memref<624x128xf32, #tpu.memory_space<vmem_shared>>
        tpu.enqueue_dma source(%dma_start3A_240 : memref<624x128xf32, #tpu.memory_space<vmem_shared>>) target(%dma_start3A_238 : memref<624x128xf32, #tpu.memory_space<hbm>>) target_semaphore(%run_scoped3A : memref<!tpu.dma_semaphore, #tpu.memory_space<semaphore_mem>>)
        %dma_wait3A_241 = arith.constant 0 : i32
        %dma_wait3A_242 = tpu.memref_slice %arg8[%arg0, %multiple_of3A, %dma_wait3A_241] : memref<2x10000x128xf32, #tpu.memory_space<hbm>> -> memref<1x624x128xf32, #tpu.memory_space<hbm>>
        %dma_wait3A_243 = tpu.memref_squeeze %dma_wait3A_242 : memref<1x624x128xf32, #tpu.memory_space<hbm>> -> memref<624x128xf32, #tpu.memory_space<hbm>>
        %dma_wait3A_244 = arith.constant 0 : i32
        %dma_wait3A_245 = tpu.memref_slice %arg14[%multiple_of3A, %dma_wait3A_244] : memref<10000x128xf32, #tpu.memory_space<vmem_shared>> -> memref<624x128xf32, #tpu.memory_space<vmem_shared>>
        tpu.wait_dma2 semaphore(%run_scoped3A : memref<!tpu.dma_semaphore, #tpu.memory_space<semaphore_mem>>) src(%dma_wait3A_245 : memref<624x128xf32, #tpu.memory_space<vmem_shared>>) dst(%dma_wait3A_243 : memref<624x128xf32, #tpu.memory_space<hbm>>)
        tpu.yield
      }) : () -> ()
      "tpu.region"() ({
        %run_scoped3A = tpu.sem_alloc : memref<!tpu.dma_semaphore, #tpu.memory_space<semaphore_mem>>
        %dma_start3A_236 = arith.constant 0 : i32
        %dma_start3A_237 = tpu.memref_slice %arg9[%arg0, %multiple_of3A, %dma_start3A_236] : memref<2x10000x16xf32, #tpu.memory_space<hbm>> -> memref<1x624x16xf32, #tpu.memory_space<hbm>>
        %dma_start3A_238 = tpu.memref_squeeze %dma_start3A_237 : memref<1x624x16xf32, #tpu.memory_space<hbm>> -> memref<624x16xf32, #tpu.memory_space<hbm>>
        %dma_start3A_239 = arith.constant 0 : i32
        %dma_start3A_240 = tpu.memref_slice %arg15[%multiple_of3A, %dma_start3A_239] : memref<10000x16xf32, #tpu.memory_space<vmem_shared>> -> memref<624x16xf32, #tpu.memory_space<vmem_shared>>
        tpu.enqueue_dma source(%dma_start3A_240 : memref<624x16xf32, #tpu.memory_space<vmem_shared>>) target(%dma_start3A_238 : memref<624x16xf32, #tpu.memory_space<hbm>>) target_semaphore(%run_scoped3A : memref<!tpu.dma_semaphore, #tpu.memory_space<semaphore_mem>>)
        %dma_wait3A_241 = arith.constant 0 : i32
        %dma_wait3A_242 = tpu.memref_slice %arg9[%arg0, %multiple_of3A, %dma_wait3A_241] : memref<2x10000x16xf32, #tpu.memory_space<hbm>> -> memref<1x624x16xf32, #tpu.memory_space<hbm>>
        %dma_wait3A_243 = tpu.memref_squeeze %dma_wait3A_242 : memref<1x624x16xf32, #tpu.memory_space<hbm>> -> memref<624x16xf32, #tpu.memory_space<hbm>>
        %dma_wait3A_244 = arith.constant 0 : i32
        %dma_wait3A_245 = tpu.memref_slice %arg15[%multiple_of3A, %dma_wait3A_244] : memref<10000x16xf32, #tpu.memory_space<vmem_shared>> -> memref<624x16xf32, #tpu.memory_space<vmem_shared>>
        tpu.wait_dma2 semaphore(%run_scoped3A : memref<!tpu.dma_semaphore, #tpu.memory_space<semaphore_mem>>) src(%dma_wait3A_245 : memref<624x16xf32, #tpu.memory_space<vmem_shared>>) dst(%dma_wait3A_243 : memref<624x16xf32, #tpu.memory_space<hbm>>)
        tpu.yield
      }) : () -> ()
    } else {
    }
    %eq3A_229 = arith.constant 15 : i32
    %eq3A_230 = arith.cmpi eq, %arg1, %eq3A_229 : i32
    %convert_element_type3A_231 = arith.extui %eq3A_230 : i1 to i32
    %cond3A_232 = arith.constant 0 : i32
    %cond3A_233 = arith.cmpi ne, %convert_element_type3A_231, %cond3A_232 : i32
    scf.if %cond3A_233 {
      %multiple_of3A = arith.constant 9360 : i32
      %multiple_of3A_234 = tpu.assume_multiple %multiple_of3A, 8 : i32
      "tpu.region"() ({
        %run_scoped3A = tpu.sem_alloc : memref<!tpu.dma_semaphore, #tpu.memory_space<semaphore_mem>>
        %dma_start3A_235 = arith.constant 0 : i32
        %dma_start3A_236 = tpu.memref_slice %arg8[%arg0, %multiple_of3A_234, %dma_start3A_235] : memref<2x10000x128xf32, #tpu.memory_space<hbm>> -> memref<1x640x128xf32, #tpu.memory_space<hbm>>
        %dma_start3A_237 = tpu.memref_squeeze %dma_start3A_236 : memref<1x640x128xf32, #tpu.memory_space<hbm>> -> memref<640x128xf32, #tpu.memory_space<hbm>>
        %dma_start3A_238 = arith.constant 0 : i32
        %dma_start3A_239 = tpu.memref_slice %arg14[%multiple_of3A_234, %dma_start3A_238] : memref<10000x128xf32, #tpu.memory_space<vmem_shared>> -> memref<640x128xf32, #tpu.memory_space<vmem_shared>>
        tpu.enqueue_dma source(%dma_start3A_239 : memref<640x128xf32, #tpu.memory_space<vmem_shared>>) target(%dma_start3A_237 : memref<640x128xf32, #tpu.memory_space<hbm>>) target_semaphore(%run_scoped3A : memref<!tpu.dma_semaphore, #tpu.memory_space<semaphore_mem>>)
        %dma_wait3A_240 = arith.constant 0 : i32
        %dma_wait3A_241 = tpu.memref_slice %arg8[%arg0, %multiple_of3A_234, %dma_wait3A_240] : memref<2x10000x128xf32, #tpu.memory_space<hbm>> -> memref<1x640x128xf32, #tpu.memory_space<hbm>>
        %dma_wait3A_242 = tpu.memref_squeeze %dma_wait3A_241 : memref<1x640x128xf32, #tpu.memory_space<hbm>> -> memref<640x128xf32, #tpu.memory_space<hbm>>
        %dma_wait3A_243 = arith.constant 0 : i32
        %dma_wait3A_244 = tpu.memref_slice %arg14[%multiple_of3A_234, %dma_wait3A_243] : memref<10000x128xf32, #tpu.memory_space<vmem_shared>> -> memref<640x128xf32, #tpu.memory_space<vmem_shared>>
        tpu.wait_dma2 semaphore(%run_scoped3A : memref<!tpu.dma_semaphore, #tpu.memory_space<semaphore_mem>>) src(%dma_wait3A_244 : memref<640x128xf32, #tpu.memory_space<vmem_shared>>) dst(%dma_wait3A_242 : memref<640x128xf32, #tpu.memory_space<hbm>>)
        tpu.yield
      }) : () -> ()
      "tpu.region"() ({
        %run_scoped3A = tpu.sem_alloc : memref<!tpu.dma_semaphore, #tpu.memory_space<semaphore_mem>>
        %dma_start3A_235 = arith.constant 0 : i32
        %dma_start3A_236 = tpu.memref_slice %arg9[%arg0, %multiple_of3A_234, %dma_start3A_235] : memref<2x10000x16xf32, #tpu.memory_space<hbm>> -> memref<1x640x16xf32, #tpu.memory_space<hbm>>
        %dma_start3A_237 = tpu.memref_squeeze %dma_start3A_236 : memref<1x640x16xf32, #tpu.memory_space<hbm>> -> memref<640x16xf32, #tpu.memory_space<hbm>>
        %dma_start3A_238 = arith.constant 0 : i32
        %dma_start3A_239 = tpu.memref_slice %arg15[%multiple_of3A_234, %dma_start3A_238] : memref<10000x16xf32, #tpu.memory_space<vmem_shared>> -> memref<640x16xf32, #tpu.memory_space<vmem_shared>>
        tpu.enqueue_dma source(%dma_start3A_239 : memref<640x16xf32, #tpu.memory_space<vmem_shared>>) target(%dma_start3A_237 : memref<640x16xf32, #tpu.memory_space<hbm>>) target_semaphore(%run_scoped3A : memref<!tpu.dma_semaphore, #tpu.memory_space<semaphore_mem>>)
        %dma_wait3A_240 = arith.constant 0 : i32
        %dma_wait3A_241 = tpu.memref_slice %arg9[%arg0, %multiple_of3A_234, %dma_wait3A_240] : memref<2x10000x16xf32, #tpu.memory_space<hbm>> -> memref<1x640x16xf32, #tpu.memory_space<hbm>>
        %dma_wait3A_242 = tpu.memref_squeeze %dma_wait3A_241 : memref<1x640x16xf32, #tpu.memory_space<hbm>> -> memref<640x16xf32, #tpu.memory_space<hbm>>
        %dma_wait3A_243 = arith.constant 0 : i32
        %dma_wait3A_244 = tpu.memref_slice %arg15[%multiple_of3A_234, %dma_wait3A_243] : memref<10000x16xf32, #tpu.memory_space<vmem_shared>> -> memref<640x16xf32, #tpu.memory_space<vmem_shared>>
        tpu.wait_dma2 semaphore(%run_scoped3A : memref<!tpu.dma_semaphore, #tpu.memory_space<semaphore_mem>>) src(%dma_wait3A_244 : memref<640x16xf32, #tpu.memory_space<vmem_shared>>) dst(%dma_wait3A_242 : memref<640x16xf32, #tpu.memory_space<hbm>>)
        tpu.yield
      }) : () -> ()
    } else {
    }
    return
  }
}

#map = affine_map<(d0, d1) -> (0, 0)>
#map1 = affine_map<(d0, d1) -> (0, 0, 0)>
module attributes {stable_mosaic.version = 14 : i64} {
  func.func @_sc_l2_body(%arg0: i32, %arg1: i32, %arg2: memref<80000x16xf32, #tpu.memory_space<hbm>>, %arg3: memref<32x79x128xi32, #tpu.memory_space<hbm>>, %arg4: memref<32x79x128xi32, #tpu.memory_space<hbm>>, %arg5: memref<10008x16xf32, #tpu.memory_space<hbm>>, %arg6: memref<2x10000x16xf32, #tpu.memory_space<hbm>>, %arg7: memref<79x128xi32, #tpu.memory_space<vmem>>, %arg8: memref<79x128xi32, #tpu.memory_space<vmem>>, %arg9: memref<3x128x16xf32, #tpu.memory_space<vmem>>, %arg10: memref<10008x16xf32, #tpu.memory_space<vmem_shared>>, %arg11: memref<!tpu.dma_semaphore, #tpu.memory_space<semaphore_mem>>, %arg12: memref<!tpu.dma_semaphore, #tpu.memory_space<semaphore_mem>>, %arg13: memref<!tpu.dma_semaphore, #tpu.memory_space<semaphore_mem>>) attributes {dimension_semantics = [#tpu.dimension_semantics<core_parallel>, #tpu.dimension_semantics<subcore_parallel>], iteration_bounds = array<i64: 2, 16>, scalar_prefetch = 0 : i64, scratch_operands = 7 : i64, tpu.core_type = #tpu.core_type<sc_vector_subcore>, window_params = [{transform_indices = #map}, {transform_indices = #map1}, {transform_indices = #map1}, {transform_indices = #map}, {transform_indices = #map1}]} {
    %mul3A = arith.constant 2 : i32
    %mul3A_0 = arith.muli %arg1, %mul3A : i32
    %add3A = arith.addi %mul3A_0, %arg0 : i32
    "tpu.region"() ({
      %run_scoped3A = tpu.sem_alloc : memref<!tpu.dma_semaphore, #tpu.memory_space<semaphore_mem>>
      %dma_start3A_81 = arith.constant 0 : i32
      %dma_start3A_82 = arith.constant 0 : i32
      %dma_start3A_83 = tpu.memref_slice %arg3[%add3A, %dma_start3A_81, %dma_start3A_82] : memref<32x79x128xi32, #tpu.memory_space<hbm>> -> memref<1x79x128xi32, #tpu.memory_space<hbm>>
      %dma_start3A_84 = tpu.memref_squeeze %dma_start3A_83 : memref<1x79x128xi32, #tpu.memory_space<hbm>> -> memref<79x128xi32, #tpu.memory_space<hbm>>
      %dma_start3A_85 = arith.constant 0 : i32
      %dma_start3A_86 = arith.constant 0 : i32
      %dma_start3A_87 = tpu.memref_slice %arg3[%add3A, %dma_start3A_85, %dma_start3A_86] : memref<32x79x128xi32, #tpu.memory_space<hbm>> -> memref<1x79x128xi32, #tpu.memory_space<hbm>>
      %dma_start3A_88 = tpu.memref_squeeze %dma_start3A_87 : memref<1x79x128xi32, #tpu.memory_space<hbm>> -> memref<79x128xi32, #tpu.memory_space<hbm>>
      tpu.enqueue_dma source(%dma_start3A_88 : memref<79x128xi32, #tpu.memory_space<hbm>>) target(%arg7 : memref<79x128xi32, #tpu.memory_space<vmem>>) target_semaphore(%run_scoped3A : memref<!tpu.dma_semaphore, #tpu.memory_space<semaphore_mem>>)
      %dma_wait3A_89 = arith.constant 0 : i32
      %dma_wait3A_90 = arith.constant 0 : i32
      %dma_wait3A_91 = tpu.memref_slice %arg3[%add3A, %dma_wait3A_89, %dma_wait3A_90] : memref<32x79x128xi32, #tpu.memory_space<hbm>> -> memref<1x79x128xi32, #tpu.memory_space<hbm>>
      %dma_wait3A_92 = tpu.memref_squeeze %dma_wait3A_91 : memref<1x79x128xi32, #tpu.memory_space<hbm>> -> memref<79x128xi32, #tpu.memory_space<hbm>>
      %dma_wait3A_93 = arith.constant 0 : i32
      %dma_wait3A_94 = arith.constant 0 : i32
      %dma_wait3A_95 = tpu.memref_slice %arg3[%add3A, %dma_wait3A_93, %dma_wait3A_94] : memref<32x79x128xi32, #tpu.memory_space<hbm>> -> memref<1x79x128xi32, #tpu.memory_space<hbm>>
      %dma_wait3A_96 = tpu.memref_squeeze %dma_wait3A_95 : memref<1x79x128xi32, #tpu.memory_space<hbm>> -> memref<79x128xi32, #tpu.memory_space<hbm>>
      tpu.wait_dma2 semaphore(%run_scoped3A : memref<!tpu.dma_semaphore, #tpu.memory_space<semaphore_mem>>) src(%dma_wait3A_96 : memref<79x128xi32, #tpu.memory_space<hbm>>) dst(%arg7 : memref<79x128xi32, #tpu.memory_space<vmem>>)
      tpu.yield
    }) : () -> ()
    "tpu.region"() ({
      %run_scoped3A = tpu.sem_alloc : memref<!tpu.dma_semaphore, #tpu.memory_space<semaphore_mem>>
      %dma_start3A_81 = arith.constant 0 : i32
      %dma_start3A_82 = arith.constant 0 : i32
      %dma_start3A_83 = tpu.memref_slice %arg4[%add3A, %dma_start3A_81, %dma_start3A_82] : memref<32x79x128xi32, #tpu.memory_space<hbm>> -> memref<1x79x128xi32, #tpu.memory_space<hbm>>
      %dma_start3A_84 = tpu.memref_squeeze %dma_start3A_83 : memref<1x79x128xi32, #tpu.memory_space<hbm>> -> memref<79x128xi32, #tpu.memory_space<hbm>>
      %dma_start3A_85 = arith.constant 0 : i32
      %dma_start3A_86 = arith.constant 0 : i32
      %dma_start3A_87 = tpu.memref_slice %arg4[%add3A, %dma_start3A_85, %dma_start3A_86] : memref<32x79x128xi32, #tpu.memory_space<hbm>> -> memref<1x79x128xi32, #tpu.memory_space<hbm>>
      %dma_start3A_88 = tpu.memref_squeeze %dma_start3A_87 : memref<1x79x128xi32, #tpu.memory_space<hbm>> -> memref<79x128xi32, #tpu.memory_space<hbm>>
      tpu.enqueue_dma source(%dma_start3A_88 : memref<79x128xi32, #tpu.memory_space<hbm>>) target(%arg8 : memref<79x128xi32, #tpu.memory_space<vmem>>) target_semaphore(%run_scoped3A : memref<!tpu.dma_semaphore, #tpu.memory_space<semaphore_mem>>)
      %dma_wait3A_89 = arith.constant 0 : i32
      %dma_wait3A_90 = arith.constant 0 : i32
      %dma_wait3A_91 = tpu.memref_slice %arg4[%add3A, %dma_wait3A_89, %dma_wait3A_90] : memref<32x79x128xi32, #tpu.memory_space<hbm>> -> memref<1x79x128xi32, #tpu.memory_space<hbm>>
      %dma_wait3A_92 = tpu.memref_squeeze %dma_wait3A_91 : memref<1x79x128xi32, #tpu.memory_space<hbm>> -> memref<79x128xi32, #tpu.memory_space<hbm>>
      %dma_wait3A_93 = arith.constant 0 : i32
      %dma_wait3A_94 = arith.constant 0 : i32
      %dma_wait3A_95 = tpu.memref_slice %arg4[%add3A, %dma_wait3A_93, %dma_wait3A_94] : memref<32x79x128xi32, #tpu.memory_space<hbm>> -> memref<1x79x128xi32, #tpu.memory_space<hbm>>
      %dma_wait3A_96 = tpu.memref_squeeze %dma_wait3A_95 : memref<1x79x128xi32, #tpu.memory_space<hbm>> -> memref<79x128xi32, #tpu.memory_space<hbm>>
      tpu.wait_dma2 semaphore(%run_scoped3A : memref<!tpu.dma_semaphore, #tpu.memory_space<semaphore_mem>>) src(%dma_wait3A_96 : memref<79x128xi32, #tpu.memory_space<hbm>>) dst(%arg8 : memref<79x128xi32, #tpu.memory_space<vmem>>)
      tpu.yield
    }) : () -> ()
    %lt3A = arith.constant 15 : i32
    %lt3A_1 = arith.cmpi slt, %arg1, %lt3A : i32
    %convert_element_type3A = arith.extui %lt3A_1 : i1 to i32
    %cond3A = arith.constant 0 : i32
    %cond3A_2 = arith.cmpi ne, %convert_element_type3A, %cond3A : i32
    scf.if %cond3A_2 {
      %mul3A_81 = arith.constant 624 : i32
      %mul3A_82 = arith.muli %arg1, %mul3A_81 : i32
      %multiple_of3A = tpu.assume_multiple %mul3A_82, 8 : i32
      "tpu.region"() ({
        %run_scoped3A = tpu.sem_alloc : memref<!tpu.dma_semaphore, #tpu.memory_space<semaphore_mem>>
        %dma_start3A_83 = arith.constant 0 : i32
        %dma_start3A_84 = tpu.memref_slice %arg10[%multiple_of3A, %dma_start3A_83] : memref<10008x16xf32, #tpu.memory_space<vmem_shared>> -> memref<624x16xf32, #tpu.memory_space<vmem_shared>>
        %dma_start3A_85 = arith.constant 0 : i32
        %dma_start3A_86 = tpu.memref_slice %arg5[%multiple_of3A, %dma_start3A_85] : memref<10008x16xf32, #tpu.memory_space<hbm>> -> memref<624x16xf32, #tpu.memory_space<hbm>>
        tpu.enqueue_dma source(%dma_start3A_86 : memref<624x16xf32, #tpu.memory_space<hbm>>) target(%dma_start3A_84 : memref<624x16xf32, #tpu.memory_space<vmem_shared>>) target_semaphore(%run_scoped3A : memref<!tpu.dma_semaphore, #tpu.memory_space<semaphore_mem>>)
        %dma_wait3A_87 = arith.constant 0 : i32
        %dma_wait3A_88 = tpu.memref_slice %arg10[%multiple_of3A, %dma_wait3A_87] : memref<10008x16xf32, #tpu.memory_space<vmem_shared>> -> memref<624x16xf32, #tpu.memory_space<vmem_shared>>
        %dma_wait3A_89 = arith.constant 0 : i32
        %dma_wait3A_90 = tpu.memref_slice %arg5[%multiple_of3A, %dma_wait3A_89] : memref<10008x16xf32, #tpu.memory_space<hbm>> -> memref<624x16xf32, #tpu.memory_space<hbm>>
        tpu.wait_dma2 semaphore(%run_scoped3A : memref<!tpu.dma_semaphore, #tpu.memory_space<semaphore_mem>>) src(%dma_wait3A_90 : memref<624x16xf32, #tpu.memory_space<hbm>>) dst(%dma_wait3A_88 : memref<624x16xf32, #tpu.memory_space<vmem_shared>>)
        tpu.yield
      }) : () -> ()
    } else {
    }
    %eq3A = arith.constant 15 : i32
    %eq3A_3 = arith.cmpi eq, %arg1, %eq3A : i32
    %convert_element_type3A_4 = arith.extui %eq3A_3 : i1 to i32
    %cond3A_5 = arith.constant 0 : i32
    %cond3A_6 = arith.cmpi ne, %convert_element_type3A_4, %cond3A_5 : i32
    scf.if %cond3A_6 {
      %multiple_of3A = arith.constant 9360 : i32
      %multiple_of3A_81 = tpu.assume_multiple %multiple_of3A, 8 : i32
      "tpu.region"() ({
        %run_scoped3A = tpu.sem_alloc : memref<!tpu.dma_semaphore, #tpu.memory_space<semaphore_mem>>
        %dma_start3A_82 = arith.constant 0 : i32
        %dma_start3A_83 = tpu.memref_slice %arg10[%multiple_of3A_81, %dma_start3A_82] : memref<10008x16xf32, #tpu.memory_space<vmem_shared>> -> memref<648x16xf32, #tpu.memory_space<vmem_shared>>
        %dma_start3A_84 = arith.constant 0 : i32
        %dma_start3A_85 = tpu.memref_slice %arg5[%multiple_of3A_81, %dma_start3A_84] : memref<10008x16xf32, #tpu.memory_space<hbm>> -> memref<648x16xf32, #tpu.memory_space<hbm>>
        tpu.enqueue_dma source(%dma_start3A_85 : memref<648x16xf32, #tpu.memory_space<hbm>>) target(%dma_start3A_83 : memref<648x16xf32, #tpu.memory_space<vmem_shared>>) target_semaphore(%run_scoped3A : memref<!tpu.dma_semaphore, #tpu.memory_space<semaphore_mem>>)
        %dma_wait3A_86 = arith.constant 0 : i32
        %dma_wait3A_87 = tpu.memref_slice %arg10[%multiple_of3A_81, %dma_wait3A_86] : memref<10008x16xf32, #tpu.memory_space<vmem_shared>> -> memref<648x16xf32, #tpu.memory_space<vmem_shared>>
        %dma_wait3A_88 = arith.constant 0 : i32
        %dma_wait3A_89 = tpu.memref_slice %arg5[%multiple_of3A_81, %dma_wait3A_88] : memref<10008x16xf32, #tpu.memory_space<hbm>> -> memref<648x16xf32, #tpu.memory_space<hbm>>
        tpu.wait_dma2 semaphore(%run_scoped3A : memref<!tpu.dma_semaphore, #tpu.memory_space<semaphore_mem>>) src(%dma_wait3A_89 : memref<648x16xf32, #tpu.memory_space<hbm>>) dst(%dma_wait3A_87 : memref<648x16xf32, #tpu.memory_space<vmem_shared>>)
        tpu.yield
      }) : () -> ()
    } else {
    }
    %barrier3A = arith.constant 0 : index
    tpu.barrier barrier_id(%barrier3A)
    %dma_start3A = arith.constant 0 : i32
    %dma_start3A_7 = arith.constant 0 : i32
    %dma_start3A_8 = arith.constant 0 : i32
    %dma_start3A_9 = arith.constant 0 : i32
    %dma_start3A_10 = tpu.memref_slice %arg9[%dma_start3A_7, %dma_start3A_8, %dma_start3A_9] : memref<3x128x16xf32, #tpu.memory_space<vmem>> -> memref<1x128x16xf32, #tpu.memory_space<vmem>>
    %dma_start3A_11 = tpu.memref_squeeze %dma_start3A_10 : memref<1x128x16xf32, #tpu.memory_space<vmem>> -> memref<128x16xf32, #tpu.memory_space<vmem>>
    %dma_start3A_12 = arith.constant 0 : i32
    %dma_start3A_13 = tpu.memref_slice %arg7[%dma_start3A, %dma_start3A_12] : memref<79x128xi32, #tpu.memory_space<vmem>> -> memref<1x128xi32, #tpu.memory_space<vmem>>
    %dma_start3A_14 = tpu.memref_squeeze %dma_start3A_13 : memref<1x128xi32, #tpu.memory_space<vmem>> -> memref<128xi32, #tpu.memory_space<vmem>>
    %dma_start3A_15 = arith.constant 0 : i32
    %dma_start3A_16 = arith.constant 0 : i32
    %dma_start3A_17 = tpu.memref_slice %arg2[%dma_start3A_15, %dma_start3A_16] : memref<80000x16xf32, #tpu.memory_space<hbm>> -> memref<80000x16xf32, #tpu.memory_space<hbm>>
    tpu.enqueue_indirect_dma source(%dma_start3A_17 : memref<80000x16xf32, #tpu.memory_space<hbm>>) target(%dma_start3A_11 : memref<128x16xf32, #tpu.memory_space<vmem>>) offsets(%dma_start3A_14 : memref<128xi32, #tpu.memory_space<vmem>>) semaphore(%arg11 : memref<!tpu.dma_semaphore, #tpu.memory_space<semaphore_mem>>)
    %dma_start3A_18 = arith.constant 1 : i32
    %dma_start3A_19 = arith.constant 1 : i32
    %dma_start3A_20 = arith.constant 0 : i32
    %dma_start3A_21 = arith.constant 0 : i32
    %dma_start3A_22 = tpu.memref_slice %arg9[%dma_start3A_19, %dma_start3A_20, %dma_start3A_21] : memref<3x128x16xf32, #tpu.memory_space<vmem>> -> memref<1x128x16xf32, #tpu.memory_space<vmem>>
    %dma_start3A_23 = tpu.memref_squeeze %dma_start3A_22 : memref<1x128x16xf32, #tpu.memory_space<vmem>> -> memref<128x16xf32, #tpu.memory_space<vmem>>
    %dma_start3A_24 = arith.constant 0 : i32
    %dma_start3A_25 = tpu.memref_slice %arg7[%dma_start3A_18, %dma_start3A_24] : memref<79x128xi32, #tpu.memory_space<vmem>> -> memref<1x128xi32, #tpu.memory_space<vmem>>
    %dma_start3A_26 = tpu.memref_squeeze %dma_start3A_25 : memref<1x128xi32, #tpu.memory_space<vmem>> -> memref<128xi32, #tpu.memory_space<vmem>>
    %dma_start3A_27 = arith.constant 0 : i32
    %dma_start3A_28 = arith.constant 0 : i32
    %dma_start3A_29 = tpu.memref_slice %arg2[%dma_start3A_27, %dma_start3A_28] : memref<80000x16xf32, #tpu.memory_space<hbm>> -> memref<80000x16xf32, #tpu.memory_space<hbm>>
    tpu.enqueue_indirect_dma source(%dma_start3A_29 : memref<80000x16xf32, #tpu.memory_space<hbm>>) target(%dma_start3A_23 : memref<128x16xf32, #tpu.memory_space<vmem>>) offsets(%dma_start3A_26 : memref<128xi32, #tpu.memory_space<vmem>>) semaphore(%arg12 : memref<!tpu.dma_semaphore, #tpu.memory_space<semaphore_mem>>)
    %scan3A = arith.constant 0 : i32
    %scan3A_30 = arith.constant 0 : i32
    %scan3A_31 = arith.constant 27 : i32
    %scan3A_32 = arith.addi %scan3A_30, %scan3A_31 : i32
    %scan3A_33 = arith.constant 1 : i32
    scf.for %scan3A_81 = %scan3A_30 to %scan3A_32 step %scan3A_33  : i32 {
      %mul3A_82 = arith.constant 3 : i32
      %mul3A_83 = arith.muli %scan3A_81, %mul3A_82 : i32
      %add3A_84 = arith.constant 0 : i32
      %add3A_85 = arith.addi %mul3A_83, %add3A_84 : i32
      %lt3A_86 = arith.constant 79 : i32
      %lt3A_87 = arith.cmpi slt, %add3A_85, %lt3A_86 : i32
      %convert_element_type3A_88 = arith.extui %lt3A_87 : i1 to i32
      %cond3A_89 = arith.constant 0 : i32
      %cond3A_90 = arith.cmpi ne, %convert_element_type3A_88, %cond3A_89 : i32
      scf.if %cond3A_90 {
        %dma_wait3A_130 = arith.constant 0 : i32
        %dma_wait3A_131 = arith.constant 0 : i32
        %dma_wait3A_132 = arith.constant 0 : i32
        %dma_wait3A_133 = tpu.memref_slice %arg9[%dma_wait3A_130, %dma_wait3A_131, %dma_wait3A_132] : memref<3x128x16xf32, #tpu.memory_space<vmem>> -> memref<1x128x16xf32, #tpu.memory_space<vmem>>
        %dma_wait3A_134 = tpu.memref_squeeze %dma_wait3A_133 : memref<1x128x16xf32, #tpu.memory_space<vmem>> -> memref<128x16xf32, #tpu.memory_space<vmem>>
        %dma_wait3A_135 = arith.constant 0 : i32
        %dma_wait3A_136 = tpu.memref_slice %arg7[%add3A_85, %dma_wait3A_135] : memref<79x128xi32, #tpu.memory_space<vmem>> -> memref<1x128xi32, #tpu.memory_space<vmem>>
        %dma_wait3A_137 = tpu.memref_squeeze %dma_wait3A_136 : memref<1x128xi32, #tpu.memory_space<vmem>> -> memref<128xi32, #tpu.memory_space<vmem>>
        %dma_wait3A_138 = arith.constant 0 : i32
        %dma_wait3A_139 = arith.constant 0 : i32
        %dma_wait3A_140 = tpu.memref_slice %arg2[%dma_wait3A_138, %dma_wait3A_139] : memref<80000x16xf32, #tpu.memory_space<hbm>> -> memref<80000x16xf32, #tpu.memory_space<hbm>>
        tpu.wait_indirect_dma semaphore(%arg11 : memref<!tpu.dma_semaphore, #tpu.memory_space<semaphore_mem>>) src(%dma_wait3A_140 : memref<80000x16xf32, #tpu.memory_space<hbm>>) dst(%dma_wait3A_134 : memref<128x16xf32, #tpu.memory_space<vmem>>)
        %dma_start3A_141 = arith.constant 0 : i32
        %dma_start3A_142 = arith.constant 0 : i32
        %dma_start3A_143 = arith.constant 0 : i32
        %dma_start3A_144 = tpu.memref_slice %arg9[%dma_start3A_141, %dma_start3A_142, %dma_start3A_143] : memref<3x128x16xf32, #tpu.memory_space<vmem>> -> memref<1x128x16xf32, #tpu.memory_space<vmem>>
        %dma_start3A_145 = tpu.memref_squeeze %dma_start3A_144 : memref<1x128x16xf32, #tpu.memory_space<vmem>> -> memref<128x16xf32, #tpu.memory_space<vmem>>
        %dma_start3A_146 = arith.constant 0 : i32
        %dma_start3A_147 = tpu.memref_slice %arg8[%add3A_85, %dma_start3A_146] : memref<79x128xi32, #tpu.memory_space<vmem>> -> memref<1x128xi32, #tpu.memory_space<vmem>>
        %dma_start3A_148 = tpu.memref_squeeze %dma_start3A_147 : memref<1x128xi32, #tpu.memory_space<vmem>> -> memref<128xi32, #tpu.memory_space<vmem>>
        %dma_start3A_149 = arith.constant 0 : i32
        %dma_start3A_150 = arith.constant 0 : i32
        %dma_start3A_151 = tpu.memref_slice %arg10[%dma_start3A_149, %dma_start3A_150] : memref<10008x16xf32, #tpu.memory_space<vmem_shared>> -> memref<10008x16xf32, #tpu.memory_space<vmem_shared>>
        tpu.enqueue_indirect_dma source(%dma_start3A_145 : memref<128x16xf32, #tpu.memory_space<vmem>>) target(%dma_start3A_151 : memref<10008x16xf32, #tpu.memory_space<vmem_shared>>) offsets(%dma_start3A_148 : memref<128xi32, #tpu.memory_space<vmem>>) semaphore(%arg11 : memref<!tpu.dma_semaphore, #tpu.memory_space<semaphore_mem>>) {add = true}
      } else {
      }
      %add3A_91 = arith.constant 2 : i32
      %add3A_92 = arith.addi %add3A_85, %add3A_91 : i32
      %lt3A_93 = arith.constant 79 : i32
      %lt3A_94 = arith.cmpi slt, %add3A_92, %lt3A_93 : i32
      %convert_element_type3A_95 = arith.extui %lt3A_94 : i1 to i32
      %cond3A_96 = arith.constant 0 : i32
      %cond3A_97 = arith.cmpi ne, %convert_element_type3A_95, %cond3A_96 : i32
      scf.if %cond3A_97 {
        %ge3A = arith.constant 1 : i32
        %ge3A_130 = arith.cmpi sge, %add3A_85, %ge3A : i32
        %convert_element_type3A_131 = arith.extui %ge3A_130 : i1 to i32
        %cond3A_132 = arith.constant 0 : i32
        %cond3A_133 = arith.cmpi ne, %convert_element_type3A_131, %cond3A_132 : i32
        scf.if %cond3A_133 {
          %dma_wait3A_147 = arith.constant 2 : i32
          %dma_wait3A_148 = arith.constant 0 : i32
          %dma_wait3A_149 = arith.constant 0 : i32
          %dma_wait3A_150 = tpu.memref_slice %arg9[%dma_wait3A_147, %dma_wait3A_148, %dma_wait3A_149] : memref<3x128x16xf32, #tpu.memory_space<vmem>> -> memref<1x128x16xf32, #tpu.memory_space<vmem>>
          %dma_wait3A_151 = tpu.memref_squeeze %dma_wait3A_150 : memref<1x128x16xf32, #tpu.memory_space<vmem>> -> memref<128x16xf32, #tpu.memory_space<vmem>>
          %dma_wait3A_152 = arith.constant 0 : i32
          %dma_wait3A_153 = tpu.memref_slice %arg8[%add3A_85, %dma_wait3A_152] : memref<79x128xi32, #tpu.memory_space<vmem>> -> memref<1x128xi32, #tpu.memory_space<vmem>>
          %dma_wait3A_154 = tpu.memref_squeeze %dma_wait3A_153 : memref<1x128xi32, #tpu.memory_space<vmem>> -> memref<128xi32, #tpu.memory_space<vmem>>
          %dma_wait3A_155 = arith.constant 0 : i32
          %dma_wait3A_156 = arith.constant 0 : i32
          %dma_wait3A_157 = tpu.memref_slice %arg10[%dma_wait3A_155, %dma_wait3A_156] : memref<10008x16xf32, #tpu.memory_space<vmem_shared>> -> memref<10008x16xf32, #tpu.memory_space<vmem_shared>>
          tpu.wait_indirect_dma semaphore(%arg13 : memref<!tpu.dma_semaphore, #tpu.memory_space<semaphore_mem>>) src(%dma_wait3A_151 : memref<128x16xf32, #tpu.memory_space<vmem>>) dst(%dma_wait3A_157 : memref<10008x16xf32, #tpu.memory_space<vmem_shared>>)
        } else {
        }
        %add3A_134 = arith.constant 2 : i32
        %add3A_135 = arith.addi %add3A_85, %add3A_134 : i32
        %dma_start3A_136 = arith.constant 2 : i32
        %dma_start3A_137 = arith.constant 0 : i32
        %dma_start3A_138 = arith.constant 0 : i32
        %dma_start3A_139 = tpu.memref_slice %arg9[%dma_start3A_136, %dma_start3A_137, %dma_start3A_138] : memref<3x128x16xf32, #tpu.memory_space<vmem>> -> memref<1x128x16xf32, #tpu.memory_space<vmem>>
        %dma_start3A_140 = tpu.memref_squeeze %dma_start3A_139 : memref<1x128x16xf32, #tpu.memory_space<vmem>> -> memref<128x16xf32, #tpu.memory_space<vmem>>
        %dma_start3A_141 = arith.constant 0 : i32
        %dma_start3A_142 = tpu.memref_slice %arg7[%add3A_135, %dma_start3A_141] : memref<79x128xi32, #tpu.memory_space<vmem>> -> memref<1x128xi32, #tpu.memory_space<vmem>>
        %dma_start3A_143 = tpu.memref_squeeze %dma_start3A_142 : memref<1x128xi32, #tpu.memory_space<vmem>> -> memref<128xi32, #tpu.memory_space<vmem>>
        %dma_start3A_144 = arith.constant 0 : i32
        %dma_start3A_145 = arith.constant 0 : i32
        %dma_start3A_146 = tpu.memref_slice %arg2[%dma_start3A_144, %dma_start3A_145] : memref<80000x16xf32, #tpu.memory_space<hbm>> -> memref<80000x16xf32, #tpu.memory_space<hbm>>
        tpu.enqueue_indirect_dma source(%dma_start3A_146 : memref<80000x16xf32, #tpu.memory_space<hbm>>) target(%dma_start3A_140 : memref<128x16xf32, #tpu.memory_space<vmem>>) offsets(%dma_start3A_143 : memref<128xi32, #tpu.memory_space<vmem>>) semaphore(%arg13 : memref<!tpu.dma_semaphore, #tpu.memory_space<semaphore_mem>>)
      } else {
      }
      %mul3A_98 = arith.constant 3 : i32
      %mul3A_99 = arith.muli %scan3A_81, %mul3A_98 : i32
      %add3A_100 = arith.constant 1 : i32
      %add3A_101 = arith.addi %mul3A_99, %add3A_100 : i32
      %lt3A_102 = arith.constant 79 : i32
      %lt3A_103 = arith.cmpi slt, %add3A_101, %lt3A_102 : i32
      %convert_element_type3A_104 = arith.extui %lt3A_103 : i1 to i32
      %cond3A_105 = arith.constant 0 : i32
      %cond3A_106 = arith.cmpi ne, %convert_element_type3A_104, %cond3A_105 : i32
      scf.if %cond3A_106 {
        %dma_wait3A_130 = arith.constant 1 : i32
        %dma_wait3A_131 = arith.constant 0 : i32
        %dma_wait3A_132 = arith.constant 0 : i32
        %dma_wait3A_133 = tpu.memref_slice %arg9[%dma_wait3A_130, %dma_wait3A_131, %dma_wait3A_132] : memref<3x128x16xf32, #tpu.memory_space<vmem>> -> memref<1x128x16xf32, #tpu.memory_space<vmem>>
        %dma_wait3A_134 = tpu.memref_squeeze %dma_wait3A_133 : memref<1x128x16xf32, #tpu.memory_space<vmem>> -> memref<128x16xf32, #tpu.memory_space<vmem>>
        %dma_wait3A_135 = arith.constant 0 : i32
        %dma_wait3A_136 = tpu.memref_slice %arg7[%add3A_101, %dma_wait3A_135] : memref<79x128xi32, #tpu.memory_space<vmem>> -> memref<1x128xi32, #tpu.memory_space<vmem>>
        %dma_wait3A_137 = tpu.memref_squeeze %dma_wait3A_136 : memref<1x128xi32, #tpu.memory_space<vmem>> -> memref<128xi32, #tpu.memory_space<vmem>>
        %dma_wait3A_138 = arith.constant 0 : i32
        %dma_wait3A_139 = arith.constant 0 : i32
        %dma_wait3A_140 = tpu.memref_slice %arg2[%dma_wait3A_138, %dma_wait3A_139] : memref<80000x16xf32, #tpu.memory_space<hbm>> -> memref<80000x16xf32, #tpu.memory_space<hbm>>
        tpu.wait_indirect_dma semaphore(%arg12 : memref<!tpu.dma_semaphore, #tpu.memory_space<semaphore_mem>>) src(%dma_wait3A_140 : memref<80000x16xf32, #tpu.memory_space<hbm>>) dst(%dma_wait3A_134 : memref<128x16xf32, #tpu.memory_space<vmem>>)
        %dma_start3A_141 = arith.constant 1 : i32
        %dma_start3A_142 = arith.constant 0 : i32
        %dma_start3A_143 = arith.constant 0 : i32
        %dma_start3A_144 = tpu.memref_slice %arg9[%dma_start3A_141, %dma_start3A_142, %dma_start3A_143] : memref<3x128x16xf32, #tpu.memory_space<vmem>> -> memref<1x128x16xf32, #tpu.memory_space<vmem>>
        %dma_start3A_145 = tpu.memref_squeeze %dma_start3A_144 : memref<1x128x16xf32, #tpu.memory_space<vmem>> -> memref<128x16xf32, #tpu.memory_space<vmem>>
        %dma_start3A_146 = arith.constant 0 : i32
        %dma_start3A_147 = tpu.memref_slice %arg8[%add3A_101, %dma_start3A_146] : memref<79x128xi32, #tpu.memory_space<vmem>> -> memref<1x128xi32, #tpu.memory_space<vmem>>
        %dma_start3A_148 = tpu.memref_squeeze %dma_start3A_147 : memref<1x128xi32, #tpu.memory_space<vmem>> -> memref<128xi32, #tpu.memory_space<vmem>>
        %dma_start3A_149 = arith.constant 0 : i32
        %dma_start3A_150 = arith.constant 0 : i32
        %dma_start3A_151 = tpu.memref_slice %arg10[%dma_start3A_149, %dma_start3A_150] : memref<10008x16xf32, #tpu.memory_space<vmem_shared>> -> memref<10008x16xf32, #tpu.memory_space<vmem_shared>>
        tpu.enqueue_indirect_dma source(%dma_start3A_145 : memref<128x16xf32, #tpu.memory_space<vmem>>) target(%dma_start3A_151 : memref<10008x16xf32, #tpu.memory_space<vmem_shared>>) offsets(%dma_start3A_148 : memref<128xi32, #tpu.memory_space<vmem>>) semaphore(%arg12 : memref<!tpu.dma_semaphore, #tpu.memory_space<semaphore_mem>>) {add = true}
      } else {
      }
      %add3A_107 = arith.constant 2 : i32
      %add3A_108 = arith.addi %add3A_101, %add3A_107 : i32
      %lt3A_109 = arith.constant 79 : i32
      %lt3A_110 = arith.cmpi slt, %add3A_108, %lt3A_109 : i32
      %convert_element_type3A_111 = arith.extui %lt3A_110 : i1 to i32
      %cond3A_112 = arith.constant 0 : i32
      %cond3A_113 = arith.cmpi ne, %convert_element_type3A_111, %cond3A_112 : i32
      scf.if %cond3A_113 {
        %ge3A = arith.constant 1 : i32
        %ge3A_130 = arith.cmpi sge, %add3A_101, %ge3A : i32
        %convert_element_type3A_131 = arith.extui %ge3A_130 : i1 to i32
        %cond3A_132 = arith.constant 0 : i32
        %cond3A_133 = arith.cmpi ne, %convert_element_type3A_131, %cond3A_132 : i32
        scf.if %cond3A_133 {
          %dma_wait3A_147 = arith.constant 0 : i32
          %dma_wait3A_148 = arith.constant 0 : i32
          %dma_wait3A_149 = arith.constant 0 : i32
          %dma_wait3A_150 = tpu.memref_slice %arg9[%dma_wait3A_147, %dma_wait3A_148, %dma_wait3A_149] : memref<3x128x16xf32, #tpu.memory_space<vmem>> -> memref<1x128x16xf32, #tpu.memory_space<vmem>>
          %dma_wait3A_151 = tpu.memref_squeeze %dma_wait3A_150 : memref<1x128x16xf32, #tpu.memory_space<vmem>> -> memref<128x16xf32, #tpu.memory_space<vmem>>
          %dma_wait3A_152 = arith.constant 0 : i32
          %dma_wait3A_153 = tpu.memref_slice %arg8[%add3A_101, %dma_wait3A_152] : memref<79x128xi32, #tpu.memory_space<vmem>> -> memref<1x128xi32, #tpu.memory_space<vmem>>
          %dma_wait3A_154 = tpu.memref_squeeze %dma_wait3A_153 : memref<1x128xi32, #tpu.memory_space<vmem>> -> memref<128xi32, #tpu.memory_space<vmem>>
          %dma_wait3A_155 = arith.constant 0 : i32
          %dma_wait3A_156 = arith.constant 0 : i32
          %dma_wait3A_157 = tpu.memref_slice %arg10[%dma_wait3A_155, %dma_wait3A_156] : memref<10008x16xf32, #tpu.memory_space<vmem_shared>> -> memref<10008x16xf32, #tpu.memory_space<vmem_shared>>
          tpu.wait_indirect_dma semaphore(%arg11 : memref<!tpu.dma_semaphore, #tpu.memory_space<semaphore_mem>>) src(%dma_wait3A_151 : memref<128x16xf32, #tpu.memory_space<vmem>>) dst(%dma_wait3A_157 : memref<10008x16xf32, #tpu.memory_space<vmem_shared>>)
        } else {
        }
        %add3A_134 = arith.constant 2 : i32
        %add3A_135 = arith.addi %add3A_101, %add3A_134 : i32
        %dma_start3A_136 = arith.constant 0 : i32
        %dma_start3A_137 = arith.constant 0 : i32
        %dma_start3A_138 = arith.constant 0 : i32
        %dma_start3A_139 = tpu.memref_slice %arg9[%dma_start3A_136, %dma_start3A_137, %dma_start3A_138] : memref<3x128x16xf32, #tpu.memory_space<vmem>> -> memref<1x128x16xf32, #tpu.memory_space<vmem>>
        %dma_start3A_140 = tpu.memref_squeeze %dma_start3A_139 : memref<1x128x16xf32, #tpu.memory_space<vmem>> -> memref<128x16xf32, #tpu.memory_space<vmem>>
        %dma_start3A_141 = arith.constant 0 : i32
        %dma_start3A_142 = tpu.memref_slice %arg7[%add3A_135, %dma_start3A_141] : memref<79x128xi32, #tpu.memory_space<vmem>> -> memref<1x128xi32, #tpu.memory_space<vmem>>
        %dma_start3A_143 = tpu.memref_squeeze %dma_start3A_142 : memref<1x128xi32, #tpu.memory_space<vmem>> -> memref<128xi32, #tpu.memory_space<vmem>>
        %dma_start3A_144 = arith.constant 0 : i32
        %dma_start3A_145 = arith.constant 0 : i32
        %dma_start3A_146 = tpu.memref_slice %arg2[%dma_start3A_144, %dma_start3A_145] : memref<80000x16xf32, #tpu.memory_space<hbm>> -> memref<80000x16xf32, #tpu.memory_space<hbm>>
        tpu.enqueue_indirect_dma source(%dma_start3A_146 : memref<80000x16xf32, #tpu.memory_space<hbm>>) target(%dma_start3A_140 : memref<128x16xf32, #tpu.memory_space<vmem>>) offsets(%dma_start3A_143 : memref<128xi32, #tpu.memory_space<vmem>>) semaphore(%arg11 : memref<!tpu.dma_semaphore, #tpu.memory_space<semaphore_mem>>)
      } else {
      }
      %mul3A_114 = arith.constant 3 : i32
      %mul3A_115 = arith.muli %scan3A_81, %mul3A_114 : i32
      %add3A_116 = arith.constant 2 : i32
      %add3A_117 = arith.addi %mul3A_115, %add3A_116 : i32
      %lt3A_118 = arith.constant 79 : i32
      %lt3A_119 = arith.cmpi slt, %add3A_117, %lt3A_118 : i32
      %convert_element_type3A_120 = arith.extui %lt3A_119 : i1 to i32
      %cond3A_121 = arith.constant 0 : i32
      %cond3A_122 = arith.cmpi ne, %convert_element_type3A_120, %cond3A_121 : i32
      scf.if %cond3A_122 {
        %dma_wait3A_130 = arith.constant 2 : i32
        %dma_wait3A_131 = arith.constant 0 : i32
        %dma_wait3A_132 = arith.constant 0 : i32
        %dma_wait3A_133 = tpu.memref_slice %arg9[%dma_wait3A_130, %dma_wait3A_131, %dma_wait3A_132] : memref<3x128x16xf32, #tpu.memory_space<vmem>> -> memref<1x128x16xf32, #tpu.memory_space<vmem>>
        %dma_wait3A_134 = tpu.memref_squeeze %dma_wait3A_133 : memref<1x128x16xf32, #tpu.memory_space<vmem>> -> memref<128x16xf32, #tpu.memory_space<vmem>>
        %dma_wait3A_135 = arith.constant 0 : i32
        %dma_wait3A_136 = tpu.memref_slice %arg7[%add3A_117, %dma_wait3A_135] : memref<79x128xi32, #tpu.memory_space<vmem>> -> memref<1x128xi32, #tpu.memory_space<vmem>>
        %dma_wait3A_137 = tpu.memref_squeeze %dma_wait3A_136 : memref<1x128xi32, #tpu.memory_space<vmem>> -> memref<128xi32, #tpu.memory_space<vmem>>
        %dma_wait3A_138 = arith.constant 0 : i32
        %dma_wait3A_139 = arith.constant 0 : i32
        %dma_wait3A_140 = tpu.memref_slice %arg2[%dma_wait3A_138, %dma_wait3A_139] : memref<80000x16xf32, #tpu.memory_space<hbm>> -> memref<80000x16xf32, #tpu.memory_space<hbm>>
        tpu.wait_indirect_dma semaphore(%arg13 : memref<!tpu.dma_semaphore, #tpu.memory_space<semaphore_mem>>) src(%dma_wait3A_140 : memref<80000x16xf32, #tpu.memory_space<hbm>>) dst(%dma_wait3A_134 : memref<128x16xf32, #tpu.memory_space<vmem>>)
        %dma_start3A_141 = arith.constant 2 : i32
        %dma_start3A_142 = arith.constant 0 : i32
        %dma_start3A_143 = arith.constant 0 : i32
        %dma_start3A_144 = tpu.memref_slice %arg9[%dma_start3A_141, %dma_start3A_142, %dma_start3A_143] : memref<3x128x16xf32, #tpu.memory_space<vmem>> -> memref<1x128x16xf32, #tpu.memory_space<vmem>>
        %dma_start3A_145 = tpu.memref_squeeze %dma_start3A_144 : memref<1x128x16xf32, #tpu.memory_space<vmem>> -> memref<128x16xf32, #tpu.memory_space<vmem>>
        %dma_start3A_146 = arith.constant 0 : i32
        %dma_start3A_147 = tpu.memref_slice %arg8[%add3A_117, %dma_start3A_146] : memref<79x128xi32, #tpu.memory_space<vmem>> -> memref<1x128xi32, #tpu.memory_space<vmem>>
        %dma_start3A_148 = tpu.memref_squeeze %dma_start3A_147 : memref<1x128xi32, #tpu.memory_space<vmem>> -> memref<128xi32, #tpu.memory_space<vmem>>
        %dma_start3A_149 = arith.constant 0 : i32
        %dma_start3A_150 = arith.constant 0 : i32
        %dma_start3A_151 = tpu.memref_slice %arg10[%dma_start3A_149, %dma_start3A_150] : memref<10008x16xf32, #tpu.memory_space<vmem_shared>> -> memref<10008x16xf32, #tpu.memory_space<vmem_shared>>
        tpu.enqueue_indirect_dma source(%dma_start3A_145 : memref<128x16xf32, #tpu.memory_space<vmem>>) target(%dma_start3A_151 : memref<10008x16xf32, #tpu.memory_space<vmem_shared>>) offsets(%dma_start3A_148 : memref<128xi32, #tpu.memory_space<vmem>>) semaphore(%arg13 : memref<!tpu.dma_semaphore, #tpu.memory_space<semaphore_mem>>) {add = true}
      } else {
      }
      %add3A_123 = arith.constant 2 : i32
      %add3A_124 = arith.addi %add3A_117, %add3A_123 : i32
      %lt3A_125 = arith.constant 79 : i32
      %lt3A_126 = arith.cmpi slt, %add3A_124, %lt3A_125 : i32
      %convert_element_type3A_127 = arith.extui %lt3A_126 : i1 to i32
      %cond3A_128 = arith.constant 0 : i32
      %cond3A_129 = arith.cmpi ne, %convert_element_type3A_127, %cond3A_128 : i32
      scf.if %cond3A_129 {
        %ge3A = arith.constant 1 : i32
        %ge3A_130 = arith.cmpi sge, %add3A_117, %ge3A : i32
        %convert_element_type3A_131 = arith.extui %ge3A_130 : i1 to i32
        %cond3A_132 = arith.constant 0 : i32
        %cond3A_133 = arith.cmpi ne, %convert_element_type3A_131, %cond3A_132 : i32
        scf.if %cond3A_133 {
          %dma_wait3A_147 = arith.constant 1 : i32
          %dma_wait3A_148 = arith.constant 0 : i32
          %dma_wait3A_149 = arith.constant 0 : i32
          %dma_wait3A_150 = tpu.memref_slice %arg9[%dma_wait3A_147, %dma_wait3A_148, %dma_wait3A_149] : memref<3x128x16xf32, #tpu.memory_space<vmem>> -> memref<1x128x16xf32, #tpu.memory_space<vmem>>
          %dma_wait3A_151 = tpu.memref_squeeze %dma_wait3A_150 : memref<1x128x16xf32, #tpu.memory_space<vmem>> -> memref<128x16xf32, #tpu.memory_space<vmem>>
          %dma_wait3A_152 = arith.constant 0 : i32
          %dma_wait3A_153 = tpu.memref_slice %arg8[%add3A_117, %dma_wait3A_152] : memref<79x128xi32, #tpu.memory_space<vmem>> -> memref<1x128xi32, #tpu.memory_space<vmem>>
          %dma_wait3A_154 = tpu.memref_squeeze %dma_wait3A_153 : memref<1x128xi32, #tpu.memory_space<vmem>> -> memref<128xi32, #tpu.memory_space<vmem>>
          %dma_wait3A_155 = arith.constant 0 : i32
          %dma_wait3A_156 = arith.constant 0 : i32
          %dma_wait3A_157 = tpu.memref_slice %arg10[%dma_wait3A_155, %dma_wait3A_156] : memref<10008x16xf32, #tpu.memory_space<vmem_shared>> -> memref<10008x16xf32, #tpu.memory_space<vmem_shared>>
          tpu.wait_indirect_dma semaphore(%arg12 : memref<!tpu.dma_semaphore, #tpu.memory_space<semaphore_mem>>) src(%dma_wait3A_151 : memref<128x16xf32, #tpu.memory_space<vmem>>) dst(%dma_wait3A_157 : memref<10008x16xf32, #tpu.memory_space<vmem_shared>>)
        } else {
        }
        %add3A_134 = arith.constant 2 : i32
        %add3A_135 = arith.addi %add3A_117, %add3A_134 : i32
        %dma_start3A_136 = arith.constant 1 : i32
        %dma_start3A_137 = arith.constant 0 : i32
        %dma_start3A_138 = arith.constant 0 : i32
        %dma_start3A_139 = tpu.memref_slice %arg9[%dma_start3A_136, %dma_start3A_137, %dma_start3A_138] : memref<3x128x16xf32, #tpu.memory_space<vmem>> -> memref<1x128x16xf32, #tpu.memory_space<vmem>>
        %dma_start3A_140 = tpu.memref_squeeze %dma_start3A_139 : memref<1x128x16xf32, #tpu.memory_space<vmem>> -> memref<128x16xf32, #tpu.memory_space<vmem>>
        %dma_start3A_141 = arith.constant 0 : i32
        %dma_start3A_142 = tpu.memref_slice %arg7[%add3A_135, %dma_start3A_141] : memref<79x128xi32, #tpu.memory_space<vmem>> -> memref<1x128xi32, #tpu.memory_space<vmem>>
        %dma_start3A_143 = tpu.memref_squeeze %dma_start3A_142 : memref<1x128xi32, #tpu.memory_space<vmem>> -> memref<128xi32, #tpu.memory_space<vmem>>
        %dma_start3A_144 = arith.constant 0 : i32
        %dma_start3A_145 = arith.constant 0 : i32
        %dma_start3A_146 = tpu.memref_slice %arg2[%dma_start3A_144, %dma_start3A_145] : memref<80000x16xf32, #tpu.memory_space<hbm>> -> memref<80000x16xf32, #tpu.memory_space<hbm>>
        tpu.enqueue_indirect_dma source(%dma_start3A_146 : memref<80000x16xf32, #tpu.memory_space<hbm>>) target(%dma_start3A_140 : memref<128x16xf32, #tpu.memory_space<vmem>>) offsets(%dma_start3A_143 : memref<128xi32, #tpu.memory_space<vmem>>) semaphore(%arg12 : memref<!tpu.dma_semaphore, #tpu.memory_space<semaphore_mem>>)
      } else {
      }
    }
    %scan3A_34 = arith.constant 27 : i32
    %dma_wait3A = arith.constant 0 : i32
    %dma_wait3A_35 = arith.constant 78 : i32
    %dma_wait3A_36 = arith.constant 0 : i32
    %dma_wait3A_37 = arith.constant 0 : i32
    %dma_wait3A_38 = tpu.memref_slice %arg9[%dma_wait3A, %dma_wait3A_36, %dma_wait3A_37] : memref<3x128x16xf32, #tpu.memory_space<vmem>> -> memref<1x128x16xf32, #tpu.memory_space<vmem>>
    %dma_wait3A_39 = tpu.memref_squeeze %dma_wait3A_38 : memref<1x128x16xf32, #tpu.memory_space<vmem>> -> memref<128x16xf32, #tpu.memory_space<vmem>>
    %dma_wait3A_40 = arith.constant 0 : i32
    %dma_wait3A_41 = tpu.memref_slice %arg8[%dma_wait3A_35, %dma_wait3A_40] : memref<79x128xi32, #tpu.memory_space<vmem>> -> memref<1x128xi32, #tpu.memory_space<vmem>>
    %dma_wait3A_42 = tpu.memref_squeeze %dma_wait3A_41 : memref<1x128xi32, #tpu.memory_space<vmem>> -> memref<128xi32, #tpu.memory_space<vmem>>
    %dma_wait3A_43 = arith.constant 0 : i32
    %dma_wait3A_44 = arith.constant 0 : i32
    %dma_wait3A_45 = tpu.memref_slice %arg10[%dma_wait3A_43, %dma_wait3A_44] : memref<10008x16xf32, #tpu.memory_space<vmem_shared>> -> memref<10008x16xf32, #tpu.memory_space<vmem_shared>>
    tpu.wait_indirect_dma semaphore(%arg11 : memref<!tpu.dma_semaphore, #tpu.memory_space<semaphore_mem>>) src(%dma_wait3A_39 : memref<128x16xf32, #tpu.memory_space<vmem>>) dst(%dma_wait3A_45 : memref<10008x16xf32, #tpu.memory_space<vmem_shared>>)
    %dma_wait3A_46 = arith.constant 1 : i32
    %dma_wait3A_47 = arith.constant 78 : i32
    %dma_wait3A_48 = arith.constant 0 : i32
    %dma_wait3A_49 = arith.constant 0 : i32
    %dma_wait3A_50 = tpu.memref_slice %arg9[%dma_wait3A_46, %dma_wait3A_48, %dma_wait3A_49] : memref<3x128x16xf32, #tpu.memory_space<vmem>> -> memref<1x128x16xf32, #tpu.memory_space<vmem>>
    %dma_wait3A_51 = tpu.memref_squeeze %dma_wait3A_50 : memref<1x128x16xf32, #tpu.memory_space<vmem>> -> memref<128x16xf32, #tpu.memory_space<vmem>>
    %dma_wait3A_52 = arith.constant 0 : i32
    %dma_wait3A_53 = tpu.memref_slice %arg8[%dma_wait3A_47, %dma_wait3A_52] : memref<79x128xi32, #tpu.memory_space<vmem>> -> memref<1x128xi32, #tpu.memory_space<vmem>>
    %dma_wait3A_54 = tpu.memref_squeeze %dma_wait3A_53 : memref<1x128xi32, #tpu.memory_space<vmem>> -> memref<128xi32, #tpu.memory_space<vmem>>
    %dma_wait3A_55 = arith.constant 0 : i32
    %dma_wait3A_56 = arith.constant 0 : i32
    %dma_wait3A_57 = tpu.memref_slice %arg10[%dma_wait3A_55, %dma_wait3A_56] : memref<10008x16xf32, #tpu.memory_space<vmem_shared>> -> memref<10008x16xf32, #tpu.memory_space<vmem_shared>>
    tpu.wait_indirect_dma semaphore(%arg12 : memref<!tpu.dma_semaphore, #tpu.memory_space<semaphore_mem>>) src(%dma_wait3A_51 : memref<128x16xf32, #tpu.memory_space<vmem>>) dst(%dma_wait3A_57 : memref<10008x16xf32, #tpu.memory_space<vmem_shared>>)
    %dma_wait3A_58 = arith.constant 2 : i32
    %dma_wait3A_59 = arith.constant 78 : i32
    %dma_wait3A_60 = arith.constant 0 : i32
    %dma_wait3A_61 = arith.constant 0 : i32
    %dma_wait3A_62 = tpu.memref_slice %arg9[%dma_wait3A_58, %dma_wait3A_60, %dma_wait3A_61] : memref<3x128x16xf32, #tpu.memory_space<vmem>> -> memref<1x128x16xf32, #tpu.memory_space<vmem>>
    %dma_wait3A_63 = tpu.memref_squeeze %dma_wait3A_62 : memref<1x128x16xf32, #tpu.memory_space<vmem>> -> memref<128x16xf32, #tpu.memory_space<vmem>>
    %dma_wait3A_64 = arith.constant 0 : i32
    %dma_wait3A_65 = tpu.memref_slice %arg8[%dma_wait3A_59, %dma_wait3A_64] : memref<79x128xi32, #tpu.memory_space<vmem>> -> memref<1x128xi32, #tpu.memory_space<vmem>>
    %dma_wait3A_66 = tpu.memref_squeeze %dma_wait3A_65 : memref<1x128xi32, #tpu.memory_space<vmem>> -> memref<128xi32, #tpu.memory_space<vmem>>
    %dma_wait3A_67 = arith.constant 0 : i32
    %dma_wait3A_68 = arith.constant 0 : i32
    %dma_wait3A_69 = tpu.memref_slice %arg10[%dma_wait3A_67, %dma_wait3A_68] : memref<10008x16xf32, #tpu.memory_space<vmem_shared>> -> memref<10008x16xf32, #tpu.memory_space<vmem_shared>>
    tpu.wait_indirect_dma semaphore(%arg13 : memref<!tpu.dma_semaphore, #tpu.memory_space<semaphore_mem>>) src(%dma_wait3A_63 : memref<128x16xf32, #tpu.memory_space<vmem>>) dst(%dma_wait3A_69 : memref<10008x16xf32, #tpu.memory_space<vmem_shared>>)
    %barrier3A_70 = arith.constant 0 : index
    tpu.barrier barrier_id(%barrier3A_70)
    %lt3A_71 = arith.constant 15 : i32
    %lt3A_72 = arith.cmpi slt, %arg1, %lt3A_71 : i32
    %convert_element_type3A_73 = arith.extui %lt3A_72 : i1 to i32
    %cond3A_74 = arith.constant 0 : i32
    %cond3A_75 = arith.cmpi ne, %convert_element_type3A_73, %cond3A_74 : i32
    scf.if %cond3A_75 {
      %mul3A_81 = arith.constant 624 : i32
      %mul3A_82 = arith.muli %arg1, %mul3A_81 : i32
      %multiple_of3A = tpu.assume_multiple %mul3A_82, 8 : i32
      "tpu.region"() ({
        %run_scoped3A = tpu.sem_alloc : memref<!tpu.dma_semaphore, #tpu.memory_space<semaphore_mem>>
        %dma_start3A_83 = arith.constant 0 : i32
        %dma_start3A_84 = tpu.memref_slice %arg6[%arg0, %multiple_of3A, %dma_start3A_83] : memref<2x10000x16xf32, #tpu.memory_space<hbm>> -> memref<1x624x16xf32, #tpu.memory_space<hbm>>
        %dma_start3A_85 = tpu.memref_squeeze %dma_start3A_84 : memref<1x624x16xf32, #tpu.memory_space<hbm>> -> memref<624x16xf32, #tpu.memory_space<hbm>>
        %dma_start3A_86 = arith.constant 0 : i32
        %dma_start3A_87 = tpu.memref_slice %arg10[%multiple_of3A, %dma_start3A_86] : memref<10008x16xf32, #tpu.memory_space<vmem_shared>> -> memref<624x16xf32, #tpu.memory_space<vmem_shared>>
        tpu.enqueue_dma source(%dma_start3A_87 : memref<624x16xf32, #tpu.memory_space<vmem_shared>>) target(%dma_start3A_85 : memref<624x16xf32, #tpu.memory_space<hbm>>) target_semaphore(%run_scoped3A : memref<!tpu.dma_semaphore, #tpu.memory_space<semaphore_mem>>)
        %dma_wait3A_88 = arith.constant 0 : i32
        %dma_wait3A_89 = tpu.memref_slice %arg6[%arg0, %multiple_of3A, %dma_wait3A_88] : memref<2x10000x16xf32, #tpu.memory_space<hbm>> -> memref<1x624x16xf32, #tpu.memory_space<hbm>>
        %dma_wait3A_90 = tpu.memref_squeeze %dma_wait3A_89 : memref<1x624x16xf32, #tpu.memory_space<hbm>> -> memref<624x16xf32, #tpu.memory_space<hbm>>
        %dma_wait3A_91 = arith.constant 0 : i32
        %dma_wait3A_92 = tpu.memref_slice %arg10[%multiple_of3A, %dma_wait3A_91] : memref<10008x16xf32, #tpu.memory_space<vmem_shared>> -> memref<624x16xf32, #tpu.memory_space<vmem_shared>>
        tpu.wait_dma2 semaphore(%run_scoped3A : memref<!tpu.dma_semaphore, #tpu.memory_space<semaphore_mem>>) src(%dma_wait3A_92 : memref<624x16xf32, #tpu.memory_space<vmem_shared>>) dst(%dma_wait3A_90 : memref<624x16xf32, #tpu.memory_space<hbm>>)
        tpu.yield
      }) : () -> ()
    } else {
    }
    %eq3A_76 = arith.constant 15 : i32
    %eq3A_77 = arith.cmpi eq, %arg1, %eq3A_76 : i32
    %convert_element_type3A_78 = arith.extui %eq3A_77 : i1 to i32
    %cond3A_79 = arith.constant 0 : i32
    %cond3A_80 = arith.cmpi ne, %convert_element_type3A_78, %cond3A_79 : i32
    scf.if %cond3A_80 {
      %multiple_of3A = arith.constant 9360 : i32
      %multiple_of3A_81 = tpu.assume_multiple %multiple_of3A, 8 : i32
      "tpu.region"() ({
        %run_scoped3A = tpu.sem_alloc : memref<!tpu.dma_semaphore, #tpu.memory_space<semaphore_mem>>
        %dma_start3A_82 = arith.constant 0 : i32
        %dma_start3A_83 = tpu.memref_slice %arg6[%arg0, %multiple_of3A_81, %dma_start3A_82] : memref<2x10000x16xf32, #tpu.memory_space<hbm>> -> memref<1x640x16xf32, #tpu.memory_space<hbm>>
        %dma_start3A_84 = tpu.memref_squeeze %dma_start3A_83 : memref<1x640x16xf32, #tpu.memory_space<hbm>> -> memref<640x16xf32, #tpu.memory_space<hbm>>
        %dma_start3A_85 = arith.constant 0 : i32
        %dma_start3A_86 = tpu.memref_slice %arg10[%multiple_of3A_81, %dma_start3A_85] : memref<10008x16xf32, #tpu.memory_space<vmem_shared>> -> memref<640x16xf32, #tpu.memory_space<vmem_shared>>
        tpu.enqueue_dma source(%dma_start3A_86 : memref<640x16xf32, #tpu.memory_space<vmem_shared>>) target(%dma_start3A_84 : memref<640x16xf32, #tpu.memory_space<hbm>>) target_semaphore(%run_scoped3A : memref<!tpu.dma_semaphore, #tpu.memory_space<semaphore_mem>>)
        %dma_wait3A_87 = arith.constant 0 : i32
        %dma_wait3A_88 = tpu.memref_slice %arg6[%arg0, %multiple_of3A_81, %dma_wait3A_87] : memref<2x10000x16xf32, #tpu.memory_space<hbm>> -> memref<1x640x16xf32, #tpu.memory_space<hbm>>
        %dma_wait3A_89 = tpu.memref_squeeze %dma_wait3A_88 : memref<1x640x16xf32, #tpu.memory_space<hbm>> -> memref<640x16xf32, #tpu.memory_space<hbm>>
        %dma_wait3A_90 = arith.constant 0 : i32
        %dma_wait3A_91 = tpu.memref_slice %arg10[%multiple_of3A_81, %dma_wait3A_90] : memref<10008x16xf32, #tpu.memory_space<vmem_shared>> -> memref<640x16xf32, #tpu.memory_space<vmem_shared>>
        tpu.wait_dma2 semaphore(%run_scoped3A : memref<!tpu.dma_semaphore, #tpu.memory_space<semaphore_mem>>) src(%dma_wait3A_91 : memref<640x16xf32, #tpu.memory_space<vmem_shared>>) dst(%dma_wait3A_89 : memref<640x16xf32, #tpu.memory_space<hbm>>)
        tpu.yield
      }) : () -> ()
    } else {
    }
    return
  }
}

module attributes {stable_mosaic.version = 14 : i64} {
  func.func @_gidx_body(%arg0: i32, %arg1: memref<2500x128xi32, #tpu.memory_space<vmem>>, %arg2: memref<2500x128xi32, #tpu.memory_space<vmem>>, %arg3: memref<2500x128xi32, #tpu.memory_space<vmem>>, %arg4: memref<2500x128xi32, #tpu.memory_space<vmem>>) attributes {dimension_semantics = [#tpu.dimension_semantics<arbitrary>], iteration_bounds = array<i64: 1>, scalar_prefetch = 0 : i64, scratch_operands = 0 : i64, tpu.core_type = #tpu.core_type<tc>, window_params = [{pipeline_mode = #tpu.pipeline_mode<synchronous>, transform_indices = @transform_0, window_bounds = array<i64: 2500, 128>}, {pipeline_mode = #tpu.pipeline_mode<synchronous>, transform_indices = @transform_1, window_bounds = array<i64: 2500, 128>}, {pipeline_mode = #tpu.pipeline_mode<synchronous>, transform_indices = @transform_2, window_bounds = array<i64: 2500, 128>}, {pipeline_mode = #tpu.pipeline_mode<synchronous>, transform_indices = @transform_3, window_bounds = array<i64: 2500, 128>}]} {
    %get3A = arith.constant 0 : index
    %get3A_0 = arith.constant 0 : index
    %get3A_1 = vector.load %arg1[%get3A, %get3A_0] : memref<2500x128xi32, #tpu.memory_space<vmem>>, vector<2500x128xi32>
    %mul3A = arith.constant 10000 : i32
    %mul3A_2 = vector.broadcast %mul3A : i32 to vector<2500x128xi32>
    %mul3A_3 = arith.muli %get3A_1, %mul3A_2 : vector<2500x128xi32>
    %get3A_4 = arith.constant 0 : index
    %get3A_5 = arith.constant 0 : index
    %get3A_6 = vector.load %arg2[%get3A_4, %get3A_5] : memref<2500x128xi32, #tpu.memory_space<vmem>>, vector<2500x128xi32>
    %add3A = arith.addi %mul3A_3, %get3A_6 : vector<2500x128xi32>
    %swap3A = arith.constant 0 : index
    %swap3A_7 = arith.constant 0 : index
    %swap3A_8 = vector.load %arg3[%swap3A, %swap3A_7] : memref<2500x128xi32, #tpu.memory_space<vmem>>, vector<2500x128xi32>
    tpu.vector_store %arg3[%swap3A, %swap3A_7], %add3A {strides = array<i32>} : memref<2500x128xi32, #tpu.memory_space<vmem>>, vector<2500x128xi32>,
    %get3A_9 = arith.constant 0 : index
    %get3A_10 = arith.constant 0 : index
    %get3A_11 = vector.load %arg2[%get3A_9, %get3A_10] : memref<2500x128xi32, #tpu.memory_space<vmem>>, vector<2500x128xi32>
    %mul3A_12 = arith.constant 8 : i32
    %mul3A_13 = vector.broadcast %mul3A_12 : i32 to vector<2500x128xi32>
    %mul3A_14 = arith.muli %get3A_11, %mul3A_13 : vector<2500x128xi32>
    %get3A_15 = arith.constant 0 : index
    %get3A_16 = arith.constant 0 : index
    %get3A_17 = vector.load %arg1[%get3A_15, %get3A_16] : memref<2500x128xi32, #tpu.memory_space<vmem>>, vector<2500x128xi32>
    %add3A_18 = arith.addi %mul3A_14, %get3A_17 : vector<2500x128xi32>
    %swap3A_19 = arith.constant 0 : index
    %swap3A_20 = arith.constant 0 : index
    %swap3A_21 = vector.load %arg4[%swap3A_19, %swap3A_20] : memref<2500x128xi32, #tpu.memory_space<vmem>>, vector<2500x128xi32>
    tpu.vector_store %arg4[%swap3A_19, %swap3A_20], %add3A_18 {strides = array<i32>} : memref<2500x128xi32, #tpu.memory_space<vmem>>, vector<2500x128xi32>,
    return
  }
  func.func @transform_0(%arg0: i32) -> (i32, i32) {
    %c0_i32 = arith.constant 0 : i32
    %c0_i32_0 = arith.constant 0 : i32
    %c0_i32_1 = arith.constant 0 : i32
    return %c0_i32, %c0_i32_0 : i32, i32
  }
  func.func @transform_1(%arg0: i32) -> (i32, i32) {
    %c0_i32 = arith.constant 0 : i32
    %c0_i32_0 = arith.constant 0 : i32
    %c0_i32_1 = arith.constant 0 : i32
    return %c0_i32, %c0_i32_0 : i32, i32
  }
  func.func @transform_2(%arg0: i32) -> (i32, i32) {
    %c0_i32 = arith.constant 0 : i32
    %c0_i32_0 = arith.constant 0 : i32
    %c0_i32_1 = arith.constant 0 : i32
    return %c0_i32, %c0_i32_0 : i32, i32
  }
  func.func @transform_3(%arg0: i32) -> (i32, i32) {
    %c0_i32 = arith.constant 0 : i32
    %c0_i32_0 = arith.constant 0 : i32
    %c0_i32_1 = arith.constant 0 : i32
    return %c0_i32, %c0_i32_0 : i32, i32
  }
}

module attributes {stable_mosaic.version = 14 : i64} {
  func.func @_l1_body(%arg0: i32, %arg1: memref<1000x128xf32, #tpu.memory_space<vmem>>, %arg2: memref<4x128x128xf32, #tpu.memory_space<vmem>>, %arg3: memref<8x4xf32, #tpu.memory_space<vmem>>, %arg4: memref<128x128xf32, #tpu.memory_space<vmem>>, %arg5: memref<1x128xf32, #tpu.memory_space<vmem>>, %arg6: memref<8x1000x128xf32, #tpu.memory_space<vmem>>, %arg7: memref<1000x128xf32, #tpu.memory_space<vmem>>) attributes {dimension_semantics = [#tpu.dimension_semantics<arbitrary>], iteration_bounds = array<i64: 10>, scalar_prefetch = 0 : i64, scratch_operands = 0 : i64, tpu.core_type = #tpu.core_type<tc>, window_params = [{transform_indices = @transform_0, window_bounds = array<i64: 1000, 128>}, {pipeline_mode = #tpu.pipeline_mode<synchronous>, transform_indices = @transform_1, window_bounds = array<i64: 4, 128, 128>}, {pipeline_mode = #tpu.pipeline_mode<synchronous>, transform_indices = @transform_2, window_bounds = array<i64: 8, 4>}, {pipeline_mode = #tpu.pipeline_mode<synchronous>, transform_indices = @transform_3, window_bounds = array<i64: 128, 128>}, {pipeline_mode = #tpu.pipeline_mode<synchronous>, transform_indices = @transform_4, window_bounds = array<i64: 1, 128>}, {transform_indices = @transform_5, window_bounds = array<i64: 8, 1000, 128>}, {transform_indices = @transform_6, window_bounds = array<i64: 1000, 128>}]} {
    %get3A = arith.constant 0 : index
    %get3A_0 = arith.constant 0 : index
    %get3A_1 = vector.load %arg1[%get3A, %get3A_0] : memref<1000x128xf32, #tpu.memory_space<vmem>>, vector<1000x128xf32>
    %get3A_2 = arith.constant 0 : index
    %get3A_3 = arith.constant 0 : index
    %get3A_4 = vector.load %arg3[%get3A_2, %get3A_3] : memref<8x4xf32, #tpu.memory_space<vmem>>, vector<1x1xf32>
    %get3A_5 = vector.extract %get3A_4[0, 0] : f32 from vector<1x1xf32>
    %get3A_6 = arith.constant 0 : index
    %get3A_7 = arith.constant 0 : index
    %get3A_8 = arith.constant 0 : index
    %get3A_9 = vector.load %arg2[%get3A_6, %get3A_7, %get3A_8] : memref<4x128x128xf32, #tpu.memory_space<vmem>>, vector<1x128x128xf32>
    %get3A_10 = vector.shape_cast %get3A_9 : vector<1x128x128xf32> to vector<128x128xf32>
    %mul3A = vector.broadcast %get3A_5 : f32 to vector<128x128xf32>
    %mul3A_11 = arith.mulf %mul3A, %get3A_10 : vector<128x128xf32>
    %get3A_12 = arith.constant 0 : index
    %get3A_13 = arith.constant 1 : index
    %get3A_14 = vector.load %arg3[%get3A_12, %get3A_13] : memref<8x4xf32, #tpu.memory_space<vmem>>, vector<1x1xf32>
    %get3A_15 = vector.extract %get3A_14[0, 0] : f32 from vector<1x1xf32>
    %get3A_16 = arith.constant 1 : index
    %get3A_17 = arith.constant 0 : index
    %get3A_18 = arith.constant 0 : index
    %get3A_19 = vector.load %arg2[%get3A_16, %get3A_17, %get3A_18] : memref<4x128x128xf32, #tpu.memory_space<vmem>>, vector<1x128x128xf32>
    %get3A_20 = vector.shape_cast %get3A_19 : vector<1x128x128xf32> to vector<128x128xf32>
    %mul3A_21 = vector.broadcast %get3A_15 : f32 to vector<128x128xf32>
    %mul3A_22 = arith.mulf %mul3A_21, %get3A_20 : vector<128x128xf32>
    %add3A = arith.addf %mul3A_11, %mul3A_22 : vector<128x128xf32>
    %get3A_23 = arith.constant 0 : index
    %get3A_24 = arith.constant 2 : index
    %get3A_25 = vector.load %arg3[%get3A_23, %get3A_24] : memref<8x4xf32, #tpu.memory_space<vmem>>, vector<1x1xf32>
    %get3A_26 = vector.extract %get3A_25[0, 0] : f32 from vector<1x1xf32>
    %get3A_27 = arith.constant 2 : index
    %get3A_28 = arith.constant 0 : index
    %get3A_29 = arith.constant 0 : index
    %get3A_30 = vector.load %arg2[%get3A_27, %get3A_28, %get3A_29] : memref<4x128x128xf32, #tpu.memory_space<vmem>>, vector<1x128x128xf32>
    %get3A_31 = vector.shape_cast %get3A_30 : vector<1x128x128xf32> to vector<128x128xf32>
    %mul3A_32 = vector.broadcast %get3A_26 : f32 to vector<128x128xf32>
    %mul3A_33 = arith.mulf %mul3A_32, %get3A_31 : vector<128x128xf32>
    %add3A_34 = arith.addf %add3A, %mul3A_33 : vector<128x128xf32>
    %get3A_35 = arith.constant 0 : index
    %get3A_36 = arith.constant 3 : index
    %get3A_37 = vector.load %arg3[%get3A_35, %get3A_36] : memref<8x4xf32, #tpu.memory_space<vmem>>, vector<1x1xf32>
    %get3A_38 = vector.extract %get3A_37[0, 0] : f32 from vector<1x1xf32>
    %get3A_39 = arith.constant 3 : index
    %get3A_40 = arith.constant 0 : index
    %get3A_41 = arith.constant 0 : index
    %get3A_42 = vector.load %arg2[%get3A_39, %get3A_40, %get3A_41] : memref<4x128x128xf32, #tpu.memory_space<vmem>>, vector<1x128x128xf32>
    %get3A_43 = vector.shape_cast %get3A_42 : vector<1x128x128xf32> to vector<128x128xf32>
    %mul3A_44 = vector.broadcast %get3A_38 : f32 to vector<128x128xf32>
    %mul3A_45 = arith.mulf %mul3A_44, %get3A_43 : vector<128x128xf32>
    %add3A_46 = arith.addf %add3A_34, %mul3A_45 : vector<128x128xf32>
    %dot_general3A = arith.constant dense<0.000000e+00> : vector<1000x128xf32>
    %dot_general3A_47 = tpu.matmul %get3A_1, %add3A_46, %dot_general3A {dimension_numbers = #tpu.dot_dimension_numbers<[1], [0], [0], [1], [0, 0, 1, 1], [], []>, transpose_lhs_hint = false} : vector<1000x128xf32>, vector<128x128xf32>, vector<1000x128xf32> -> vector<1000x128xf32>
    %swap3A = arith.constant 0 : index
    %swap3A_48 = arith.constant 0 : index
    %swap3A_49 = arith.constant 0 : index
    %swap3A_50 = vector.load %arg6[%swap3A, %swap3A_48, %swap3A_49] : memref<8x1000x128xf32, #tpu.memory_space<vmem>>, vector<1x1000x128xf32>
    %swap3A_51 = vector.shape_cast %swap3A_50 : vector<1x1000x128xf32> to vector<1000x128xf32>
    %swap3A_52 = vector.shape_cast %dot_general3A_47 : vector<1000x128xf32> to vector<1x1000x128xf32>
    tpu.vector_store %arg6[%swap3A, %swap3A_48, %swap3A_49], %swap3A_52 {strides = array<i32>} : memref<8x1000x128xf32, #tpu.memory_space<vmem>>, vector<1x1000x128xf32>,
    %get3A_53 = arith.constant 1 : index
    %get3A_54 = arith.constant 0 : index
    %get3A_55 = vector.load %arg3[%get3A_53, %get3A_54] : memref<8x4xf32, #tpu.memory_space<vmem>>, vector<1x1xf32>
    %get3A_56 = vector.extract %get3A_55[0, 0] : f32 from vector<1x1xf32>
    %get3A_57 = arith.constant 0 : index
    %get3A_58 = arith.constant 0 : index
    %get3A_59 = arith.constant 0 : index
    %get3A_60 = vector.load %arg2[%get3A_57, %get3A_58, %get3A_59] : memref<4x128x128xf32, #tpu.memory_space<vmem>>, vector<1x128x128xf32>
    %get3A_61 = vector.shape_cast %get3A_60 : vector<1x128x128xf32> to vector<128x128xf32>
    %mul3A_62 = vector.broadcast %get3A_56 : f32 to vector<128x128xf32>
    %mul3A_63 = arith.mulf %mul3A_62, %get3A_61 : vector<128x128xf32>
    %get3A_64 = arith.constant 1 : index
    %get3A_65 = arith.constant 1 : index
    %get3A_66 = vector.load %arg3[%get3A_64, %get3A_65] : memref<8x4xf32, #tpu.memory_space<vmem>>, vector<1x1xf32>
    %get3A_67 = vector.extract %get3A_66[0, 0] : f32 from vector<1x1xf32>
    %get3A_68 = arith.constant 1 : index
    %get3A_69 = arith.constant 0 : index
    %get3A_70 = arith.constant 0 : index
    %get3A_71 = vector.load %arg2[%get3A_68, %get3A_69, %get3A_70] : memref<4x128x128xf32, #tpu.memory_space<vmem>>, vector<1x128x128xf32>
    %get3A_72 = vector.shape_cast %get3A_71 : vector<1x128x128xf32> to vector<128x128xf32>
    %mul3A_73 = vector.broadcast %get3A_67 : f32 to vector<128x128xf32>
    %mul3A_74 = arith.mulf %mul3A_73, %get3A_72 : vector<128x128xf32>
    %add3A_75 = arith.addf %mul3A_63, %mul3A_74 : vector<128x128xf32>
    %get3A_76 = arith.constant 1 : index
    %get3A_77 = arith.constant 2 : index
    %get3A_78 = vector.load %arg3[%get3A_76, %get3A_77] : memref<8x4xf32, #tpu.memory_space<vmem>>, vector<1x1xf32>
    %get3A_79 = vector.extract %get3A_78[0, 0] : f32 from vector<1x1xf32>
    %get3A_80 = arith.constant 2 : index
    %get3A_81 = arith.constant 0 : index
    %get3A_82 = arith.constant 0 : index
    %get3A_83 = vector.load %arg2[%get3A_80, %get3A_81, %get3A_82] : memref<4x128x128xf32, #tpu.memory_space<vmem>>, vector<1x128x128xf32>
    %get3A_84 = vector.shape_cast %get3A_83 : vector<1x128x128xf32> to vector<128x128xf32>
    %mul3A_85 = vector.broadcast %get3A_79 : f32 to vector<128x128xf32>
    %mul3A_86 = arith.mulf %mul3A_85, %get3A_84 : vector<128x128xf32>
    %add3A_87 = arith.addf %add3A_75, %mul3A_86 : vector<128x128xf32>
    %get3A_88 = arith.constant 1 : index
    %get3A_89 = arith.constant 3 : index
    %get3A_90 = vector.load %arg3[%get3A_88, %get3A_89] : memref<8x4xf32, #tpu.memory_space<vmem>>, vector<1x1xf32>
    %get3A_91 = vector.extract %get3A_90[0, 0] : f32 from vector<1x1xf32>
    %get3A_92 = arith.constant 3 : index
    %get3A_93 = arith.constant 0 : index
    %get3A_94 = arith.constant 0 : index
    %get3A_95 = vector.load %arg2[%get3A_92, %get3A_93, %get3A_94] : memref<4x128x128xf32, #tpu.memory_space<vmem>>, vector<1x128x128xf32>
    %get3A_96 = vector.shape_cast %get3A_95 : vector<1x128x128xf32> to vector<128x128xf32>
    %mul3A_97 = vector.broadcast %get3A_91 : f32 to vector<128x128xf32>
    %mul3A_98 = arith.mulf %mul3A_97, %get3A_96 : vector<128x128xf32>
    %add3A_99 = arith.addf %add3A_87, %mul3A_98 : vector<128x128xf32>
    %dot_general3A_100 = arith.constant dense<0.000000e+00> : vector<1000x128xf32>
    %dot_general3A_101 = tpu.matmul %get3A_1, %add3A_99, %dot_general3A_100 {dimension_numbers = #tpu.dot_dimension_numbers<[1], [0], [0], [1], [0, 0, 1, 1], [], []>, transpose_lhs_hint = false} : vector<1000x128xf32>, vector<128x128xf32>, vector<1000x128xf32> -> vector<1000x128xf32>
    %swap3A_102 = arith.constant 1 : index
    %swap3A_103 = arith.constant 0 : index
    %swap3A_104 = arith.constant 0 : index
    %swap3A_105 = vector.load %arg6[%swap3A_102, %swap3A_103, %swap3A_104] : memref<8x1000x128xf32, #tpu.memory_space<vmem>>, vector<1x1000x128xf32>
    %swap3A_106 = vector.shape_cast %swap3A_105 : vector<1x1000x128xf32> to vector<1000x128xf32>
    %swap3A_107 = vector.shape_cast %dot_general3A_101 : vector<1000x128xf32> to vector<1x1000x128xf32>
    tpu.vector_store %arg6[%swap3A_102, %swap3A_103, %swap3A_104], %swap3A_107 {strides = array<i32>} : memref<8x1000x128xf32, #tpu.memory_space<vmem>>, vector<1x1000x128xf32>,
    %get3A_108 = arith.constant 2 : index
    %get3A_109 = arith.constant 0 : index
    %get3A_110 = vector.load %arg3[%get3A_108, %get3A_109] : memref<8x4xf32, #tpu.memory_space<vmem>>, vector<1x1xf32>
    %get3A_111 = vector.extract %get3A_110[0, 0] : f32 from vector<1x1xf32>
    %get3A_112 = arith.constant 0 : index
    %get3A_113 = arith.constant 0 : index
    %get3A_114 = arith.constant 0 : index
    %get3A_115 = vector.load %arg2[%get3A_112, %get3A_113, %get3A_114] : memref<4x128x128xf32, #tpu.memory_space<vmem>>, vector<1x128x128xf32>
    %get3A_116 = vector.shape_cast %get3A_115 : vector<1x128x128xf32> to vector<128x128xf32>
    %mul3A_117 = vector.broadcast %get3A_111 : f32 to vector<128x128xf32>
    %mul3A_118 = arith.mulf %mul3A_117, %get3A_116 : vector<128x128xf32>
    %get3A_119 = arith.constant 2 : index
    %get3A_120 = arith.constant 1 : index
    %get3A_121 = vector.load %arg3[%get3A_119, %get3A_120] : memref<8x4xf32, #tpu.memory_space<vmem>>, vector<1x1xf32>
    %get3A_122 = vector.extract %get3A_121[0, 0] : f32 from vector<1x1xf32>
    %get3A_123 = arith.constant 1 : index
    %get3A_124 = arith.constant 0 : index
    %get3A_125 = arith.constant 0 : index
    %get3A_126 = vector.load %arg2[%get3A_123, %get3A_124, %get3A_125] : memref<4x128x128xf32, #tpu.memory_space<vmem>>, vector<1x128x128xf32>
    %get3A_127 = vector.shape_cast %get3A_126 : vector<1x128x128xf32> to vector<128x128xf32>
    %mul3A_128 = vector.broadcast %get3A_122 : f32 to vector<128x128xf32>
    %mul3A_129 = arith.mulf %mul3A_128, %get3A_127 : vector<128x128xf32>
    %add3A_130 = arith.addf %mul3A_118, %mul3A_129 : vector<128x128xf32>
    %get3A_131 = arith.constant 2 : index
    %get3A_132 = arith.constant 2 : index
    %get3A_133 = vector.load %arg3[%get3A_131, %get3A_132] : memref<8x4xf32, #tpu.memory_space<vmem>>, vector<1x1xf32>
    %get3A_134 = vector.extract %get3A_133[0, 0] : f32 from vector<1x1xf32>
    %get3A_135 = arith.constant 2 : index
    %get3A_136 = arith.constant 0 : index
    %get3A_137 = arith.constant 0 : index
    %get3A_138 = vector.load %arg2[%get3A_135, %get3A_136, %get3A_137] : memref<4x128x128xf32, #tpu.memory_space<vmem>>, vector<1x128x128xf32>
    %get3A_139 = vector.shape_cast %get3A_138 : vector<1x128x128xf32> to vector<128x128xf32>
    %mul3A_140 = vector.broadcast %get3A_134 : f32 to vector<128x128xf32>
    %mul3A_141 = arith.mulf %mul3A_140, %get3A_139 : vector<128x128xf32>
    %add3A_142 = arith.addf %add3A_130, %mul3A_141 : vector<128x128xf32>
    %get3A_143 = arith.constant 2 : index
    %get3A_144 = arith.constant 3 : index
    %get3A_145 = vector.load %arg3[%get3A_143, %get3A_144] : memref<8x4xf32, #tpu.memory_space<vmem>>, vector<1x1xf32>
    %get3A_146 = vector.extract %get3A_145[0, 0] : f32 from vector<1x1xf32>
    %get3A_147 = arith.constant 3 : index
    %get3A_148 = arith.constant 0 : index
    %get3A_149 = arith.constant 0 : index
    %get3A_150 = vector.load %arg2[%get3A_147, %get3A_148, %get3A_149] : memref<4x128x128xf32, #tpu.memory_space<vmem>>, vector<1x128x128xf32>
    %get3A_151 = vector.shape_cast %get3A_150 : vector<1x128x128xf32> to vector<128x128xf32>
    %mul3A_152 = vector.broadcast %get3A_146 : f32 to vector<128x128xf32>
    %mul3A_153 = arith.mulf %mul3A_152, %get3A_151 : vector<128x128xf32>
    %add3A_154 = arith.addf %add3A_142, %mul3A_153 : vector<128x128xf32>
    %dot_general3A_155 = arith.constant dense<0.000000e+00> : vector<1000x128xf32>
    %dot_general3A_156 = tpu.matmul %get3A_1, %add3A_154, %dot_general3A_155 {dimension_numbers = #tpu.dot_dimension_numbers<[1], [0], [0], [1], [0, 0, 1, 1], [], []>, transpose_lhs_hint = false} : vector<1000x128xf32>, vector<128x128xf32>, vector<1000x128xf32> -> vector<1000x128xf32>
    %swap3A_157 = arith.constant 2 : index
    %swap3A_158 = arith.constant 0 : index
    %swap3A_159 = arith.constant 0 : index
    %swap3A_160 = vector.load %arg6[%swap3A_157, %swap3A_158, %swap3A_159] : memref<8x1000x128xf32, #tpu.memory_space<vmem>>, vector<1x1000x128xf32>
    %swap3A_161 = vector.shape_cast %swap3A_160 : vector<1x1000x128xf32> to vector<1000x128xf32>
    %swap3A_162 = vector.shape_cast %dot_general3A_156 : vector<1000x128xf32> to vector<1x1000x128xf32>
    tpu.vector_store %arg6[%swap3A_157, %swap3A_158, %swap3A_159], %swap3A_162 {strides = array<i32>} : memref<8x1000x128xf32, #tpu.memory_space<vmem>>, vector<1x1000x128xf32>,
    %get3A_163 = arith.constant 3 : index
    %get3A_164 = arith.constant 0 : index
    %get3A_165 = vector.load %arg3[%get3A_163, %get3A_164] : memref<8x4xf32, #tpu.memory_space<vmem>>, vector<1x1xf32>
    %get3A_166 = vector.extract %get3A_165[0, 0] : f32 from vector<1x1xf32>
    %get3A_167 = arith.constant 0 : index
    %get3A_168 = arith.constant 0 : index
    %get3A_169 = arith.constant 0 : index
    %get3A_170 = vector.load %arg2[%get3A_167, %get3A_168, %get3A_169] : memref<4x128x128xf32, #tpu.memory_space<vmem>>, vector<1x128x128xf32>
    %get3A_171 = vector.shape_cast %get3A_170 : vector<1x128x128xf32> to vector<128x128xf32>
    %mul3A_172 = vector.broadcast %get3A_166 : f32 to vector<128x128xf32>
    %mul3A_173 = arith.mulf %mul3A_172, %get3A_171 : vector<128x128xf32>
    %get3A_174 = arith.constant 3 : index
    %get3A_175 = arith.constant 1 : index
    %get3A_176 = vector.load %arg3[%get3A_174, %get3A_175] : memref<8x4xf32, #tpu.memory_space<vmem>>, vector<1x1xf32>
    %get3A_177 = vector.extract %get3A_176[0, 0] : f32 from vector<1x1xf32>
    %get3A_178 = arith.constant 1 : index
    %get3A_179 = arith.constant 0 : index
    %get3A_180 = arith.constant 0 : index
    %get3A_181 = vector.load %arg2[%get3A_178, %get3A_179, %get3A_180] : memref<4x128x128xf32, #tpu.memory_space<vmem>>, vector<1x128x128xf32>
    %get3A_182 = vector.shape_cast %get3A_181 : vector<1x128x128xf32> to vector<128x128xf32>
    %mul3A_183 = vector.broadcast %get3A_177 : f32 to vector<128x128xf32>
    %mul3A_184 = arith.mulf %mul3A_183, %get3A_182 : vector<128x128xf32>
    %add3A_185 = arith.addf %mul3A_173, %mul3A_184 : vector<128x128xf32>
    %get3A_186 = arith.constant 3 : index
    %get3A_187 = arith.constant 2 : index
    %get3A_188 = vector.load %arg3[%get3A_186, %get3A_187] : memref<8x4xf32, #tpu.memory_space<vmem>>, vector<1x1xf32>
    %get3A_189 = vector.extract %get3A_188[0, 0] : f32 from vector<1x1xf32>
    %get3A_190 = arith.constant 2 : index
    %get3A_191 = arith.constant 0 : index
    %get3A_192 = arith.constant 0 : index
    %get3A_193 = vector.load %arg2[%get3A_190, %get3A_191, %get3A_192] : memref<4x128x128xf32, #tpu.memory_space<vmem>>, vector<1x128x128xf32>
    %get3A_194 = vector.shape_cast %get3A_193 : vector<1x128x128xf32> to vector<128x128xf32>
    %mul3A_195 = vector.broadcast %get3A_189 : f32 to vector<128x128xf32>
    %mul3A_196 = arith.mulf %mul3A_195, %get3A_194 : vector<128x128xf32>
    %add3A_197 = arith.addf %add3A_185, %mul3A_196 : vector<128x128xf32>
    %get3A_198 = arith.constant 3 : index
    %get3A_199 = arith.constant 3 : index
    %get3A_200 = vector.load %arg3[%get3A_198, %get3A_199] : memref<8x4xf32, #tpu.memory_space<vmem>>, vector<1x1xf32>
    %get3A_201 = vector.extract %get3A_200[0, 0] : f32 from vector<1x1xf32>
    %get3A_202 = arith.constant 3 : index
    %get3A_203 = arith.constant 0 : index
    %get3A_204 = arith.constant 0 : index
    %get3A_205 = vector.load %arg2[%get3A_202, %get3A_203, %get3A_204] : memref<4x128x128xf32, #tpu.memory_space<vmem>>, vector<1x128x128xf32>
    %get3A_206 = vector.shape_cast %get3A_205 : vector<1x128x128xf32> to vector<128x128xf32>
    %mul3A_207 = vector.broadcast %get3A_201 : f32 to vector<128x128xf32>
    %mul3A_208 = arith.mulf %mul3A_207, %get3A_206 : vector<128x128xf32>
    %add3A_209 = arith.addf %add3A_197, %mul3A_208 : vector<128x128xf32>
    %dot_general3A_210 = arith.constant dense<0.000000e+00> : vector<1000x128xf32>
    %dot_general3A_211 = tpu.matmul %get3A_1, %add3A_209, %dot_general3A_210 {dimension_numbers = #tpu.dot_dimension_numbers<[1], [0], [0], [1], [0, 0, 1, 1], [], []>, transpose_lhs_hint = false} : vector<1000x128xf32>, vector<128x128xf32>, vector<1000x128xf32> -> vector<1000x128xf32>
    %swap3A_212 = arith.constant 3 : index
    %swap3A_213 = arith.constant 0 : index
    %swap3A_214 = arith.constant 0 : index
    %swap3A_215 = vector.load %arg6[%swap3A_212, %swap3A_213, %swap3A_214] : memref<8x1000x128xf32, #tpu.memory_space<vmem>>, vector<1x1000x128xf32>
    %swap3A_216 = vector.shape_cast %swap3A_215 : vector<1x1000x128xf32> to vector<1000x128xf32>
    %swap3A_217 = vector.shape_cast %dot_general3A_211 : vector<1000x128xf32> to vector<1x1000x128xf32>
    tpu.vector_store %arg6[%swap3A_212, %swap3A_213, %swap3A_214], %swap3A_217 {strides = array<i32>} : memref<8x1000x128xf32, #tpu.memory_space<vmem>>, vector<1x1000x128xf32>,
    %get3A_218 = arith.constant 4 : index
    %get3A_219 = arith.constant 0 : index
    %get3A_220 = vector.load %arg3[%get3A_218, %get3A_219] : memref<8x4xf32, #tpu.memory_space<vmem>>, vector<1x1xf32>
    %get3A_221 = vector.extract %get3A_220[0, 0] : f32 from vector<1x1xf32>
    %get3A_222 = arith.constant 0 : index
    %get3A_223 = arith.constant 0 : index
    %get3A_224 = arith.constant 0 : index
    %get3A_225 = vector.load %arg2[%get3A_222, %get3A_223, %get3A_224] : memref<4x128x128xf32, #tpu.memory_space<vmem>>, vector<1x128x128xf32>
    %get3A_226 = vector.shape_cast %get3A_225 : vector<1x128x128xf32> to vector<128x128xf32>
    %mul3A_227 = vector.broadcast %get3A_221 : f32 to vector<128x128xf32>
    %mul3A_228 = arith.mulf %mul3A_227, %get3A_226 : vector<128x128xf32>
    %get3A_229 = arith.constant 4 : index
    %get3A_230 = arith.constant 1 : index
    %get3A_231 = vector.load %arg3[%get3A_229, %get3A_230] : memref<8x4xf32, #tpu.memory_space<vmem>>, vector<1x1xf32>
    %get3A_232 = vector.extract %get3A_231[0, 0] : f32 from vector<1x1xf32>
    %get3A_233 = arith.constant 1 : index
    %get3A_234 = arith.constant 0 : index
    %get3A_235 = arith.constant 0 : index
    %get3A_236 = vector.load %arg2[%get3A_233, %get3A_234, %get3A_235] : memref<4x128x128xf32, #tpu.memory_space<vmem>>, vector<1x128x128xf32>
    %get3A_237 = vector.shape_cast %get3A_236 : vector<1x128x128xf32> to vector<128x128xf32>
    %mul3A_238 = vector.broadcast %get3A_232 : f32 to vector<128x128xf32>
    %mul3A_239 = arith.mulf %mul3A_238, %get3A_237 : vector<128x128xf32>
    %add3A_240 = arith.addf %mul3A_228, %mul3A_239 : vector<128x128xf32>
    %get3A_241 = arith.constant 4 : index
    %get3A_242 = arith.constant 2 : index
    %get3A_243 = vector.load %arg3[%get3A_241, %get3A_242] : memref<8x4xf32, #tpu.memory_space<vmem>>, vector<1x1xf32>
    %get3A_244 = vector.extract %get3A_243[0, 0] : f32 from vector<1x1xf32>
    %get3A_245 = arith.constant 2 : index
    %get3A_246 = arith.constant 0 : index
    %get3A_247 = arith.constant 0 : index
    %get3A_248 = vector.load %arg2[%get3A_245, %get3A_246, %get3A_247] : memref<4x128x128xf32, #tpu.memory_space<vmem>>, vector<1x128x128xf32>
    %get3A_249 = vector.shape_cast %get3A_248 : vector<1x128x128xf32> to vector<128x128xf32>
    %mul3A_250 = vector.broadcast %get3A_244 : f32 to vector<128x128xf32>
    %mul3A_251 = arith.mulf %mul3A_250, %get3A_249 : vector<128x128xf32>
    %add3A_252 = arith.addf %add3A_240, %mul3A_251 : vector<128x128xf32>
    %get3A_253 = arith.constant 4 : index
    %get3A_254 = arith.constant 3 : index
    %get3A_255 = vector.load %arg3[%get3A_253, %get3A_254] : memref<8x4xf32, #tpu.memory_space<vmem>>, vector<1x1xf32>
    %get3A_256 = vector.extract %get3A_255[0, 0] : f32 from vector<1x1xf32>
    %get3A_257 = arith.constant 3 : index
    %get3A_258 = arith.constant 0 : index
    %get3A_259 = arith.constant 0 : index
    %get3A_260 = vector.load %arg2[%get3A_257, %get3A_258, %get3A_259] : memref<4x128x128xf32, #tpu.memory_space<vmem>>, vector<1x128x128xf32>
    %get3A_261 = vector.shape_cast %get3A_260 : vector<1x128x128xf32> to vector<128x128xf32>
    %mul3A_262 = vector.broadcast %get3A_256 : f32 to vector<128x128xf32>
    %mul3A_263 = arith.mulf %mul3A_262, %get3A_261 : vector<128x128xf32>
    %add3A_264 = arith.addf %add3A_252, %mul3A_263 : vector<128x128xf32>
    %dot_general3A_265 = arith.constant dense<0.000000e+00> : vector<1000x128xf32>
    %dot_general3A_266 = tpu.matmul %get3A_1, %add3A_264, %dot_general3A_265 {dimension_numbers = #tpu.dot_dimension_numbers<[1], [0], [0], [1], [0, 0, 1, 1], [], []>, transpose_lhs_hint = false} : vector<1000x128xf32>, vector<128x128xf32>, vector<1000x128xf32> -> vector<1000x128xf32>
    %swap3A_267 = arith.constant 4 : index
    %swap3A_268 = arith.constant 0 : index
    %swap3A_269 = arith.constant 0 : index
    %swap3A_270 = vector.load %arg6[%swap3A_267, %swap3A_268, %swap3A_269] : memref<8x1000x128xf32, #tpu.memory_space<vmem>>, vector<1x1000x128xf32>
    %swap3A_271 = vector.shape_cast %swap3A_270 : vector<1x1000x128xf32> to vector<1000x128xf32>
    %swap3A_272 = vector.shape_cast %dot_general3A_266 : vector<1000x128xf32> to vector<1x1000x128xf32>
    tpu.vector_store %arg6[%swap3A_267, %swap3A_268, %swap3A_269], %swap3A_272 {strides = array<i32>} : memref<8x1000x128xf32, #tpu.memory_space<vmem>>, vector<1x1000x128xf32>,
    %get3A_273 = arith.constant 5 : index
    %get3A_274 = arith.constant 0 : index
    %get3A_275 = vector.load %arg3[%get3A_273, %get3A_274] : memref<8x4xf32, #tpu.memory_space<vmem>>, vector<1x1xf32>
    %get3A_276 = vector.extract %get3A_275[0, 0] : f32 from vector<1x1xf32>
    %get3A_277 = arith.constant 0 : index
    %get3A_278 = arith.constant 0 : index
    %get3A_279 = arith.constant 0 : index
    %get3A_280 = vector.load %arg2[%get3A_277, %get3A_278, %get3A_279] : memref<4x128x128xf32, #tpu.memory_space<vmem>>, vector<1x128x128xf32>
    %get3A_281 = vector.shape_cast %get3A_280 : vector<1x128x128xf32> to vector<128x128xf32>
    %mul3A_282 = vector.broadcast %get3A_276 : f32 to vector<128x128xf32>
    %mul3A_283 = arith.mulf %mul3A_282, %get3A_281 : vector<128x128xf32>
    %get3A_284 = arith.constant 5 : index
    %get3A_285 = arith.constant 1 : index
    %get3A_286 = vector.load %arg3[%get3A_284, %get3A_285] : memref<8x4xf32, #tpu.memory_space<vmem>>, vector<1x1xf32>
    %get3A_287 = vector.extract %get3A_286[0, 0] : f32 from vector<1x1xf32>
    %get3A_288 = arith.constant 1 : index
    %get3A_289 = arith.constant 0 : index
    %get3A_290 = arith.constant 0 : index
    %get3A_291 = vector.load %arg2[%get3A_288, %get3A_289, %get3A_290] : memref<4x128x128xf32, #tpu.memory_space<vmem>>, vector<1x128x128xf32>
    %get3A_292 = vector.shape_cast %get3A_291 : vector<1x128x128xf32> to vector<128x128xf32>
    %mul3A_293 = vector.broadcast %get3A_287 : f32 to vector<128x128xf32>
    %mul3A_294 = arith.mulf %mul3A_293, %get3A_292 : vector<128x128xf32>
    %add3A_295 = arith.addf %mul3A_283, %mul3A_294 : vector<128x128xf32>
    %get3A_296 = arith.constant 5 : index
    %get3A_297 = arith.constant 2 : index
    %get3A_298 = vector.load %arg3[%get3A_296, %get3A_297] : memref<8x4xf32, #tpu.memory_space<vmem>>, vector<1x1xf32>
    %get3A_299 = vector.extract %get3A_298[0, 0] : f32 from vector<1x1xf32>
    %get3A_300 = arith.constant 2 : index
    %get3A_301 = arith.constant 0 : index
    %get3A_302 = arith.constant 0 : index
    %get3A_303 = vector.load %arg2[%get3A_300, %get3A_301, %get3A_302] : memref<4x128x128xf32, #tpu.memory_space<vmem>>, vector<1x128x128xf32>
    %get3A_304 = vector.shape_cast %get3A_303 : vector<1x128x128xf32> to vector<128x128xf32>
    %mul3A_305 = vector.broadcast %get3A_299 : f32 to vector<128x128xf32>
    %mul3A_306 = arith.mulf %mul3A_305, %get3A_304 : vector<128x128xf32>
    %add3A_307 = arith.addf %add3A_295, %mul3A_306 : vector<128x128xf32>
    %get3A_308 = arith.constant 5 : index
    %get3A_309 = arith.constant 3 : index
    %get3A_310 = vector.load %arg3[%get3A_308, %get3A_309] : memref<8x4xf32, #tpu.memory_space<vmem>>, vector<1x1xf32>
    %get3A_311 = vector.extract %get3A_310[0, 0] : f32 from vector<1x1xf32>
    %get3A_312 = arith.constant 3 : index
    %get3A_313 = arith.constant 0 : index
    %get3A_314 = arith.constant 0 : index
    %get3A_315 = vector.load %arg2[%get3A_312, %get3A_313, %get3A_314] : memref<4x128x128xf32, #tpu.memory_space<vmem>>, vector<1x128x128xf32>
    %get3A_316 = vector.shape_cast %get3A_315 : vector<1x128x128xf32> to vector<128x128xf32>
    %mul3A_317 = vector.broadcast %get3A_311 : f32 to vector<128x128xf32>
    %mul3A_318 = arith.mulf %mul3A_317, %get3A_316 : vector<128x128xf32>
    %add3A_319 = arith.addf %add3A_307, %mul3A_318 : vector<128x128xf32>
    %dot_general3A_320 = arith.constant dense<0.000000e+00> : vector<1000x128xf32>
    %dot_general3A_321 = tpu.matmul %get3A_1, %add3A_319, %dot_general3A_320 {dimension_numbers = #tpu.dot_dimension_numbers<[1], [0], [0], [1], [0, 0, 1, 1], [], []>, transpose_lhs_hint = false} : vector<1000x128xf32>, vector<128x128xf32>, vector<1000x128xf32> -> vector<1000x128xf32>
    %swap3A_322 = arith.constant 5 : index
    %swap3A_323 = arith.constant 0 : index
    %swap3A_324 = arith.constant 0 : index
    %swap3A_325 = vector.load %arg6[%swap3A_322, %swap3A_323, %swap3A_324] : memref<8x1000x128xf32, #tpu.memory_space<vmem>>, vector<1x1000x128xf32>
    %swap3A_326 = vector.shape_cast %swap3A_325 : vector<1x1000x128xf32> to vector<1000x128xf32>
    %swap3A_327 = vector.shape_cast %dot_general3A_321 : vector<1000x128xf32> to vector<1x1000x128xf32>
    tpu.vector_store %arg6[%swap3A_322, %swap3A_323, %swap3A_324], %swap3A_327 {strides = array<i32>} : memref<8x1000x128xf32, #tpu.memory_space<vmem>>, vector<1x1000x128xf32>,
    %get3A_328 = arith.constant 6 : index
    %get3A_329 = arith.constant 0 : index
    %get3A_330 = vector.load %arg3[%get3A_328, %get3A_329] : memref<8x4xf32, #tpu.memory_space<vmem>>, vector<1x1xf32>
    %get3A_331 = vector.extract %get3A_330[0, 0] : f32 from vector<1x1xf32>
    %get3A_332 = arith.constant 0 : index
    %get3A_333 = arith.constant 0 : index
    %get3A_334 = arith.constant 0 : index
    %get3A_335 = vector.load %arg2[%get3A_332, %get3A_333, %get3A_334] : memref<4x128x128xf32, #tpu.memory_space<vmem>>, vector<1x128x128xf32>
    %get3A_336 = vector.shape_cast %get3A_335 : vector<1x128x128xf32> to vector<128x128xf32>
    %mul3A_337 = vector.broadcast %get3A_331 : f32 to vector<128x128xf32>
    %mul3A_338 = arith.mulf %mul3A_337, %get3A_336 : vector<128x128xf32>
    %get3A_339 = arith.constant 6 : index
    %get3A_340 = arith.constant 1 : index
    %get3A_341 = vector.load %arg3[%get3A_339, %get3A_340] : memref<8x4xf32, #tpu.memory_space<vmem>>, vector<1x1xf32>
    %get3A_342 = vector.extract %get3A_341[0, 0] : f32 from vector<1x1xf32>
    %get3A_343 = arith.constant 1 : index
    %get3A_344 = arith.constant 0 : index
    %get3A_345 = arith.constant 0 : index
    %get3A_346 = vector.load %arg2[%get3A_343, %get3A_344, %get3A_345] : memref<4x128x128xf32, #tpu.memory_space<vmem>>, vector<1x128x128xf32>
    %get3A_347 = vector.shape_cast %get3A_346 : vector<1x128x128xf32> to vector<128x128xf32>
    %mul3A_348 = vector.broadcast %get3A_342 : f32 to vector<128x128xf32>
    %mul3A_349 = arith.mulf %mul3A_348, %get3A_347 : vector<128x128xf32>
    %add3A_350 = arith.addf %mul3A_338, %mul3A_349 : vector<128x128xf32>
    %get3A_351 = arith.constant 6 : index
    %get3A_352 = arith.constant 2 : index
    %get3A_353 = vector.load %arg3[%get3A_351, %get3A_352] : memref<8x4xf32, #tpu.memory_space<vmem>>, vector<1x1xf32>
    %get3A_354 = vector.extract %get3A_353[0, 0] : f32 from vector<1x1xf32>
    %get3A_355 = arith.constant 2 : index
    %get3A_356 = arith.constant 0 : index
    %get3A_357 = arith.constant 0 : index
    %get3A_358 = vector.load %arg2[%get3A_355, %get3A_356, %get3A_357] : memref<4x128x128xf32, #tpu.memory_space<vmem>>, vector<1x128x128xf32>
    %get3A_359 = vector.shape_cast %get3A_358 : vector<1x128x128xf32> to vector<128x128xf32>
    %mul3A_360 = vector.broadcast %get3A_354 : f32 to vector<128x128xf32>
    %mul3A_361 = arith.mulf %mul3A_360, %get3A_359 : vector<128x128xf32>
    %add3A_362 = arith.addf %add3A_350, %mul3A_361 : vector<128x128xf32>
    %get3A_363 = arith.constant 6 : index
    %get3A_364 = arith.constant 3 : index
    %get3A_365 = vector.load %arg3[%get3A_363, %get3A_364] : memref<8x4xf32, #tpu.memory_space<vmem>>, vector<1x1xf32>
    %get3A_366 = vector.extract %get3A_365[0, 0] : f32 from vector<1x1xf32>
    %get3A_367 = arith.constant 3 : index
    %get3A_368 = arith.constant 0 : index
    %get3A_369 = arith.constant 0 : index
    %get3A_370 = vector.load %arg2[%get3A_367, %get3A_368, %get3A_369] : memref<4x128x128xf32, #tpu.memory_space<vmem>>, vector<1x128x128xf32>
    %get3A_371 = vector.shape_cast %get3A_370 : vector<1x128x128xf32> to vector<128x128xf32>
    %mul3A_372 = vector.broadcast %get3A_366 : f32 to vector<128x128xf32>
    %mul3A_373 = arith.mulf %mul3A_372, %get3A_371 : vector<128x128xf32>
    %add3A_374 = arith.addf %add3A_362, %mul3A_373 : vector<128x128xf32>
    %dot_general3A_375 = arith.constant dense<0.000000e+00> : vector<1000x128xf32>
    %dot_general3A_376 = tpu.matmul %get3A_1, %add3A_374, %dot_general3A_375 {dimension_numbers = #tpu.dot_dimension_numbers<[1], [0], [0], [1], [0, 0, 1, 1], [], []>, transpose_lhs_hint = false} : vector<1000x128xf32>, vector<128x128xf32>, vector<1000x128xf32> -> vector<1000x128xf32>
    %swap3A_377 = arith.constant 6 : index
    %swap3A_378 = arith.constant 0 : index
    %swap3A_379 = arith.constant 0 : index
    %swap3A_380 = vector.load %arg6[%swap3A_377, %swap3A_378, %swap3A_379] : memref<8x1000x128xf32, #tpu.memory_space<vmem>>, vector<1x1000x128xf32>
    %swap3A_381 = vector.shape_cast %swap3A_380 : vector<1x1000x128xf32> to vector<1000x128xf32>
    %swap3A_382 = vector.shape_cast %dot_general3A_376 : vector<1000x128xf32> to vector<1x1000x128xf32>
    tpu.vector_store %arg6[%swap3A_377, %swap3A_378, %swap3A_379], %swap3A_382 {strides = array<i32>} : memref<8x1000x128xf32, #tpu.memory_space<vmem>>, vector<1x1000x128xf32>,
    %get3A_383 = arith.constant 7 : index
    %get3A_384 = arith.constant 0 : index
    %get3A_385 = vector.load %arg3[%get3A_383, %get3A_384] : memref<8x4xf32, #tpu.memory_space<vmem>>, vector<1x1xf32>
    %get3A_386 = vector.extract %get3A_385[0, 0] : f32 from vector<1x1xf32>
    %get3A_387 = arith.constant 0 : index
    %get3A_388 = arith.constant 0 : index
    %get3A_389 = arith.constant 0 : index
    %get3A_390 = vector.load %arg2[%get3A_387, %get3A_388, %get3A_389] : memref<4x128x128xf32, #tpu.memory_space<vmem>>, vector<1x128x128xf32>
    %get3A_391 = vector.shape_cast %get3A_390 : vector<1x128x128xf32> to vector<128x128xf32>
    %mul3A_392 = vector.broadcast %get3A_386 : f32 to vector<128x128xf32>
    %mul3A_393 = arith.mulf %mul3A_392, %get3A_391 : vector<128x128xf32>
    %get3A_394 = arith.constant 7 : index
    %get3A_395 = arith.constant 1 : index
    %get3A_396 = vector.load %arg3[%get3A_394, %get3A_395] : memref<8x4xf32, #tpu.memory_space<vmem>>, vector<1x1xf32>
    %get3A_397 = vector.extract %get3A_396[0, 0] : f32 from vector<1x1xf32>
    %get3A_398 = arith.constant 1 : index
    %get3A_399 = arith.constant 0 : index
    %get3A_400 = arith.constant 0 : index
    %get3A_401 = vector.load %arg2[%get3A_398, %get3A_399, %get3A_400] : memref<4x128x128xf32, #tpu.memory_space<vmem>>, vector<1x128x128xf32>
    %get3A_402 = vector.shape_cast %get3A_401 : vector<1x128x128xf32> to vector<128x128xf32>
    %mul3A_403 = vector.broadcast %get3A_397 : f32 to vector<128x128xf32>
    %mul3A_404 = arith.mulf %mul3A_403, %get3A_402 : vector<128x128xf32>
    %add3A_405 = arith.addf %mul3A_393, %mul3A_404 : vector<128x128xf32>
    %get3A_406 = arith.constant 7 : index
    %get3A_407 = arith.constant 2 : index
    %get3A_408 = vector.load %arg3[%get3A_406, %get3A_407] : memref<8x4xf32, #tpu.memory_space<vmem>>, vector<1x1xf32>
    %get3A_409 = vector.extract %get3A_408[0, 0] : f32 from vector<1x1xf32>
    %get3A_410 = arith.constant 2 : index
    %get3A_411 = arith.constant 0 : index
    %get3A_412 = arith.constant 0 : index
    %get3A_413 = vector.load %arg2[%get3A_410, %get3A_411, %get3A_412] : memref<4x128x128xf32, #tpu.memory_space<vmem>>, vector<1x128x128xf32>
    %get3A_414 = vector.shape_cast %get3A_413 : vector<1x128x128xf32> to vector<128x128xf32>
    %mul3A_415 = vector.broadcast %get3A_409 : f32 to vector<128x128xf32>
    %mul3A_416 = arith.mulf %mul3A_415, %get3A_414 : vector<128x128xf32>
    %add3A_417 = arith.addf %add3A_405, %mul3A_416 : vector<128x128xf32>
    %get3A_418 = arith.constant 7 : index
    %get3A_419 = arith.constant 3 : index
    %get3A_420 = vector.load %arg3[%get3A_418, %get3A_419] : memref<8x4xf32, #tpu.memory_space<vmem>>, vector<1x1xf32>
    %get3A_421 = vector.extract %get3A_420[0, 0] : f32 from vector<1x1xf32>
    %get3A_422 = arith.constant 3 : index
    %get3A_423 = arith.constant 0 : index
    %get3A_424 = arith.constant 0 : index
    %get3A_425 = vector.load %arg2[%get3A_422, %get3A_423, %get3A_424] : memref<4x128x128xf32, #tpu.memory_space<vmem>>, vector<1x128x128xf32>
    %get3A_426 = vector.shape_cast %get3A_425 : vector<1x128x128xf32> to vector<128x128xf32>
    %mul3A_427 = vector.broadcast %get3A_421 : f32 to vector<128x128xf32>
    %mul3A_428 = arith.mulf %mul3A_427, %get3A_426 : vector<128x128xf32>
    %add3A_429 = arith.addf %add3A_417, %mul3A_428 : vector<128x128xf32>
    %dot_general3A_430 = arith.constant dense<0.000000e+00> : vector<1000x128xf32>
    %dot_general3A_431 = tpu.matmul %get3A_1, %add3A_429, %dot_general3A_430 {dimension_numbers = #tpu.dot_dimension_numbers<[1], [0], [0], [1], [0, 0, 1, 1], [], []>, transpose_lhs_hint = false} : vector<1000x128xf32>, vector<128x128xf32>, vector<1000x128xf32> -> vector<1000x128xf32>
    %swap3A_432 = arith.constant 7 : index
    %swap3A_433 = arith.constant 0 : index
    %swap3A_434 = arith.constant 0 : index
    %swap3A_435 = vector.load %arg6[%swap3A_432, %swap3A_433, %swap3A_434] : memref<8x1000x128xf32, #tpu.memory_space<vmem>>, vector<1x1000x128xf32>
    %swap3A_436 = vector.shape_cast %swap3A_435 : vector<1x1000x128xf32> to vector<1000x128xf32>
    %swap3A_437 = vector.shape_cast %dot_general3A_431 : vector<1000x128xf32> to vector<1x1000x128xf32>
    tpu.vector_store %arg6[%swap3A_432, %swap3A_433, %swap3A_434], %swap3A_437 {strides = array<i32>} : memref<8x1000x128xf32, #tpu.memory_space<vmem>>, vector<1x1000x128xf32>,
    %get3A_438 = arith.constant 0 : index
    %get3A_439 = arith.constant 0 : index
    %get3A_440 = vector.load %arg4[%get3A_438, %get3A_439] : memref<128x128xf32, #tpu.memory_space<vmem>>, vector<128x128xf32>
    %dot_general3A_441 = arith.constant dense<0.000000e+00> : vector<1000x128xf32>
    %dot_general3A_442 = tpu.matmul %get3A_1, %get3A_440, %dot_general3A_441 {dimension_numbers = #tpu.dot_dimension_numbers<[1], [0], [0], [1], [0, 0, 1, 1], [], []>, transpose_lhs_hint = false} : vector<1000x128xf32>, vector<128x128xf32>, vector<1000x128xf32> -> vector<1000x128xf32>
    %get3A_443 = arith.constant 0 : index
    %get3A_444 = arith.constant 0 : index
    %get3A_445 = vector.load %arg5[%get3A_443, %get3A_444] : memref<1x128xf32, #tpu.memory_space<vmem>>, vector<1x128xf32>
    %add3A_446 = vector.broadcast %get3A_445 : vector<1x128xf32> to vector<1000x128xf32>
    %add3A_447 = arith.addf %dot_general3A_442, %add3A_446 : vector<1000x128xf32>
    %swap3A_448 = arith.constant 0 : index
    %swap3A_449 = arith.constant 0 : index
    %swap3A_450 = vector.load %arg7[%swap3A_448, %swap3A_449] : memref<1000x128xf32, #tpu.memory_space<vmem>>, vector<1000x128xf32>
    tpu.vector_store %arg7[%swap3A_448, %swap3A_449], %add3A_447 {strides = array<i32>} : memref<1000x128xf32, #tpu.memory_space<vmem>>, vector<1000x128xf32>,
    return
  }
  func.func @transform_0(%arg0: i32) -> (i32, i32) {
    %c0_i32 = arith.constant 0 : i32
    %c0_i32_0 = arith.constant 0 : i32
    return %arg0, %c0_i32 : i32, i32
  }
  func.func @transform_1(%arg0: i32) -> (i32, i32, i32) {
    %c0_i32 = arith.constant 0 : i32
    %c0_i32_0 = arith.constant 0 : i32
    %c0_i32_1 = arith.constant 0 : i32
    %c0_i32_2 = arith.constant 0 : i32
    return %c0_i32, %c0_i32_0, %c0_i32_1 : i32, i32, i32
  }
  func.func @transform_2(%arg0: i32) -> (i32, i32) {
    %c0_i32 = arith.constant 0 : i32
    %c0_i32_0 = arith.constant 0 : i32
    %c0_i32_1 = arith.constant 0 : i32
    return %c0_i32, %c0_i32_0 : i32, i32
  }
  func.func @transform_3(%arg0: i32) -> (i32, i32) {
    %c0_i32 = arith.constant 0 : i32
    %c0_i32_0 = arith.constant 0 : i32
    %c0_i32_1 = arith.constant 0 : i32
    return %c0_i32, %c0_i32_0 : i32, i32
  }
  func.func @transform_4(%arg0: i32) -> (i32, i32) {
    %c0_i32 = arith.constant 0 : i32
    %c0_i32_0 = arith.constant 0 : i32
    %c0_i32_1 = arith.constant 0 : i32
    return %c0_i32, %c0_i32_0 : i32, i32
  }
  func.func @transform_5(%arg0: i32) -> (i32, i32, i32) {
    %c0_i32 = arith.constant 0 : i32
    %c0_i32_0 = arith.constant 0 : i32
    %c0_i32_1 = arith.constant 0 : i32
    return %c0_i32, %arg0, %c0_i32_0 : i32, i32, i32
  }
  func.func @transform_6(%arg0: i32) -> (i32, i32) {
    %c0_i32 = arith.constant 0 : i32
    %c0_i32_0 = arith.constant 0 : i32
    return %arg0, %c0_i32 : i32, i32
  }
}

module attributes {stable_mosaic.version = 14 : i64} {
  func.func @_l3_body(%arg0: i32, %arg1: memref<2x1000x128xf32, #tpu.memory_space<vmem>>, %arg2: memref<2x1000x16xf32, #tpu.memory_space<vmem>>, %arg3: memref<1000x128xf32, #tpu.memory_space<vmem>>, %arg4: memref<4x128x16xf32, #tpu.memory_space<vmem>>, %arg5: memref<8x4xf32, #tpu.memory_space<vmem>>, %arg6: memref<128x16xf32, #tpu.memory_space<vmem>>, %arg7: memref<1x16xf32, #tpu.memory_space<vmem>>, %arg8: memref<1000x128xf32, #tpu.memory_space<vmem>>, %arg9: memref<1000x16xf32, #tpu.memory_space<vmem>>) attributes {dimension_semantics = [#tpu.dimension_semantics<arbitrary>], iteration_bounds = array<i64: 10>, scalar_prefetch = 0 : i64, scratch_operands = 0 : i64, tpu.core_type = #tpu.core_type<tc>, window_params = [{transform_indices = @transform_0, window_bounds = array<i64: 2, 1000, 128>}, {transform_indices = @transform_1, window_bounds = array<i64: 2, 1000, 16>}, {transform_indices = @transform_2, window_bounds = array<i64: 1000, 128>}, {pipeline_mode = #tpu.pipeline_mode<synchronous>, transform_indices = @transform_3, window_bounds = array<i64: 4, 128, 16>}, {pipeline_mode = #tpu.pipeline_mode<synchronous>, transform_indices = @transform_4, window_bounds = array<i64: 8, 4>}, {pipeline_mode = #tpu.pipeline_mode<synchronous>, transform_indices = @transform_5, window_bounds = array<i64: 128, 16>}, {pipeline_mode = #tpu.pipeline_mode<synchronous>, transform_indices = @transform_6, window_bounds = array<i64: 1, 16>}, {transform_indices = @transform_7, window_bounds = array<i64: 1000, 128>}, {transform_indices = @transform_8, window_bounds = array<i64: 1000, 16>}]} {
    %get3A = arith.constant 0 : index
    %get3A_0 = arith.constant 0 : index
    %get3A_1 = arith.constant 0 : index
    %get3A_2 = vector.load %arg1[%get3A, %get3A_0, %get3A_1] : memref<2x1000x128xf32, #tpu.memory_space<vmem>>, vector<1x1000x128xf32>
    %get3A_3 = vector.shape_cast %get3A_2 : vector<1x1000x128xf32> to vector<1000x128xf32>
    %get3A_4 = arith.constant 1 : index
    %get3A_5 = arith.constant 0 : index
    %get3A_6 = arith.constant 0 : index
    %get3A_7 = vector.load %arg1[%get3A_4, %get3A_5, %get3A_6] : memref<2x1000x128xf32, #tpu.memory_space<vmem>>, vector<1x1000x128xf32>
    %get3A_8 = vector.shape_cast %get3A_7 : vector<1x1000x128xf32> to vector<1000x128xf32>
    %add3A = arith.addf %get3A_3, %get3A_8 : vector<1000x128xf32>
    %get3A_9 = arith.constant 0 : index
    %get3A_10 = arith.constant 0 : index
    %get3A_11 = arith.constant 0 : index
    %get3A_12 = vector.load %arg2[%get3A_9, %get3A_10, %get3A_11] : memref<2x1000x16xf32, #tpu.memory_space<vmem>>, vector<1x1000x16xf32>
    %get3A_13 = vector.shape_cast %get3A_12 : vector<1x1000x16xf32> to vector<1000x16xf32>
    %get3A_14 = arith.constant 1 : index
    %get3A_15 = arith.constant 0 : index
    %get3A_16 = arith.constant 0 : index
    %get3A_17 = vector.load %arg2[%get3A_14, %get3A_15, %get3A_16] : memref<2x1000x16xf32, #tpu.memory_space<vmem>>, vector<1x1000x16xf32>
    %get3A_18 = vector.shape_cast %get3A_17 : vector<1x1000x16xf32> to vector<1000x16xf32>
    %add3A_19 = arith.addf %get3A_13, %get3A_18 : vector<1000x16xf32>
    %reduce_max3A = arith.constant dense<0xFF800000> : vector<1000xf32>
    %reduce_max3A_20 = vector.multi_reduction <maximumf>, %add3A_19, %reduce_max3A [1] : vector<1000x16xf32> to vector<1000xf32>
    %broadcast_in_dim3A = vector.shape_cast %reduce_max3A_20 : vector<1000xf32> to vector<1000x1xf32>
    %max3A = arith.constant 1.000000e+00 : f32
    %max3A_21 = vector.broadcast %max3A : f32 to vector<1000x1xf32>
    %max3A_22 = arith.maximumf %broadcast_in_dim3A, %max3A_21 : vector<1000x1xf32>
    %div3A = arith.constant 1.000000e+00 : f32
    %div3A_23 = vector.broadcast %div3A : f32 to vector<1000x1xf32>
    %div3A_24 = arith.divf %div3A_23, %max3A_22 : vector<1000x1xf32>
    %mul3A = vector.broadcast %div3A_24 : vector<1000x1xf32> to vector<1000x128xf32>
    %mul3A_25 = arith.mulf %add3A, %mul3A : vector<1000x128xf32>
    %get3A_26 = arith.constant 0 : index
    %get3A_27 = arith.constant 0 : index
    %get3A_28 = vector.load %arg3[%get3A_26, %get3A_27] : memref<1000x128xf32, #tpu.memory_space<vmem>>, vector<1000x128xf32>
    %add3A_29 = arith.addf %mul3A_25, %get3A_28 : vector<1000x128xf32>
    %max3A_30 = arith.constant 0.000000e+00 : f32
    %max3A_31 = vector.broadcast %max3A_30 : f32 to vector<1000x128xf32>
    %max3A_32 = arith.maximumf %add3A_29, %max3A_31 : vector<1000x128xf32>
    %get3A_33 = arith.constant 0 : index
    %get3A_34 = arith.constant 0 : index
    %get3A_35 = vector.load %arg5[%get3A_33, %get3A_34] : memref<8x4xf32, #tpu.memory_space<vmem>>, vector<1x1xf32>
    %get3A_36 = vector.extract %get3A_35[0, 0] : f32 from vector<1x1xf32>
    %get3A_37 = arith.constant 0 : index
    %get3A_38 = arith.constant 0 : index
    %get3A_39 = arith.constant 0 : index
    %get3A_40 = vector.load %arg4[%get3A_37, %get3A_38, %get3A_39] : memref<4x128x16xf32, #tpu.memory_space<vmem>>, vector<1x128x16xf32>
    %get3A_41 = vector.shape_cast %get3A_40 : vector<1x128x16xf32> to vector<128x16xf32>
    %mul3A_42 = vector.broadcast %get3A_36 : f32 to vector<128x16xf32>
    %mul3A_43 = arith.mulf %mul3A_42, %get3A_41 : vector<128x16xf32>
    %get3A_44 = arith.constant 0 : index
    %get3A_45 = arith.constant 1 : index
    %get3A_46 = vector.load %arg5[%get3A_44, %get3A_45] : memref<8x4xf32, #tpu.memory_space<vmem>>, vector<1x1xf32>
    %get3A_47 = vector.extract %get3A_46[0, 0] : f32 from vector<1x1xf32>
    %get3A_48 = arith.constant 1 : index
    %get3A_49 = arith.constant 0 : index
    %get3A_50 = arith.constant 0 : index
    %get3A_51 = vector.load %arg4[%get3A_48, %get3A_49, %get3A_50] : memref<4x128x16xf32, #tpu.memory_space<vmem>>, vector<1x128x16xf32>
    %get3A_52 = vector.shape_cast %get3A_51 : vector<1x128x16xf32> to vector<128x16xf32>
    %mul3A_53 = vector.broadcast %get3A_47 : f32 to vector<128x16xf32>
    %mul3A_54 = arith.mulf %mul3A_53, %get3A_52 : vector<128x16xf32>
    %add3A_55 = arith.addf %mul3A_43, %mul3A_54 : vector<128x16xf32>
    %get3A_56 = arith.constant 0 : index
    %get3A_57 = arith.constant 2 : index
    %get3A_58 = vector.load %arg5[%get3A_56, %get3A_57] : memref<8x4xf32, #tpu.memory_space<vmem>>, vector<1x1xf32>
    %get3A_59 = vector.extract %get3A_58[0, 0] : f32 from vector<1x1xf32>
    %get3A_60 = arith.constant 2 : index
    %get3A_61 = arith.constant 0 : index
    %get3A_62 = arith.constant 0 : index
    %get3A_63 = vector.load %arg4[%get3A_60, %get3A_61, %get3A_62] : memref<4x128x16xf32, #tpu.memory_space<vmem>>, vector<1x128x16xf32>
    %get3A_64 = vector.shape_cast %get3A_63 : vector<1x128x16xf32> to vector<128x16xf32>
    %mul3A_65 = vector.broadcast %get3A_59 : f32 to vector<128x16xf32>
    %mul3A_66 = arith.mulf %mul3A_65, %get3A_64 : vector<128x16xf32>
    %add3A_67 = arith.addf %add3A_55, %mul3A_66 : vector<128x16xf32>
    %get3A_68 = arith.constant 0 : index
    %get3A_69 = arith.constant 3 : index
    %get3A_70 = vector.load %arg5[%get3A_68, %get3A_69] : memref<8x4xf32, #tpu.memory_space<vmem>>, vector<1x1xf32>
    %get3A_71 = vector.extract %get3A_70[0, 0] : f32 from vector<1x1xf32>
    %get3A_72 = arith.constant 3 : index
    %get3A_73 = arith.constant 0 : index
    %get3A_74 = arith.constant 0 : index
    %get3A_75 = vector.load %arg4[%get3A_72, %get3A_73, %get3A_74] : memref<4x128x16xf32, #tpu.memory_space<vmem>>, vector<1x128x16xf32>
    %get3A_76 = vector.shape_cast %get3A_75 : vector<1x128x16xf32> to vector<128x16xf32>
    %mul3A_77 = vector.broadcast %get3A_71 : f32 to vector<128x16xf32>
    %mul3A_78 = arith.mulf %mul3A_77, %get3A_76 : vector<128x16xf32>
    %add3A_79 = arith.addf %add3A_67, %mul3A_78 : vector<128x16xf32>
    %dot_general3A = arith.constant dense<0.000000e+00> : vector<1000x16xf32>
    %dot_general3A_80 = tpu.matmul %max3A_32, %add3A_79, %dot_general3A {dimension_numbers = #tpu.dot_dimension_numbers<[1], [0], [0], [1], [0, 0, 1, 1], [], []>, transpose_lhs_hint = false} : vector<1000x128xf32>, vector<128x16xf32>, vector<1000x16xf32> -> vector<1000x16xf32>
    %get3A_81 = arith.constant 1 : index
    %get3A_82 = arith.constant 0 : index
    %get3A_83 = vector.load %arg5[%get3A_81, %get3A_82] : memref<8x4xf32, #tpu.memory_space<vmem>>, vector<1x1xf32>
    %get3A_84 = vector.extract %get3A_83[0, 0] : f32 from vector<1x1xf32>
    %get3A_85 = arith.constant 0 : index
    %get3A_86 = arith.constant 0 : index
    %get3A_87 = arith.constant 0 : index
    %get3A_88 = vector.load %arg4[%get3A_85, %get3A_86, %get3A_87] : memref<4x128x16xf32, #tpu.memory_space<vmem>>, vector<1x128x16xf32>
    %get3A_89 = vector.shape_cast %get3A_88 : vector<1x128x16xf32> to vector<128x16xf32>
    %mul3A_90 = vector.broadcast %get3A_84 : f32 to vector<128x16xf32>
    %mul3A_91 = arith.mulf %mul3A_90, %get3A_89 : vector<128x16xf32>
    %get3A_92 = arith.constant 1 : index
    %get3A_93 = arith.constant 1 : index
    %get3A_94 = vector.load %arg5[%get3A_92, %get3A_93] : memref<8x4xf32, #tpu.memory_space<vmem>>, vector<1x1xf32>
    %get3A_95 = vector.extract %get3A_94[0, 0] : f32 from vector<1x1xf32>
    %get3A_96 = arith.constant 1 : index
    %get3A_97 = arith.constant 0 : index
    %get3A_98 = arith.constant 0 : index
    %get3A_99 = vector.load %arg4[%get3A_96, %get3A_97, %get3A_98] : memref<4x128x16xf32, #tpu.memory_space<vmem>>, vector<1x128x16xf32>
    %get3A_100 = vector.shape_cast %get3A_99 : vector<1x128x16xf32> to vector<128x16xf32>
    %mul3A_101 = vector.broadcast %get3A_95 : f32 to vector<128x16xf32>
    %mul3A_102 = arith.mulf %mul3A_101, %get3A_100 : vector<128x16xf32>
    %add3A_103 = arith.addf %mul3A_91, %mul3A_102 : vector<128x16xf32>
    %get3A_104 = arith.constant 1 : index
    %get3A_105 = arith.constant 2 : index
    %get3A_106 = vector.load %arg5[%get3A_104, %get3A_105] : memref<8x4xf32, #tpu.memory_space<vmem>>, vector<1x1xf32>
    %get3A_107 = vector.extract %get3A_106[0, 0] : f32 from vector<1x1xf32>
    %get3A_108 = arith.constant 2 : index
    %get3A_109 = arith.constant 0 : index
    %get3A_110 = arith.constant 0 : index
    %get3A_111 = vector.load %arg4[%get3A_108, %get3A_109, %get3A_110] : memref<4x128x16xf32, #tpu.memory_space<vmem>>, vector<1x128x16xf32>
    %get3A_112 = vector.shape_cast %get3A_111 : vector<1x128x16xf32> to vector<128x16xf32>
    %mul3A_113 = vector.broadcast %get3A_107 : f32 to vector<128x16xf32>
    %mul3A_114 = arith.mulf %mul3A_113, %get3A_112 : vector<128x16xf32>
    %add3A_115 = arith.addf %add3A_103, %mul3A_114 : vector<128x16xf32>
    %get3A_116 = arith.constant 1 : index
    %get3A_117 = arith.constant 3 : index
    %get3A_118 = vector.load %arg5[%get3A_116, %get3A_117] : memref<8x4xf32, #tpu.memory_space<vmem>>, vector<1x1xf32>
    %get3A_119 = vector.extract %get3A_118[0, 0] : f32 from vector<1x1xf32>
    %get3A_120 = arith.constant 3 : index
    %get3A_121 = arith.constant 0 : index
    %get3A_122 = arith.constant 0 : index
    %get3A_123 = vector.load %arg4[%get3A_120, %get3A_121, %get3A_122] : memref<4x128x16xf32, #tpu.memory_space<vmem>>, vector<1x128x16xf32>
    %get3A_124 = vector.shape_cast %get3A_123 : vector<1x128x16xf32> to vector<128x16xf32>
    %mul3A_125 = vector.broadcast %get3A_119 : f32 to vector<128x16xf32>
    %mul3A_126 = arith.mulf %mul3A_125, %get3A_124 : vector<128x16xf32>
    %add3A_127 = arith.addf %add3A_115, %mul3A_126 : vector<128x16xf32>
    %dot_general3A_128 = arith.constant dense<0.000000e+00> : vector<1000x16xf32>
    %dot_general3A_129 = tpu.matmul %max3A_32, %add3A_127, %dot_general3A_128 {dimension_numbers = #tpu.dot_dimension_numbers<[1], [0], [0], [1], [0, 0, 1, 1], [], []>, transpose_lhs_hint = false} : vector<1000x128xf32>, vector<128x16xf32>, vector<1000x16xf32> -> vector<1000x16xf32>
    %get3A_130 = arith.constant 2 : index
    %get3A_131 = arith.constant 0 : index
    %get3A_132 = vector.load %arg5[%get3A_130, %get3A_131] : memref<8x4xf32, #tpu.memory_space<vmem>>, vector<1x1xf32>
    %get3A_133 = vector.extract %get3A_132[0, 0] : f32 from vector<1x1xf32>
    %get3A_134 = arith.constant 0 : index
    %get3A_135 = arith.constant 0 : index
    %get3A_136 = arith.constant 0 : index
    %get3A_137 = vector.load %arg4[%get3A_134, %get3A_135, %get3A_136] : memref<4x128x16xf32, #tpu.memory_space<vmem>>, vector<1x128x16xf32>
    %get3A_138 = vector.shape_cast %get3A_137 : vector<1x128x16xf32> to vector<128x16xf32>
    %mul3A_139 = vector.broadcast %get3A_133 : f32 to vector<128x16xf32>
    %mul3A_140 = arith.mulf %mul3A_139, %get3A_138 : vector<128x16xf32>
    %get3A_141 = arith.constant 2 : index
    %get3A_142 = arith.constant 1 : index
    %get3A_143 = vector.load %arg5[%get3A_141, %get3A_142] : memref<8x4xf32, #tpu.memory_space<vmem>>, vector<1x1xf32>
    %get3A_144 = vector.extract %get3A_143[0, 0] : f32 from vector<1x1xf32>
    %get3A_145 = arith.constant 1 : index
    %get3A_146 = arith.constant 0 : index
    %get3A_147 = arith.constant 0 : index
    %get3A_148 = vector.load %arg4[%get3A_145, %get3A_146, %get3A_147] : memref<4x128x16xf32, #tpu.memory_space<vmem>>, vector<1x128x16xf32>
    %get3A_149 = vector.shape_cast %get3A_148 : vector<1x128x16xf32> to vector<128x16xf32>
    %mul3A_150 = vector.broadcast %get3A_144 : f32 to vector<128x16xf32>
    %mul3A_151 = arith.mulf %mul3A_150, %get3A_149 : vector<128x16xf32>
    %add3A_152 = arith.addf %mul3A_140, %mul3A_151 : vector<128x16xf32>
    %get3A_153 = arith.constant 2 : index
    %get3A_154 = arith.constant 2 : index
    %get3A_155 = vector.load %arg5[%get3A_153, %get3A_154] : memref<8x4xf32, #tpu.memory_space<vmem>>, vector<1x1xf32>
    %get3A_156 = vector.extract %get3A_155[0, 0] : f32 from vector<1x1xf32>
    %get3A_157 = arith.constant 2 : index
    %get3A_158 = arith.constant 0 : index
    %get3A_159 = arith.constant 0 : index
    %get3A_160 = vector.load %arg4[%get3A_157, %get3A_158, %get3A_159] : memref<4x128x16xf32, #tpu.memory_space<vmem>>, vector<1x128x16xf32>
    %get3A_161 = vector.shape_cast %get3A_160 : vector<1x128x16xf32> to vector<128x16xf32>
    %mul3A_162 = vector.broadcast %get3A_156 : f32 to vector<128x16xf32>
    %mul3A_163 = arith.mulf %mul3A_162, %get3A_161 : vector<128x16xf32>
    %add3A_164 = arith.addf %add3A_152, %mul3A_163 : vector<128x16xf32>
    %get3A_165 = arith.constant 2 : index
    %get3A_166 = arith.constant 3 : index
    %get3A_167 = vector.load %arg5[%get3A_165, %get3A_166] : memref<8x4xf32, #tpu.memory_space<vmem>>, vector<1x1xf32>
    %get3A_168 = vector.extract %get3A_167[0, 0] : f32 from vector<1x1xf32>
    %get3A_169 = arith.constant 3 : index
    %get3A_170 = arith.constant 0 : index
    %get3A_171 = arith.constant 0 : index
    %get3A_172 = vector.load %arg4[%get3A_169, %get3A_170, %get3A_171] : memref<4x128x16xf32, #tpu.memory_space<vmem>>, vector<1x128x16xf32>
    %get3A_173 = vector.shape_cast %get3A_172 : vector<1x128x16xf32> to vector<128x16xf32>
    %mul3A_174 = vector.broadcast %get3A_168 : f32 to vector<128x16xf32>
    %mul3A_175 = arith.mulf %mul3A_174, %get3A_173 : vector<128x16xf32>
    %add3A_176 = arith.addf %add3A_164, %mul3A_175 : vector<128x16xf32>
    %dot_general3A_177 = arith.constant dense<0.000000e+00> : vector<1000x16xf32>
    %dot_general3A_178 = tpu.matmul %max3A_32, %add3A_176, %dot_general3A_177 {dimension_numbers = #tpu.dot_dimension_numbers<[1], [0], [0], [1], [0, 0, 1, 1], [], []>, transpose_lhs_hint = false} : vector<1000x128xf32>, vector<128x16xf32>, vector<1000x16xf32> -> vector<1000x16xf32>
    %get3A_179 = arith.constant 3 : index
    %get3A_180 = arith.constant 0 : index
    %get3A_181 = vector.load %arg5[%get3A_179, %get3A_180] : memref<8x4xf32, #tpu.memory_space<vmem>>, vector<1x1xf32>
    %get3A_182 = vector.extract %get3A_181[0, 0] : f32 from vector<1x1xf32>
    %get3A_183 = arith.constant 0 : index
    %get3A_184 = arith.constant 0 : index
    %get3A_185 = arith.constant 0 : index
    %get3A_186 = vector.load %arg4[%get3A_183, %get3A_184, %get3A_185] : memref<4x128x16xf32, #tpu.memory_space<vmem>>, vector<1x128x16xf32>
    %get3A_187 = vector.shape_cast %get3A_186 : vector<1x128x16xf32> to vector<128x16xf32>
    %mul3A_188 = vector.broadcast %get3A_182 : f32 to vector<128x16xf32>
    %mul3A_189 = arith.mulf %mul3A_188, %get3A_187 : vector<128x16xf32>
    %get3A_190 = arith.constant 3 : index
    %get3A_191 = arith.constant 1 : index
    %get3A_192 = vector.load %arg5[%get3A_190, %get3A_191] : memref<8x4xf32, #tpu.memory_space<vmem>>, vector<1x1xf32>
    %get3A_193 = vector.extract %get3A_192[0, 0] : f32 from vector<1x1xf32>
    %get3A_194 = arith.constant 1 : index
    %get3A_195 = arith.constant 0 : index
    %get3A_196 = arith.constant 0 : index
    %get3A_197 = vector.load %arg4[%get3A_194, %get3A_195, %get3A_196] : memref<4x128x16xf32, #tpu.memory_space<vmem>>, vector<1x128x16xf32>
    %get3A_198 = vector.shape_cast %get3A_197 : vector<1x128x16xf32> to vector<128x16xf32>
    %mul3A_199 = vector.broadcast %get3A_193 : f32 to vector<128x16xf32>
    %mul3A_200 = arith.mulf %mul3A_199, %get3A_198 : vector<128x16xf32>
    %add3A_201 = arith.addf %mul3A_189, %mul3A_200 : vector<128x16xf32>
    %get3A_202 = arith.constant 3 : index
    %get3A_203 = arith.constant 2 : index
    %get3A_204 = vector.load %arg5[%get3A_202, %get3A_203] : memref<8x4xf32, #tpu.memory_space<vmem>>, vector<1x1xf32>
    %get3A_205 = vector.extract %get3A_204[0, 0] : f32 from vector<1x1xf32>
    %get3A_206 = arith.constant 2 : index
    %get3A_207 = arith.constant 0 : index
    %get3A_208 = arith.constant 0 : index
    %get3A_209 = vector.load %arg4[%get3A_206, %get3A_207, %get3A_208] : memref<4x128x16xf32, #tpu.memory_space<vmem>>, vector<1x128x16xf32>
    %get3A_210 = vector.shape_cast %get3A_209 : vector<1x128x16xf32> to vector<128x16xf32>
    %mul3A_211 = vector.broadcast %get3A_205 : f32 to vector<128x16xf32>
    %mul3A_212 = arith.mulf %mul3A_211, %get3A_210 : vector<128x16xf32>
    %add3A_213 = arith.addf %add3A_201, %mul3A_212 : vector<128x16xf32>
    %get3A_214 = arith.constant 3 : index
    %get3A_215 = arith.constant 3 : index
    %get3A_216 = vector.load %arg5[%get3A_214, %get3A_215] : memref<8x4xf32, #tpu.memory_space<vmem>>, vector<1x1xf32>
    %get3A_217 = vector.extract %get3A_216[0, 0] : f32 from vector<1x1xf32>
    %get3A_218 = arith.constant 3 : index
    %get3A_219 = arith.constant 0 : index
    %get3A_220 = arith.constant 0 : index
    %get3A_221 = vector.load %arg4[%get3A_218, %get3A_219, %get3A_220] : memref<4x128x16xf32, #tpu.memory_space<vmem>>, vector<1x128x16xf32>
    %get3A_222 = vector.shape_cast %get3A_221 : vector<1x128x16xf32> to vector<128x16xf32>
    %mul3A_223 = vector.broadcast %get3A_217 : f32 to vector<128x16xf32>
    %mul3A_224 = arith.mulf %mul3A_223, %get3A_222 : vector<128x16xf32>
    %add3A_225 = arith.addf %add3A_213, %mul3A_224 : vector<128x16xf32>
    %dot_general3A_226 = arith.constant dense<0.000000e+00> : vector<1000x16xf32>
    %dot_general3A_227 = tpu.matmul %max3A_32, %add3A_225, %dot_general3A_226 {dimension_numbers = #tpu.dot_dimension_numbers<[1], [0], [0], [1], [0, 0, 1, 1], [], []>, transpose_lhs_hint = false} : vector<1000x128xf32>, vector<128x16xf32>, vector<1000x16xf32> -> vector<1000x16xf32>
    %get3A_228 = arith.constant 4 : index
    %get3A_229 = arith.constant 0 : index
    %get3A_230 = vector.load %arg5[%get3A_228, %get3A_229] : memref<8x4xf32, #tpu.memory_space<vmem>>, vector<1x1xf32>
    %get3A_231 = vector.extract %get3A_230[0, 0] : f32 from vector<1x1xf32>
    %get3A_232 = arith.constant 0 : index
    %get3A_233 = arith.constant 0 : index
    %get3A_234 = arith.constant 0 : index
    %get3A_235 = vector.load %arg4[%get3A_232, %get3A_233, %get3A_234] : memref<4x128x16xf32, #tpu.memory_space<vmem>>, vector<1x128x16xf32>
    %get3A_236 = vector.shape_cast %get3A_235 : vector<1x128x16xf32> to vector<128x16xf32>
    %mul3A_237 = vector.broadcast %get3A_231 : f32 to vector<128x16xf32>
    %mul3A_238 = arith.mulf %mul3A_237, %get3A_236 : vector<128x16xf32>
    %get3A_239 = arith.constant 4 : index
    %get3A_240 = arith.constant 1 : index
    %get3A_241 = vector.load %arg5[%get3A_239, %get3A_240] : memref<8x4xf32, #tpu.memory_space<vmem>>, vector<1x1xf32>
    %get3A_242 = vector.extract %get3A_241[0, 0] : f32 from vector<1x1xf32>
    %get3A_243 = arith.constant 1 : index
    %get3A_244 = arith.constant 0 : index
    %get3A_245 = arith.constant 0 : index
    %get3A_246 = vector.load %arg4[%get3A_243, %get3A_244, %get3A_245] : memref<4x128x16xf32, #tpu.memory_space<vmem>>, vector<1x128x16xf32>
    %get3A_247 = vector.shape_cast %get3A_246 : vector<1x128x16xf32> to vector<128x16xf32>
    %mul3A_248 = vector.broadcast %get3A_242 : f32 to vector<128x16xf32>
    %mul3A_249 = arith.mulf %mul3A_248, %get3A_247 : vector<128x16xf32>
    %add3A_250 = arith.addf %mul3A_238, %mul3A_249 : vector<128x16xf32>
    %get3A_251 = arith.constant 4 : index
    %get3A_252 = arith.constant 2 : index
    %get3A_253 = vector.load %arg5[%get3A_251, %get3A_252] : memref<8x4xf32, #tpu.memory_space<vmem>>, vector<1x1xf32>
    %get3A_254 = vector.extract %get3A_253[0, 0] : f32 from vector<1x1xf32>
    %get3A_255 = arith.constant 2 : index
    %get3A_256 = arith.constant 0 : index
    %get3A_257 = arith.constant 0 : index
    %get3A_258 = vector.load %arg4[%get3A_255, %get3A_256, %get3A_257] : memref<4x128x16xf32, #tpu.memory_space<vmem>>, vector<1x128x16xf32>
    %get3A_259 = vector.shape_cast %get3A_258 : vector<1x128x16xf32> to vector<128x16xf32>
    %mul3A_260 = vector.broadcast %get3A_254 : f32 to vector<128x16xf32>
    %mul3A_261 = arith.mulf %mul3A_260, %get3A_259 : vector<128x16xf32>
    %add3A_262 = arith.addf %add3A_250, %mul3A_261 : vector<128x16xf32>
    %get3A_263 = arith.constant 4 : index
    %get3A_264 = arith.constant 3 : index
    %get3A_265 = vector.load %arg5[%get3A_263, %get3A_264] : memref<8x4xf32, #tpu.memory_space<vmem>>, vector<1x1xf32>
    %get3A_266 = vector.extract %get3A_265[0, 0] : f32 from vector<1x1xf32>
    %get3A_267 = arith.constant 3 : index
    %get3A_268 = arith.constant 0 : index
    %get3A_269 = arith.constant 0 : index
    %get3A_270 = vector.load %arg4[%get3A_267, %get3A_268, %get3A_269] : memref<4x128x16xf32, #tpu.memory_space<vmem>>, vector<1x128x16xf32>
    %get3A_271 = vector.shape_cast %get3A_270 : vector<1x128x16xf32> to vector<128x16xf32>
    %mul3A_272 = vector.broadcast %get3A_266 : f32 to vector<128x16xf32>
    %mul3A_273 = arith.mulf %mul3A_272, %get3A_271 : vector<128x16xf32>
    %add3A_274 = arith.addf %add3A_262, %mul3A_273 : vector<128x16xf32>
    %dot_general3A_275 = arith.constant dense<0.000000e+00> : vector<1000x16xf32>
    %dot_general3A_276 = tpu.matmul %max3A_32, %add3A_274, %dot_general3A_275 {dimension_numbers = #tpu.dot_dimension_numbers<[1], [0], [0], [1], [0, 0, 1, 1], [], []>, transpose_lhs_hint = false} : vector<1000x128xf32>, vector<128x16xf32>, vector<1000x16xf32> -> vector<1000x16xf32>
    %get3A_277 = arith.constant 5 : index
    %get3A_278 = arith.constant 0 : index
    %get3A_279 = vector.load %arg5[%get3A_277, %get3A_278] : memref<8x4xf32, #tpu.memory_space<vmem>>, vector<1x1xf32>
    %get3A_280 = vector.extract %get3A_279[0, 0] : f32 from vector<1x1xf32>
    %get3A_281 = arith.constant 0 : index
    %get3A_282 = arith.constant 0 : index
    %get3A_283 = arith.constant 0 : index
    %get3A_284 = vector.load %arg4[%get3A_281, %get3A_282, %get3A_283] : memref<4x128x16xf32, #tpu.memory_space<vmem>>, vector<1x128x16xf32>
    %get3A_285 = vector.shape_cast %get3A_284 : vector<1x128x16xf32> to vector<128x16xf32>
    %mul3A_286 = vector.broadcast %get3A_280 : f32 to vector<128x16xf32>
    %mul3A_287 = arith.mulf %mul3A_286, %get3A_285 : vector<128x16xf32>
    %get3A_288 = arith.constant 5 : index
    %get3A_289 = arith.constant 1 : index
    %get3A_290 = vector.load %arg5[%get3A_288, %get3A_289] : memref<8x4xf32, #tpu.memory_space<vmem>>, vector<1x1xf32>
    %get3A_291 = vector.extract %get3A_290[0, 0] : f32 from vector<1x1xf32>
    %get3A_292 = arith.constant 1 : index
    %get3A_293 = arith.constant 0 : index
    %get3A_294 = arith.constant 0 : index
    %get3A_295 = vector.load %arg4[%get3A_292, %get3A_293, %get3A_294] : memref<4x128x16xf32, #tpu.memory_space<vmem>>, vector<1x128x16xf32>
    %get3A_296 = vector.shape_cast %get3A_295 : vector<1x128x16xf32> to vector<128x16xf32>
    %mul3A_297 = vector.broadcast %get3A_291 : f32 to vector<128x16xf32>
    %mul3A_298 = arith.mulf %mul3A_297, %get3A_296 : vector<128x16xf32>
    %add3A_299 = arith.addf %mul3A_287, %mul3A_298 : vector<128x16xf32>
    %get3A_300 = arith.constant 5 : index
    %get3A_301 = arith.constant 2 : index
    %get3A_302 = vector.load %arg5[%get3A_300, %get3A_301] : memref<8x4xf32, #tpu.memory_space<vmem>>, vector<1x1xf32>
    %get3A_303 = vector.extract %get3A_302[0, 0] : f32 from vector<1x1xf32>
    %get3A_304 = arith.constant 2 : index
    %get3A_305 = arith.constant 0 : index
    %get3A_306 = arith.constant 0 : index
    %get3A_307 = vector.load %arg4[%get3A_304, %get3A_305, %get3A_306] : memref<4x128x16xf32, #tpu.memory_space<vmem>>, vector<1x128x16xf32>
    %get3A_308 = vector.shape_cast %get3A_307 : vector<1x128x16xf32> to vector<128x16xf32>
    %mul3A_309 = vector.broadcast %get3A_303 : f32 to vector<128x16xf32>
    %mul3A_310 = arith.mulf %mul3A_309, %get3A_308 : vector<128x16xf32>
    %add3A_311 = arith.addf %add3A_299, %mul3A_310 : vector<128x16xf32>
    %get3A_312 = arith.constant 5 : index
    %get3A_313 = arith.constant 3 : index
    %get3A_314 = vector.load %arg5[%get3A_312, %get3A_313] : memref<8x4xf32, #tpu.memory_space<vmem>>, vector<1x1xf32>
    %get3A_315 = vector.extract %get3A_314[0, 0] : f32 from vector<1x1xf32>
    %get3A_316 = arith.constant 3 : index
    %get3A_317 = arith.constant 0 : index
    %get3A_318 = arith.constant 0 : index
    %get3A_319 = vector.load %arg4[%get3A_316, %get3A_317, %get3A_318] : memref<4x128x16xf32, #tpu.memory_space<vmem>>, vector<1x128x16xf32>
    %get3A_320 = vector.shape_cast %get3A_319 : vector<1x128x16xf32> to vector<128x16xf32>
    %mul3A_321 = vector.broadcast %get3A_315 : f32 to vector<128x16xf32>
    %mul3A_322 = arith.mulf %mul3A_321, %get3A_320 : vector<128x16xf32>
    %add3A_323 = arith.addf %add3A_311, %mul3A_322 : vector<128x16xf32>
    %dot_general3A_324 = arith.constant dense<0.000000e+00> : vector<1000x16xf32>
    %dot_general3A_325 = tpu.matmul %max3A_32, %add3A_323, %dot_general3A_324 {dimension_numbers = #tpu.dot_dimension_numbers<[1], [0], [0], [1], [0, 0, 1, 1], [], []>, transpose_lhs_hint = false} : vector<1000x128xf32>, vector<128x16xf32>, vector<1000x16xf32> -> vector<1000x16xf32>
    %get3A_326 = arith.constant 6 : index
    %get3A_327 = arith.constant 0 : index
    %get3A_328 = vector.load %arg5[%get3A_326, %get3A_327] : memref<8x4xf32, #tpu.memory_space<vmem>>, vector<1x1xf32>
    %get3A_329 = vector.extract %get3A_328[0, 0] : f32 from vector<1x1xf32>
    %get3A_330 = arith.constant 0 : index
    %get3A_331 = arith.constant 0 : index
    %get3A_332 = arith.constant 0 : index
    %get3A_333 = vector.load %arg4[%get3A_330, %get3A_331, %get3A_332] : memref<4x128x16xf32, #tpu.memory_space<vmem>>, vector<1x128x16xf32>
    %get3A_334 = vector.shape_cast %get3A_333 : vector<1x128x16xf32> to vector<128x16xf32>
    %mul3A_335 = vector.broadcast %get3A_329 : f32 to vector<128x16xf32>
    %mul3A_336 = arith.mulf %mul3A_335, %get3A_334 : vector<128x16xf32>
    %get3A_337 = arith.constant 6 : index
    %get3A_338 = arith.constant 1 : index
    %get3A_339 = vector.load %arg5[%get3A_337, %get3A_338] : memref<8x4xf32, #tpu.memory_space<vmem>>, vector<1x1xf32>
    %get3A_340 = vector.extract %get3A_339[0, 0] : f32 from vector<1x1xf32>
    %get3A_341 = arith.constant 1 : index
    %get3A_342 = arith.constant 0 : index
    %get3A_343 = arith.constant 0 : index
    %get3A_344 = vector.load %arg4[%get3A_341, %get3A_342, %get3A_343] : memref<4x128x16xf32, #tpu.memory_space<vmem>>, vector<1x128x16xf32>
    %get3A_345 = vector.shape_cast %get3A_344 : vector<1x128x16xf32> to vector<128x16xf32>
    %mul3A_346 = vector.broadcast %get3A_340 : f32 to vector<128x16xf32>
    %mul3A_347 = arith.mulf %mul3A_346, %get3A_345 : vector<128x16xf32>
    %add3A_348 = arith.addf %mul3A_336, %mul3A_347 : vector<128x16xf32>
    %get3A_349 = arith.constant 6 : index
    %get3A_350 = arith.constant 2 : index
    %get3A_351 = vector.load %arg5[%get3A_349, %get3A_350] : memref<8x4xf32, #tpu.memory_space<vmem>>, vector<1x1xf32>
    %get3A_352 = vector.extract %get3A_351[0, 0] : f32 from vector<1x1xf32>
    %get3A_353 = arith.constant 2 : index
    %get3A_354 = arith.constant 0 : index
    %get3A_355 = arith.constant 0 : index
    %get3A_356 = vector.load %arg4[%get3A_353, %get3A_354, %get3A_355] : memref<4x128x16xf32, #tpu.memory_space<vmem>>, vector<1x128x16xf32>
    %get3A_357 = vector.shape_cast %get3A_356 : vector<1x128x16xf32> to vector<128x16xf32>
    %mul3A_358 = vector.broadcast %get3A_352 : f32 to vector<128x16xf32>
    %mul3A_359 = arith.mulf %mul3A_358, %get3A_357 : vector<128x16xf32>
    %add3A_360 = arith.addf %add3A_348, %mul3A_359 : vector<128x16xf32>
    %get3A_361 = arith.constant 6 : index
    %get3A_362 = arith.constant 3 : index
    %get3A_363 = vector.load %arg5[%get3A_361, %get3A_362] : memref<8x4xf32, #tpu.memory_space<vmem>>, vector<1x1xf32>
    %get3A_364 = vector.extract %get3A_363[0, 0] : f32 from vector<1x1xf32>
    %get3A_365 = arith.constant 3 : index
    %get3A_366 = arith.constant 0 : index
    %get3A_367 = arith.constant 0 : index
    %get3A_368 = vector.load %arg4[%get3A_365, %get3A_366, %get3A_367] : memref<4x128x16xf32, #tpu.memory_space<vmem>>, vector<1x128x16xf32>
    %get3A_369 = vector.shape_cast %get3A_368 : vector<1x128x16xf32> to vector<128x16xf32>
    %mul3A_370 = vector.broadcast %get3A_364 : f32 to vector<128x16xf32>
    %mul3A_371 = arith.mulf %mul3A_370, %get3A_369 : vector<128x16xf32>
    %add3A_372 = arith.addf %add3A_360, %mul3A_371 : vector<128x16xf32>
    %dot_general3A_373 = arith.constant dense<0.000000e+00> : vector<1000x16xf32>
    %dot_general3A_374 = tpu.matmul %max3A_32, %add3A_372, %dot_general3A_373 {dimension_numbers = #tpu.dot_dimension_numbers<[1], [0], [0], [1], [0, 0, 1, 1], [], []>, transpose_lhs_hint = false} : vector<1000x128xf32>, vector<128x16xf32>, vector<1000x16xf32> -> vector<1000x16xf32>
    %get3A_375 = arith.constant 7 : index
    %get3A_376 = arith.constant 0 : index
    %get3A_377 = vector.load %arg5[%get3A_375, %get3A_376] : memref<8x4xf32, #tpu.memory_space<vmem>>, vector<1x1xf32>
    %get3A_378 = vector.extract %get3A_377[0, 0] : f32 from vector<1x1xf32>
    %get3A_379 = arith.constant 0 : index
    %get3A_380 = arith.constant 0 : index
    %get3A_381 = arith.constant 0 : index
    %get3A_382 = vector.load %arg4[%get3A_379, %get3A_380, %get3A_381] : memref<4x128x16xf32, #tpu.memory_space<vmem>>, vector<1x128x16xf32>
    %get3A_383 = vector.shape_cast %get3A_382 : vector<1x128x16xf32> to vector<128x16xf32>
    %mul3A_384 = vector.broadcast %get3A_378 : f32 to vector<128x16xf32>
    %mul3A_385 = arith.mulf %mul3A_384, %get3A_383 : vector<128x16xf32>
    %get3A_386 = arith.constant 7 : index
    %get3A_387 = arith.constant 1 : index
    %get3A_388 = vector.load %arg5[%get3A_386, %get3A_387] : memref<8x4xf32, #tpu.memory_space<vmem>>, vector<1x1xf32>
    %get3A_389 = vector.extract %get3A_388[0, 0] : f32 from vector<1x1xf32>
    %get3A_390 = arith.constant 1 : index
    %get3A_391 = arith.constant 0 : index
    %get3A_392 = arith.constant 0 : index
    %get3A_393 = vector.load %arg4[%get3A_390, %get3A_391, %get3A_392] : memref<4x128x16xf32, #tpu.memory_space<vmem>>, vector<1x128x16xf32>
    %get3A_394 = vector.shape_cast %get3A_393 : vector<1x128x16xf32> to vector<128x16xf32>
    %mul3A_395 = vector.broadcast %get3A_389 : f32 to vector<128x16xf32>
    %mul3A_396 = arith.mulf %mul3A_395, %get3A_394 : vector<128x16xf32>
    %add3A_397 = arith.addf %mul3A_385, %mul3A_396 : vector<128x16xf32>
    %get3A_398 = arith.constant 7 : index
    %get3A_399 = arith.constant 2 : index
    %get3A_400 = vector.load %arg5[%get3A_398, %get3A_399] : memref<8x4xf32, #tpu.memory_space<vmem>>, vector<1x1xf32>
    %get3A_401 = vector.extract %get3A_400[0, 0] : f32 from vector<1x1xf32>
    %get3A_402 = arith.constant 2 : index
    %get3A_403 = arith.constant 0 : index
    %get3A_404 = arith.constant 0 : index
    %get3A_405 = vector.load %arg4[%get3A_402, %get3A_403, %get3A_404] : memref<4x128x16xf32, #tpu.memory_space<vmem>>, vector<1x128x16xf32>
    %get3A_406 = vector.shape_cast %get3A_405 : vector<1x128x16xf32> to vector<128x16xf32>
    %mul3A_407 = vector.broadcast %get3A_401 : f32 to vector<128x16xf32>
    %mul3A_408 = arith.mulf %mul3A_407, %get3A_406 : vector<128x16xf32>
    %add3A_409 = arith.addf %add3A_397, %mul3A_408 : vector<128x16xf32>
    %get3A_410 = arith.constant 7 : index
    %get3A_411 = arith.constant 3 : index
    %get3A_412 = vector.load %arg5[%get3A_410, %get3A_411] : memref<8x4xf32, #tpu.memory_space<vmem>>, vector<1x1xf32>
    %get3A_413 = vector.extract %get3A_412[0, 0] : f32 from vector<1x1xf32>
    %get3A_414 = arith.constant 3 : index
    %get3A_415 = arith.constant 0 : index
    %get3A_416 = arith.constant 0 : index
    %get3A_417 = vector.load %arg4[%get3A_414, %get3A_415, %get3A_416] : memref<4x128x16xf32, #tpu.memory_space<vmem>>, vector<1x128x16xf32>
    %get3A_418 = vector.shape_cast %get3A_417 : vector<1x128x16xf32> to vector<128x16xf32>
    %mul3A_419 = vector.broadcast %get3A_413 : f32 to vector<128x16xf32>
    %mul3A_420 = arith.mulf %mul3A_419, %get3A_418 : vector<128x16xf32>
    %add3A_421 = arith.addf %add3A_409, %mul3A_420 : vector<128x16xf32>
    %dot_general3A_422 = arith.constant dense<0.000000e+00> : vector<1000x16xf32>
    %dot_general3A_423 = tpu.matmul %max3A_32, %add3A_421, %dot_general3A_422 {dimension_numbers = #tpu.dot_dimension_numbers<[1], [0], [0], [1], [0, 0, 1, 1], [], []>, transpose_lhs_hint = false} : vector<1000x128xf32>, vector<128x16xf32>, vector<1000x16xf32> -> vector<1000x16xf32>
    %concatenate3A = tpu.concatenate %dot_general3A_80, %dot_general3A_129, %dot_general3A_178, %dot_general3A_227, %dot_general3A_276, %dot_general3A_325, %dot_general3A_374, %dot_general3A_423 in 1 : vector<1000x16xf32>, vector<1000x16xf32>, vector<1000x16xf32>, vector<1000x16xf32>, vector<1000x16xf32>, vector<1000x16xf32>, vector<1000x16xf32>, vector<1000x16xf32> -> vector<1000x128xf32>
    %swap3A = arith.constant 0 : index
    %swap3A_424 = arith.constant 0 : index
    %swap3A_425 = vector.load %arg8[%swap3A, %swap3A_424] : memref<1000x128xf32, #tpu.memory_space<vmem>>, vector<1000x128xf32>
    tpu.vector_store %arg8[%swap3A, %swap3A_424], %concatenate3A {strides = array<i32>} : memref<1000x128xf32, #tpu.memory_space<vmem>>, vector<1000x128xf32>,
    %get3A_426 = arith.constant 0 : index
    %get3A_427 = arith.constant 0 : index
    %get3A_428 = vector.load %arg6[%get3A_426, %get3A_427] : memref<128x16xf32, #tpu.memory_space<vmem>>, vector<128x16xf32>
    %dot_general3A_429 = arith.constant dense<0.000000e+00> : vector<1000x16xf32>
    %dot_general3A_430 = tpu.matmul %max3A_32, %get3A_428, %dot_general3A_429 {dimension_numbers = #tpu.dot_dimension_numbers<[1], [0], [0], [1], [0, 0, 1, 1], [], []>, transpose_lhs_hint = false} : vector<1000x128xf32>, vector<128x16xf32>, vector<1000x16xf32> -> vector<1000x16xf32>
    %get3A_431 = arith.constant 0 : index
    %get3A_432 = arith.constant 0 : index
    %get3A_433 = vector.load %arg7[%get3A_431, %get3A_432] : memref<1x16xf32, #tpu.memory_space<vmem>>, vector<1x16xf32>
    %add3A_434 = vector.broadcast %get3A_433 : vector<1x16xf32> to vector<1000x16xf32>
    %add3A_435 = arith.addf %dot_general3A_430, %add3A_434 : vector<1000x16xf32>
    %swap3A_436 = arith.constant 0 : index
    %swap3A_437 = arith.constant 0 : index
    %swap3A_438 = vector.load %arg9[%swap3A_436, %swap3A_437] : memref<1000x16xf32, #tpu.memory_space<vmem>>, vector<1000x16xf32>
    tpu.vector_store %arg9[%swap3A_436, %swap3A_437], %add3A_435 {strides = array<i32>} : memref<1000x16xf32, #tpu.memory_space<vmem>>, vector<1000x16xf32>,
    return
  }
  func.func @transform_0(%arg0: i32) -> (i32, i32, i32) {
    %c0_i32 = arith.constant 0 : i32
    %c0_i32_0 = arith.constant 0 : i32
    %c0_i32_1 = arith.constant 0 : i32
    return %c0_i32, %arg0, %c0_i32_0 : i32, i32, i32
  }
  func.func @transform_1(%arg0: i32) -> (i32, i32, i32) {
    %c0_i32 = arith.constant 0 : i32
    %c0_i32_0 = arith.constant 0 : i32
    %c0_i32_1 = arith.constant 0 : i32
    return %c0_i32, %arg0, %c0_i32_0 : i32, i32, i32
  }
  func.func @transform_2(%arg0: i32) -> (i32, i32) {
    %c0_i32 = arith.constant 0 : i32
    %c0_i32_0 = arith.constant 0 : i32
    return %arg0, %c0_i32 : i32, i32
  }
  func.func @transform_3(%arg0: i32) -> (i32, i32, i32) {
    %c0_i32 = arith.constant 0 : i32
    %c0_i32_0 = arith.constant 0 : i32
    %c0_i32_1 = arith.constant 0 : i32
    %c0_i32_2 = arith.constant 0 : i32
    return %c0_i32, %c0_i32_0, %c0_i32_1 : i32, i32, i32
  }
  func.func @transform_4(%arg0: i32) -> (i32, i32) {
    %c0_i32 = arith.constant 0 : i32
    %c0_i32_0 = arith.constant 0 : i32
    %c0_i32_1 = arith.constant 0 : i32
    return %c0_i32, %c0_i32_0 : i32, i32
  }
  func.func @transform_5(%arg0: i32) -> (i32, i32) {
    %c0_i32 = arith.constant 0 : i32
    %c0_i32_0 = arith.constant 0 : i32
    %c0_i32_1 = arith.constant 0 : i32
    return %c0_i32, %c0_i32_0 : i32, i32
  }
  func.func @transform_6(%arg0: i32) -> (i32, i32) {
    %c0_i32 = arith.constant 0 : i32
    %c0_i32_0 = arith.constant 0 : i32
    %c0_i32_1 = arith.constant 0 : i32
    return %c0_i32, %c0_i32_0 : i32, i32
  }
  func.func @transform_7(%arg0: i32) -> (i32, i32) {
    %c0_i32 = arith.constant 0 : i32
    %c0_i32_0 = arith.constant 0 : i32
    return %arg0, %c0_i32 : i32, i32
  }
  func.func @transform_8(%arg0: i32) -> (i32, i32) {
    %c0_i32 = arith.constant 0 : i32
    %c0_i32_0 = arith.constant 0 : i32
    return %arg0, %c0_i32 : i32, i32
  }
}

module attributes {stable_mosaic.version = 14 : i64} {
  func.func @_l5_body(%arg0: i32, %arg1: memref<2x1000x16xf32, #tpu.memory_space<vmem>>, %arg2: memref<2x1000x16xf32, #tpu.memory_space<vmem>>, %arg3: memref<1000x16xf32, #tpu.memory_space<vmem>>, %arg4: memref<1000x16xf32, #tpu.memory_space<vmem>>) attributes {dimension_semantics = [#tpu.dimension_semantics<arbitrary>], iteration_bounds = array<i64: 10>, scalar_prefetch = 0 : i64, scratch_operands = 0 : i64, tpu.core_type = #tpu.core_type<tc>, window_params = [{transform_indices = @transform_0, window_bounds = array<i64: 2, 1000, 16>}, {transform_indices = @transform_1, window_bounds = array<i64: 2, 1000, 16>}, {transform_indices = @transform_2, window_bounds = array<i64: 1000, 16>}, {transform_indices = @transform_3, window_bounds = array<i64: 1000, 16>}]} {
    %get3A = arith.constant 0 : index
    %get3A_0 = arith.constant 0 : index
    %get3A_1 = arith.constant 0 : index
    %get3A_2 = vector.load %arg1[%get3A, %get3A_0, %get3A_1] : memref<2x1000x16xf32, #tpu.memory_space<vmem>>, vector<1x1000x16xf32>
    %get3A_3 = vector.shape_cast %get3A_2 : vector<1x1000x16xf32> to vector<1000x16xf32>
    %get3A_4 = arith.constant 1 : index
    %get3A_5 = arith.constant 0 : index
    %get3A_6 = arith.constant 0 : index
    %get3A_7 = vector.load %arg1[%get3A_4, %get3A_5, %get3A_6] : memref<2x1000x16xf32, #tpu.memory_space<vmem>>, vector<1x1000x16xf32>
    %get3A_8 = vector.shape_cast %get3A_7 : vector<1x1000x16xf32> to vector<1000x16xf32>
    %add3A = arith.addf %get3A_3, %get3A_8 : vector<1000x16xf32>
    %get3A_9 = arith.constant 0 : index
    %get3A_10 = arith.constant 0 : index
    %get3A_11 = arith.constant 0 : index
    %get3A_12 = vector.load %arg2[%get3A_9, %get3A_10, %get3A_11] : memref<2x1000x16xf32, #tpu.memory_space<vmem>>, vector<1x1000x16xf32>
    %get3A_13 = vector.shape_cast %get3A_12 : vector<1x1000x16xf32> to vector<1000x16xf32>
    %get3A_14 = arith.constant 1 : index
    %get3A_15 = arith.constant 0 : index
    %get3A_16 = arith.constant 0 : index
    %get3A_17 = vector.load %arg2[%get3A_14, %get3A_15, %get3A_16] : memref<2x1000x16xf32, #tpu.memory_space<vmem>>, vector<1x1000x16xf32>
    %get3A_18 = vector.shape_cast %get3A_17 : vector<1x1000x16xf32> to vector<1000x16xf32>
    %add3A_19 = arith.addf %get3A_13, %get3A_18 : vector<1000x16xf32>
    %max3A = arith.constant 1.000000e+00 : f32
    %max3A_20 = vector.broadcast %max3A : f32 to vector<1000x16xf32>
    %max3A_21 = arith.maximumf %add3A_19, %max3A_20 : vector<1000x16xf32>
    %div3A = arith.constant 1.000000e+00 : f32
    %div3A_22 = vector.broadcast %div3A : f32 to vector<1000x16xf32>
    %div3A_23 = arith.divf %div3A_22, %max3A_21 : vector<1000x16xf32>
    %mul3A = arith.mulf %add3A, %div3A_23 : vector<1000x16xf32>
    %get3A_24 = arith.constant 0 : index
    %get3A_25 = arith.constant 0 : index
    %get3A_26 = vector.load %arg3[%get3A_24, %get3A_25] : memref<1000x16xf32, #tpu.memory_space<vmem>>, vector<1000x16xf32>
    %add3A_27 = arith.addf %mul3A, %get3A_26 : vector<1000x16xf32>
    %reduce_max3A = arith.constant dense<0xFF800000> : vector<1000xf32>
    %reduce_max3A_28 = vector.multi_reduction <maximumf>, %add3A_27, %reduce_max3A [1] : vector<1000x16xf32> to vector<1000xf32>
    %broadcast_in_dim3A = vector.shape_cast %reduce_max3A_28 : vector<1000xf32> to vector<1000x1xf32>
    %sub3A = vector.broadcast %broadcast_in_dim3A : vector<1000x1xf32> to vector<1000x16xf32>
    %sub3A_29 = arith.subf %add3A_27, %sub3A : vector<1000x16xf32>
    %exp3A = math.exp %sub3A_29 : vector<1000x16xf32>
    %reduce_sum3A = arith.constant dense<0.000000e+00> : vector<1000xf32>
    %reduce_sum3A_30 = vector.multi_reduction <add>, %exp3A, %reduce_sum3A [1] : vector<1000x16xf32> to vector<1000xf32>
    %broadcast_in_dim3A_31 = vector.shape_cast %reduce_sum3A_30 : vector<1000xf32> to vector<1000x1xf32>
    %div3A_32 = vector.broadcast %broadcast_in_dim3A_31 : vector<1000x1xf32> to vector<1000x16xf32>
    %div3A_33 = arith.divf %exp3A, %div3A_32 : vector<1000x16xf32>
    %swap3A = arith.constant 0 : index
    %swap3A_34 = arith.constant 0 : index
    %swap3A_35 = vector.load %arg4[%swap3A, %swap3A_34] : memref<1000x16xf32, #tpu.memory_space<vmem>>, vector<1000x16xf32>
    tpu.vector_store %arg4[%swap3A, %swap3A_34], %div3A_33 {strides = array<i32>} : memref<1000x16xf32, #tpu.memory_space<vmem>>, vector<1000x16xf32>,
    return
  }
  func.func @transform_0(%arg0: i32) -> (i32, i32, i32) {
    %c0_i32 = arith.constant 0 : i32
    %c0_i32_0 = arith.constant 0 : i32
    %c0_i32_1 = arith.constant 0 : i32
    return %c0_i32, %arg0, %c0_i32_0 : i32, i32, i32
  }
  func.func @transform_1(%arg0: i32) -> (i32, i32, i32) {
    %c0_i32 = arith.constant 0 : i32
    %c0_i32_0 = arith.constant 0 : i32
    %c0_i32_1 = arith.constant 0 : i32
    return %c0_i32, %arg0, %c0_i32_0 : i32, i32, i32
  }
  func.func @transform_2(%arg0: i32) -> (i32, i32) {
    %c0_i32 = arith.constant 0 : i32
    %c0_i32_0 = arith.constant 0 : i32
    return %arg0, %c0_i32 : i32, i32
  }
  func.func @transform_3(%arg0: i32) -> (i32, i32) {
    %c0_i32 = arith.constant 0 : i32
    %c0_i32_0 = arith.constant 0 : i32
    return %arg0, %c0_i32 : i32, i32
  }
}

</mosaic_0001>

<sc_bundles>
// kernel: kernel.11.cloned.1.call-start
scs
__scs_entry_jumppad:
0x0: {  	(pc) =	sbr.rel $0x88, $3  }
0x1: {  	(tag) =	ssettag $0x0;
	lr =	simm.s32 $0x1  }
0x2: {  	[smem:$0x3F96] =	sst lr;
	_ =	strace $0xD0000000  }
0x3: {  	_ = 	snop  }
0x4: {  	_ = 	snop  }
0x5: {  	_ = 	snop  }
0x6: {  	_ = 	snop  }
0x7: {  	_ = 	snop  }
__scs_overlays_trampoline_lowered:
0x8: {  	[smem:$0x3FA5] =	sst s0  }
0x9: {  	[smem:$0x3FA6] =	sst s1  }
0xa: {  	[smem:$0x3FA7] =	sst s2  }
0xb: {  	[smem:$0x3FA8] =	sst s3  }
0xc: {  	[smem:$0x3FA9] =	sst s4  }
0xd: {  	[smem:$0x3FAA] =	sst s5  }
0xe: {  	[smem:$0x3FAB] =	sst s6  }
0xf: {  	[smem:$0x3FAC] =	sst s7  }
0x10: {  	[smem:$0x3FAD] =	sst s8  }
0x11: {  	[smem:$0x3FAE] =	sst s9;
	s0 =	simm.s32 @!p0 $0x0  }
0x12: {  	s1 =	sld [smem:$0x3F94];
	s0 =	simm.s32 @p0 $0x1  }
0x13: {  	[smem:$0x3FAF] =	sst s0;
	s0 =	simm.s32 @!p1 $0x0  }
0x14: {  	s2 =	sld [smem:$0x3F93];
	s0 =	simm.s32 @p1 $0x1  }
0x15: {  	[smem:$0x3FB0] =	sst s0;
	s0 =	simm.s32 @!p2 $0x0  }
0x16: {  	s3 =	sld [smem:$0x3FDB];
	s0 =	simm.s32 @p2 $0x1  }
0x17: {  	s4 =	simm.s32 $0x1BF5;
	[smem:$0x3FB2] =	sst s0  }
0x18: {  	s0 =	sld [smem:$0x3F95];
	_ =	swait.ge [sflag:s4], $0x0  }
0x19: {  	s7 =	sld [smem:$0x3F96]  }
0x1a: {  	s8 =	sadd.s32 $0xFFFFE003, lr  }
0x1b: {  	s9 =	sadd.s32 $0xFFFFFEF7, lr;
	s5 =	simm.s32 $0xFFFFFFFF;
	p2 =	slt.u32 s8, $0xFFFFF086  }
0x1c: {  	p1 =	slt.u32 s9, $0xF7A;
	s5 =	simm.s32 @!p2 $0x0  }
0x1d: {  	s5 =	simm.s32 @p1 $0x1;
	p0 =	seq.s32 s7, s2  }
0x1e: {  	s7 =	smul.u32 @!p0 $0xF7A, s2;
	p2 =	seq.s32 @!p0 s5, $0x0  }
0x1f: {  	s9 =	smul.u32 $0xF7A, s1;
	s8 =	simm.s32 @!p0 $0x1BF5;
	p2 =	por !p2, p0  }
0x20: {  	[sflag:s8] =	ssyncset.s32 @!p0 $0xFFFFF086;
	s6 =	sadd.s32 @!p0 s3, s7;
	s7 =	simm.s32 @!p0 $0x108  }
0x21: {  	s3 =	sadd.s32 s3, s9;
	s6 =	sadd.s32 @!p0 $0x88, s6;
	s7 =	simm.s32 @p2 $0x1082  }
0x22: {  	[simem:s7], [sflag:s8] =	dma.local @!p0 [hbm:s6], $0xF7A  }
0x23: {  	s9 =	sor.u32 $0xD0000000, s2;
	s6 =	simm.s32 $0x108;
	_ =	swait.ge @!p0 [sflag:s8], $0x0  }
0x24: {  	s3 =	sadd.s32 $0x88, s3;
	s6 =	simm.s32 @!p1 $0x1082;
	[sflag:s4] =	ssyncset.s32 $0xFFFFF086  }
0x25: {  	[simem:s6], [sflag:s4] =	dma.local [hbm:s3], $0xF7A  }
0x26: {  	[smem:$0x3F96] =	sst s1;
	(tag) =	ssettag s2;
	_ =	strace s9  }
0x27: {  	s1 =	sld [smem:$0x3FA6]  }
0x28: {  	s2 =	sld [smem:$0x3FA7]  }
0x29: {  	s4 =	sld [smem:$0x3FA9]  }
0x2a: {  	p0 =	seq.s32 s5, $0x0;
	s5 =	sld [smem:$0x3FAA]  }
0x2b: {  	s6 =	sld [smem:$0x3FAB]  }
0x2c: {  	s7 =	sld [smem:$0x3FAC]  }
0x2d: {  	s3 =	simm.s32 $0x108;
	s8 =	sld [smem:$0x3FAD]  }
0x2e: {  	s3 =	simm.s32 @!p0 $0x1082;
	s9 =	sld [smem:$0x3FAE]  }
0x2f: {  	lr =	sadd.s32 s0, s3;
	s0 =	sld [smem:$0x3FA5]  }
0x30: {  	s3 =	sld [smem:$0x3FA8]  }
0x31: {  	[smem:$0x3FB1] =	sst s10  }
0x32: {  	s10 =	sld [smem:$0x3FAF];
	_ =	sdelay $0x3  }
0x33: {  	p0 =	seq.s32 s10, $0x1;
	s10 =	sld [smem:$0x3FB1];
	_ =	sdelay $0x3  }
0x34: {  	[smem:$0x3FB1] =	sst s10  }
0x35: {  	s10 =	sld [smem:$0x3FB0];
	_ =	sdelay $0x3  }
0x36: {  	p1 =	seq.s32 s10, $0x1;
	s10 =	sld [smem:$0x3FB1];
	_ =	sdelay $0x3  }
0x37: {  	[smem:$0x3FB1] =	sst s10  }
0x38: {  	s10 =	sld [smem:$0x3FB2]  }
0x39: {  	_ = 	snop;
	(pc) =	sbr.ind lr, $3  }
0x3a: {  	_ = 	snop  }
0x3b: {  	_ = 	snop  }
0x3c: {  	p2 =	seq.s32 s10, $0x1;
	s10 =	sld [smem:$0x3FB1]  }
0x3d: {  	_ =	shalt  }
0x3e: {  	_ =	shalt  }
0x3f: {  	_ =	shalt  }
0x40: {  	_ =	shalt  }
0x41: {  	_ =	shalt  }
0x42: {  	_ =	shalt  }
0x43: {  	_ =	shalt  }
0x44: {  	_ =	shalt  }
0x45: {  	_ =	shalt  }
0x46: {  	_ =	shalt  }
0x47: {  	_ =	shalt  }
0x48: {  	_ =	shalt  }
0x49: {  	_ =	shalt  }
0x4a: {  	_ =	shalt  }
0x4b: {  	_ =	shalt  }
0x4c: {  	_ =	shalt  }
0x4d: {  	_ =	shalt  }
0x4e: {  	_ =	shalt  }
0x4f: {  	_ =	shalt  }
0x50: {  	_ =	shalt  }
0x51: {  	_ =	shalt  }
0x52: {  	_ =	shalt  }
0x53: {  	_ =	shalt  }
0x54: {  	_ =	shalt  }
0x55: {  	_ =	shalt  }
0x56: {  	_ =	shalt  }
0x57: {  	_ =	shalt  }
0x58: {  	_ =	shalt  }
0x59: {  	_ =	shalt  }
0x5a: {  	_ =	shalt  }
0x5b: {  	_ =	shalt  }
0x5c: {  	_ =	shalt  }
0x5d: {  	_ =	shalt  }
0x5e: {  	_ =	shalt  }
0x5f: {  	_ =	shalt  }
0x60: {  	_ =	shalt  }
0x61: {  	_ =	shalt  }
0x62: {  	_ =	shalt  }
0x63: {  	_ =	shalt  }
0x64: {  	_ =	shalt  }
0x65: {  	_ =	shalt  }
0x66: {  	_ =	shalt  }
0x67: {  	_ =	shalt  }
0x68: {  	_ =	shalt  }
0x69: {  	_ =	shalt  }
0x6a: {  	_ =	shalt  }
0x6b: {  	_ =	shalt  }
0x6c: {  	_ =	shalt  }
0x6d: {  	_ =	shalt  }
0x6e: {  	_ =	shalt  }
0x6f: {  	_ =	shalt  }
0x70: {  	_ =	shalt  }
0x71: {  	_ =	shalt  }
0x72: {  	_ =	shalt  }
0x73: {  	_ =	shalt  }
0x74: {  	_ =	shalt  }
0x75: {  	_ =	shalt  }
0x76: {  	_ =	shalt  }
0x77: {  	_ =	shalt  }
0x78: {  	_ =	shalt  }
0x79: {  	_ =	shalt  }
0x7a: {  	_ =	shalt  }
0x7b: {  	_ =	shalt  }
0x7c: {  	_ =	shalt  }
0x7d: {  	_ =	shalt  }
0x7e: {  	_ =	shalt  }
0x7f: {  	_ =	shalt  }
0x80: {  	_ =	shalt  }
0x81: {  	_ =	shalt  }
0x82: {  	_ =	shalt  }
0x83: {  	_ =	shalt  }
0x84: {  	_ =	shalt  }
0x85: {  	_ =	shalt  }
0x86: {  	_ =	shalt  }
0x87: {  	_ =	shalt  }
.Lfunc_end0:
.L_simem_size_0:
called_computation.1_lowered:
.L_overlay_start_0:
0x88: {  	s2 =	sld [smem:$0x3FD9]  }
0x89: {  	s3 =	sld [smem:$0x3FFE];
	_ =	sdelay $0x1  }
0x8a: {  	s1 =	srdreg.scid  }
0x8b: {  	s0 =	sand.u32 $0x1, s1  }
0x8c: {  	s17 =	sshll.u32 s0, $0xA;
	s2 =	sadd.s32 s3, s2  }
0x8d: {  	s2 =	sadd.s32 s2, s17  }
0x8e: {  	[smem:$0x3FBD] =	sst s2  }
0x8f: {  	_ = 	snop  }
0x90: {  	s2 =	sld [smem:$0x3FD0];
	(tm) =	ssettm $0x1  }
0x91: {  	s18 =	sld [smem:$0x3FFB];
	_ =	sdelay $0x3  }
0x92: {  	_ =	strace s18  }
0x93: {  	s3 =	sld [smem:$0x3FFC];
	_ =	sdelay $0x3  }
0x94: {  	_ =	strace s3  }
0x95: {  	s3 =	sld [smem:$0x3FFD];
	_ =	sdelay $0x3  }
0x96: {  	_ =	strace s3  }
0x97: {  	_ =	strace $0x8FFFFFFF  }
0x98: {  	s19 =	sld [smem:$0x3FDB];
	_ =	sdelay $0x1  }
0x99: {  	s4 =	simm.s32 $_scs_section_size  }
0x9a: {  	s5 =	simm.s32 $_size__tile_overlayer_lowered;
	s6 =	simm.s32 $_tile_overlayer_lowered  }
0x9b: {  	s22 =	simm.s32 $0x1BFF;
	s21 =	sshll.u32 s6, $0x1;
	s3 =	sadd.s32 s4, s19  }
0x9c: {  	s7 =	simm.s32 $0x0;
	s20 =	sshll.u32 s5, $0x1;
	s5 =	sadd.s32 s21, s3  }
0x9d: {  	[timem:s7], [sflag:s22] =	dma.local [hbm:s5], s20  }
0x9e: {  	_ =	swait.ge [sflag:s22], s20  }
0x9f: {  	s4 =	ssub.s32 $0x0, s20;
	[sflag:s22] =	ssyncset.done $0x0  }
0xa0: {  	[sflag:s22] =	ssyncadd.s32 s4;
	_ =	sdelay $0x1  }
0xa1: {  	s23 =	simm.s32 $0x1B8B  }
0xa2: {  	_ =	swait.ge [sflag:s23], $0x1  }
0xa3: {  	[sflag:s23] =	ssyncset.done $0x0  }
0xa4: {  	s25 =	simm.s32 $0x1B8E;
	s24 =	sld [smem:$0x3FFE];
	[sflag:s23] =	ssyncadd.s32 $0xFFFFFFFF  }
0xa5: {  	s26 =	simm.s32 $execute0_lowered;
	[smem:$0x3FD2] =	sst s25  }
0xa6: {  	s5 =	sshll.u32 s26, $0x1;
	_ =	strace $0x80000049;
	[dreg:$0x1] =	wrdreg $0xFFFFFFFF  }
0xa7: {  	s28 =	simm.s32 $_size_execute0_lowered;
	s3 =	sadd.s32 s3, s5;
	[dreg:$0x0] =	wrdreg $0x0  }
0xa8: {  	s5 =	sshll.u32 s28, $0x1;
	[dreg:$0x2] =	wrdreg s3  }
0xa9: {  	[dreg:$0x3] =	wrdreg s5  }
0xaa: {  	[dreg:$0x4] =	wrdreg $0xC0  }
0xab: {  	_ =	task [dreg:s7], $0x5FFFF  }
0xac: {  	[dreg:$0x1] =	wrdreg $0xFFFFFFFF  }
0xad: {  	[dreg:$0x0] =	wrdreg $0x60  }
0xae: {  	[dreg:$0x2] =	wrdreg s24  }
0xaf: {  	[dreg:$0x3] =	wrdreg s2  }
0xb0: {  	[dreg:$0x4] =	wrdreg $0x67000  }
0xb1: {  	[dreg:$0x5] =	wrdreg $0x9  }
0xb2: {  	_ =	task.clear_ibuf [dreg:s7], $0x6FFFF;
	_ =	strace $0x90000049  }
0xb3: {  	s29 =	simm.s32 $0x9;
	_ =	strace $0x8000004B  }
0xb4: {  	_ =	swait.ge [sflag:s29], $0x1  }
0xb5: {  	[sflag:s29] =	ssyncadd.s32 $0xFFFFFFFF  }
0xb6: {  	_ =	strace $0x9000004B  }
0xb7: {  	_ =	sfence  }
0xb8: {  	s30 =	sld [smem:$0x0];
	_ =	sdelay $0x2  }
0xb9: {  	s31 =	sshll.u32 s1, $0xD;
	s1 =	sshrl.u32 s1, $0x2  }
0xba: {  	s3 =	sand.u32 $0x4000, s31;
	s1 =	sadd.s32 s1, s30  }
0xbb: {  	s0 =	sor.u32 s3, s0;
	s1 =	sshll.u32 s1, $0x11  }
0xbc: {  	s0 =	sor.u32 s1, s0  }
0xbd: {  	s0 =	sadd.s32 $0x8F2B, s0  }
0xbe: {  	[sflag:s0] =	ssyncadd.remote.s32 $0x1  }
0xbf: {  	_ =	sfence.sel $0xFFFF  }
0xc0: {  	[dreg:$0x0] =	wrdreg $0xFFFFFFFF;
	(pc) =	sbr.abs _section_cstart, $3  }
0xc1: {  	[dreg:$0x1] =	wrdreg $0xFFFFFFFF  }
0xc2: {  	_ =	task.clear_ibuf [dreg:s7], $0x2FFFF;
	_ =	strace $0x9FFFFFFF  }
0xc3: {  	(tm) =	ssettm $0x7FFFFFFF  }
tec
execute0_lowered:
.L_overlay_start_1:
0x0: {  	(tag) =	ssettag $0x1  }
0x1: {  	s5 =	rddreg [dreg:$0x0]  }
0x2: {  	s8 =	rddreg [dreg:$0x1]  }
0x3: {  	s2 =	rddreg [dreg:$0x2]  }
0x4: {  	s0 =	rddreg [dreg:$0x3]  }
0x5: {  	s4 =	srdreg.scid;
	s1 =	stileid.u32  }
0x6: {  	s3 =	simm.s32 $0x0;
	s17 =	simm.s32 $0x80;
	s18 =	simm.s32 $0x4F00  }
0x7: {  	s19 =	simm.s32 $0x5700;
	s20 =	simm.s32 $0x1;
	s21 =	simm.s32 $0x5F00  }
0x8: {  	s22 =	simm.s32 $0x2;
	s23 =	simm.s32 $0x3;
	s24 =	simm.s32 $0x0  }
0x9: {  	s6 =	sand.u32 $0x1, s4;
	s28 =	sshll.u32 s1, $0x1;
	[smem:$0x7FF] =	sst s3  }
0xa: {  	s11 =	smul.u32 $0x2700, s1;
	s12 =	sadd.s32 $0x77800, s5;
	s14 =	sadd.s32 $0x24900, s2  }
0xb: {  	p0 =	seq.s32 s1, $0xF;
	s4 =	sor.u32 s6, s28;
	_ =	strace $0x8000004A  }
0xc: {  	s9 =	ssub.s32 $0x2, s6;
	s30 =	smul.u32 $0x27100, s6;
	s15 =	sshll.u32 @!p0 s1, $0x6  }
0xd: {  	s14 =	sshrl.u32 @p0 s14, $0x3;
	s7 =	smul.u32 $0x4F0, s4;
	s4 =	sadd.s32 $0x50600, s5  }
0xe: {  	s10 =	sshrl.u32 s9, $0x1;
	s29 =	sshrl.u32 s11, $0x3;
	s16 =	sadd.s32 s11, s2  }
0xf: {  	s15 =	sor.u32 @!p0 $0x1C04, s15;
	s13 =	ssub.s32 s9, s10;
	s31 =	sadd.s32 s11, s30  }
.Ltmp0:
0x10: {  	s10 =	sshrl.u32 s30, $0x3;
	s16 =	sshrl.u32 @!p0 s16, $0x3;
	(pc) =	sbr.rel .LBB2_1-.Ltmp0, $4  }
0x11: {  	s7 =	sadd.s32 s7, s5;
	s9 =	sshrl.u32 s31, $0x3;
	s10 =	sadd.s32 s12, s10  }
0x12: {  	s11 =	smax.u32 s13, $0x1;
	s13 =	simm.s32 $0x2780;
	s5 =	sadd.s32 $0x1D7A00, s7  }
0x13: {  	s6 =	sadd.s32 $0x1CDC00, s7;
	s7 =	sadd.s32 s8, s29;
	s8 =	sadd.s32 $0x4920, s8  }
0x14: {  	s9 =	sadd.s32 s12, s9;
	s10 =	sadd.s32 $0x4920, s10;
	s12 =	simm.s32 $0x4  }
.LBB2_6:
0x15: {  	_ =	swait.ge [sflag:s20], $0x800  }
0x16: {  	[sflag:s20] =	ssyncset.done $0x0  }
0x17: {  	[sflag:s20] =	ssyncadd.s32 $0xFFFFF800  }
0x18: {  	_ =	swait.ge [sflag:s22], $0x800  }
0x19: {  	[sflag:s22] =	ssyncset.done $0x0  }
0x1a: {  	[sflag:s22] =	ssyncadd.s32 $0xFFFFF800  }
0x1b: {  	_ =	swait.ge [sflag:s23], $0x800  }
0x1c: {  	[sflag:s23] =	ssyncset.done $0x0  }
0x1d: {  	[sflag:s23] =	ssyncadd.s32 $0xFFFFF800  }
0x1e: {  	s25 =	simm.s32 @p0 $0x1FC4;
	[bflag:$0x0] =	sbarrier.arrive $0xFFFF  }
0x1f: {  	[hbm:s10], [sflag:s25] =	dma.local @p0 [spmem:s14], $0x500  }
0x20: {  	s25 =	simm.s32 @p0 $0x4  }
0x21: {  	s24 =	sadd.s32 $0x1, s24;
	_ =	swait.ge @p0 [sflag:s25], $0x500  }
0x22: {  	p1 =	sne.s32 s24, s11;
	[sflag:s25] =	ssyncset.done @p0 $0x0  }
.Ltmp1:
0x23: {  	[sflag:s25] =	ssyncadd.s32 @p0 $0xFFFFFB00;
	s25 =	simm.s32 @!p0 $0x4;
	(pc) =	sbr.rel @!p1 .LBB2_7-.Ltmp1, $4  }
0x24: {  	[hbm:s9], [sflag:s15] =	dma.local @!p0 [spmem:s16], $0x4E0  }
0x25: {  	_ =	swait.ge @!p0 [sflag:s25], $0x4E0  }
0x26: {  	[sflag:s25] =	ssyncset.done @!p0 $0x0  }
0x27: {  	[sflag:s25] =	ssyncadd.s32 @!p0 $0xFFFFFB20  }
.LBB2_1:
0x28: {  	[tilespmem:s3], [sflag:$0x4] =	stream.linear.gather [hbm4b:s5+s3], $0x2780, $0x38;
	[tilespmem:$0x8E18] =	vst v63  }
0x29: {  	_ =	swait.ge [sflag:s12], $0x2780  }
0x2a: {  	[sflag:s12] =	ssyncset.done $0x0  }
0x2b: {  	[sflag:s12] =	ssyncadd.s32 $0xFFFFD880  }
0x2c: {  	[tilespmem:s13], [sflag:$0x4] =	stream.linear.gather [hbm4b:s6+s3], $0x2780, $0x38;
	[tilespmem:$0x8E18] =	vst v63  }
0x2d: {  	_ =	swait.ge [sflag:s12], $0x2780  }
0x2e: {  	[sflag:s12] =	ssyncset.done $0x0  }
0x2f: {  	s25 =	simm.s32 @p0 $0x1FC4;
	[sflag:s12] =	ssyncadd.s32 $0xFFFFD880  }
0x30: {  	[spmem:s14], [sflag:s25] =	dma.local @p0 [hbm:s8], $0x510  }
0x31: {  	s25 =	simm.s32 @p0 $0x4  }
0x32: {  	_ =	swait.ge @p0 [sflag:s25], $0x510  }
0x33: {  	[sflag:s25] =	ssyncset.done @p0 $0x0  }
0x34: {  	[sflag:s25] =	ssyncadd.s32 @p0 $0xFFFFFAF0;
	s25 =	simm.s32 @!p0 $0x4  }
0x35: {  	[spmem:s16], [sflag:s15] =	dma.local @!p0 [hbm:s7], $0x4E0  }
0x36: {  	_ =	swait.ge @!p0 [sflag:s25], $0x4E0  }
0x37: {  	[sflag:s25] =	ssyncset.done @!p0 $0x0  }
.Ltmp2:
0x38: {  	[sflag:s25] =	ssyncadd.s32 @!p0 $0xFFFFFB20;
	(pc) =	sbr.rel .LBB2_2-.Ltmp2, $4  }
0x39: {  	[bflag:$0x0] =	sbarrier.arrive $0xFFFF  }
0x3a: {  	[tilespmem:s18], [sflag:$0x1] =	stream.indirect.gather [hbm4b:s4+s17], $0x10, s3, s17, $0xb8;
	[tilespmem:$0x8E18] =	vst v63  }
0x3b: {  	s26 =	simm.s32 $0x0;
	s25 =	simm.s32 $0x0  }
0x3c: {  	[tilespmem:s19], [sflag:$0x2] =	stream.indirect.gather [hbm4b:s4+s17], $0x10, s17, s17, $0xb8;
	[tilespmem:$0x8E18] =	vst v63  }
.LBB2_5:
0x3d: {  	s29 =	sadd.s32 $0x100, s28  }
0x3e: {  	[tilespmem:s21], [sflag:$0x3] =	stream.indirect.gather [hbm4b:s4+s17], $0x10, s29, s17, $0xb8;
	[tilespmem:$0x8E18] =	vst v63  }
0x3f: {  	_ =	swait.ge [sflag:s22], $0x800  }
0x40: {  	[sflag:s22] =	ssyncset.done $0x0  }
0x41: {  	s31 =	sadd.s32 $0x2800, s28;
	[sflag:s22] =	ssyncadd.s32 $0xFFFFF800  }
0x42: {  	[spmem:s2] =	stream.indirect.scatter.add.f32 [tilespmem:s19], [sflag:$0x2], $0x10, s31, s17, $0xb8;
	[tilespmem:$0x8E18] =	vst v63  }
0x43: {  	_ =	swait.ge [sflag:s20], $0x800  }
0x44: {  	[sflag:s20] =	ssyncset.done $0x0  }
0x45: {  	s30 =	sadd.s32 $0x180, s28;
	[sflag:s20] =	ssyncadd.s32 $0xFFFFF800  }
0x46: {  	[tilespmem:s18], [sflag:$0x1] =	stream.indirect.gather [hbm4b:s4+s17], $0x10, s30, s17, $0xb8;
	[tilespmem:$0x8E18] =	vst v63  }
0x47: {  	_ =	swait.ge [sflag:s23], $0x800  }
0x48: {  	p1 =	sgt.u32 s26, $0x18;
	[sflag:s23] =	ssyncset.done $0x0  }
0x49: {  	s31 =	sadd.s32 $0x2880, s28;
	s28 =	simm.s32 @!p1 $0x2;
	[sflag:s23] =	ssyncadd.s32 $0xFFFFF800  }
0x4a: {  	[spmem:s2] =	stream.indirect.scatter.add.f32 [tilespmem:s21], [sflag:$0x3], $0x10, s31, s17, $0xb8;
	[tilespmem:$0x8E18] =	vst v63  }
0x4b: {  	_ =	swait.ge @!p1 [sflag:s28], $0x800  }
0x4c: {  	[sflag:s28] =	ssyncset.done @!p1 $0x0  }
0x4d: {  	s29 =	simm.s32 @!p1 $0x80;
	[sflag:s28] =	ssyncadd.s32 @!p1 $0xFFFFF800;
	s28 =	sshra.s32 @!p1 s25, $0x2  }
0x4e: {  	s30 =	simm.s32 @!p1 $0x5700;
	s25 =	sadd.s32 $0x600, s25;
	s28 =	sadd.s32 @!p1 $0x200, s28  }
0x4f: {  	[tilespmem:s30], [sflag:$0x2] =	stream.indirect.gather @!p1 [hbm4b:s4+s29], $0x10, s28, s29, $0xb8;
	[tilespmem:$0x8E18] =	vst v63  }
0x50: {  	p1 =	sne.s32 s25, $0xA200  }
.Ltmp3:
0x51: {  	_ = 	snop;
	(pc) =	sbr.rel @!p1 .LBB2_6-.Ltmp3, $2  }
0x52: {  	_ =	sdelay $0x2  }
0x53: {  	s26 =	sadd.s32 $0x1, s26  }
.LBB2_2:
0x54: {  	p1 =	seq.s32 s26, $0x0  }
.Ltmp4:
0x55: {  	_ = 	snop;
	(pc) =	sbr.rel @p1 .LBB2_5-.Ltmp4, $4  }
0x56: {  	_ =	swait.ge [sflag:s20], $0x800  }
0x57: {  	s28 =	sshra.s32 s25, $0x2;
	[sflag:s20] =	ssyncset.done $0x0  }
0x58: {  	s29 =	sadd.s32 $0x2780, s28;
	[sflag:s20] =	ssyncadd.s32 $0xFFFFF800  }
0x59: {  	[spmem:s2] =	stream.indirect.scatter.add.f32 [tilespmem:s18], [sflag:$0x1], $0x10, s29, s17, $0xb8;
	[tilespmem:$0x8E18] =	vst v63  }
0x5a: {  	p1 =	seq.s32 s26, $0x1A  }
.Ltmp5:
0x5b: {  	_ = 	snop;
	(pc) =	sbr.rel @p1 .LBB2_6-.Ltmp5, $1  }
0x5c: {  	_ =	sdelay $0x3  }
.Ltmp6:
0x5d: {  	(pc) =	sbr.rel .LBB2_5-.Ltmp6, $4  }
0x5e: {  	_ = 	snop  }
0x5f: {  	_ =	swait.ge [sflag:s23], $0x800  }
0x60: {  	[sflag:s23] =	ssyncset.done $0x0  }
0x61: {  	[sflag:s23] =	ssyncadd.s32 $0xFFFFF800  }
.LBB2_7:
0x62: {  	_ =	sfence.sel $0x180000  }
0x63: {  	[bflag:$0x0] =	sbarrier.arrive $0xFFFF  }
0x64: {  	p0 =	sne.s32 s1, $0x0;
	_ =	strace $0x9000004A  }
0x65: {  	s0 =	sadd.s32 @!p0 $0x100000, s0;
	[bflag:$0x2] =	sbarrier.arrive $0xFFFF  }
0x66: {  	[sflag:s0] =	ssyncadd.tile.s32 @!p0 $0x1;
	_ =	shalt  }
.Lfunc_end2:
_tile_overlayer_lowered:
.L_overlay_start_2:
0x67: {  	(tag) =	ssettag $0x2  }
0x68: {  	s0 =	rddreg [dreg:$0x0];
	s2 =	stileid.u32  }
0x69: {  	s1 =	rddreg [dreg:$0x1];
	p0 =	sne.s32 s2, $0x0  }
0x6a: {  	s3 =	rddreg [dreg:$0x2];
	[bflag:$0x3] =	sbarrier.arrive $0xFFFF;
	s2 =	simm.s32 @!p0 $0x1C04  }
0x6b: {  	[timem:s3], [sflag:s2] =	dma.local @!p0 [hbm:s0], s1  }
0x6c: {  	s0 =	simm.s32 @!p0 $0x4  }
0x6d: {  	_ =	swait.ge @!p0 [sflag:s0], s1  }
0x6e: {  	s1 =	ssub.s32 @!p0 $0x0, s1;
	[sflag:s0] =	ssyncset.done @!p0 $0x0  }
0x6f: {  	[sflag:s0] =	ssyncadd.s32 @!p0 s1  }
0x70: {  	[bflag:$0x3] =	sbarrier.arrive $0xFFFF  }
0x71: {  	_ =	shalt  }

// kernel: kernel.8.cloned.1.call-start
scs
__scs_entry_jumppad:
0x0: {  	(pc) =	sbr.rel $0x88, $3  }
0x1: {  	(tag) =	ssettag $0x0;
	lr =	simm.s32 $0x1  }
0x2: {  	[smem:$0x3F96] =	sst lr;
	_ =	strace $0xD0000000  }
0x3: {  	_ = 	snop  }
0x4: {  	_ = 	snop  }
0x5: {  	_ = 	snop  }
0x6: {  	_ = 	snop  }
0x7: {  	_ = 	snop  }
__scs_overlays_trampoline_lowered:
0x8: {  	[smem:$0x3FA5] =	sst s0  }
0x9: {  	[smem:$0x3FA6] =	sst s1  }
0xa: {  	[smem:$0x3FA7] =	sst s2  }
0xb: {  	[smem:$0x3FA8] =	sst s3  }
0xc: {  	[smem:$0x3FA9] =	sst s4  }
0xd: {  	[smem:$0x3FAA] =	sst s5  }
0xe: {  	[smem:$0x3FAB] =	sst s6  }
0xf: {  	[smem:$0x3FAC] =	sst s7  }
0x10: {  	[smem:$0x3FAD] =	sst s8  }
0x11: {  	[smem:$0x3FAE] =	sst s9;
	s0 =	simm.s32 @!p0 $0x0  }
0x12: {  	s1 =	sld [smem:$0x3F94];
	s0 =	simm.s32 @p0 $0x1  }
0x13: {  	[smem:$0x3FAF] =	sst s0;
	s0 =	simm.s32 @!p1 $0x0  }
0x14: {  	s2 =	sld [smem:$0x3F93];
	s0 =	simm.s32 @p1 $0x1  }
0x15: {  	[smem:$0x3FB0] =	sst s0;
	s0 =	simm.s32 @!p2 $0x0  }
0x16: {  	s3 =	sld [smem:$0x3FDB];
	s0 =	simm.s32 @p2 $0x1  }
0x17: {  	s4 =	simm.s32 $0x1BF5;
	[smem:$0x3FB2] =	sst s0  }
0x18: {  	s0 =	sld [smem:$0x3F95];
	_ =	swait.ge [sflag:s4], $0x0  }
0x19: {  	s7 =	sld [smem:$0x3F96]  }
0x1a: {  	s8 =	sadd.s32 $0xFFFFE003, lr  }
0x1b: {  	s9 =	sadd.s32 $0xFFFFFEF7, lr;
	s5 =	simm.s32 $0xFFFFFFFF;
	p2 =	slt.u32 s8, $0xFFFFF086  }
0x1c: {  	p1 =	slt.u32 s9, $0xF7A;
	s5 =	simm.s32 @!p2 $0x0  }
0x1d: {  	s5 =	simm.s32 @p1 $0x1;
	p0 =	seq.s32 s7, s2  }
0x1e: {  	s7 =	smul.u32 @!p0 $0xF7A, s2;
	p2 =	seq.s32 @!p0 s5, $0x0  }
0x1f: {  	s9 =	smul.u32 $0xF7A, s1;
	s8 =	simm.s32 @!p0 $0x1BF5;
	p2 =	por !p2, p0  }
0x20: {  	[sflag:s8] =	ssyncset.s32 @!p0 $0xFFFFF086;
	s6 =	sadd.s32 @!p0 s3, s7;
	s7 =	simm.s32 @!p0 $0x108  }
0x21: {  	s3 =	sadd.s32 s3, s9;
	s6 =	sadd.s32 @!p0 $0x88, s6;
	s7 =	simm.s32 @p2 $0x1082  }
0x22: {  	[simem:s7], [sflag:s8] =	dma.local @!p0 [hbm:s6], $0xF7A  }
0x23: {  	s9 =	sor.u32 $0xD0000000, s2;
	s6 =	simm.s32 $0x108;
	_ =	swait.ge @!p0 [sflag:s8], $0x0  }
0x24: {  	s3 =	sadd.s32 $0x88, s3;
	s6 =	simm.s32 @!p1 $0x1082;
	[sflag:s4] =	ssyncset.s32 $0xFFFFF086  }
0x25: {  	[simem:s6], [sflag:s4] =	dma.local [hbm:s3], $0xF7A  }
0x26: {  	[smem:$0x3F96] =	sst s1;
	(tag) =	ssettag s2;
	_ =	strace s9  }
0x27: {  	s1 =	sld [smem:$0x3FA6]  }
0x28: {  	s2 =	sld [smem:$0x3FA7]  }
0x29: {  	s4 =	sld [smem:$0x3FA9]  }
0x2a: {  	p0 =	seq.s32 s5, $0x0;
	s5 =	sld [smem:$0x3FAA]  }
0x2b: {  	s6 =	sld [smem:$0x3FAB]  }
0x2c: {  	s7 =	sld [smem:$0x3FAC]  }
0x2d: {  	s3 =	simm.s32 $0x108;
	s8 =	sld [smem:$0x3FAD]  }
0x2e: {  	s3 =	simm.s32 @!p0 $0x1082;
	s9 =	sld [smem:$0x3FAE]  }
0x2f: {  	lr =	sadd.s32 s0, s3;
	s0 =	sld [smem:$0x3FA5]  }
0x30: {  	s3 =	sld [smem:$0x3FA8]  }
0x31: {  	[smem:$0x3FB1] =	sst s10  }
0x32: {  	s10 =	sld [smem:$0x3FAF];
	_ =	sdelay $0x3  }
0x33: {  	p0 =	seq.s32 s10, $0x1;
	s10 =	sld [smem:$0x3FB1];
	_ =	sdelay $0x3  }
0x34: {  	[smem:$0x3FB1] =	sst s10  }
0x35: {  	s10 =	sld [smem:$0x3FB0];
	_ =	sdelay $0x3  }
0x36: {  	p1 =	seq.s32 s10, $0x1;
	s10 =	sld [smem:$0x3FB1];
	_ =	sdelay $0x3  }
0x37: {  	[smem:$0x3FB1] =	sst s10  }
0x38: {  	s10 =	sld [smem:$0x3FB2]  }
0x39: {  	_ = 	snop;
	(pc) =	sbr.ind lr, $3  }
0x3a: {  	_ = 	snop  }
0x3b: {  	_ = 	snop  }
0x3c: {  	p2 =	seq.s32 s10, $0x1;
	s10 =	sld [smem:$0x3FB1]  }
0x3d: {  	_ =	shalt  }
0x3e: {  	_ =	shalt  }
0x3f: {  	_ =	shalt  }
0x40: {  	_ =	shalt  }
0x41: {  	_ =	shalt  }
0x42: {  	_ =	shalt  }
0x43: {  	_ =	shalt  }
0x44: {  	_ =	shalt  }
0x45: {  	_ =	shalt  }
0x46: {  	_ =	shalt  }
0x47: {  	_ =	shalt  }
0x48: {  	_ =	shalt  }
0x49: {  	_ =	shalt  }
0x4a: {  	_ =	shalt  }
0x4b: {  	_ =	shalt  }
0x4c: {  	_ =	shalt  }
0x4d: {  	_ =	shalt  }
0x4e: {  	_ =	shalt  }
0x4f: {  	_ =	shalt  }
0x50: {  	_ =	shalt  }
0x51: {  	_ =	shalt  }
0x52: {  	_ =	shalt  }
0x53: {  	_ =	shalt  }
0x54: {  	_ =	shalt  }
0x55: {  	_ =	shalt  }
0x56: {  	_ =	shalt  }
0x57: {  	_ =	shalt  }
0x58: {  	_ =	shalt  }
0x59: {  	_ =	shalt  }
0x5a: {  	_ =	shalt  }
0x5b: {  	_ =	shalt  }
0x5c: {  	_ =	shalt  }
0x5d: {  	_ =	shalt  }
0x5e: {  	_ =	shalt  }
0x5f: {  	_ =	shalt  }
0x60: {  	_ =	shalt  }
0x61: {  	_ =	shalt  }
0x62: {  	_ =	shalt  }
0x63: {  	_ =	shalt  }
0x64: {  	_ =	shalt  }
0x65: {  	_ =	shalt  }
0x66: {  	_ =	shalt  }
0x67: {  	_ =	shalt  }
0x68: {  	_ =	shalt  }
0x69: {  	_ =	shalt  }
0x6a: {  	_ =	shalt  }
0x6b: {  	_ =	shalt  }
0x6c: {  	_ =	shalt  }
0x6d: {  	_ =	shalt  }
0x6e: {  	_ =	shalt  }
0x6f: {  	_ =	shalt  }
0x70: {  	_ =	shalt  }
0x71: {  	_ =	shalt  }
0x72: {  	_ =	shalt  }
0x73: {  	_ =	shalt  }
0x74: {  	_ =	shalt  }
0x75: {  	_ =	shalt  }
0x76: {  	_ =	shalt  }
0x77: {  	_ =	shalt  }
0x78: {  	_ =	shalt  }
0x79: {  	_ =	shalt  }
0x7a: {  	_ =	shalt  }
0x7b: {  	_ =	shalt  }
0x7c: {  	_ =	shalt  }
0x7d: {  	_ =	shalt  }
0x7e: {  	_ =	shalt  }
0x7f: {  	_ =	shalt  }
0x80: {  	_ =	shalt  }
0x81: {  	_ =	shalt  }
0x82: {  	_ =	shalt  }
0x83: {  	_ =	shalt  }
0x84: {  	_ =	shalt  }
0x85: {  	_ =	shalt  }
0x86: {  	_ =	shalt  }
0x87: {  	_ =	shalt  }
.Lfunc_end0:
.L_simem_size_0:
called_computation_lowered:
.L_overlay_start_0:
0x88: {  	s2 =	sld [smem:$0x3FD9]  }
0x89: {  	s3 =	sld [smem:$0x3FFE];
	_ =	sdelay $0x1  }
0x8a: {  	s1 =	srdreg.scid  }
0x8b: {  	s0 =	sand.u32 $0x1, s1  }
0x8c: {  	s17 =	sshll.u32 s0, $0xA;
	s2 =	sadd.s32 s3, s2  }
0x8d: {  	s2 =	sadd.s32 s2, s17  }
0x8e: {  	[smem:$0x3FBD] =	sst s2  }
0x8f: {  	_ = 	snop  }
0x90: {  	s2 =	sld [smem:$0x3FD0];
	(tm) =	ssettm $0x1  }
0x91: {  	s18 =	sld [smem:$0x3FFB];
	_ =	sdelay $0x3  }
0x92: {  	_ =	strace s18  }
0x93: {  	s3 =	sld [smem:$0x3FFC];
	_ =	sdelay $0x3  }
0x94: {  	_ =	strace s3  }
0x95: {  	s3 =	sld [smem:$0x3FFD];
	_ =	sdelay $0x3  }
0x96: {  	_ =	strace s3  }
0x97: {  	_ =	strace $0x8FFFFFFF  }
0x98: {  	s19 =	sld [smem:$0x3FDB];
	_ =	sdelay $0x1  }
0x99: {  	s4 =	simm.s32 $_scs_section_size  }
0x9a: {  	s5 =	simm.s32 $_size__tile_overlayer_lowered;
	s6 =	simm.s32 $_tile_overlayer_lowered  }
0x9b: {  	s22 =	simm.s32 $0x1BFF;
	s21 =	sshll.u32 s6, $0x1;
	s3 =	sadd.s32 s4, s19  }
0x9c: {  	s7 =	simm.s32 $0x0;
	s20 =	sshll.u32 s5, $0x1;
	s5 =	sadd.s32 s21, s3  }
0x9d: {  	[timem:s7], [sflag:s22] =	dma.local [hbm:s5], s20  }
0x9e: {  	_ =	swait.ge [sflag:s22], s20  }
0x9f: {  	s4 =	ssub.s32 $0x0, s20;
	[sflag:s22] =	ssyncset.done $0x0  }
0xa0: {  	[sflag:s22] =	ssyncadd.s32 s4;
	_ =	sdelay $0x1  }
0xa1: {  	s23 =	simm.s32 $0x1B8B  }
0xa2: {  	_ =	swait.ge [sflag:s23], $0x1  }
0xa3: {  	[sflag:s23] =	ssyncset.done $0x0  }
0xa4: {  	s25 =	simm.s32 $0x1B8E;
	s24 =	sld [smem:$0x3FFE];
	[sflag:s23] =	ssyncadd.s32 $0xFFFFFFFF  }
0xa5: {  	s26 =	simm.s32 $execute0_lowered;
	[smem:$0x3FD2] =	sst s25  }
0xa6: {  	s5 =	sshll.u32 s26, $0x1;
	_ =	strace $0x80000046;
	[dreg:$0x1] =	wrdreg $0xFFFFFFFF  }
0xa7: {  	s28 =	simm.s32 $_size_execute0_lowered;
	s3 =	sadd.s32 s3, s5;
	[dreg:$0x0] =	wrdreg $0x0  }
0xa8: {  	s5 =	sshll.u32 s28, $0x1;
	[dreg:$0x2] =	wrdreg s3  }
0xa9: {  	[dreg:$0x3] =	wrdreg s5  }
0xaa: {  	[dreg:$0x4] =	wrdreg $0xC0  }
0xab: {  	_ =	task [dreg:s7], $0x5FFFF  }
0xac: {  	[dreg:$0x1] =	wrdreg $0xFFFFFFFF  }
0xad: {  	[dreg:$0x0] =	wrdreg $0x60  }
0xae: {  	[dreg:$0x2] =	wrdreg s24  }
0xaf: {  	[dreg:$0x3] =	wrdreg s2  }
0xb0: {  	[dreg:$0x4] =	wrdreg $0xA0000  }
0xb1: {  	[dreg:$0x5] =	wrdreg $0x1D8800  }
0xb2: {  	[dreg:$0x6] =	wrdreg $0x9  }
0xb3: {  	_ =	task.clear_ibuf [dreg:s7], $0x7FFFF;
	_ =	strace $0x90000046  }
0xb4: {  	s29 =	simm.s32 $0x9;
	_ =	strace $0x80000048  }
0xb5: {  	_ =	swait.ge [sflag:s29], $0x1  }
0xb6: {  	[sflag:s29] =	ssyncadd.s32 $0xFFFFFFFF  }
0xb7: {  	_ =	strace $0x90000048  }
0xb8: {  	_ =	sfence  }
0xb9: {  	s30 =	sld [smem:$0x0];
	_ =	sdelay $0x2  }
0xba: {  	s31 =	sshll.u32 s1, $0xD;
	s1 =	sshrl.u32 s1, $0x2  }
0xbb: {  	s3 =	sand.u32 $0x4000, s31;
	s1 =	sadd.s32 s1, s30  }
0xbc: {  	s0 =	sor.u32 s3, s0;
	s1 =	sshll.u32 s1, $0x11  }
0xbd: {  	s0 =	sor.u32 s1, s0  }
0xbe: {  	s0 =	sadd.s32 $0x8F2B, s0  }
0xbf: {  	[sflag:s0] =	ssyncadd.remote.s32 $0x1  }
0xc0: {  	_ =	sfence.sel $0xFFFF  }
0xc1: {  	[dreg:$0x0] =	wrdreg $0xFFFFFFFF;
	(pc) =	sbr.abs _section_cstart, $3  }
0xc2: {  	[dreg:$0x1] =	wrdreg $0xFFFFFFFF  }
0xc3: {  	_ =	task.clear_ibuf [dreg:s7], $0x2FFFF;
	_ =	strace $0x9FFFFFFF  }
0xc4: {  	(tm) =	ssettm $0x7FFFFFFF  }
0xc5: {  	_ =	shalt  }
tec
execute0_lowered:
.L_overlay_start_1:
0x0: {  	(tag) =	ssettag $0x1  }
0x1: {  	s0 =	rddreg [dreg:$0x0]  }
0x2: {  	s2 =	rddreg [dreg:$0x1]  }
0x3: {  	s1 =	rddreg [dreg:$0x2]  }
0x4: {  	s3 =	rddreg [dreg:$0x3];
	s4 =	simm.s32 $0x0  }
0x5: {  	s17 =	stileid.u32;
	s9 =	srdreg.scid;
	s28 =	simm.s32 $0x7  }
0x6: {  	s29 =	simm.s32 $0x1180;
	s30 =	simm.s32 $0x50;
	s31 =	simm.s32 $0x2300  }
0x7: {  	[smem:$0x7FF] =	sst s4;
	s5 =	sadd.s32 $0x16000, s0;
	s6 =	smul.u32 $0x13800, s17  }
0x8: {  	s7 =	sadd.s32 $0xC200, s0;
	s8 =	sadd.s32 $0x2400, s0;
	s9 =	sand.u32 $0x1, s9  }
0x9: {  	s11 =	sshll.u32 s17, $0x1;
	s12 =	sadd.s32 $0x175A00, s0;
	s19 =	sadd.s32 $0x17FA00, s0  }
0xa: {  	s14 =	sadd.s32 $0x175C00, s0;
	s16 =	smul.u32 $0x2700, s17;
	p0 =	seq.s32 s17, $0xF  }
0xb: {  	_ =	strace $0x80000047;
	[dreg:$0x5] =	wrdreg s12;
	s11 =	sor.u32 s9, s11  }
0xc: {  	s13 =	ssub.s32 $0x2, s9;
	s25 =	smul.u32 $0x138800, s9;
	s12 =	simm.s32 $0x1220  }
0xd: {  	s10 =	sshrl.u32 s6, $0x3;
	s11 =	smul.u32 $0x2710, s11;
	s20 =	sadd.s32 s6, s1  }
0xe: {  	s15 =	sshrl.u32 s13, $0x1;
	s21 =	sadd.s32 s16, s3;
	[dreg:$0x6] =	wrdreg s20  }
0xf: {  	s10 =	sadd.s32 s10, s0;
	s13 =	ssub.s32 s13, s15;
	[dreg:$0x8] =	wrdreg s21  }
0x10: {  	s6 =	sadd.s32 s6, s25;
	s0 =	sadd.s32 $0x173100, s0;
	s15 =	simm.s32 $0x5  }
0x11: {  	s11 =	sshrl.u32 s11, $0x3;
	s10 =	sadd.s32 $0x14E800, s10;
	[dreg:$0x12] =	wrdreg s0  }
0x12: {  	s6 =	sshrl.u32 s6, $0x3;
	[dreg:$0x7] =	wrdreg s10;
	s22 =	sadd.s32 s7, s11  }
0x13: {  	s23 =	sadd.s32 s8, s11;
	s24 =	sadd.s32 $0x230, s11;
	[dreg:$0x9] =	wrdreg s22  }
0x14: {  	s26 =	sadd.s32 $0x460, s11;
	s6 =	sadd.s32 s19, s6;
	[dreg:$0xa] =	wrdreg s23  }
0x15: {  	s11 =	smul.u32 $0x27100, s9;
	s18 =	sadd.s32 s7, s24;
	[dreg:$0x10] =	wrdreg s6  }
0x16: {  	s9 =	simm.s32 $0x11D0;
	s10 =	sadd.s32 s8, s24;
	[dreg:$0xb] =	wrdreg s18  }
0x17: {  	s7 =	sadd.s32 s7, s26;
	s8 =	sadd.s32 s8, s26;
	[dreg:$0xc] =	wrdreg s10  }
0x18: {  	s24 =	sadd.s32 $0x24900, s3;
	s26 =	smax.u32 s13, $0x1;
	[dreg:$0xd] =	wrdreg s7  }
0x19: {  	[dreg:$0xe] =	wrdreg s8;
	s10 =	sshrl.u32 s16, $0x3;
	s18 =	sshrl.u32 s25, $0x3  }
0x1a: {  	s20 =	sadd.s32 s16, s11;
	s22 =	sshrl.u32 s11, $0x3;
	[dreg:$0x14] =	wrdreg s24  }
0x1b: {  	[dreg:$0x18] =	wrdreg s26;
	s26 =	simm.s32 $0x9B00;
	s8 =	simm.s32 $0x2  }
0x1c: {  	s24 =	simm.s32 $0xF0;
	s11 =	simm.s32 $0x3;
	s16 =	simm.s32 $0x6  }
0x1d: {  	s7 =	sadd.s32 s2, s10;
	s6 =	sadd.s32 s19, s18;
	s19 =	sadd.s32 $0x124800, s1  }
0x1e: {  	s21 =	sshrl.u32 s20, $0x3;
	s23 =	sadd.s32 s14, s22;
	[dreg:$0xf] =	wrdreg s7  }
0x1f: {  	s2 =	sadd.s32 $0x4920, s2;
	s10 =	simm.s32 $0x0;
	[dreg:$0x11] =	wrdreg s19  }
.Ltmp0:
0x20: {  	s0 =	sadd.s32 s14, s21;
	[dreg:$0x15] =	wrdreg s2;
	(pc) =	sbr.rel .LBB2_1-.Ltmp0, $4  }
0x21: {  	s25 =	sadd.s32 $0x24900, s6;
	s2 =	simm.s32 $0x1;
	s7 =	simm.s32 $0x7300  }
0x22: {  	s14 =	simm.s32 $0x4;
	s6 =	simm.s32 $0x1540;
	[dreg:$0x13] =	wrdreg s0  }
0x23: {  	[dreg:$0x16] =	wrdreg s25;
	s0 =	sadd.s32 $0x4920, s23;
	s23 =	simm.s32 $0xA0  }
0x24: {  	s25 =	simm.s32 $0x140;
	[dreg:$0x17] =	wrdreg s0;
	s0 =	simm.s32 $0x4B00  }
.LBB2_11:
0x25: {  	_ =	swait.ge [sflag:s8], $0x2800  }
0x26: {  	[sflag:s8] =	ssyncset.done $0x0  }
0x27: {  	[sflag:s8] =	ssyncadd.s32 $0xFFFFD800  }
0x28: {  	_ =	swait.ge [sflag:s15], $0x500  }
0x29: {  	[sflag:s15] =	ssyncset.done $0x0  }
0x2a: {  	s21 =	sadd.s32 $0x11D0, s23;
	[sflag:s15] =	ssyncadd.s32 $0xFFFFFB00  }
0x2b: {  	[spmem:s3] =	stream.indirect.scatter.add.f32 [tilespmem:s26], [sflag:$0x5], $0x10, s21, s30, $0xb8;
	[tilespmem:$0x1FF90] =	vst v63  }
0x2c: {  	_ = 	snop  }
0x2d: {  	[spmem:s1] =	stream.indirect.scatter.add.f32 [tilespmem:s0], [sflag:$0x2], $0x80, s21, s30, $0xb8;
	[tilespmem:$0x1FF90] =	vst v63  }
.LBB2_9:
0x2e: {  	_ =	swait.ge [sflag:s2], $0x2800  }
0x2f: {  	[sflag:s2] =	ssyncset.done $0x0  }
0x30: {  	[sflag:s2] =	ssyncadd.s32 $0xFFFFD800  }
0x31: {  	_ =	swait.ge [sflag:s8], $0x2800  }
0x32: {  	[sflag:s8] =	ssyncset.done $0x0  }
0x33: {  	[sflag:s8] =	ssyncadd.s32 $0xFFFFD800  }
0x34: {  	_ =	swait.ge [sflag:s11], $0x2800  }
0x35: {  	[sflag:s11] =	ssyncset.done $0x0  }
0x36: {  	s21 =	rddreg [dreg:$0xd];
	[sflag:s11] =	ssyncadd.s32 $0xFFFFD800  }
0x37: {  	[tilespmem:s4], [sflag:$0x7] =	stream.linear.gather [hbm4b:s21+s4], $0x410, $0x38;
	[tilespmem:$0x1FF90] =	vst v63  }
0x38: {  	_ =	swait.ge [sflag:s28], $0x410  }
0x39: {  	[sflag:s28] =	ssyncset.done $0x0  }
0x3a: {  	s24 =	rddreg [dreg:$0xe];
	[sflag:s28] =	ssyncadd.s32 $0xFFFFFBF0  }
0x3b: {  	[tilespmem:s29], [sflag:$0x7] =	stream.linear.gather [hbm4b:s24+s4], $0x410, $0x38;
	[tilespmem:$0x1FF90] =	vst v63  }
0x3c: {  	_ =	swait.ge [sflag:s28], $0x410  }
0x3d: {  	[sflag:s28] =	ssyncset.done $0x0  }
0x3e: {  	[sflag:s28] =	ssyncadd.s32 $0xFFFFFBF0  }
0x3f: {  	[tilespmem:s31], [sflag:$0x1] =	stream.indirect.gather [hbm4b:s5+s30], $0x80, s4, s30, $0xb8;
	[tilespmem:$0x1FF90] =	vst v63  }
0x40: {  	_ = 	snop  }
0x41: {  	[tilespmem:s0], [sflag:$0x2] =	stream.indirect.gather [hbm4b:s5+s30], $0x80, s30, s30, $0xb8;
	[tilespmem:$0x1FF90] =	vst v63  }
0x42: {  	_ =	swait.ge [sflag:s2], $0x2800  }
0x43: {  	[sflag:s2] =	ssyncset.done $0x0  }
0x44: {  	[sflag:s2] =	ssyncadd.s32 $0xFFFFD800  }
0x45: {  	_ =	swait.ge [sflag:s14], $0x500  }
0x46: {  	[sflag:s14] =	ssyncset.done $0x0  }
0x47: {  	[sflag:s14] =	ssyncadd.s32 $0xFFFFFB00  }
0x48: {  	[spmem:s3] =	stream.indirect.scatter.add.f32 [tilespmem:s26], [sflag:$0x4], $0x10, s29, s30, $0xb8;
	[tilespmem:$0x1FF90] =	vst v63  }
0x49: {  	_ = 	snop  }
0x4a: {  	[spmem:s1] =	stream.indirect.scatter.add.f32 [tilespmem:s31], [sflag:$0x1], $0x80, s29, s30, $0xb8;
	[tilespmem:$0x1FF90] =	vst v63  }
0x4b: {  	s23 =	simm.s32 $0xA0  }
0x4c: {  	[tilespmem:s7], [sflag:$0x3] =	stream.indirect.gather [hbm4b:s5+s30], $0x80, s23, s30, $0xb8;
	[tilespmem:$0x1FF90] =	vst v63  }
0x4d: {  	_ =	swait.ge [sflag:s8], $0x2800  }
0x4e: {  	[sflag:s8] =	ssyncset.done $0x0  }
0x4f: {  	[sflag:s8] =	ssyncadd.s32 $0xFFFFD800  }
0x50: {  	_ =	swait.ge [sflag:s15], $0x500  }
0x51: {  	[sflag:s15] =	ssyncset.done $0x0  }
0x52: {  	[sflag:s15] =	ssyncadd.s32 $0xFFFFFB00  }
0x53: {  	[spmem:s3] =	stream.indirect.scatter.add.f32 [tilespmem:s26], [sflag:$0x5], $0x10, s9, s30, $0xb8;
	[tilespmem:$0x1FF90] =	vst v63  }
0x54: {  	_ = 	snop  }
0x55: {  	[spmem:s1] =	stream.indirect.scatter.add.f32 [tilespmem:s0], [sflag:$0x2], $0x80, s9, s30, $0xb8;
	[tilespmem:$0x1FF90] =	vst v63  }
0x56: {  	_ =	swait.ge [sflag:s2], $0x2800  }
0x57: {  	[sflag:s2] =	ssyncset.done $0x0  }
0x58: {  	s24 =	simm.s32 $0xF0;
	[sflag:s2] =	ssyncadd.s32 $0xFFFFD800  }
0x59: {  	[tilespmem:s31], [sflag:$0x1] =	stream.indirect.gather [hbm4b:s5+s30], $0x80, s24, s30, $0xb8;
	[tilespmem:$0x1FF90] =	vst v63  }
0x5a: {  	_ =	swait.ge [sflag:s11], $0x2800  }
0x5b: {  	[sflag:s11] =	ssyncset.done $0x0  }
0x5c: {  	[sflag:s11] =	ssyncadd.s32 $0xFFFFD800  }
0x5d: {  	_ =	swait.ge [sflag:s16], $0x500  }
0x5e: {  	[sflag:s16] =	ssyncset.done $0x0  }
0x5f: {  	[sflag:s16] =	ssyncadd.s32 $0xFFFFFB00  }
0x60: {  	[spmem:s3] =	stream.indirect.scatter.add.f32 [tilespmem:s26], [sflag:$0x6], $0x10, s12, s30, $0xb8;
	[tilespmem:$0x1FF90] =	vst v63  }
0x61: {  	_ = 	snop  }
0x62: {  	[spmem:s1] =	stream.indirect.scatter.add.f32 [tilespmem:s7], [sflag:$0x3], $0x80, s12, s30, $0xb8;
	[tilespmem:$0x1FF90] =	vst v63  }
0x63: {  	_ =	swait.ge [sflag:s8], $0x2800  }
0x64: {  	[sflag:s8] =	ssyncset.done $0x0  }
0x65: {  	[sflag:s8] =	ssyncadd.s32 $0xFFFFD800  }
0x66: {  	[tilespmem:s0], [sflag:$0x2] =	stream.indirect.gather [hbm4b:s5+s30], $0x80, s25, s30, $0xb8;
	[tilespmem:$0x1FF90] =	vst v63  }
0x67: {  	_ =	swait.ge [sflag:s2], $0x2800  }
0x68: {  	[sflag:s2] =	ssyncset.done $0x0  }
0x69: {  	[sflag:s2] =	ssyncadd.s32 $0xFFFFD800  }
0x6a: {  	_ =	swait.ge [sflag:s14], $0x500  }
0x6b: {  	[sflag:s14] =	ssyncset.done $0x0  }
0x6c: {  	s22 =	simm.s32 $0x1270;
	[sflag:s14] =	ssyncadd.s32 $0xFFFFFB00  }
0x6d: {  	[spmem:s3] =	stream.indirect.scatter.add.f32 [tilespmem:s26], [sflag:$0x4], $0x10, s22, s30, $0xb8;
	[tilespmem:$0x1FF90] =	vst v63  }
0x6e: {  	_ = 	snop  }
0x6f: {  	[spmem:s1] =	stream.indirect.scatter.add.f32 [tilespmem:s31], [sflag:$0x1], $0x80, s22, s30, $0xb8;
	[tilespmem:$0x1FF90] =	vst v63  }
0x70: {  	_ =	swait.ge [sflag:s11], $0x2800  }
0x71: {  	[sflag:s11] =	ssyncset.done $0x0  }
0x72: {  	s22 =	simm.s32 $0x190;
	[sflag:s11] =	ssyncadd.s32 $0xFFFFD800  }
0x73: {  	[tilespmem:s7], [sflag:$0x3] =	stream.indirect.gather [hbm4b:s5+s30], $0x80, s22, s30, $0xb8;
	[tilespmem:$0x1FF90] =	vst v63  }
0x74: {  	_ =	swait.ge [sflag:s8], $0x2800  }
0x75: {  	[sflag:s8] =	ssyncset.done $0x0  }
0x76: {  	[sflag:s8] =	ssyncadd.s32 $0xFFFFD800  }
0x77: {  	_ =	swait.ge [sflag:s15], $0x500  }
0x78: {  	[sflag:s15] =	ssyncset.done $0x0  }
0x79: {  	s22 =	simm.s32 $0x12C0;
	[sflag:s15] =	ssyncadd.s32 $0xFFFFFB00  }
0x7a: {  	[spmem:s3] =	stream.indirect.scatter.add.f32 [tilespmem:s26], [sflag:$0x5], $0x10, s22, s30, $0xb8;
	[tilespmem:$0x1FF90] =	vst v63  }
0x7b: {  	_ = 	snop  }
0x7c: {  	[spmem:s1] =	stream.indirect.scatter.add.f32 [tilespmem:s0], [sflag:$0x2], $0x80, s22, s30, $0xb8;
	[tilespmem:$0x1FF90] =	vst v63  }
0x7d: {  	_ =	swait.ge [sflag:s2], $0x2800  }
0x7e: {  	[sflag:s2] =	ssyncset.done $0x0  }
0x7f: {  	s22 =	simm.s32 $0x1E0;
	[sflag:s2] =	ssyncadd.s32 $0xFFFFD800  }
0x80: {  	[tilespmem:s31], [sflag:$0x1] =	stream.indirect.gather [hbm4b:s5+s30], $0x80, s22, s30, $0xb8;
	[tilespmem:$0x1FF90] =	vst v63  }
0x81: {  	_ =	swait.ge [sflag:s11], $0x2800  }
0x82: {  	[sflag:s11] =	ssyncset.done $0x0  }
0x83: {  	[sflag:s11] =	ssyncadd.s32 $0xFFFFD800  }
0x84: {  	_ =	swait.ge [sflag:s16], $0x500  }
0x85: {  	[sflag:s16] =	ssyncset.done $0x0  }
0x86: {  	s22 =	simm.s32 $0x1310;
	[sflag:s16] =	ssyncadd.s32 $0xFFFFFB00  }
0x87: {  	[spmem:s3] =	stream.indirect.scatter.add.f32 [tilespmem:s26], [sflag:$0x6], $0x10, s22, s30, $0xb8;
	[tilespmem:$0x1FF90] =	vst v63  }
0x88: {  	_ = 	snop  }
0x89: {  	[spmem:s1] =	stream.indirect.scatter.add.f32 [tilespmem:s7], [sflag:$0x3], $0x80, s22, s30, $0xb8;
	[tilespmem:$0x1FF90] =	vst v63  }
0x8a: {  	_ =	swait.ge [sflag:s8], $0x2800  }
0x8b: {  	[sflag:s8] =	ssyncset.done $0x0  }
0x8c: {  	s22 =	simm.s32 $0x230;
	[sflag:s8] =	ssyncadd.s32 $0xFFFFD800  }
0x8d: {  	[tilespmem:s0], [sflag:$0x2] =	stream.indirect.gather [hbm4b:s5+s30], $0x80, s22, s30, $0xb8;
	[tilespmem:$0x1FF90] =	vst v63  }
0x8e: {  	_ =	swait.ge [sflag:s2], $0x2800  }
0x8f: {  	[sflag:s2] =	ssyncset.done $0x0  }
0x90: {  	[sflag:s2] =	ssyncadd.s32 $0xFFFFD800  }
0x91: {  	_ =	swait.ge [sflag:s14], $0x500  }
0x92: {  	[sflag:s14] =	ssyncset.done $0x0  }
0x93: {  	s22 =	simm.s32 $0x1360;
	[sflag:s14] =	ssyncadd.s32 $0xFFFFFB00  }
0x94: {  	[spmem:s3] =	stream.indirect.scatter.add.f32 [tilespmem:s26], [sflag:$0x4], $0x10, s22, s30, $0xb8;
	[tilespmem:$0x1FF90] =	vst v63  }
0x95: {  	_ = 	snop  }
0x96: {  	[spmem:s1] =	stream.indirect.scatter.add.f32 [tilespmem:s31], [sflag:$0x1], $0x80, s22, s30, $0xb8;
	[tilespmem:$0x1FF90] =	vst v63  }
0x97: {  	_ =	swait.ge [sflag:s11], $0x2800  }
0x98: {  	[sflag:s11] =	ssyncset.done $0x0  }
0x99: {  	s22 =	simm.s32 $0x280;
	[sflag:s11] =	ssyncadd.s32 $0xFFFFD800  }
0x9a: {  	[tilespmem:s7], [sflag:$0x3] =	stream.indirect.gather [hbm4b:s5+s30], $0x80, s22, s30, $0xb8;
	[tilespmem:$0x1FF90] =	vst v63  }
0x9b: {  	_ =	swait.ge [sflag:s8], $0x2800  }
0x9c: {  	[sflag:s8] =	ssyncset.done $0x0  }
0x9d: {  	[sflag:s8] =	ssyncadd.s32 $0xFFFFD800  }
0x9e: {  	_ =	swait.ge [sflag:s15], $0x500  }
0x9f: {  	[sflag:s15] =	ssyncset.done $0x0  }
0xa0: {  	s22 =	simm.s32 $0x13B0;
	[sflag:s15] =	ssyncadd.s32 $0xFFFFFB00  }
0xa1: {  	[spmem:s3] =	stream.indirect.scatter.add.f32 [tilespmem:s26], [sflag:$0x5], $0x10, s22, s30, $0xb8;
	[tilespmem:$0x1FF90] =	vst v63  }
0xa2: {  	_ = 	snop  }
0xa3: {  	[spmem:s1] =	stream.indirect.scatter.add.f32 [tilespmem:s0], [sflag:$0x2], $0x80, s22, s30, $0xb8;
	[tilespmem:$0x1FF90] =	vst v63  }
0xa4: {  	_ =	swait.ge [sflag:s2], $0x2800  }
0xa5: {  	[sflag:s2] =	ssyncset.done $0x0  }
0xa6: {  	s22 =	simm.s32 $0x2D0;
	[sflag:s2] =	ssyncadd.s32 $0xFFFFD800  }
0xa7: {  	[tilespmem:s31], [sflag:$0x1] =	stream.indirect.gather [hbm4b:s5+s30], $0x80, s22, s30, $0xb8;
	[tilespmem:$0x1FF90] =	vst v63  }
0xa8: {  	_ =	swait.ge [sflag:s11], $0x2800  }
0xa9: {  	[sflag:s11] =	ssyncset.done $0x0  }
0xaa: {  	[sflag:s11] =	ssyncadd.s32 $0xFFFFD800  }
0xab: {  	_ =	swait.ge [sflag:s16], $0x500  }
0xac: {  	[sflag:s16] =	ssyncset.done $0x0  }
0xad: {  	s22 =	simm.s32 $0x1400;
	[sflag:s16] =	ssyncadd.s32 $0xFFFFFB00  }
0xae: {  	[spmem:s3] =	stream.indirect.scatter.add.f32 [tilespmem:s26], [sflag:$0x6], $0x10, s22, s30, $0xb8;
	[tilespmem:$0x1FF90] =	vst v63  }
0xaf: {  	_ = 	snop  }
0xb0: {  	[spmem:s1] =	stream.indirect.scatter.add.f32 [tilespmem:s7], [sflag:$0x3], $0x80, s22, s30, $0xb8;
	[tilespmem:$0x1FF90] =	vst v63  }
0xb1: {  	_ =	swait.ge [sflag:s8], $0x2800  }
0xb2: {  	[sflag:s8] =	ssyncset.done $0x0  }
0xb3: {  	s22 =	simm.s32 $0x320;
	[sflag:s8] =	ssyncadd.s32 $0xFFFFD800  }
0xb4: {  	[tilespmem:s0], [sflag:$0x2] =	stream.indirect.gather [hbm4b:s5+s30], $0x80, s22, s30, $0xb8;
	[tilespmem:$0x1FF90] =	vst v63  }
0xb5: {  	_ =	swait.ge [sflag:s2], $0x2800  }
0xb6: {  	[sflag:s2] =	ssyncset.done $0x0  }
0xb7: {  	[sflag:s2] =	ssyncadd.s32 $0xFFFFD800  }
0xb8: {  	_ =	swait.ge [sflag:s14], $0x500  }
0xb9: {  	[sflag:s14] =	ssyncset.done $0x0  }
0xba: {  	s22 =	simm.s32 $0x1450;
	[sflag:s14] =	ssyncadd.s32 $0xFFFFFB00  }
0xbb: {  	[spmem:s3] =	stream.indirect.scatter.add.f32 [tilespmem:s26], [sflag:$0x4], $0x10, s22, s30, $0xb8;
	[tilespmem:$0x1FF90] =	vst v63  }
0xbc: {  	_ = 	snop  }
0xbd: {  	[spmem:s1] =	stream.indirect.scatter.add.f32 [tilespmem:s31], [sflag:$0x1], $0x80, s22, s30, $0xb8;
	[tilespmem:$0x1FF90] =	vst v63  }
0xbe: {  	_ =	swait.ge [sflag:s11], $0x2800  }
0xbf: {  	[sflag:s11] =	ssyncset.done $0x0  }
0xc0: {  	s22 =	simm.s32 $0x370;
	[sflag:s11] =	ssyncadd.s32 $0xFFFFD800  }
0xc1: {  	[tilespmem:s7], [sflag:$0x3] =	stream.indirect.gather [hbm4b:s5+s30], $0x80, s22, s30, $0xb8;
	[tilespmem:$0x1FF90] =	vst v63  }
0xc2: {  	_ =	swait.ge [sflag:s8], $0x2800  }
0xc3: {  	[sflag:s8] =	ssyncset.done $0x0  }
0xc4: {  	[sflag:s8] =	ssyncadd.s32 $0xFFFFD800  }
0xc5: {  	_ =	swait.ge [sflag:s15], $0x500  }
0xc6: {  	[sflag:s15] =	ssyncset.done $0x0  }
0xc7: {  	s22 =	simm.s32 $0x14A0;
	[sflag:s15] =	ssyncadd.s32 $0xFFFFFB00  }
0xc8: {  	[spmem:s3] =	stream.indirect.scatter.add.f32 [tilespmem:s26], [sflag:$0x5], $0x10, s22, s30, $0xb8;
	[tilespmem:$0x1FF90] =	vst v63  }
0xc9: {  	_ = 	snop  }
0xca: {  	[spmem:s1] =	stream.indirect.scatter.add.f32 [tilespmem:s0], [sflag:$0x2], $0x80, s22, s30, $0xb8;
	[tilespmem:$0x1FF90] =	vst v63  }
0xcb: {  	_ =	swait.ge [sflag:s2], $0x2800  }
0xcc: {  	[sflag:s2] =	ssyncset.done $0x0  }
0xcd: {  	s22 =	simm.s32 $0x3C0;
	[sflag:s2] =	ssyncadd.s32 $0xFFFFD800  }
0xce: {  	[tilespmem:s31], [sflag:$0x1] =	stream.indirect.gather [hbm4b:s5+s30], $0x80, s22, s30, $0xb8;
	[tilespmem:$0x1FF90] =	vst v63  }
0xcf: {  	_ =	swait.ge [sflag:s11], $0x2800  }
0xd0: {  	[sflag:s11] =	ssyncset.done $0x0  }
0xd1: {  	[sflag:s11] =	ssyncadd.s32 $0xFFFFD800  }
0xd2: {  	_ =	swait.ge [sflag:s16], $0x500  }
0xd3: {  	[sflag:s16] =	ssyncset.done $0x0  }
0xd4: {  	s22 =	simm.s32 $0x14F0;
	[sflag:s16] =	ssyncadd.s32 $0xFFFFFB00  }
0xd5: {  	[spmem:s3] =	stream.indirect.scatter.add.f32 [tilespmem:s26], [sflag:$0x6], $0x10, s22, s30, $0xb8;
	[tilespmem:$0x1FF90] =	vst v63  }
0xd6: {  	_ = 	snop  }
0xd7: {  	[spmem:s1] =	stream.indirect.scatter.add.f32 [tilespmem:s7], [sflag:$0x3], $0x80, s22, s30, $0xb8;
	[tilespmem:$0x1FF90] =	vst v63  }
0xd8: {  	_ =	swait.ge [sflag:s2], $0x2800  }
0xd9: {  	[sflag:s2] =	ssyncset.done $0x0  }
0xda: {  	[sflag:s2] =	ssyncadd.s32 $0xFFFFD800  }
0xdb: {  	_ =	swait.ge [sflag:s14], $0x500  }
0xdc: {  	[sflag:s14] =	ssyncset.done $0x0  }
0xdd: {  	[sflag:s14] =	ssyncadd.s32 $0xFFFFFB00  }
0xde: {  	[spmem:s3] =	stream.indirect.scatter.add.f32 [tilespmem:s26], [sflag:$0x4], $0x10, s6, s30, $0xb8;
	[tilespmem:$0x1FF90] =	vst v63  }
0xdf: {  	_ = 	snop  }
0xe0: {  	[spmem:s1] =	stream.indirect.scatter.add.f32 [tilespmem:s31], [sflag:$0x1], $0x80, s6, s30, $0xb8;
	[tilespmem:$0x1FF90] =	vst v63  }
0xe1: {  	_ =	swait.ge [sflag:s2], $0x2800  }
0xe2: {  	[sflag:s2] =	ssyncset.done $0x0  }
0xe3: {  	[sflag:s2] =	ssyncadd.s32 $0xFFFFD800  }
0xe4: {  	_ =	swait.ge [sflag:s8], $0x2800  }
0xe5: {  	[sflag:s8] =	ssyncset.done $0x0  }
0xe6: {  	[sflag:s8] =	ssyncadd.s32 $0xFFFFD800  }
0xe7: {  	_ =	swait.ge [sflag:s11], $0x2800  }
0xe8: {  	[sflag:s11] =	ssyncset.done $0x0  }
0xe9: {  	[sflag:s11] =	ssyncadd.s32 $0xFFFFD800  }
0xea: {  	_ =	swait.ge [sflag:s14], $0x500  }
0xeb: {  	[sflag:s14] =	ssyncset.done $0x0  }
0xec: {  	[sflag:s14] =	ssyncadd.s32 $0xFFFFFB00  }
0xed: {  	_ =	swait.ge [sflag:s15], $0x500  }
0xee: {  	[sflag:s15] =	ssyncset.done $0x0  }
0xef: {  	[sflag:s15] =	ssyncadd.s32 $0xFFFFFB00  }
0xf0: {  	_ =	swait.ge [sflag:s16], $0x500  }
0xf1: {  	[sflag:s16] =	ssyncset.done $0x0  }
0xf2: {  	[sflag:s16] =	ssyncadd.s32 $0xFFFFFB00  }
0xf3: {  	[bflag:$0x0] =	sbarrier.arrive $0xFFFF  }
0xf4: {  	s21 =	simm.s32 @p0 $0x1FC7;
	s22 =	rddreg [dreg:$0x16]  }
0xf5: {  	[hbm:s22], [sflag:s21] =	dma.local @p0 [spmem:s17], $0x2800  }
0xf6: {  	s17 =	simm.s32 @p0 $0x7  }
0xf7: {  	_ =	swait.ge @p0 [sflag:s17], $0x2800  }
0xf8: {  	[sflag:s17] =	ssyncset.done @p0 $0x0  }
0xf9: {  	s22 =	rddreg [dreg:$0x17];
	[sflag:s17] =	ssyncadd.s32 @p0 $0xFFFFD800  }
0xfa: {  	[hbm:s22], [sflag:s21] =	dma.local @p0 [spmem:s18], $0x500  }
0xfb: {  	_ =	swait.ge @p0 [sflag:s17], $0x500  }
0xfc: {  	[sflag:s17] =	ssyncset.done @p0 $0x0  }
0xfd: {  	[sflag:s17] =	ssyncadd.s32 @p0 $0xFFFFFB00;
	s17 =	rddreg [dreg:$0x10]  }
0xfe: {  	[hbm:s17], [sflag:s13] =	dma.local @!p0 [spmem:s19], $0x2700  }
0xff: {  	s17 =	simm.s32 @!p0 $0x7  }
0x100: {  	_ =	swait.ge @!p0 [sflag:s17], $0x2700  }
0x101: {  	[sflag:s17] =	ssyncset.done @!p0 $0x0  }
0x102: {  	s18 =	rddreg [dreg:$0x13];
	[sflag:s17] =	ssyncadd.s32 @!p0 $0xFFFFD900  }
0x103: {  	[hbm:s18], [sflag:s13] =	dma.local @!p0 [spmem:s20], $0x4E0  }
0x104: {  	_ =	swait.ge @!p0 [sflag:s17], $0x4E0  }
0x105: {  	s10 =	sadd.s32 $0x1, s10;
	s22 =	rddreg [dreg:$0x18]  }
0x106: {  	p1 =	sne.s32 s10, s22  }
.Ltmp1:
0x107: {  	_ = 	snop;
	(pc) =	sbr.rel @!p1 .LBB2_10-.Ltmp1, $3  }
0x108: {  	_ =	sdelay $0x1  }
0x109: {  	[sflag:s17] =	ssyncset.done @!p0 $0x0  }
0x10a: {  	[sflag:s17] =	ssyncadd.s32 @!p0 $0xFFFFFB20  }
.LBB2_1:
0x10b: {  	s13 =	rddreg [dreg:$0x11]  }
0x10c: {  	s18 =	rddreg [dreg:$0x12]  }
0x10d: {  	s19 =	simm.s32 @p0 $0x7;
	s17 =	sshrl.u32 @p0 s13, $0x3;
	s13 =	simm.s32 @p0 $0x1FC7  }
0x10e: {  	[spmem:s17], [sflag:s13] =	dma.local @p0 [hbm:s18], $0x2800  }
0x10f: {  	_ =	swait.ge @p0 [sflag:s19], $0x2800  }
0x110: {  	[sflag:s19] =	ssyncset.done @p0 $0x0;
	s18 =	rddreg [dreg:$0x14]  }
0x111: {  	s20 =	rddreg [dreg:$0x15];
	[sflag:s19] =	ssyncadd.s32 @p0 $0xFFFFD800;
	s18 =	sshrl.u32 @p0 s18, $0x3  }
0x112: {  	[spmem:s18], [sflag:s13] =	dma.local @p0 [hbm:s20], $0x500  }
0x113: {  	_ =	swait.ge @p0 [sflag:s19], $0x500  }
0x114: {  	s21 =	simm.s32 @!p0 $0x7;
	s13 =	stileid.u32;
	[sflag:s19] =	ssyncset.done @p0 $0x0  }
0x115: {  	s13 =	sshll.u32 @!p0 s13, $0x6;
	[sflag:s19] =	ssyncadd.s32 @p0 $0xFFFFFB00;
	s19 =	rddreg [dreg:$0x6]  }
0x116: {  	s13 =	sor.u32 @!p0 $0x1C07, s13;
	s20 =	rddreg [dreg:$0x7];
	s19 =	sshrl.u32 @!p0 s19, $0x3  }
0x117: {  	[spmem:s19], [sflag:s13] =	dma.local @!p0 [hbm:s20], $0x2700  }
0x118: {  	_ =	swait.ge @!p0 [sflag:s21], $0x2700  }
0x119: {  	[sflag:s21] =	ssyncset.done @!p0 $0x0;
	s20 =	rddreg [dreg:$0x8]  }
0x11a: {  	s22 =	rddreg [dreg:$0xf];
	[sflag:s21] =	ssyncadd.s32 @!p0 $0xFFFFD900;
	s20 =	sshrl.u32 @!p0 s20, $0x3  }
0x11b: {  	[spmem:s20], [sflag:s13] =	dma.local @!p0 [hbm:s22], $0x4E0  }
0x11c: {  	_ =	swait.ge @!p0 [sflag:s21], $0x4E0  }
0x11d: {  	[sflag:s21] =	ssyncset.done @!p0 $0x0  }
0x11e: {  	s22 =	rddreg [dreg:$0x5];
	[sflag:s21] =	ssyncadd.s32 @!p0 $0xFFFFFB20  }
0x11f: {  	[tilespmem:s26], [sflag:$0x7] =	stream.linear.gather [hbm4b:s22+s4], $0x500, $0x38;
	[tilespmem:$0x1FF90] =	vst v63  }
0x120: {  	_ =	swait.ge [sflag:s28], $0x500  }
0x121: {  	[sflag:s28] =	ssyncset.done $0x0  }
0x122: {  	[sflag:s28] =	ssyncadd.s32 $0xFFFFFB00  }
0x123: {  	[bflag:$0x0] =	sbarrier.arrive $0xFFFF  }
0x124: {  	s22 =	rddreg [dreg:$0x9]  }
0x125: {  	[tilespmem:s4], [sflag:$0x7] =	stream.linear.gather [hbm4b:s22+s4], $0x1180, $0x38;
	[tilespmem:$0x1FF90] =	vst v63  }
0x126: {  	_ =	swait.ge [sflag:s28], $0x1180  }
0x127: {  	[sflag:s28] =	ssyncset.done $0x0  }
0x128: {  	s22 =	rddreg [dreg:$0xa];
	[sflag:s28] =	ssyncadd.s32 $0xFFFFEE80  }
0x129: {  	[tilespmem:s29], [sflag:$0x7] =	stream.linear.gather [hbm4b:s22+s4], $0x1180, $0x38;
	[tilespmem:$0x1FF90] =	vst v63  }
0x12a: {  	_ =	swait.ge [sflag:s28], $0x1180  }
0x12b: {  	[sflag:s28] =	ssyncset.done $0x0  }
0x12c: {  	[sflag:s28] =	ssyncadd.s32 $0xFFFFEE80  }
0x12d: {  	[tilespmem:s31], [sflag:$0x1] =	stream.indirect.gather [hbm4b:s5+s30], $0x80, s4, s30, $0xb8;
	[tilespmem:$0x1FF90] =	vst v63  }
0x12e: {  	_ = 	snop  }
0x12f: {  	[tilespmem:s0], [sflag:$0x2] =	stream.indirect.gather [hbm4b:s5+s30], $0x80, s30, s30, $0xb8;
	[tilespmem:$0x1FF90] =	vst v63  }
0x130: {  	_ =	swait.ge [sflag:s2], $0x2800  }
0x131: {  	[sflag:s2] =	ssyncset.done $0x0  }
0x132: {  	[sflag:s2] =	ssyncadd.s32 $0xFFFFD800  }
0x133: {  	[spmem:s3] =	stream.indirect.scatter.add.f32 [tilespmem:s26], [sflag:$0x4], $0x10, s29, s30, $0xb8;
	[tilespmem:$0x1FF90] =	vst v63  }
0x134: {  	_ = 	snop  }
0x135: {  	[spmem:s1] =	stream.indirect.scatter.add.f32 [tilespmem:s31], [sflag:$0x1], $0x80, s29, s30, $0xb8;
	[tilespmem:$0x1FF90] =	vst v63  }
0x136: {  	_ = 	snop  }
0x137: {  	[tilespmem:s7], [sflag:$0x3] =	stream.indirect.gather [hbm4b:s5+s30], $0x80, s23, s30, $0xb8;
	[tilespmem:$0x1FF90] =	vst v63  }
0x138: {  	_ =	swait.ge [sflag:s8], $0x2800  }
0x139: {  	[sflag:s8] =	ssyncset.done $0x0  }
0x13a: {  	[sflag:s8] =	ssyncadd.s32 $0xFFFFD800  }
0x13b: {  	[spmem:s3] =	stream.indirect.scatter.add.f32 [tilespmem:s26], [sflag:$0x5], $0x10, s9, s30, $0xb8;
	[tilespmem:$0x1FF90] =	vst v63  }
0x13c: {  	_ = 	snop  }
0x13d: {  	[spmem:s1] =	stream.indirect.scatter.add.f32 [tilespmem:s0], [sflag:$0x2], $0x80, s9, s30, $0xb8;
	[tilespmem:$0x1FF90] =	vst v63  }
0x13e: {  	_ =	swait.ge [sflag:s2], $0x2800  }
0x13f: {  	[sflag:s2] =	ssyncset.done $0x0  }
0x140: {  	[sflag:s2] =	ssyncadd.s32 $0xFFFFD800  }
0x141: {  	[tilespmem:s31], [sflag:$0x1] =	stream.indirect.gather [hbm4b:s5+s30], $0x80, s24, s30, $0xb8;
	[tilespmem:$0x1FF90] =	vst v63  }
0x142: {  	_ =	swait.ge [sflag:s11], $0x2800  }
0x143: {  	[sflag:s11] =	ssyncset.done $0x0  }
0x144: {  	[sflag:s11] =	ssyncadd.s32 $0xFFFFD800  }
0x145: {  	[spmem:s3] =	stream.indirect.scatter.add.f32 [tilespmem:s26], [sflag:$0x6], $0x10, s12, s30, $0xb8;
	[tilespmem:$0x1FF90] =	vst v63  }
0x146: {  	_ = 	snop  }
0x147: {  	[spmem:s1] =	stream.indirect.scatter.add.f32 [tilespmem:s7], [sflag:$0x3], $0x80, s12, s30, $0xb8;
	[tilespmem:$0x1FF90] =	vst v63  }
0x148: {  	_ =	swait.ge [sflag:s8], $0x2800  }
0x149: {  	[sflag:s8] =	ssyncset.done $0x0  }
0x14a: {  	s21 =	simm.s32 $0x0;
	[sflag:s8] =	ssyncadd.s32 $0xFFFFD800  }
0x14b: {  	[tilespmem:s0], [sflag:$0x2] =	stream.indirect.gather [hbm4b:s5+s30], $0x80, s25, s30, $0xb8;
	[tilespmem:$0x1FF90] =	vst v63  }
.LBB2_2:
0x14c: {  	_ =	swait.ge [sflag:s2], $0x2800  }
0x14d: {  	[sflag:s2] =	ssyncset.done $0x0  }
0x14e: {  	[sflag:s2] =	ssyncadd.s32 $0xFFFFD800  }
0x14f: {  	_ =	swait.ge [sflag:s14], $0x500  }
0x150: {  	s22 =	sshra.s32 s21, $0x2;
	[sflag:s14] =	ssyncset.done $0x0  }
0x151: {  	s23 =	sadd.s32 $0x1270, s22;
	[sflag:s14] =	ssyncadd.s32 $0xFFFFFB00  }
0x152: {  	[spmem:s3] =	stream.indirect.scatter.add.f32 [tilespmem:s26], [sflag:$0x4], $0x10, s23, s30, $0xb8;
	[tilespmem:$0x1FF90] =	vst v63  }
0x153: {  	p1 =	seq.s32 s21, $0x3FC0  }
0x154: {  	[spmem:s1] =	stream.indirect.scatter.add.f32 [tilespmem:s31], [sflag:$0x1], $0x80, s23, s30, $0xb8;
	[tilespmem:$0x1FF90] =	vst v63  }
0x155: {  	s23 =	simm.s32 @!p1 $0x3  }
0x156: {  	_ =	swait.ge @!p1 [sflag:s23], $0x2800  }
0x157: {  	[sflag:s23] =	ssyncset.done @!p1 $0x0  }
0x158: {  	[sflag:s23] =	ssyncadd.s32 @!p1 $0xFFFFD800;
	s23 =	sshra.s32 @!p1 s21, $0x2  }
0x159: {  	s24 =	simm.s32 @!p1 $0x50;
	s25 =	simm.s32 @!p1 $0x7300;
	s23 =	sadd.s32 @!p1 $0x190, s23  }
0x15a: {  	[tilespmem:s25], [sflag:$0x3] =	stream.indirect.gather @!p1 [hbm4b:s5+s24], $0x80, s23, s24, $0xb8;
	[tilespmem:$0x1FF90] =	vst v63  }
0x15b: {  	_ =	swait.ge [sflag:s8], $0x2800  }
0x15c: {  	[sflag:s8] =	ssyncset.done $0x0  }
0x15d: {  	[sflag:s8] =	ssyncadd.s32 $0xFFFFD800  }
0x15e: {  	_ =	swait.ge [sflag:s15], $0x500  }
0x15f: {  	[sflag:s15] =	ssyncset.done $0x0  }
0x160: {  	s25 =	sadd.s32 $0x12C0, s22;
	[sflag:s15] =	ssyncadd.s32 $0xFFFFFB00  }
0x161: {  	[spmem:s3] =	stream.indirect.scatter.add.f32 [tilespmem:s26], [sflag:$0x5], $0x10, s25, s30, $0xb8;
	[tilespmem:$0x1FF90] =	vst v63  }
.Ltmp2:
0x162: {  	_ = 	snop;
	(pc) =	sbr.rel @p1 .LBB2_4-.Ltmp2, $4  }
0x163: {  	[spmem:s1] =	stream.indirect.scatter.add.f32 [tilespmem:s0], [sflag:$0x2], $0x80, s25, s30, $0xb8;
	[tilespmem:$0x1FF90] =	vst v63  }
0x164: {  	_ =	swait.ge [sflag:s2], $0x2800  }
0x165: {  	[sflag:s2] =	ssyncset.done $0x0  }
0x166: {  	[sflag:s2] =	ssyncadd.s32 $0xFFFFD800  }
0x167: {  	s23 =	sadd.s32 $0x1E0, s22  }
0x168: {  	[tilespmem:s31], [sflag:$0x1] =	stream.indirect.gather [hbm4b:s5+s30], $0x80, s23, s30, $0xb8;
	[tilespmem:$0x1FF90] =	vst v63  }
0x169: {  	_ =	swait.ge [sflag:s11], $0x2800  }
0x16a: {  	[sflag:s11] =	ssyncset.done $0x0  }
0x16b: {  	[sflag:s11] =	ssyncadd.s32 $0xFFFFD800  }
0x16c: {  	_ =	swait.ge [sflag:s16], $0x500  }
0x16d: {  	[sflag:s16] =	ssyncset.done $0x0  }
0x16e: {  	s24 =	sadd.s32 $0x1310, s22;
	[sflag:s16] =	ssyncadd.s32 $0xFFFFFB00  }
0x16f: {  	[spmem:s3] =	stream.indirect.scatter.add.f32 [tilespmem:s26], [sflag:$0x6], $0x10, s24, s30, $0xb8;
	[tilespmem:$0x1FF90] =	vst v63  }
0x170: {  	_ = 	snop  }
0x171: {  	[spmem:s1] =	stream.indirect.scatter.add.f32 [tilespmem:s7], [sflag:$0x3], $0x80, s24, s30, $0xb8;
	[tilespmem:$0x1FF90] =	vst v63  }
.Ltmp3:
0x172: {  	_ = 	snop;
	(pc) =	sbr.rel .LBB2_2-.Ltmp3, $4  }
0x173: {  	_ =	swait.ge [sflag:s8], $0x2800  }
0x174: {  	[sflag:s8] =	ssyncset.done $0x0  }
0x175: {  	s25 =	sadd.s32 $0x230, s22;
	s21 =	sadd.s32 $0x3C0, s21;
	[sflag:s8] =	ssyncadd.s32 $0xFFFFD800  }
0x176: {  	[tilespmem:s0], [sflag:$0x2] =	stream.indirect.gather [hbm4b:s5+s30], $0x80, s25, s30, $0xb8;
	[tilespmem:$0x1FF90] =	vst v63  }
.LBB2_4:
0x177: {  	_ =	swait.ge [sflag:s8], $0x2800  }
0x178: {  	[sflag:s8] =	ssyncset.done $0x0  }
0x179: {  	[sflag:s8] =	ssyncadd.s32 $0xFFFFD800  }
0x17a: {  	_ =	swait.ge [sflag:s11], $0x2800  }
0x17b: {  	[sflag:s11] =	ssyncset.done $0x0  }
0x17c: {  	s21 =	simm.s32 $0x0;
	s22 =	rddreg [dreg:$0xb];
	[sflag:s11] =	ssyncadd.s32 $0xFFFFD800  }
0x17d: {  	[tilespmem:s21], [sflag:$0x7] =	stream.linear.gather [hbm4b:s22+s21], $0x1180, $0x38;
	[tilespmem:$0x1FF90] =	vst v63  }
0x17e: {  	_ =	swait.ge [sflag:s28], $0x1180  }
0x17f: {  	[sflag:s28] =	ssyncset.done $0x0  }
0x180: {  	s25 =	rddreg [dreg:$0xc];
	[sflag:s28] =	ssyncadd.s32 $0xFFFFEE80  }
0x181: {  	[tilespmem:s29], [sflag:$0x7] =	stream.linear.gather [hbm4b:s25+s21], $0x1180, $0x38;
	[tilespmem:$0x1FF90] =	vst v63  }
0x182: {  	_ =	swait.ge [sflag:s28], $0x1180  }
.Ltmp4:
0x183: {  	[sflag:s28] =	ssyncset.done $0x0;
	(pc) =	sbr.rel .LBB2_5-.Ltmp4, $4  }
0x184: {  	[sflag:s28] =	ssyncadd.s32 $0xFFFFEE80  }
0x185: {  	[tilespmem:s31], [sflag:$0x1] =	stream.indirect.gather [hbm4b:s5+s30], $0x80, s21, s30, $0xb8;
	[tilespmem:$0x1FF90] =	vst v63  }
0x186: {  	s22 =	simm.s32 $0x0;
	s25 =	simm.s32 $0x140  }
0x187: {  	[tilespmem:s0], [sflag:$0x2] =	stream.indirect.gather [hbm4b:s5+s30], $0x80, s30, s30, $0xb8;
	[tilespmem:$0x1FF90] =	vst v63  }
.LBB2_8:
0x188: {  	s24 =	sadd.s32 $0xA0, s23  }
0x189: {  	[tilespmem:s7], [sflag:$0x3] =	stream.indirect.gather [hbm4b:s5+s30], $0x80, s24, s30, $0xb8;
	[tilespmem:$0x1FF90] =	vst v63  }
0x18a: {  	_ =	swait.ge [sflag:s8], $0x2800  }
0x18b: {  	[sflag:s8] =	ssyncset.done $0x0  }
0x18c: {  	[sflag:s8] =	ssyncadd.s32 $0xFFFFD800  }
0x18d: {  	_ =	swait.ge [sflag:s15], $0x500  }
0x18e: {  	[sflag:s15] =	ssyncset.done $0x0  }
0x18f: {  	s24 =	sadd.s32 $0x11D0, s23;
	[sflag:s15] =	ssyncadd.s32 $0xFFFFFB00  }
0x190: {  	[spmem:s3] =	stream.indirect.scatter.add.f32 [tilespmem:s26], [sflag:$0x5], $0x10, s24, s30, $0xb8;
	[tilespmem:$0x1FF90] =	vst v63  }
0x191: {  	_ = 	snop  }
0x192: {  	[spmem:s1] =	stream.indirect.scatter.add.f32 [tilespmem:s0], [sflag:$0x2], $0x80, s24, s30, $0xb8;
	[tilespmem:$0x1FF90] =	vst v63  }
0x193: {  	_ =	swait.ge [sflag:s2], $0x2800  }
0x194: {  	[sflag:s2] =	ssyncset.done $0x0  }
0x195: {  	s24 =	sadd.s32 $0xF0, s23;
	[sflag:s2] =	ssyncadd.s32 $0xFFFFD800  }
0x196: {  	[tilespmem:s31], [sflag:$0x1] =	stream.indirect.gather [hbm4b:s5+s30], $0x80, s24, s30, $0xb8;
	[tilespmem:$0x1FF90] =	vst v63  }
0x197: {  	_ =	swait.ge [sflag:s11], $0x2800  }
0x198: {  	[sflag:s11] =	ssyncset.done $0x0  }
0x199: {  	[sflag:s11] =	ssyncadd.s32 $0xFFFFD800  }
0x19a: {  	_ =	swait.ge [sflag:s16], $0x500  }
0x19b: {  	[sflag:s16] =	ssyncset.done $0x0  }
0x19c: {  	s21 =	sadd.s32 $0x3C0, s21;
	s24 =	sadd.s32 $0x1220, s23;
	[sflag:s16] =	ssyncadd.s32 $0xFFFFFB00  }
0x19d: {  	[spmem:s3] =	stream.indirect.scatter.add.f32 [tilespmem:s26], [sflag:$0x6], $0x10, s24, s30, $0xb8;
	[tilespmem:$0x1FF90] =	vst v63  }
0x19e: {  	p1 =	sne.s32 s21, $0x4740  }
0x19f: {  	[spmem:s1] =	stream.indirect.scatter.add.f32 [tilespmem:s7], [sflag:$0x3], $0x80, s24, s30, $0xb8;
	[tilespmem:$0x1FF90] =	vst v63  }
.Ltmp5:
0x1a0: {  	_ = 	snop;
	(pc) =	sbr.rel @!p1 .LBB2_9-.Ltmp5, $4  }
0x1a1: {  	_ =	swait.ge [sflag:s8], $0x2800  }
0x1a2: {  	[sflag:s8] =	ssyncset.done $0x0  }
0x1a3: {  	s22 =	sadd.s32 $0x1, s22;
	s24 =	sadd.s32 $0x140, s23;
	[sflag:s8] =	ssyncadd.s32 $0xFFFFD800  }
0x1a4: {  	[tilespmem:s0], [sflag:$0x2] =	stream.indirect.gather [hbm4b:s5+s30], $0x80, s24, s30, $0xb8;
	[tilespmem:$0x1FF90] =	vst v63  }
.LBB2_5:
0x1a5: {  	_ =	swait.ge [sflag:s2], $0x2800  }
0x1a6: {  	[sflag:s2] =	ssyncset.done $0x0  }
0x1a7: {  	[sflag:s2] =	ssyncadd.s32 $0xFFFFD800  }
0x1a8: {  	p1 =	seq.s32 s22, $0x0;
	_ =	swait.ge [sflag:s14], $0x500  }
.Ltmp6:
0x1a9: {  	s23 =	sshra.s32 s21, $0x2;
	[sflag:s14] =	ssyncset.done $0x0;
	(pc) =	sbr.rel @p1 .LBB2_8-.Ltmp6, $4  }
0x1aa: {  	s24 =	sadd.s32 $0x1180, s23;
	[sflag:s14] =	ssyncadd.s32 $0xFFFFFB00  }
0x1ab: {  	[spmem:s3] =	stream.indirect.scatter.add.f32 [tilespmem:s26], [sflag:$0x4], $0x10, s24, s30, $0xb8;
	[tilespmem:$0x1FF90] =	vst v63  }
0x1ac: {  	_ = 	snop  }
0x1ad: {  	[spmem:s1] =	stream.indirect.scatter.add.f32 [tilespmem:s31], [sflag:$0x1], $0x80, s24, s30, $0xb8;
	[tilespmem:$0x1FF90] =	vst v63  }
0x1ae: {  	p1 =	seq.s32 s22, $0x12  }
.Ltmp7:
0x1af: {  	_ = 	snop;
	(pc) =	sbr.rel @p1 .LBB2_11-.Ltmp7, $1  }
0x1b0: {  	_ =	sdelay $0x3  }
.Ltmp8:
0x1b1: {  	(pc) =	sbr.rel .LBB2_8-.Ltmp8, $4  }
0x1b2: {  	_ = 	snop  }
0x1b3: {  	_ =	swait.ge [sflag:s11], $0x2800  }
0x1b4: {  	[sflag:s11] =	ssyncset.done $0x0  }
0x1b5: {  	[sflag:s11] =	ssyncadd.s32 $0xFFFFD800  }
.LBB2_10:
0x1b6: {  	_ =	sfence.sel $0x180000  }
0x1b7: {  	[bflag:$0x0] =	sbarrier.arrive $0xFFFF  }
0x1b8: {  	_ =	strace $0x90000047  }
0x1b9: {  	s0 =	stileid.u32;
	[bflag:$0x2] =	sbarrier.arrive $0xFFFF  }
0x1ba: {  	p0 =	sne.s32 s0, $0x0;
	s0 =	rddreg [dreg:$0x4]  }
0x1bb: {  	s0 =	sadd.s32 @!p0 $0x100000, s0  }
0x1bc: {  	[sflag:s0] =	ssyncadd.tile.s32 @!p0 $0x1;
	_ =	shalt  }
.Lfunc_end2:
_tile_overlayer_lowered:
.L_overlay_start_2:
0x1bd: {  	(tag) =	ssettag $0x2  }
0x1be: {  	s0 =	rddreg [dreg:$0x0];
	s2 =	stileid.u32  }
0x1bf: {  	s1 =	rddreg [dreg:$0x1];
	p0 =	sne.s32 s2, $0x0  }
0x1c0: {  	s3 =	rddreg [dreg:$0x2];
	[bflag:$0x3] =	sbarrier.arrive $0xFFFF;
	s2 =	simm.s32 @!p0 $0x1C07  }
0x1c1: {  	[timem:s3], [sflag:s2] =	dma.local @!p0 [hbm:s0], s1  }
0x1c2: {  	s0 =	simm.s32 @!p0 $0x7  }
0x1c3: {  	_ =	swait.ge @!p0 [sflag:s0], s1  }
0x1c4: {  	s1 =	ssub.s32 @!p0 $0x0, s1;
	[sflag:s0] =	ssyncset.done @!p0 $0x0  }
0x1c5: {  	[sflag:s0] =	ssyncadd.s32 @!p0 s1  }
0x1c6: {  	[bflag:$0x3] =	sbarrier.arrive $0xFFFF  }
0x1c7: {  	_ =	shalt  }

</sc_bundles>
